<compile_context>
chip_gen: v7x
topology: tpu7x:2x2x1
jax: 0.10.2.dev20260603
libtpu: 0.0.44.dev20260713+nightly
codegen_flags: <defaults>
</compile_context>

<pallas_src>
import functools

import jax
import jax.numpy as jnp
from jax import lax
from jax.experimental import pallas as pl
from jax.experimental.pallas import tpu as pltpu
from jax.experimental.pallas import tpu_sc as plsc

N = 10000
E = 320000
B = 32
D = 128
H = 128
OUT = 2

NC = 2
NS = 16
EPT = E // NS
CH = 128
NFULL = EPT // CH
TAIL = EPT - NFULL * CH
RPT = 624
RTAIL = N - RPT * NS
DW = 16
HD = D // 2
NBUF = 8
OUTER = NFULL // NBUF
NREM = NFULL - OUTER * NBUF

_f32 = jnp.float32


def _msg_body(with_deg, *refs):
  it = iter(refs)
  table = next(it)
  eidx = next(it)
  out_msg = next(it)
  out_deg = next(it) if with_deg else None
  idx_sd = [next(it) for _ in range(NBUF)]
  idx_g = [next(it) for _ in range(NBUF)]
  rows = [next(it) for _ in range(NBUF)]
  idx_sd2 = next(it)
  idx_g2 = next(it)
  ones = next(it)
  zbuf = next(it)
  zdeg = next(it)
  acc = next(it)
  dacc = next(it) if with_deg else None
  sem_i = [next(it) for _ in range(NBUF)]
  sem_g = [next(it) for _ in range(NBUF)]
  sem_c = [next(it) for _ in range(NBUF)]
  sem_t = next(it)

  cid = lax.axis_index("c")
  sid = lax.axis_index("s")

  z16 = jnp.zeros((16,), _f32)
  o16 = jnp.ones((16,), _f32)

  @pl.loop(0, CH)
  def _(r):
    @pl.loop(0, HD // 16)
    def _(c):
      zbuf[r, pl.ds(c * 16, 16)] = z16

  @pl.loop(0, CH)
  def _(r):
    zdeg[r, :] = z16
    ones[r, :] = o16

  rbase = sid * RPT
  ebase = sid * EPT

  def start_idx(b, c):
    off = pl.multiple_of(ebase + c * CH, 8)
    pltpu.async_copy(eidx.at[:, pl.ds(off, CH)], idx_sd[b], sem_i[b])

  def wait_idx(b):
    pltpu.make_async_copy(eidx.at[:, pl.ds(0, CH)], idx_sd[b],
                          sem_i[b]).wait()

  for b in range(NBUF):
    start_idx(b, b)

  @pl.loop(0, 4)
  def _(j):
    pltpu.sync_copy(zbuf, acc.at[pl.ds(rbase + j * CH, CH)])

  pltpu.sync_copy(zbuf.at[pl.ds(0, RPT - 4 * CH)],
                  acc.at[pl.ds(rbase + 4 * CH, RPT - 4 * CH)])

  if with_deg:
    @pl.loop(0, 4)
    def _(j):
      pltpu.sync_copy(zdeg, dacc.at[pl.ds(rbase + j * CH, CH)])

    pltpu.sync_copy(zdeg.at[pl.ds(0, RPT - 4 * CH)],
                    dacc.at[pl.ds(rbase + 4 * CH, RPT - 4 * CH)])

  @pl.when(sid == 0)
  def _():
    pltpu.sync_copy(zbuf.at[pl.ds(0, RTAIL)], acc.at[pl.ds(RPT * NS, RTAIL)])
    if with_deg:
      pltpu.sync_copy(zdeg.at[pl.ds(0, RTAIL)],
                      dacc.at[pl.ds(RPT * NS, RTAIL)])

  plsc.subcore_barrier()

  @pl.loop(0, OUTER)
  def _(i):
    base_c = i * NBUF
    for b in range(NBUF):
      wait_idx(b)

      @pl.loop(0, CH // 16)
      def _(j):
        idx_g[b][pl.ds(j * 16, 16)] = idx_sd[b][0, pl.ds(j * 16, 16)] * 2 + cid

      pltpu.async_copy(table.at[idx_g[b]], rows[b], sem_g[b])
    for b in range(NBUF):
      pltpu.make_async_copy(table.at[pl.ds(0, CH)], rows[b], sem_g[b]).wait()
      pltpu.async_copy(rows[b], acc.at[idx_sd[b].at[1]], sem_c[b], add=True)
      if with_deg:
        @pl.when(cid == b % 2)
        def _():
          pltpu.async_copy(ones, dacc.at[idx_sd[b].at[1]], sem_c[b], add=True)
    for b in range(NBUF):
      pltpu.make_async_copy(table.at[pl.ds(0, CH)], rows[b], sem_c[b]).wait()
      if with_deg:
        @pl.when(cid == b % 2)
        def _():
          pltpu.make_async_copy(out_deg.at[0, pl.ds(0, CH)], ones,
                                sem_c[b]).wait()
      nc = base_c + NBUF + b

      @pl.when(nc < NFULL)
      def _():
        start_idx(b, nc)

  for b in range(NREM):
    wait_idx(b)

    @pl.loop(0, CH // 16)
    def _(j):
      idx_g[b][pl.ds(j * 16, 16)] = idx_sd[b][0, pl.ds(j * 16, 16)] * 2 + cid

    pltpu.async_copy(table.at[idx_g[b]], rows[b], sem_g[b])
  for b in range(NREM):
    pltpu.make_async_copy(table.at[pl.ds(0, CH)], rows[b], sem_g[b]).wait()
    pltpu.async_copy(rows[b], acc.at[idx_sd[b].at[1]], sem_c[b], add=True)
    if with_deg:
      @pl.when(cid == b % 2)
      def _():
        pltpu.async_copy(ones, dacc.at[idx_sd[b].at[1]], sem_c[b], add=True)
  for b in range(NREM):
    pltpu.make_async_copy(table.at[pl.ds(0, CH)], rows[b], sem_c[b]).wait()
    if with_deg:
      @pl.when(cid == b % 2)
      def _():
        pltpu.make_async_copy(out_deg.at[0, pl.ds(0, CH)], ones,
                              sem_c[b]).wait()

  toff = pl.multiple_of(ebase + NFULL * CH, 8)
  pltpu.sync_copy(eidx.at[:, pl.ds(toff, TAIL)], idx_sd2)

  @pl.loop(0, TAIL // 16)
  def _(j):
    idx_g2[pl.ds(j * 16, 16)] = idx_sd2[0, pl.ds(j * 16, 16)] * 2 + cid

  pltpu.async_copy(table.at[idx_g2], rows[0].at[pl.ds(0, TAIL)],
                   sem_t).wait()
  pltpu.sync_copy(rows[0].at[pl.ds(0, TAIL)], acc.at[idx_sd2.at[1]], add=True)
  if with_deg:
    @pl.when(cid == 0)
    def _():
      pltpu.sync_copy(ones.at[pl.ds(0, TAIL)], dacc.at[idx_sd2.at[1]], add=True)

  plsc.subcore_barrier()

  pltpu.sync_copy(acc.at[pl.ds(rbase, RPT)],
                  out_msg.at[cid, pl.ds(rbase, RPT)])
  if with_deg:
    pltpu.sync_copy(dacc.at[pl.ds(rbase, RPT)],
                    out_deg.at[cid, pl.ds(rbase, RPT)])

  @pl.when(sid == 0)
  def _():
    pltpu.sync_copy(acc.at[pl.ds(RPT * NS, RTAIL)],
                    out_msg.at[cid, pl.ds(RPT * NS, RTAIL)])
    if with_deg:
      pltpu.sync_copy(dacc.at[pl.ds(RPT * NS, RTAIL)],
                      out_deg.at[cid, pl.ds(RPT * NS, RTAIL)])


def _make_msg_kernel(with_deg):
  mesh = plsc.VectorSubcoreMesh(core_axis_name="c", subcore_axis_name="s",
                                num_cores=NC, num_subcores=NS)
  out_type = [jax.ShapeDtypeStruct((NC, N, HD), _f32)]
  if with_deg:
    out_type.append(jax.ShapeDtypeStruct((NC, N, DW), _f32))
  scratch = []
  scratch += [pltpu.VMEM((2, CH), jnp.int32) for _ in range(NBUF)]
  scratch += [pltpu.VMEM((CH,), jnp.int32) for _ in range(NBUF)]
  scratch += [pltpu.VMEM((CH, HD), _f32) for _ in range(NBUF)]
  scratch += [
      pltpu.VMEM((2, TAIL), jnp.int32),
      pltpu.VMEM((TAIL,), jnp.int32),
      pltpu.VMEM((CH, DW), _f32),
      pltpu.VMEM((CH, HD), _f32),
      pltpu.VMEM((CH, DW), _f32),
      pltpu.VMEM_SHARED((N, HD), _f32),
  ]
  if with_deg:
    scratch.append(pltpu.VMEM_SHARED((N, DW), _f32))
  scratch += [pltpu.SemaphoreType.DMA for _ in range(3 * NBUF + 1)]
  return pl.kernel(functools.partial(_msg_body, with_deg),
                   out_type=tuple(out_type), mesh=mesh,
                   scratch_types=scratch,
                   compiler_params=pltpu.CompilerParams(
                       use_tc_tiling_on_sc=False))


_msg_deg_kernel = _make_msg_kernel(True)
_msg_kernel = _make_msg_kernel(False)

BN = 1000
NG = N // BN
_HI = lax.Precision.HIGHEST


def _pre_body(h, bcell, g, ws, wgl, bc, t_out):
  gw = jnp.dot(g[...], wgl[...], preferred_element_type=_f32)
  s = (bcell[...] == lax.broadcasted_iota(jnp.int32, (BN, B), 1)
       ).astype(_f32)
  t_out[...] = (jnp.dot(h[...], ws[...], preferred_element_type=_f32)
                + jnp.dot(s, gw, preferred_element_type=_f32, precision=_HI)
                + bc[...])


_pre_call = pl.pallas_call(
    _pre_body,
    grid=(NG,),
    in_specs=[
        pl.BlockSpec((BN, D), lambda i: (i, 0)),
        pl.BlockSpec((BN, 1), lambda i: (i, 0)),
        pl.BlockSpec((B, H), lambda i: (0, 0)),
        pl.BlockSpec((H, H), lambda i: (0, 0)),
        pl.BlockSpec((H, H), lambda i: (0, 0)),
        pl.BlockSpec((1, H), lambda i: (0, 0)),
    ],
    out_specs=pl.BlockSpec((BN, H), lambda i: (i, 0)),
    out_shape=jax.ShapeDtypeStruct((N, H), _f32),
)


def _finish_hn(t, msgp, degp, wn):
  msg = jnp.concatenate([msgp[0], msgp[1]], axis=1)
  deg = jnp.maximum(degp[0, :, 0:1] + degp[1, :, 0:1], 1.0)
  return jnp.maximum(
      t[...] + jnp.dot(msg / deg, wn[...], preferred_element_type=_f32), 0.0)


def _mid_body(t, msgp, degp, bcell, g, wn, gi, gs, bg,
              h_new, g_new, pooled_acc, cnt_acc):
  i = pl.program_id(0)
  hn = _finish_hn(t, msgp, degp, wn)
  h_new[...] = hn
  s = (bcell[...] == lax.broadcasted_iota(jnp.int32, (BN, B), 1)
       ).astype(_f32)

  @pl.when(i == 0)
  def _():
    pooled_acc[...] = jnp.zeros((B, H), _f32)
    cnt_acc[...] = jnp.zeros((B, H), _f32)

  dn = (((0,), (0,)), ((), ()))
  pooled_acc[...] += lax.dot_general(s, hn, dn, preferred_element_type=_f32,
                                     precision=_HI)
  cnt_acc[...] += lax.dot_general(s, jnp.ones((BN, H), _f32), dn,
                                  preferred_element_type=_f32)

  @pl.when(i == NG - 1)
  def _():
    pooled = pooled_acc[...] / jnp.maximum(cnt_acc[...], 1.0)
    gn = (jnp.dot(pooled, gi[...], preferred_element_type=_f32)
          + jnp.dot(g[...], gs[...], preferred_element_type=_f32)
          + bg[...])
    g_new[...] = jnp.maximum(gn, 0.0)


_mid_call = pl.pallas_call(
    _mid_body,
    grid=(NG,),
    in_specs=[
        pl.BlockSpec((BN, H), lambda i: (i, 0)),
        pl.BlockSpec((NC, BN, HD), lambda i: (0, i, 0)),
        pl.BlockSpec((NC, BN, DW), lambda i: (0, i, 0)),
        pl.BlockSpec((BN, 1), lambda i: (i, 0)),
        pl.BlockSpec((B, H), lambda i: (0, 0)),
        pl.BlockSpec((H, H), lambda i: (0, 0)),
        pl.BlockSpec((H, H), lambda i: (0, 0)),
        pl.BlockSpec((H, H), lambda i: (0, 0)),
        pl.BlockSpec((1, H), lambda i: (0, 0)),
    ],
    out_specs=[
        pl.BlockSpec((BN, H), lambda i: (i, 0)),
        pl.BlockSpec((B, H), lambda i: (0, 0)),
    ],
    out_shape=[
        jax.ShapeDtypeStruct((N, H), _f32),
        jax.ShapeDtypeStruct((B, H), _f32),
    ],
    scratch_shapes=[
        pltpu.VMEM((B, H), _f32),
        pltpu.VMEM((B, H), _f32),
    ],
)


def _mid_head_body(t, msgp, degp, bcell, g, wn, gi, gs, bg,
                   pos, l1w, l1b, l2w, l2b, l3w, l3b,
                   out, pooled_acc, cnt_acc, r_acc):
  i = pl.program_id(0)
  hn = _finish_hn(t, msgp, degp, wn)
  s = (bcell[...] == lax.broadcasted_iota(jnp.int32, (BN, B), 1)
       ).astype(_f32)

  p = pos[...]
  x0 = p[:, 0:1] - 600.0
  x1 = p[:, 1:2] - 600.0
  lab = ((x1 - x0 > 0.0).astype(jnp.int32)
         + 2 * (x1 + x0 < 0.0).astype(jnp.int32))
  c = lab * B + bcell[...]
  cm = (c == lax.broadcasted_iota(jnp.int32, (BN, 4 * B), 1)).astype(_f32)

  @pl.when(i == 0)
  def _():
    pooled_acc[...] = jnp.zeros((B, H), _f32)
    cnt_acc[...] = jnp.zeros((B, H), _f32)
    r_acc[...] = jnp.zeros((4 * B, H), _f32)

  dn = (((0,), (0,)), ((), ()))
  pooled_acc[...] += lax.dot_general(s, hn, dn, preferred_element_type=_f32,
                                     precision=_HI)
  cnt_acc[...] += lax.dot_general(s, jnp.ones((BN, H), _f32), dn,
                                  preferred_element_type=_f32)
  r_acc[...] += lax.dot_general(cm, hn, dn, preferred_element_type=_f32,
                                precision=_HI)

  @pl.when(i == NG - 1)
  def _():
    pooled = pooled_acc[...] / jnp.maximum(cnt_acc[...], 1.0)
    gn = (jnp.dot(pooled, gi[...], preferred_element_type=_f32)
          + jnp.dot(g[...], gs[...], preferred_element_type=_f32)
          + bg[...])
    gn = jnp.maximum(gn, 0.0)
    r = r_acc[...]
    acc1 = jnp.dot(gn, l1w[pl.ds(4 * H, H), :], preferred_element_type=_f32)
    for q in range(4):
      acc1 += jnp.dot(r[q * B:(q + 1) * B, :], l1w[pl.ds(q * H, H), :],
                      preferred_element_type=_f32)
    y1 = jnp.maximum(acc1 + l1b[...], 0.0)
    y2 = jnp.maximum(jnp.dot(y1, l2w[...], preferred_element_type=_f32)
                     + l2b[...], 0.0)
    out[...] = (jnp.dot(y2, l3w[...], preferred_element_type=_f32)
                + l3b[...])


_mid_head_call = pl.pallas_call(
    _mid_head_body,
    grid=(NG,),
    in_specs=[
        pl.BlockSpec((BN, H), lambda i: (i, 0)),
        pl.BlockSpec((NC, BN, HD), lambda i: (0, i, 0)),
        pl.BlockSpec((NC, BN, DW), lambda i: (0, i, 0)),
        pl.BlockSpec((BN, 1), lambda i: (i, 0)),
        pl.BlockSpec((B, H), lambda i: (0, 0)),
        pl.BlockSpec((H, H), lambda i: (0, 0)),
        pl.BlockSpec((H, H), lambda i: (0, 0)),
        pl.BlockSpec((H, H), lambda i: (0, 0)),
        pl.BlockSpec((1, H), lambda i: (0, 0)),
        pl.BlockSpec((BN, 2), lambda i: (i, 0)),
        pl.BlockSpec((5 * H, 2 * H), lambda i: (0, 0)),
        pl.BlockSpec((1, 2 * H), lambda i: (0, 0)),
        pl.BlockSpec((2 * H, H), lambda i: (0, 0)),
        pl.BlockSpec((1, H), lambda i: (0, 0)),
        pl.BlockSpec((H, OUT), lambda i: (0, 0)),
        pl.BlockSpec((1, OUT), lambda i: (0, 0)),
    ],
    out_specs=pl.BlockSpec((B, OUT), lambda i: (0, 0)),
    out_shape=jax.ShapeDtypeStruct((B, OUT), _f32),
    scratch_shapes=[
        pltpu.VMEM((B, H), _f32),
        pltpu.VMEM((B, H), _f32),
        pltpu.VMEM((4 * B, H), _f32),
    ],
)


@jax.jit
def kernel(x_cell, x_global, pos_cell, edge_index, batch_cell, batch_global,
           Ws0, Wn0, Wgl0, bc0, Gi0, Gs0, bg0,
           Ws1, Wn1, Wgl1, bc1, Gi1, Gs1, bg1,
           l1W, l1b, l2W, l2b, l3W, l3b):
  bcell = batch_cell.reshape(N, 1)

  msg0, deg = _msg_deg_kernel(x_cell.reshape(2 * N, HD), edge_index)
  t0 = _pre_call(x_cell, bcell, x_global, Ws0, Wgl0, bc0.reshape(1, H))
  h1, g1 = _mid_call(t0, msg0, deg, bcell, x_global,
                     Wn0, Gi0, Gs0, bg0.reshape(1, H))
  msg1 = _msg_kernel(h1.reshape(2 * N, HD), edge_index)[0]
  t1 = _pre_call(h1, bcell, g1, Ws1, Wgl1, bc1.reshape(1, H))
  return _mid_head_call(t1, msg1, deg, bcell, g1,
                        Wn1, Gi1, Gs1, bg1.reshape(1, H),
                        pos_cell, l1W, l1b.reshape(1, 2 * H),
                        l2W, l2b.reshape(1, H), l3W, l3b.reshape(1, OUT))

# --- scband reference (transcript-rebuilt; emitter-appended) ---
"""Pipeline reference for scband-geom-pool-gnn-30837865185430 (READ-ONLY COPY).

The authoritative reference and input builder live on the scoring server;
editing this copy changes nothing except your own understanding.
"""

import jax, jax.numpy as jnp
import numpy as np

N = 10000
E = 320000
B = 32
D = 128
H = 128
OUT = 2

DATA_KEYS = ('x_cell', 'x_global', 'pos_cell', 'edge_index', 'batch_cell', 'batch_global')


def _mk(key, shape, fan_in):
    return jax.random.normal(key, shape, dtype=jnp.float32) * (1.0 / np.sqrt(fan_in))


def setup_inputs(seed: int = 0):
    key = jax.random.key(seed)
    ks = jax.random.split(key, 32)
    inp = {}
    inp['x_cell'] = jax.random.normal(ks[0], (N, D), dtype=jnp.float32)
    inp['x_global'] = jax.random.normal(ks[1], (B, H), dtype=jnp.float32)
    inp['pos_cell'] = jax.random.uniform(ks[2], (N, 2), dtype=jnp.float32) * 1200.0
    inp['edge_index'] = jax.random.randint(ks[3], (2, E), 0, N, dtype=jnp.int32)
    inp['batch_cell'] = jnp.sort(jax.random.randint(ks[4], (N,), 0, B, dtype=jnp.int32))
    inp['batch_global'] = jnp.arange(B, dtype=jnp.int32)
    k = 5
    for l in range(2):
        inp['Ws%d' % l] = _mk(ks[k], (H, H), H); k += 1
        inp['Wn%d' % l] = _mk(ks[k], (H, H), H); k += 1
        inp['Wgl%d' % l] = _mk(ks[k], (H, H), H); k += 1
        inp['bc%d' % l] = jnp.zeros((H,), dtype=jnp.float32)
        inp['Gi%d' % l] = _mk(ks[k], (H, H), H); k += 1
        inp['Gs%d' % l] = _mk(ks[k], (H, H), H); k += 1
        inp['bg%d' % l] = jnp.zeros((H,), dtype=jnp.float32)
    inp['l1W'] = _mk(ks[k], (5 * H, 2 * H), 5 * H); k += 1
    inp['l1b'] = jnp.zeros((2 * H,), dtype=jnp.float32)
    inp['l2W'] = _mk(ks[k], (2 * H, H), 2 * H); k += 1
    inp['l2b'] = jnp.zeros((H,), dtype=jnp.float32)
    inp['l3W'] = _mk(ks[k], (H, OUT), H); k += 1
    inp['l3b'] = jnp.zeros((OUT,), dtype=jnp.float32)
    return inp


def _forward(x_cell, x_global, pos_cell, edge_index, batch_cell, batch_global, params):
    src = edge_index[0]
    dst = edge_index[1]
    deg = jax.ops.segment_sum(jnp.ones((E,), dtype=jnp.float32), dst, num_segments=N)
    deg = jnp.clip(deg, 1.0, None)[:, None]
    cnt = jax.ops.segment_sum(jnp.ones((N,), dtype=jnp.float32), batch_cell, num_segments=B)
    cnt = jnp.clip(cnt, 1.0, None)[:, None]
    h = x_cell
    g = x_global
    for l in range(2):
        Ws = params['Ws%d' % l]; Wn = params['Wn%d' % l]; Wgl = params['Wgl%d' % l]; bc = params['bc%d' % l]
        Gi = params['Gi%d' % l]; Gs = params['Gs%d' % l]; bg = params['bg%d' % l]
        msg = jax.ops.segment_sum(jnp.take(h, src, axis=0), dst, num_segments=N) / deg
        h = jax.nn.relu(h @ Ws + msg @ Wn + jnp.take(g, batch_cell, axis=0) @ Wgl + bc)
        pooled = jax.ops.segment_sum(h, batch_cell, num_segments=B) / cnt
        g = jax.nn.relu(pooled @ Gi + g @ Gs + bg)
    pos = pos_cell - 600.0
    dd = pos[:, 1] - pos[:, 0]
    nd = pos[:, 1] + pos[:, 0]
    labels = (dd > 0).astype(jnp.int32) + 2 * (nd < 0).astype(jnp.int32)
    reps = []
    for i in range(4):
        mask = (labels == i).astype(h.dtype)[:, None]
        reps.append(jax.ops.segment_sum(h * mask, batch_cell, num_segments=B))
    reps.append(jax.ops.segment_sum(g, batch_global, num_segments=B))
    x = jnp.concatenate(reps, axis=1)
    x = jax.nn.relu(x @ params['l1W'] + params['l1b'])
    x = jax.nn.relu(x @ params['l2W'] + params['l2b'])
    return x @ params['l3W'] + params['l3b']


def reference(x_cell, x_global, pos_cell, edge_index, batch_cell, batch_global,
              Ws0, Wn0, Wgl0, bc0, Gi0, Gs0, bg0,
              Ws1, Wn1, Wgl1, bc1, Gi1, Gs1, bg1,
              l1W, l1b, l2W, l2b, l3W, l3b):
    params = {
        'Ws0': Ws0, 'Wn0': Wn0, 'Wgl0': Wgl0, 'bc0': bc0, 'Gi0': Gi0, 'Gs0': Gs0, 'bg0': bg0,
        'Ws1': Ws1, 'Wn1': Wn1, 'Wgl1': Wgl1, 'bc1': bc1, 'Gi1': Gi1, 'Gs1': Gs1, 'bg1': bg1,
        'l1W': l1W, 'l1b': l1b, 'l2W': l2W, 'l2b': l2b, 'l3W': l3W, 'l3b': l3b,
    }
    return _forward(x_cell, x_global, pos_cell, edge_index, batch_cell, batch_global, params)

if __name__ == "__main__":
    import jax
    _d = setup_inputs()
    print(jax.jit(kernel)(*tuple(_d.values())))

</pallas_src>

<mosaic_0001>
#map = affine_map<(d0, d1) -> (0, 0)>
#map1 = affine_map<(d0, d1) -> (0, 0, 0)>
module attributes {stable_mosaic.version = 14 : i64} {
  func.func @_msg_body(%arg0: i32, %arg1: i32, %arg2: memref<20000x64xf32, #tpu.memory_space<hbm>>, %arg3: memref<2x320000xi32, #tpu.memory_space<hbm>>, %arg4: memref<2x10000x64xf32, #tpu.memory_space<hbm>>, %arg5: memref<2x10000x16xf32, #tpu.memory_space<hbm>>, %arg6: memref<2x128xi32, #tpu.memory_space<vmem>>, %arg7: memref<2x128xi32, #tpu.memory_space<vmem>>, %arg8: memref<2x128xi32, #tpu.memory_space<vmem>>, %arg9: memref<2x128xi32, #tpu.memory_space<vmem>>, %arg10: memref<2x128xi32, #tpu.memory_space<vmem>>, %arg11: memref<2x128xi32, #tpu.memory_space<vmem>>, %arg12: memref<2x128xi32, #tpu.memory_space<vmem>>, %arg13: memref<2x128xi32, #tpu.memory_space<vmem>>, %arg14: memref<128xi32, #tpu.memory_space<vmem>>, %arg15: memref<128xi32, #tpu.memory_space<vmem>>, %arg16: memref<128xi32, #tpu.memory_space<vmem>>, %arg17: memref<128xi32, #tpu.memory_space<vmem>>, %arg18: memref<128xi32, #tpu.memory_space<vmem>>, %arg19: memref<128xi32, #tpu.memory_space<vmem>>, %arg20: memref<128xi32, #tpu.memory_space<vmem>>, %arg21: memref<128xi32, #tpu.memory_space<vmem>>, %arg22: memref<128x64xf32, #tpu.memory_space<vmem>>, %arg23: memref<128x64xf32, #tpu.memory_space<vmem>>, %arg24: memref<128x64xf32, #tpu.memory_space<vmem>>, %arg25: memref<128x64xf32, #tpu.memory_space<vmem>>, %arg26: memref<128x64xf32, #tpu.memory_space<vmem>>, %arg27: memref<128x64xf32, #tpu.memory_space<vmem>>, %arg28: memref<128x64xf32, #tpu.memory_space<vmem>>, %arg29: memref<128x64xf32, #tpu.memory_space<vmem>>, %arg30: memref<2x32xi32, #tpu.memory_space<vmem>>, %arg31: memref<32xi32, #tpu.memory_space<vmem>>, %arg32: memref<128x16xf32, #tpu.memory_space<vmem>>, %arg33: memref<128x64xf32, #tpu.memory_space<vmem>>, %arg34: memref<128x16xf32, #tpu.memory_space<vmem>>, %arg35: memref<10000x64xf32, #tpu.memory_space<vmem_shared>>, %arg36: memref<10000x16xf32, #tpu.memory_space<vmem_shared>>, %arg37: memref<!tpu.dma_semaphore, #tpu.memory_space<semaphore_mem>>, %arg38: memref<!tpu.dma_semaphore, #tpu.memory_space<semaphore_mem>>, %arg39: memref<!tpu.dma_semaphore, #tpu.memory_space<semaphore_mem>>, %arg40: memref<!tpu.dma_semaphore, #tpu.memory_space<semaphore_mem>>, %arg41: memref<!tpu.dma_semaphore, #tpu.memory_space<semaphore_mem>>, %arg42: memref<!tpu.dma_semaphore, #tpu.memory_space<semaphore_mem>>, %arg43: memref<!tpu.dma_semaphore, #tpu.memory_space<semaphore_mem>>, %arg44: memref<!tpu.dma_semaphore, #tpu.memory_space<semaphore_mem>>, %arg45: memref<!tpu.dma_semaphore, #tpu.memory_space<semaphore_mem>>, %arg46: memref<!tpu.dma_semaphore, #tpu.memory_space<semaphore_mem>>, %arg47: memref<!tpu.dma_semaphore, #tpu.memory_space<semaphore_mem>>, %arg48: memref<!tpu.dma_semaphore, #tpu.memory_space<semaphore_mem>>, %arg49: memref<!tpu.dma_semaphore, #tpu.memory_space<semaphore_mem>>, %arg50: memref<!tpu.dma_semaphore, #tpu.memory_space<semaphore_mem>>, %arg51: memref<!tpu.dma_semaphore, #tpu.memory_space<semaphore_mem>>, %arg52: memref<!tpu.dma_semaphore, #tpu.memory_space<semaphore_mem>>, %arg53: memref<!tpu.dma_semaphore, #tpu.memory_space<semaphore_mem>>, %arg54: memref<!tpu.dma_semaphore, #tpu.memory_space<semaphore_mem>>, %arg55: memref<!tpu.dma_semaphore, #tpu.memory_space<semaphore_mem>>, %arg56: memref<!tpu.dma_semaphore, #tpu.memory_space<semaphore_mem>>, %arg57: memref<!tpu.dma_semaphore, #tpu.memory_space<semaphore_mem>>, %arg58: memref<!tpu.dma_semaphore, #tpu.memory_space<semaphore_mem>>, %arg59: memref<!tpu.dma_semaphore, #tpu.memory_space<semaphore_mem>>, %arg60: memref<!tpu.dma_semaphore, #tpu.memory_space<semaphore_mem>>, %arg61: memref<!tpu.dma_semaphore, #tpu.memory_space<semaphore_mem>>) attributes {dimension_semantics = [#tpu.dimension_semantics<core_parallel>, #tpu.dimension_semantics<subcore_parallel>], iteration_bounds = array<i64: 2, 16>, scalar_prefetch = 0 : i64, scratch_operands = 56 : i64, tpu.core_type = #tpu.core_type<sc_vector_subcore>, window_params = [{transform_indices = #map}, {transform_indices = #map}, {transform_indices = #map1}, {transform_indices = #map1}]} {
    %broadcast_in_dim3A = arith.constant 0.000000e+00 : f32
    %broadcast_in_dim3A_0 = vector.broadcast %broadcast_in_dim3A : f32 to vector<16xf32>
    %broadcast_in_dim3A_1 = arith.constant 1.000000e+00 : f32
    %broadcast_in_dim3A_2 = vector.broadcast %broadcast_in_dim3A_1 : f32 to vector<16xf32>
    %scan3A = arith.constant 0 : i32
    %scan3A_3 = arith.constant 128 : i32
    %scan3A_4 = arith.addi %scan3A, %scan3A_3 : i32
    %scan3A_5 = arith.constant 1 : i32
    scf.for %scan3A_291 = %scan3A to %scan3A_4 step %scan3A_5  : i32 {
      %mul3A_292 = arith.constant 1 : i32
      %mul3A_293 = arith.muli %scan3A_291, %mul3A_292 : i32
      %add3A_294 = arith.constant 0 : i32
      %add3A_295 = arith.addi %add3A_294, %mul3A_293 : i32
      %scan3A_296 = arith.constant 0 : i32
      %scan3A_297 = arith.constant 4 : i32
      %scan3A_298 = arith.addi %scan3A_296, %scan3A_297 : i32
      %scan3A_299 = arith.constant 1 : i32
      scf.for %scan3A_301 = %scan3A_296 to %scan3A_298 step %scan3A_299  : i32 {
        %mul3A_302 = arith.constant 1 : i32
        %mul3A_303 = arith.muli %scan3A_301, %mul3A_302 : i32
        %add3A_304 = arith.constant 0 : i32
        %add3A_305 = arith.addi %add3A_304, %mul3A_303 : i32
        %mul3A_306 = arith.constant 16 : i32
        %mul3A_307 = arith.muli %add3A_305, %mul3A_306 : i32
        %swap3A = arith.index_cast %add3A_295 : i32 to index
        %swap3A_308 = arith.index_cast %mul3A_307 : i32 to index
        %swap3A_309 = tpu.vector_load %arg33[%swap3A, %swap3A_308] {strides = array<i32>} : memref<128x64xf32, #tpu.memory_space<vmem>>, vector<1x16xf32>,
        %swap3A_310 = vector.shape_cast %swap3A_309 : vector<1x16xf32> to vector<16xf32>
        %swap3A_311 = vector.shape_cast %broadcast_in_dim3A_0 : vector<16xf32> to vector<1x16xf32>
        tpu.vector_store %arg33[%swap3A, %swap3A_308], %swap3A_311 {strides = array<i32>} : memref<128x64xf32, #tpu.memory_space<vmem>>, vector<1x16xf32>,
      }
      %scan3A_300 = arith.constant 4 : i32
    }
    %scan3A_6 = arith.constant 128 : i32
    %scan3A_7 = arith.constant 0 : i32
    %scan3A_8 = arith.constant 128 : i32
    %scan3A_9 = arith.addi %scan3A_7, %scan3A_8 : i32
    %scan3A_10 = arith.constant 1 : i32
    scf.for %scan3A_291 = %scan3A_7 to %scan3A_9 step %scan3A_10  : i32 {
      %mul3A_292 = arith.constant 1 : i32
      %mul3A_293 = arith.muli %scan3A_291, %mul3A_292 : i32
      %add3A_294 = arith.constant 0 : i32
      %add3A_295 = arith.addi %add3A_294, %mul3A_293 : i32
      %swap3A = arith.index_cast %add3A_295 : i32 to index
      %swap3A_296 = arith.constant 0 : index
      %swap3A_297 = tpu.vector_load %arg34[%swap3A, %swap3A_296] {strides = array<i32>} : memref<128x16xf32, #tpu.memory_space<vmem>>, vector<1x16xf32>,
      %swap3A_298 = vector.shape_cast %swap3A_297 : vector<1x16xf32> to vector<16xf32>
      %swap3A_299 = vector.shape_cast %broadcast_in_dim3A_0 : vector<16xf32> to vector<1x16xf32>
      tpu.vector_store %arg34[%swap3A, %swap3A_296], %swap3A_299 {strides = array<i32>} : memref<128x16xf32, #tpu.memory_space<vmem>>, vector<1x16xf32>,
      %swap3A_300 = arith.index_cast %add3A_295 : i32 to index
      %swap3A_301 = arith.constant 0 : index
      %swap3A_302 = tpu.vector_load %arg32[%swap3A_300, %swap3A_301] {strides = array<i32>} : memref<128x16xf32, #tpu.memory_space<vmem>>, vector<1x16xf32>,
      %swap3A_303 = vector.shape_cast %swap3A_302 : vector<1x16xf32> to vector<16xf32>
      %swap3A_304 = vector.shape_cast %broadcast_in_dim3A_2 : vector<16xf32> to vector<1x16xf32>
      tpu.vector_store %arg32[%swap3A_300, %swap3A_301], %swap3A_304 {strides = array<i32>} : memref<128x16xf32, #tpu.memory_space<vmem>>, vector<1x16xf32>,
    }
    %scan3A_11 = arith.constant 128 : i32
    %mul3A = arith.constant 624 : i32
    %mul3A_12 = arith.muli %arg1, %mul3A : i32
    %mul3A_13 = arith.constant 20000 : i32
    %mul3A_14 = arith.muli %arg1, %mul3A_13 : i32
    %add3A = arith.constant 0 : i32
    %add3A_15 = arith.addi %mul3A_14, %add3A : i32
    %multiple_of3A = tpu.assume_multiple %add3A_15, 8 : i32
    %dma_start3A = arith.constant 0 : i32
    %dma_start3A_16 = tpu.memref_slice %arg3[%dma_start3A, %multiple_of3A] : memref<2x320000xi32, #tpu.memory_space<hbm>> -> memref<2x128xi32, #tpu.memory_space<hbm>>
    %dma_start3A_17 = arith.constant 0 : i32
    %dma_start3A_18 = tpu.memref_slice %arg3[%dma_start3A_17, %multiple_of3A] : memref<2x320000xi32, #tpu.memory_space<hbm>> -> memref<2x128xi32, #tpu.memory_space<hbm>>
    tpu.enqueue_dma source(%dma_start3A_18 : memref<2x128xi32, #tpu.memory_space<hbm>>) target(%arg6 : memref<2x128xi32, #tpu.memory_space<vmem>>) target_semaphore(%arg37 : memref<!tpu.dma_semaphore, #tpu.memory_space<semaphore_mem>>)
    %add3A_19 = arith.constant 128 : i32
    %add3A_20 = arith.addi %mul3A_14, %add3A_19 : i32
    %multiple_of3A_21 = tpu.assume_multiple %add3A_20, 8 : i32
    %dma_start3A_22 = arith.constant 0 : i32
    %dma_start3A_23 = tpu.memref_slice %arg3[%dma_start3A_22, %multiple_of3A_21] : memref<2x320000xi32, #tpu.memory_space<hbm>> -> memref<2x128xi32, #tpu.memory_space<hbm>>
    %dma_start3A_24 = arith.constant 0 : i32
    %dma_start3A_25 = tpu.memref_slice %arg3[%dma_start3A_24, %multiple_of3A_21] : memref<2x320000xi32, #tpu.memory_space<hbm>> -> memref<2x128xi32, #tpu.memory_space<hbm>>
    tpu.enqueue_dma source(%dma_start3A_25 : memref<2x128xi32, #tpu.memory_space<hbm>>) target(%arg7 : memref<2x128xi32, #tpu.memory_space<vmem>>) target_semaphore(%arg38 : memref<!tpu.dma_semaphore, #tpu.memory_space<semaphore_mem>>)
    %add3A_26 = arith.constant 256 : i32
    %add3A_27 = arith.addi %mul3A_14, %add3A_26 : i32
    %multiple_of3A_28 = tpu.assume_multiple %add3A_27, 8 : i32
    %dma_start3A_29 = arith.constant 0 : i32
    %dma_start3A_30 = tpu.memref_slice %arg3[%dma_start3A_29, %multiple_of3A_28] : memref<2x320000xi32, #tpu.memory_space<hbm>> -> memref<2x128xi32, #tpu.memory_space<hbm>>
    %dma_start3A_31 = arith.constant 0 : i32
    %dma_start3A_32 = tpu.memref_slice %arg3[%dma_start3A_31, %multiple_of3A_28] : memref<2x320000xi32, #tpu.memory_space<hbm>> -> memref<2x128xi32, #tpu.memory_space<hbm>>
    tpu.enqueue_dma source(%dma_start3A_32 : memref<2x128xi32, #tpu.memory_space<hbm>>) target(%arg8 : memref<2x128xi32, #tpu.memory_space<vmem>>) target_semaphore(%arg39 : memref<!tpu.dma_semaphore, #tpu.memory_space<semaphore_mem>>)
    %add3A_33 = arith.constant 384 : i32
    %add3A_34 = arith.addi %mul3A_14, %add3A_33 : i32
    %multiple_of3A_35 = tpu.assume_multiple %add3A_34, 8 : i32
    %dma_start3A_36 = arith.constant 0 : i32
    %dma_start3A_37 = tpu.memref_slice %arg3[%dma_start3A_36, %multiple_of3A_35] : memref<2x320000xi32, #tpu.memory_space<hbm>> -> memref<2x128xi32, #tpu.memory_space<hbm>>
    %dma_start3A_38 = arith.constant 0 : i32
    %dma_start3A_39 = tpu.memref_slice %arg3[%dma_start3A_38, %multiple_of3A_35] : memref<2x320000xi32, #tpu.memory_space<hbm>> -> memref<2x128xi32, #tpu.memory_space<hbm>>
    tpu.enqueue_dma source(%dma_start3A_39 : memref<2x128xi32, #tpu.memory_space<hbm>>) target(%arg9 : memref<2x128xi32, #tpu.memory_space<vmem>>) target_semaphore(%arg40 : memref<!tpu.dma_semaphore, #tpu.memory_space<semaphore_mem>>)
    %add3A_40 = arith.constant 512 : i32
    %add3A_41 = arith.addi %mul3A_14, %add3A_40 : i32
    %multiple_of3A_42 = tpu.assume_multiple %add3A_41, 8 : i32
    %dma_start3A_43 = arith.constant 0 : i32
    %dma_start3A_44 = tpu.memref_slice %arg3[%dma_start3A_43, %multiple_of3A_42] : memref<2x320000xi32, #tpu.memory_space<hbm>> -> memref<2x128xi32, #tpu.memory_space<hbm>>
    %dma_start3A_45 = arith.constant 0 : i32
    %dma_start3A_46 = tpu.memref_slice %arg3[%dma_start3A_45, %multiple_of3A_42] : memref<2x320000xi32, #tpu.memory_space<hbm>> -> memref<2x128xi32, #tpu.memory_space<hbm>>
    tpu.enqueue_dma source(%dma_start3A_46 : memref<2x128xi32, #tpu.memory_space<hbm>>) target(%arg10 : memref<2x128xi32, #tpu.memory_space<vmem>>) target_semaphore(%arg41 : memref<!tpu.dma_semaphore, #tpu.memory_space<semaphore_mem>>)
    %add3A_47 = arith.constant 640 : i32
    %add3A_48 = arith.addi %mul3A_14, %add3A_47 : i32
    %multiple_of3A_49 = tpu.assume_multiple %add3A_48, 8 : i32
    %dma_start3A_50 = arith.constant 0 : i32
    %dma_start3A_51 = tpu.memref_slice %arg3[%dma_start3A_50, %multiple_of3A_49] : memref<2x320000xi32, #tpu.memory_space<hbm>> -> memref<2x128xi32, #tpu.memory_space<hbm>>
    %dma_start3A_52 = arith.constant 0 : i32
    %dma_start3A_53 = tpu.memref_slice %arg3[%dma_start3A_52, %multiple_of3A_49] : memref<2x320000xi32, #tpu.memory_space<hbm>> -> memref<2x128xi32, #tpu.memory_space<hbm>>
    tpu.enqueue_dma source(%dma_start3A_53 : memref<2x128xi32, #tpu.memory_space<hbm>>) target(%arg11 : memref<2x128xi32, #tpu.memory_space<vmem>>) target_semaphore(%arg42 : memref<!tpu.dma_semaphore, #tpu.memory_space<semaphore_mem>>)
    %add3A_54 = arith.constant 768 : i32
    %add3A_55 = arith.addi %mul3A_14, %add3A_54 : i32
    %multiple_of3A_56 = tpu.assume_multiple %add3A_55, 8 : i32
    %dma_start3A_57 = arith.constant 0 : i32
    %dma_start3A_58 = tpu.memref_slice %arg3[%dma_start3A_57, %multiple_of3A_56] : memref<2x320000xi32, #tpu.memory_space<hbm>> -> memref<2x128xi32, #tpu.memory_space<hbm>>
    %dma_start3A_59 = arith.constant 0 : i32
    %dma_start3A_60 = tpu.memref_slice %arg3[%dma_start3A_59, %multiple_of3A_56] : memref<2x320000xi32, #tpu.memory_space<hbm>> -> memref<2x128xi32, #tpu.memory_space<hbm>>
    tpu.enqueue_dma source(%dma_start3A_60 : memref<2x128xi32, #tpu.memory_space<hbm>>) target(%arg12 : memref<2x128xi32, #tpu.memory_space<vmem>>) target_semaphore(%arg43 : memref<!tpu.dma_semaphore, #tpu.memory_space<semaphore_mem>>)
    %add3A_61 = arith.constant 896 : i32
    %add3A_62 = arith.addi %mul3A_14, %add3A_61 : i32
    %multiple_of3A_63 = tpu.assume_multiple %add3A_62, 8 : i32
    %dma_start3A_64 = arith.constant 0 : i32
    %dma_start3A_65 = tpu.memref_slice %arg3[%dma_start3A_64, %multiple_of3A_63] : memref<2x320000xi32, #tpu.memory_space<hbm>> -> memref<2x128xi32, #tpu.memory_space<hbm>>
    %dma_start3A_66 = arith.constant 0 : i32
    %dma_start3A_67 = tpu.memref_slice %arg3[%dma_start3A_66, %multiple_of3A_63] : memref<2x320000xi32, #tpu.memory_space<hbm>> -> memref<2x128xi32, #tpu.memory_space<hbm>>
    tpu.enqueue_dma source(%dma_start3A_67 : memref<2x128xi32, #tpu.memory_space<hbm>>) target(%arg13 : memref<2x128xi32, #tpu.memory_space<vmem>>) target_semaphore(%arg44 : memref<!tpu.dma_semaphore, #tpu.memory_space<semaphore_mem>>)
    %scan3A_68 = arith.constant 0 : i32
    %scan3A_69 = arith.constant 4 : i32
    %scan3A_70 = arith.addi %scan3A_68, %scan3A_69 : i32
    %scan3A_71 = arith.constant 1 : i32
    scf.for %scan3A_291 = %scan3A_68 to %scan3A_70 step %scan3A_71  : i32 {
      %mul3A_292 = arith.constant 1 : i32
      %mul3A_293 = arith.muli %scan3A_291, %mul3A_292 : i32
      %add3A_294 = arith.constant 0 : i32
      %add3A_295 = arith.addi %add3A_294, %mul3A_293 : i32
      %mul3A_296 = arith.constant 128 : i32
      %mul3A_297 = arith.muli %add3A_295, %mul3A_296 : i32
      %add3A_298 = arith.addi %mul3A_12, %mul3A_297 : i32
      "tpu.region"() ({
        %run_scoped3A_299 = tpu.sem_alloc : memref<!tpu.dma_semaphore, #tpu.memory_space<semaphore_mem>>
        %dma_start3A_300 = arith.constant 0 : i32
        %dma_start3A_301 = tpu.memref_slice %arg35[%add3A_298, %dma_start3A_300] : memref<10000x64xf32, #tpu.memory_space<vmem_shared>> -> memref<128x64xf32, #tpu.memory_space<vmem_shared>>
        %dma_start3A_302 = arith.constant 0 : i32
        %dma_start3A_303 = tpu.memref_slice %arg35[%add3A_298, %dma_start3A_302] : memref<10000x64xf32, #tpu.memory_space<vmem_shared>> -> memref<128x64xf32, #tpu.memory_space<vmem_shared>>
        tpu.enqueue_dma source(%arg33 : memref<128x64xf32, #tpu.memory_space<vmem>>) target(%dma_start3A_303 : memref<128x64xf32, #tpu.memory_space<vmem_shared>>) target_semaphore(%run_scoped3A_299 : memref<!tpu.dma_semaphore, #tpu.memory_space<semaphore_mem>>)
        %dma_wait3A_304 = arith.constant 0 : i32
        %dma_wait3A_305 = tpu.memref_slice %arg35[%add3A_298, %dma_wait3A_304] : memref<10000x64xf32, #tpu.memory_space<vmem_shared>> -> memref<128x64xf32, #tpu.memory_space<vmem_shared>>
        %dma_wait3A_306 = arith.constant 0 : i32
        %dma_wait3A_307 = tpu.memref_slice %arg35[%add3A_298, %dma_wait3A_306] : memref<10000x64xf32, #tpu.memory_space<vmem_shared>> -> memref<128x64xf32, #tpu.memory_space<vmem_shared>>
        tpu.wait_dma2 semaphore(%run_scoped3A_299 : memref<!tpu.dma_semaphore, #tpu.memory_space<semaphore_mem>>) src(%arg33 : memref<128x64xf32, #tpu.memory_space<vmem>>) dst(%dma_wait3A_307 : memref<128x64xf32, #tpu.memory_space<vmem_shared>>)
        tpu.yield
      }) : () -> ()
    }
    %scan3A_72 = arith.constant 4 : i32
    %add3A_73 = arith.constant 512 : i32
    %add3A_74 = arith.addi %mul3A_12, %add3A_73 : i32
    "tpu.region"() ({
      %run_scoped3A_291 = tpu.sem_alloc : memref<!tpu.dma_semaphore, #tpu.memory_space<semaphore_mem>>
      %dma_start3A_292 = arith.constant 0 : i32
      %dma_start3A_293 = arith.constant 0 : i32
      %dma_start3A_294 = tpu.memref_slice %arg33[%dma_start3A_292, %dma_start3A_293] : memref<128x64xf32, #tpu.memory_space<vmem>> -> memref<112x64xf32, #tpu.memory_space<vmem>>
      %dma_start3A_295 = arith.constant 0 : i32
      %dma_start3A_296 = tpu.memref_slice %arg35[%add3A_74, %dma_start3A_295] : memref<10000x64xf32, #tpu.memory_space<vmem_shared>> -> memref<112x64xf32, #tpu.memory_space<vmem_shared>>
      %dma_start3A_297 = arith.constant 0 : i32
      %dma_start3A_298 = tpu.memref_slice %arg35[%add3A_74, %dma_start3A_297] : memref<10000x64xf32, #tpu.memory_space<vmem_shared>> -> memref<112x64xf32, #tpu.memory_space<vmem_shared>>
      %dma_start3A_299 = arith.constant 0 : i32
      %dma_start3A_300 = arith.constant 0 : i32
      %dma_start3A_301 = tpu.memref_slice %arg33[%dma_start3A_299, %dma_start3A_300] : memref<128x64xf32, #tpu.memory_space<vmem>> -> memref<112x64xf32, #tpu.memory_space<vmem>>
      tpu.enqueue_dma source(%dma_start3A_301 : memref<112x64xf32, #tpu.memory_space<vmem>>) target(%dma_start3A_298 : memref<112x64xf32, #tpu.memory_space<vmem_shared>>) target_semaphore(%run_scoped3A_291 : memref<!tpu.dma_semaphore, #tpu.memory_space<semaphore_mem>>)
      %dma_wait3A_302 = arith.constant 0 : i32
      %dma_wait3A_303 = arith.constant 0 : i32
      %dma_wait3A_304 = tpu.memref_slice %arg33[%dma_wait3A_302, %dma_wait3A_303] : memref<128x64xf32, #tpu.memory_space<vmem>> -> memref<112x64xf32, #tpu.memory_space<vmem>>
      %dma_wait3A_305 = arith.constant 0 : i32
      %dma_wait3A_306 = tpu.memref_slice %arg35[%add3A_74, %dma_wait3A_305] : memref<10000x64xf32, #tpu.memory_space<vmem_shared>> -> memref<112x64xf32, #tpu.memory_space<vmem_shared>>
      %dma_wait3A_307 = arith.constant 0 : i32
      %dma_wait3A_308 = tpu.memref_slice %arg35[%add3A_74, %dma_wait3A_307] : memref<10000x64xf32, #tpu.memory_space<vmem_shared>> -> memref<112x64xf32, #tpu.memory_space<vmem_shared>>
      %dma_wait3A_309 = arith.constant 0 : i32
      %dma_wait3A_310 = arith.constant 0 : i32
      %dma_wait3A_311 = tpu.memref_slice %arg33[%dma_wait3A_309, %dma_wait3A_310] : memref<128x64xf32, #tpu.memory_space<vmem>> -> memref<112x64xf32, #tpu.memory_space<vmem>>
      tpu.wait_dma2 semaphore(%run_scoped3A_291 : memref<!tpu.dma_semaphore, #tpu.memory_space<semaphore_mem>>) src(%dma_wait3A_311 : memref<112x64xf32, #tpu.memory_space<vmem>>) dst(%dma_wait3A_308 : memref<112x64xf32, #tpu.memory_space<vmem_shared>>)
      tpu.yield
    }) : () -> ()
    %scan3A_75 = arith.constant 0 : i32
    %scan3A_76 = arith.constant 4 : i32
    %scan3A_77 = arith.addi %scan3A_75, %scan3A_76 : i32
    %scan3A_78 = arith.constant 1 : i32
    scf.for %scan3A_291 = %scan3A_75 to %scan3A_77 step %scan3A_78  : i32 {
      %mul3A_292 = arith.constant 1 : i32
      %mul3A_293 = arith.muli %scan3A_291, %mul3A_292 : i32
      %add3A_294 = arith.constant 0 : i32
      %add3A_295 = arith.addi %add3A_294, %mul3A_293 : i32
      %mul3A_296 = arith.constant 128 : i32
      %mul3A_297 = arith.muli %add3A_295, %mul3A_296 : i32
      %add3A_298 = arith.addi %mul3A_12, %mul3A_297 : i32
      "tpu.region"() ({
        %run_scoped3A_299 = tpu.sem_alloc : memref<!tpu.dma_semaphore, #tpu.memory_space<semaphore_mem>>
        %dma_start3A_300 = arith.constant 0 : i32
        %dma_start3A_301 = tpu.memref_slice %arg36[%add3A_298, %dma_start3A_300] : memref<10000x16xf32, #tpu.memory_space<vmem_shared>> -> memref<128x16xf32, #tpu.memory_space<vmem_shared>>
        %dma_start3A_302 = arith.constant 0 : i32
        %dma_start3A_303 = tpu.memref_slice %arg36[%add3A_298, %dma_start3A_302] : memref<10000x16xf32, #tpu.memory_space<vmem_shared>> -> memref<128x16xf32, #tpu.memory_space<vmem_shared>>
        tpu.enqueue_dma source(%arg34 : memref<128x16xf32, #tpu.memory_space<vmem>>) target(%dma_start3A_303 : memref<128x16xf32, #tpu.memory_space<vmem_shared>>) target_semaphore(%run_scoped3A_299 : memref<!tpu.dma_semaphore, #tpu.memory_space<semaphore_mem>>)
        %dma_wait3A_304 = arith.constant 0 : i32
        %dma_wait3A_305 = tpu.memref_slice %arg36[%add3A_298, %dma_wait3A_304] : memref<10000x16xf32, #tpu.memory_space<vmem_shared>> -> memref<128x16xf32, #tpu.memory_space<vmem_shared>>
        %dma_wait3A_306 = arith.constant 0 : i32
        %dma_wait3A_307 = tpu.memref_slice %arg36[%add3A_298, %dma_wait3A_306] : memref<10000x16xf32, #tpu.memory_space<vmem_shared>> -> memref<128x16xf32, #tpu.memory_space<vmem_shared>>
        tpu.wait_dma2 semaphore(%run_scoped3A_299 : memref<!tpu.dma_semaphore, #tpu.memory_space<semaphore_mem>>) src(%arg34 : memref<128x16xf32, #tpu.memory_space<vmem>>) dst(%dma_wait3A_307 : memref<128x16xf32, #tpu.memory_space<vmem_shared>>)
        tpu.yield
      }) : () -> ()
    }
    %scan3A_79 = arith.constant 4 : i32
    %add3A_80 = arith.constant 512 : i32
    %add3A_81 = arith.addi %mul3A_12, %add3A_80 : i32
    "tpu.region"() ({
      %run_scoped3A_291 = tpu.sem_alloc : memref<!tpu.dma_semaphore, #tpu.memory_space<semaphore_mem>>
      %dma_start3A_292 = arith.constant 0 : i32
      %dma_start3A_293 = arith.constant 0 : i32
      %dma_start3A_294 = tpu.memref_slice %arg34[%dma_start3A_292, %dma_start3A_293] : memref<128x16xf32, #tpu.memory_space<vmem>> -> memref<112x16xf32, #tpu.memory_space<vmem>>
      %dma_start3A_295 = arith.constant 0 : i32
      %dma_start3A_296 = tpu.memref_slice %arg36[%add3A_81, %dma_start3A_295] : memref<10000x16xf32, #tpu.memory_space<vmem_shared>> -> memref<112x16xf32, #tpu.memory_space<vmem_shared>>
      %dma_start3A_297 = arith.constant 0 : i32
      %dma_start3A_298 = tpu.memref_slice %arg36[%add3A_81, %dma_start3A_297] : memref<10000x16xf32, #tpu.memory_space<vmem_shared>> -> memref<112x16xf32, #tpu.memory_space<vmem_shared>>
      %dma_start3A_299 = arith.constant 0 : i32
      %dma_start3A_300 = arith.constant 0 : i32
      %dma_start3A_301 = tpu.memref_slice %arg34[%dma_start3A_299, %dma_start3A_300] : memref<128x16xf32, #tpu.memory_space<vmem>> -> memref<112x16xf32, #tpu.memory_space<vmem>>
      tpu.enqueue_dma source(%dma_start3A_301 : memref<112x16xf32, #tpu.memory_space<vmem>>) target(%dma_start3A_298 : memref<112x16xf32, #tpu.memory_space<vmem_shared>>) target_semaphore(%run_scoped3A_291 : memref<!tpu.dma_semaphore, #tpu.memory_space<semaphore_mem>>)
      %dma_wait3A_302 = arith.constant 0 : i32
      %dma_wait3A_303 = arith.constant 0 : i32
      %dma_wait3A_304 = tpu.memref_slice %arg34[%dma_wait3A_302, %dma_wait3A_303] : memref<128x16xf32, #tpu.memory_space<vmem>> -> memref<112x16xf32, #tpu.memory_space<vmem>>
      %dma_wait3A_305 = arith.constant 0 : i32
      %dma_wait3A_306 = tpu.memref_slice %arg36[%add3A_81, %dma_wait3A_305] : memref<10000x16xf32, #tpu.memory_space<vmem_shared>> -> memref<112x16xf32, #tpu.memory_space<vmem_shared>>
      %dma_wait3A_307 = arith.constant 0 : i32
      %dma_wait3A_308 = tpu.memref_slice %arg36[%add3A_81, %dma_wait3A_307] : memref<10000x16xf32, #tpu.memory_space<vmem_shared>> -> memref<112x16xf32, #tpu.memory_space<vmem_shared>>
      %dma_wait3A_309 = arith.constant 0 : i32
      %dma_wait3A_310 = arith.constant 0 : i32
      %dma_wait3A_311 = tpu.memref_slice %arg34[%dma_wait3A_309, %dma_wait3A_310] : memref<128x16xf32, #tpu.memory_space<vmem>> -> memref<112x16xf32, #tpu.memory_space<vmem>>
      tpu.wait_dma2 semaphore(%run_scoped3A_291 : memref<!tpu.dma_semaphore, #tpu.memory_space<semaphore_mem>>) src(%dma_wait3A_311 : memref<112x16xf32, #tpu.memory_space<vmem>>) dst(%dma_wait3A_308 : memref<112x16xf32, #tpu.memory_space<vmem_shared>>)
      tpu.yield
    }) : () -> ()
    %eq3A = arith.constant 0 : i32
    %eq3A_82 = arith.cmpi eq, %arg1, %eq3A : i32
    %convert_element_type3A = arith.extui %eq3A_82 : i1 to i32
    %cond3A = arith.constant 0 : i32
    %cond3A_83 = arith.cmpi ne, %convert_element_type3A, %cond3A : i32
    scf.if %cond3A_83 {
      "tpu.region"() ({
        %run_scoped3A_291 = tpu.sem_alloc : memref<!tpu.dma_semaphore, #tpu.memory_space<semaphore_mem>>
        %dma_start3A_292 = arith.constant 0 : i32
        %dma_start3A_293 = arith.constant 0 : i32
        %dma_start3A_294 = tpu.memref_slice %arg33[%dma_start3A_292, %dma_start3A_293] : memref<128x64xf32, #tpu.memory_space<vmem>> -> memref<16x64xf32, #tpu.memory_space<vmem>>
        %dma_start3A_295 = arith.constant 9984 : i32
        %dma_start3A_296 = arith.constant 0 : i32
        %dma_start3A_297 = tpu.memref_slice %arg35[%dma_start3A_295, %dma_start3A_296] : memref<10000x64xf32, #tpu.memory_space<vmem_shared>> -> memref<16x64xf32, #tpu.memory_space<vmem_shared>>
        %dma_start3A_298 = arith.constant 9984 : i32
        %dma_start3A_299 = arith.constant 0 : i32
        %dma_start3A_300 = tpu.memref_slice %arg35[%dma_start3A_298, %dma_start3A_299] : memref<10000x64xf32, #tpu.memory_space<vmem_shared>> -> memref<16x64xf32, #tpu.memory_space<vmem_shared>>
        %dma_start3A_301 = arith.constant 0 : i32
        %dma_start3A_302 = arith.constant 0 : i32
        %dma_start3A_303 = tpu.memref_slice %arg33[%dma_start3A_301, %dma_start3A_302] : memref<128x64xf32, #tpu.memory_space<vmem>> -> memref<16x64xf32, #tpu.memory_space<vmem>>
        tpu.enqueue_dma source(%dma_start3A_303 : memref<16x64xf32, #tpu.memory_space<vmem>>) target(%dma_start3A_300 : memref<16x64xf32, #tpu.memory_space<vmem_shared>>) target_semaphore(%run_scoped3A_291 : memref<!tpu.dma_semaphore, #tpu.memory_space<semaphore_mem>>)
        %dma_wait3A_304 = arith.constant 0 : i32
        %dma_wait3A_305 = arith.constant 0 : i32
        %dma_wait3A_306 = tpu.memref_slice %arg33[%dma_wait3A_304, %dma_wait3A_305] : memref<128x64xf32, #tpu.memory_space<vmem>> -> memref<16x64xf32, #tpu.memory_space<vmem>>
        %dma_wait3A_307 = arith.constant 9984 : i32
        %dma_wait3A_308 = arith.constant 0 : i32
        %dma_wait3A_309 = tpu.memref_slice %arg35[%dma_wait3A_307, %dma_wait3A_308] : memref<10000x64xf32, #tpu.memory_space<vmem_shared>> -> memref<16x64xf32, #tpu.memory_space<vmem_shared>>
        %dma_wait3A_310 = arith.constant 9984 : i32
        %dma_wait3A_311 = arith.constant 0 : i32
        %dma_wait3A_312 = tpu.memref_slice %arg35[%dma_wait3A_310, %dma_wait3A_311] : memref<10000x64xf32, #tpu.memory_space<vmem_shared>> -> memref<16x64xf32, #tpu.memory_space<vmem_shared>>
        %dma_wait3A_313 = arith.constant 0 : i32
        %dma_wait3A_314 = arith.constant 0 : i32
        %dma_wait3A_315 = tpu.memref_slice %arg33[%dma_wait3A_313, %dma_wait3A_314] : memref<128x64xf32, #tpu.memory_space<vmem>> -> memref<16x64xf32, #tpu.memory_space<vmem>>
        tpu.wait_dma2 semaphore(%run_scoped3A_291 : memref<!tpu.dma_semaphore, #tpu.memory_space<semaphore_mem>>) src(%dma_wait3A_315 : memref<16x64xf32, #tpu.memory_space<vmem>>) dst(%dma_wait3A_312 : memref<16x64xf32, #tpu.memory_space<vmem_shared>>)
        tpu.yield
      }) : () -> ()
      "tpu.region"() ({
        %run_scoped3A_291 = tpu.sem_alloc : memref<!tpu.dma_semaphore, #tpu.memory_space<semaphore_mem>>
        %dma_start3A_292 = arith.constant 0 : i32
        %dma_start3A_293 = arith.constant 0 : i32
        %dma_start3A_294 = tpu.memref_slice %arg34[%dma_start3A_292, %dma_start3A_293] : memref<128x16xf32, #tpu.memory_space<vmem>> -> memref<16x16xf32, #tpu.memory_space<vmem>>
        %dma_start3A_295 = arith.constant 9984 : i32
        %dma_start3A_296 = arith.constant 0 : i32
        %dma_start3A_297 = tpu.memref_slice %arg36[%dma_start3A_295, %dma_start3A_296] : memref<10000x16xf32, #tpu.memory_space<vmem_shared>> -> memref<16x16xf32, #tpu.memory_space<vmem_shared>>
        %dma_start3A_298 = arith.constant 9984 : i32
        %dma_start3A_299 = arith.constant 0 : i32
        %dma_start3A_300 = tpu.memref_slice %arg36[%dma_start3A_298, %dma_start3A_299] : memref<10000x16xf32, #tpu.memory_space<vmem_shared>> -> memref<16x16xf32, #tpu.memory_space<vmem_shared>>
        %dma_start3A_301 = arith.constant 0 : i32
        %dma_start3A_302 = arith.constant 0 : i32
        %dma_start3A_303 = tpu.memref_slice %arg34[%dma_start3A_301, %dma_start3A_302] : memref<128x16xf32, #tpu.memory_space<vmem>> -> memref<16x16xf32, #tpu.memory_space<vmem>>
        tpu.enqueue_dma source(%dma_start3A_303 : memref<16x16xf32, #tpu.memory_space<vmem>>) target(%dma_start3A_300 : memref<16x16xf32, #tpu.memory_space<vmem_shared>>) target_semaphore(%run_scoped3A_291 : memref<!tpu.dma_semaphore, #tpu.memory_space<semaphore_mem>>)
        %dma_wait3A_304 = arith.constant 0 : i32
        %dma_wait3A_305 = arith.constant 0 : i32
        %dma_wait3A_306 = tpu.memref_slice %arg34[%dma_wait3A_304, %dma_wait3A_305] : memref<128x16xf32, #tpu.memory_space<vmem>> -> memref<16x16xf32, #tpu.memory_space<vmem>>
        %dma_wait3A_307 = arith.constant 9984 : i32
        %dma_wait3A_308 = arith.constant 0 : i32
        %dma_wait3A_309 = tpu.memref_slice %arg36[%dma_wait3A_307, %dma_wait3A_308] : memref<10000x16xf32, #tpu.memory_space<vmem_shared>> -> memref<16x16xf32, #tpu.memory_space<vmem_shared>>
        %dma_wait3A_310 = arith.constant 9984 : i32
        %dma_wait3A_311 = arith.constant 0 : i32
        %dma_wait3A_312 = tpu.memref_slice %arg36[%dma_wait3A_310, %dma_wait3A_311] : memref<10000x16xf32, #tpu.memory_space<vmem_shared>> -> memref<16x16xf32, #tpu.memory_space<vmem_shared>>
        %dma_wait3A_313 = arith.constant 0 : i32
        %dma_wait3A_314 = arith.constant 0 : i32
        %dma_wait3A_315 = tpu.memref_slice %arg34[%dma_wait3A_313, %dma_wait3A_314] : memref<128x16xf32, #tpu.memory_space<vmem>> -> memref<16x16xf32, #tpu.memory_space<vmem>>
        tpu.wait_dma2 semaphore(%run_scoped3A_291 : memref<!tpu.dma_semaphore, #tpu.memory_space<semaphore_mem>>) src(%dma_wait3A_315 : memref<16x16xf32, #tpu.memory_space<vmem>>) dst(%dma_wait3A_312 : memref<16x16xf32, #tpu.memory_space<vmem_shared>>)
        tpu.yield
      }) : () -> ()
    } else {
    }
    %barrier3A = arith.constant 0 : index
    tpu.barrier barrier_id(%barrier3A)
    %scan3A_84 = arith.constant 0 : i32
    %scan3A_85 = arith.constant 19 : i32
    %scan3A_86 = arith.addi %scan3A_84, %scan3A_85 : i32
    %scan3A_87 = arith.constant 1 : i32
    scf.for %scan3A_291 = %scan3A_84 to %scan3A_86 step %scan3A_87  : i32 {
      %mul3A_292 = arith.constant 1 : i32
      %mul3A_293 = arith.muli %scan3A_291, %mul3A_292 : i32
      %add3A_294 = arith.constant 0 : i32
      %add3A_295 = arith.addi %add3A_294, %mul3A_293 : i32
      %mul3A_296 = arith.constant 8 : i32
      %mul3A_297 = arith.muli %add3A_295, %mul3A_296 : i32
      %dma_wait3A_298 = arith.constant 0 : i32
      %dma_wait3A_299 = arith.constant 0 : i32
      %dma_wait3A_300 = tpu.memref_slice %arg3[%dma_wait3A_298, %dma_wait3A_299] : memref<2x320000xi32, #tpu.memory_space<hbm>> -> memref<2x128xi32, #tpu.memory_space<hbm>>
      %dma_wait3A_301 = arith.constant 0 : i32
      %dma_wait3A_302 = arith.constant 0 : i32
      %dma_wait3A_303 = tpu.memref_slice %arg3[%dma_wait3A_301, %dma_wait3A_302] : memref<2x320000xi32, #tpu.memory_space<hbm>> -> memref<2x128xi32, #tpu.memory_space<hbm>>
      tpu.wait_dma2 semaphore(%arg37 : memref<!tpu.dma_semaphore, #tpu.memory_space<semaphore_mem>>) src(%dma_wait3A_303 : memref<2x128xi32, #tpu.memory_space<hbm>>) dst(%arg6 : memref<2x128xi32, #tpu.memory_space<vmem>>)
      %scan3A_304 = arith.constant 0 : i32
      %scan3A_305 = arith.constant 8 : i32
      %scan3A_306 = arith.addi %scan3A_304, %scan3A_305 : i32
      %scan3A_307 = arith.constant 1 : i32
      scf.for %scan3A_713 = %scan3A_304 to %scan3A_306 step %scan3A_307  : i32 {
        %mul3A_714 = arith.constant 1 : i32
        %mul3A_715 = arith.muli %scan3A_713, %mul3A_714 : i32
        %add3A_716 = arith.constant 0 : i32
        %add3A_717 = arith.addi %add3A_716, %mul3A_715 : i32
        %mul3A_718 = arith.constant 16 : i32
        %mul3A_719 = arith.muli %add3A_717, %mul3A_718 : i32
        %get3A = arith.constant 0 : i32
        %get3A_720 = arith.index_cast %get3A : i32 to index
        %get3A_721 = arith.index_cast %mul3A_719 : i32 to index
        %get3A_722 = tpu.vector_load %arg6[%get3A_720, %get3A_721] {strides = array<i32>} : memref<2x128xi32, #tpu.memory_space<vmem>>, vector<1x16xi32>,
        %get3A_723 = vector.shape_cast %get3A_722 : vector<1x16xi32> to vector<16xi32>
        %mul3A_724 = arith.constant 2 : i32
        %mul3A_725 = vector.broadcast %mul3A_724 : i32 to vector<16xi32>
        %mul3A_726 = arith.muli %get3A_723, %mul3A_725 : vector<16xi32>
        %add3A_727 = vector.broadcast %arg0 : i32 to vector<16xi32>
        %add3A_728 = arith.addi %mul3A_726, %add3A_727 : vector<16xi32>
        %mul3A_729 = arith.constant 16 : i32
        %mul3A_730 = arith.muli %add3A_717, %mul3A_729 : i32
        %swap3A = arith.index_cast %mul3A_730 : i32 to index
        %swap3A_731 = tpu.vector_load %arg14[%swap3A] {strides = array<i32>} : memref<128xi32, #tpu.memory_space<vmem>>, vector<16xi32>,
        %swap3A_732 = vector.shape_cast %swap3A_731 : vector<16xi32> to vector<16xi32>
        %swap3A_733 = vector.shape_cast %add3A_728 : vector<16xi32> to vector<16xi32>
        tpu.vector_store %arg14[%swap3A], %swap3A_733 {strides = array<i32>} : memref<128xi32, #tpu.memory_space<vmem>>, vector<16xi32>,
      }
      %scan3A_308 = arith.constant 8 : i32
      %dma_start3A_309 = arith.constant 0 : i32
      %dma_start3A_310 = arith.constant 0 : i32
      %dma_start3A_311 = tpu.memref_slice %arg2[%dma_start3A_309, %dma_start3A_310] : memref<20000x64xf32, #tpu.memory_space<hbm>> -> memref<20000x64xf32, #tpu.memory_space<hbm>>
      tpu.enqueue_indirect_dma source(%dma_start3A_311 : memref<20000x64xf32, #tpu.memory_space<hbm>>) target(%arg22 : memref<128x64xf32, #tpu.memory_space<vmem>>) offsets(%arg14 : memref<128xi32, #tpu.memory_space<vmem>>) semaphore(%arg45 : memref<!tpu.dma_semaphore, #tpu.memory_space<semaphore_mem>>)
      %dma_wait3A_312 = arith.constant 0 : i32
      %dma_wait3A_313 = arith.constant 0 : i32
      %dma_wait3A_314 = tpu.memref_slice %arg3[%dma_wait3A_312, %dma_wait3A_313] : memref<2x320000xi32, #tpu.memory_space<hbm>> -> memref<2x128xi32, #tpu.memory_space<hbm>>
      %dma_wait3A_315 = arith.constant 0 : i32
      %dma_wait3A_316 = arith.constant 0 : i32
      %dma_wait3A_317 = tpu.memref_slice %arg3[%dma_wait3A_315, %dma_wait3A_316] : memref<2x320000xi32, #tpu.memory_space<hbm>> -> memref<2x128xi32, #tpu.memory_space<hbm>>
      tpu.wait_dma2 semaphore(%arg38 : memref<!tpu.dma_semaphore, #tpu.memory_space<semaphore_mem>>) src(%dma_wait3A_317 : memref<2x128xi32, #tpu.memory_space<hbm>>) dst(%arg7 : memref<2x128xi32, #tpu.memory_space<vmem>>)
      %scan3A_318 = arith.constant 0 : i32
      %scan3A_319 = arith.constant 8 : i32
      %scan3A_320 = arith.addi %scan3A_318, %scan3A_319 : i32
      %scan3A_321 = arith.constant 1 : i32
      scf.for %scan3A_713 = %scan3A_318 to %scan3A_320 step %scan3A_321  : i32 {
        %mul3A_714 = arith.constant 1 : i32
        %mul3A_715 = arith.muli %scan3A_713, %mul3A_714 : i32
        %add3A_716 = arith.constant 0 : i32
        %add3A_717 = arith.addi %add3A_716, %mul3A_715 : i32
        %mul3A_718 = arith.constant 16 : i32
        %mul3A_719 = arith.muli %add3A_717, %mul3A_718 : i32
        %get3A = arith.constant 0 : i32
        %get3A_720 = arith.index_cast %get3A : i32 to index
        %get3A_721 = arith.index_cast %mul3A_719 : i32 to index
        %get3A_722 = tpu.vector_load %arg7[%get3A_720, %get3A_721] {strides = array<i32>} : memref<2x128xi32, #tpu.memory_space<vmem>>, vector<1x16xi32>,
        %get3A_723 = vector.shape_cast %get3A_722 : vector<1x16xi32> to vector<16xi32>
        %mul3A_724 = arith.constant 2 : i32
        %mul3A_725 = vector.broadcast %mul3A_724 : i32 to vector<16xi32>
        %mul3A_726 = arith.muli %get3A_723, %mul3A_725 : vector<16xi32>
        %add3A_727 = vector.broadcast %arg0 : i32 to vector<16xi32>
        %add3A_728 = arith.addi %mul3A_726, %add3A_727 : vector<16xi32>
        %mul3A_729 = arith.constant 16 : i32
        %mul3A_730 = arith.muli %add3A_717, %mul3A_729 : i32
        %swap3A = arith.index_cast %mul3A_730 : i32 to index
        %swap3A_731 = tpu.vector_load %arg15[%swap3A] {strides = array<i32>} : memref<128xi32, #tpu.memory_space<vmem>>, vector<16xi32>,
        %swap3A_732 = vector.shape_cast %swap3A_731 : vector<16xi32> to vector<16xi32>
        %swap3A_733 = vector.shape_cast %add3A_728 : vector<16xi32> to vector<16xi32>
        tpu.vector_store %arg15[%swap3A], %swap3A_733 {strides = array<i32>} : memref<128xi32, #tpu.memory_space<vmem>>, vector<16xi32>,
      }
      %scan3A_322 = arith.constant 8 : i32
      %dma_start3A_323 = arith.constant 0 : i32
      %dma_start3A_324 = arith.constant 0 : i32
      %dma_start3A_325 = tpu.memref_slice %arg2[%dma_start3A_323, %dma_start3A_324] : memref<20000x64xf32, #tpu.memory_space<hbm>> -> memref<20000x64xf32, #tpu.memory_space<hbm>>
      tpu.enqueue_indirect_dma source(%dma_start3A_325 : memref<20000x64xf32, #tpu.memory_space<hbm>>) target(%arg23 : memref<128x64xf32, #tpu.memory_space<vmem>>) offsets(%arg15 : memref<128xi32, #tpu.memory_space<vmem>>) semaphore(%arg46 : memref<!tpu.dma_semaphore, #tpu.memory_space<semaphore_mem>>)
      %dma_wait3A_326 = arith.constant 0 : i32
      %dma_wait3A_327 = arith.constant 0 : i32
      %dma_wait3A_328 = tpu.memref_slice %arg3[%dma_wait3A_326, %dma_wait3A_327] : memref<2x320000xi32, #tpu.memory_space<hbm>> -> memref<2x128xi32, #tpu.memory_space<hbm>>
      %dma_wait3A_329 = arith.constant 0 : i32
      %dma_wait3A_330 = arith.constant 0 : i32
      %dma_wait3A_331 = tpu.memref_slice %arg3[%dma_wait3A_329, %dma_wait3A_330] : memref<2x320000xi32, #tpu.memory_space<hbm>> -> memref<2x128xi32, #tpu.memory_space<hbm>>
      tpu.wait_dma2 semaphore(%arg39 : memref<!tpu.dma_semaphore, #tpu.memory_space<semaphore_mem>>) src(%dma_wait3A_331 : memref<2x128xi32, #tpu.memory_space<hbm>>) dst(%arg8 : memref<2x128xi32, #tpu.memory_space<vmem>>)
      %scan3A_332 = arith.constant 0 : i32
      %scan3A_333 = arith.constant 8 : i32
      %scan3A_334 = arith.addi %scan3A_332, %scan3A_333 : i32
      %scan3A_335 = arith.constant 1 : i32
      scf.for %scan3A_713 = %scan3A_332 to %scan3A_334 step %scan3A_335  : i32 {
        %mul3A_714 = arith.constant 1 : i32
        %mul3A_715 = arith.muli %scan3A_713, %mul3A_714 : i32
        %add3A_716 = arith.constant 0 : i32
        %add3A_717 = arith.addi %add3A_716, %mul3A_715 : i32
        %mul3A_718 = arith.constant 16 : i32
        %mul3A_719 = arith.muli %add3A_717, %mul3A_718 : i32
        %get3A = arith.constant 0 : i32
        %get3A_720 = arith.index_cast %get3A : i32 to index
        %get3A_721 = arith.index_cast %mul3A_719 : i32 to index
        %get3A_722 = tpu.vector_load %arg8[%get3A_720, %get3A_721] {strides = array<i32>} : memref<2x128xi32, #tpu.memory_space<vmem>>, vector<1x16xi32>,
        %get3A_723 = vector.shape_cast %get3A_722 : vector<1x16xi32> to vector<16xi32>
        %mul3A_724 = arith.constant 2 : i32
        %mul3A_725 = vector.broadcast %mul3A_724 : i32 to vector<16xi32>
        %mul3A_726 = arith.muli %get3A_723, %mul3A_725 : vector<16xi32>
        %add3A_727 = vector.broadcast %arg0 : i32 to vector<16xi32>
        %add3A_728 = arith.addi %mul3A_726, %add3A_727 : vector<16xi32>
        %mul3A_729 = arith.constant 16 : i32
        %mul3A_730 = arith.muli %add3A_717, %mul3A_729 : i32
        %swap3A = arith.index_cast %mul3A_730 : i32 to index
        %swap3A_731 = tpu.vector_load %arg16[%swap3A] {strides = array<i32>} : memref<128xi32, #tpu.memory_space<vmem>>, vector<16xi32>,
        %swap3A_732 = vector.shape_cast %swap3A_731 : vector<16xi32> to vector<16xi32>
        %swap3A_733 = vector.shape_cast %add3A_728 : vector<16xi32> to vector<16xi32>
        tpu.vector_store %arg16[%swap3A], %swap3A_733 {strides = array<i32>} : memref<128xi32, #tpu.memory_space<vmem>>, vector<16xi32>,
      }
      %scan3A_336 = arith.constant 8 : i32
      %dma_start3A_337 = arith.constant 0 : i32
      %dma_start3A_338 = arith.constant 0 : i32
      %dma_start3A_339 = tpu.memref_slice %arg2[%dma_start3A_337, %dma_start3A_338] : memref<20000x64xf32, #tpu.memory_space<hbm>> -> memref<20000x64xf32, #tpu.memory_space<hbm>>
      tpu.enqueue_indirect_dma source(%dma_start3A_339 : memref<20000x64xf32, #tpu.memory_space<hbm>>) target(%arg24 : memref<128x64xf32, #tpu.memory_space<vmem>>) offsets(%arg16 : memref<128xi32, #tpu.memory_space<vmem>>) semaphore(%arg47 : memref<!tpu.dma_semaphore, #tpu.memory_space<semaphore_mem>>)
      %dma_wait3A_340 = arith.constant 0 : i32
      %dma_wait3A_341 = arith.constant 0 : i32
      %dma_wait3A_342 = tpu.memref_slice %arg3[%dma_wait3A_340, %dma_wait3A_341] : memref<2x320000xi32, #tpu.memory_space<hbm>> -> memref<2x128xi32, #tpu.memory_space<hbm>>
      %dma_wait3A_343 = arith.constant 0 : i32
      %dma_wait3A_344 = arith.constant 0 : i32
      %dma_wait3A_345 = tpu.memref_slice %arg3[%dma_wait3A_343, %dma_wait3A_344] : memref<2x320000xi32, #tpu.memory_space<hbm>> -> memref<2x128xi32, #tpu.memory_space<hbm>>
      tpu.wait_dma2 semaphore(%arg40 : memref<!tpu.dma_semaphore, #tpu.memory_space<semaphore_mem>>) src(%dma_wait3A_345 : memref<2x128xi32, #tpu.memory_space<hbm>>) dst(%arg9 : memref<2x128xi32, #tpu.memory_space<vmem>>)
      %scan3A_346 = arith.constant 0 : i32
      %scan3A_347 = arith.constant 8 : i32
      %scan3A_348 = arith.addi %scan3A_346, %scan3A_347 : i32
      %scan3A_349 = arith.constant 1 : i32
      scf.for %scan3A_713 = %scan3A_346 to %scan3A_348 step %scan3A_349  : i32 {
        %mul3A_714 = arith.constant 1 : i32
        %mul3A_715 = arith.muli %scan3A_713, %mul3A_714 : i32
        %add3A_716 = arith.constant 0 : i32
        %add3A_717 = arith.addi %add3A_716, %mul3A_715 : i32
        %mul3A_718 = arith.constant 16 : i32
        %mul3A_719 = arith.muli %add3A_717, %mul3A_718 : i32
        %get3A = arith.constant 0 : i32
        %get3A_720 = arith.index_cast %get3A : i32 to index
        %get3A_721 = arith.index_cast %mul3A_719 : i32 to index
        %get3A_722 = tpu.vector_load %arg9[%get3A_720, %get3A_721] {strides = array<i32>} : memref<2x128xi32, #tpu.memory_space<vmem>>, vector<1x16xi32>,
        %get3A_723 = vector.shape_cast %get3A_722 : vector<1x16xi32> to vector<16xi32>
        %mul3A_724 = arith.constant 2 : i32
        %mul3A_725 = vector.broadcast %mul3A_724 : i32 to vector<16xi32>
        %mul3A_726 = arith.muli %get3A_723, %mul3A_725 : vector<16xi32>
        %add3A_727 = vector.broadcast %arg0 : i32 to vector<16xi32>
        %add3A_728 = arith.addi %mul3A_726, %add3A_727 : vector<16xi32>
        %mul3A_729 = arith.constant 16 : i32
        %mul3A_730 = arith.muli %add3A_717, %mul3A_729 : i32
        %swap3A = arith.index_cast %mul3A_730 : i32 to index
        %swap3A_731 = tpu.vector_load %arg17[%swap3A] {strides = array<i32>} : memref<128xi32, #tpu.memory_space<vmem>>, vector<16xi32>,
        %swap3A_732 = vector.shape_cast %swap3A_731 : vector<16xi32> to vector<16xi32>
        %swap3A_733 = vector.shape_cast %add3A_728 : vector<16xi32> to vector<16xi32>
        tpu.vector_store %arg17[%swap3A], %swap3A_733 {strides = array<i32>} : memref<128xi32, #tpu.memory_space<vmem>>, vector<16xi32>,
      }
      %scan3A_350 = arith.constant 8 : i32
      %dma_start3A_351 = arith.constant 0 : i32
      %dma_start3A_352 = arith.constant 0 : i32
      %dma_start3A_353 = tpu.memref_slice %arg2[%dma_start3A_351, %dma_start3A_352] : memref<20000x64xf32, #tpu.memory_space<hbm>> -> memref<20000x64xf32, #tpu.memory_space<hbm>>
      tpu.enqueue_indirect_dma source(%dma_start3A_353 : memref<20000x64xf32, #tpu.memory_space<hbm>>) target(%arg25 : memref<128x64xf32, #tpu.memory_space<vmem>>) offsets(%arg17 : memref<128xi32, #tpu.memory_space<vmem>>) semaphore(%arg48 : memref<!tpu.dma_semaphore, #tpu.memory_space<semaphore_mem>>)
      %dma_wait3A_354 = arith.constant 0 : i32
      %dma_wait3A_355 = arith.constant 0 : i32
      %dma_wait3A_356 = tpu.memref_slice %arg3[%dma_wait3A_354, %dma_wait3A_355] : memref<2x320000xi32, #tpu.memory_space<hbm>> -> memref<2x128xi32, #tpu.memory_space<hbm>>
      %dma_wait3A_357 = arith.constant 0 : i32
      %dma_wait3A_358 = arith.constant 0 : i32
      %dma_wait3A_359 = tpu.memref_slice %arg3[%dma_wait3A_357, %dma_wait3A_358] : memref<2x320000xi32, #tpu.memory_space<hbm>> -> memref<2x128xi32, #tpu.memory_space<hbm>>
      tpu.wait_dma2 semaphore(%arg41 : memref<!tpu.dma_semaphore, #tpu.memory_space<semaphore_mem>>) src(%dma_wait3A_359 : memref<2x128xi32, #tpu.memory_space<hbm>>) dst(%arg10 : memref<2x128xi32, #tpu.memory_space<vmem>>)
      %scan3A_360 = arith.constant 0 : i32
      %scan3A_361 = arith.constant 8 : i32
      %scan3A_362 = arith.addi %scan3A_360, %scan3A_361 : i32
      %scan3A_363 = arith.constant 1 : i32
      scf.for %scan3A_713 = %scan3A_360 to %scan3A_362 step %scan3A_363  : i32 {
        %mul3A_714 = arith.constant 1 : i32
        %mul3A_715 = arith.muli %scan3A_713, %mul3A_714 : i32
        %add3A_716 = arith.constant 0 : i32
        %add3A_717 = arith.addi %add3A_716, %mul3A_715 : i32
        %mul3A_718 = arith.constant 16 : i32
        %mul3A_719 = arith.muli %add3A_717, %mul3A_718 : i32
        %get3A = arith.constant 0 : i32
        %get3A_720 = arith.index_cast %get3A : i32 to index
        %get3A_721 = arith.index_cast %mul3A_719 : i32 to index
        %get3A_722 = tpu.vector_load %arg10[%get3A_720, %get3A_721] {strides = array<i32>} : memref<2x128xi32, #tpu.memory_space<vmem>>, vector<1x16xi32>,
        %get3A_723 = vector.shape_cast %get3A_722 : vector<1x16xi32> to vector<16xi32>
        %mul3A_724 = arith.constant 2 : i32
        %mul3A_725 = vector.broadcast %mul3A_724 : i32 to vector<16xi32>
        %mul3A_726 = arith.muli %get3A_723, %mul3A_725 : vector<16xi32>
        %add3A_727 = vector.broadcast %arg0 : i32 to vector<16xi32>
        %add3A_728 = arith.addi %mul3A_726, %add3A_727 : vector<16xi32>
        %mul3A_729 = arith.constant 16 : i32
        %mul3A_730 = arith.muli %add3A_717, %mul3A_729 : i32
        %swap3A = arith.index_cast %mul3A_730 : i32 to index
        %swap3A_731 = tpu.vector_load %arg18[%swap3A] {strides = array<i32>} : memref<128xi32, #tpu.memory_space<vmem>>, vector<16xi32>,
        %swap3A_732 = vector.shape_cast %swap3A_731 : vector<16xi32> to vector<16xi32>
        %swap3A_733 = vector.shape_cast %add3A_728 : vector<16xi32> to vector<16xi32>
        tpu.vector_store %arg18[%swap3A], %swap3A_733 {strides = array<i32>} : memref<128xi32, #tpu.memory_space<vmem>>, vector<16xi32>,
      }
      %scan3A_364 = arith.constant 8 : i32
      %dma_start3A_365 = arith.constant 0 : i32
      %dma_start3A_366 = arith.constant 0 : i32
      %dma_start3A_367 = tpu.memref_slice %arg2[%dma_start3A_365, %dma_start3A_366] : memref<20000x64xf32, #tpu.memory_space<hbm>> -> memref<20000x64xf32, #tpu.memory_space<hbm>>
      tpu.enqueue_indirect_dma source(%dma_start3A_367 : memref<20000x64xf32, #tpu.memory_space<hbm>>) target(%arg26 : memref<128x64xf32, #tpu.memory_space<vmem>>) offsets(%arg18 : memref<128xi32, #tpu.memory_space<vmem>>) semaphore(%arg49 : memref<!tpu.dma_semaphore, #tpu.memory_space<semaphore_mem>>)
      %dma_wait3A_368 = arith.constant 0 : i32
      %dma_wait3A_369 = arith.constant 0 : i32
      %dma_wait3A_370 = tpu.memref_slice %arg3[%dma_wait3A_368, %dma_wait3A_369] : memref<2x320000xi32, #tpu.memory_space<hbm>> -> memref<2x128xi32, #tpu.memory_space<hbm>>
      %dma_wait3A_371 = arith.constant 0 : i32
      %dma_wait3A_372 = arith.constant 0 : i32
      %dma_wait3A_373 = tpu.memref_slice %arg3[%dma_wait3A_371, %dma_wait3A_372] : memref<2x320000xi32, #tpu.memory_space<hbm>> -> memref<2x128xi32, #tpu.memory_space<hbm>>
      tpu.wait_dma2 semaphore(%arg42 : memref<!tpu.dma_semaphore, #tpu.memory_space<semaphore_mem>>) src(%dma_wait3A_373 : memref<2x128xi32, #tpu.memory_space<hbm>>) dst(%arg11 : memref<2x128xi32, #tpu.memory_space<vmem>>)
      %scan3A_374 = arith.constant 0 : i32
      %scan3A_375 = arith.constant 8 : i32
      %scan3A_376 = arith.addi %scan3A_374, %scan3A_375 : i32
      %scan3A_377 = arith.constant 1 : i32
      scf.for %scan3A_713 = %scan3A_374 to %scan3A_376 step %scan3A_377  : i32 {
        %mul3A_714 = arith.constant 1 : i32
        %mul3A_715 = arith.muli %scan3A_713, %mul3A_714 : i32
        %add3A_716 = arith.constant 0 : i32
        %add3A_717 = arith.addi %add3A_716, %mul3A_715 : i32
        %mul3A_718 = arith.constant 16 : i32
        %mul3A_719 = arith.muli %add3A_717, %mul3A_718 : i32
        %get3A = arith.constant 0 : i32
        %get3A_720 = arith.index_cast %get3A : i32 to index
        %get3A_721 = arith.index_cast %mul3A_719 : i32 to index
        %get3A_722 = tpu.vector_load %arg11[%get3A_720, %get3A_721] {strides = array<i32>} : memref<2x128xi32, #tpu.memory_space<vmem>>, vector<1x16xi32>,
        %get3A_723 = vector.shape_cast %get3A_722 : vector<1x16xi32> to vector<16xi32>
        %mul3A_724 = arith.constant 2 : i32
        %mul3A_725 = vector.broadcast %mul3A_724 : i32 to vector<16xi32>
        %mul3A_726 = arith.muli %get3A_723, %mul3A_725 : vector<16xi32>
        %add3A_727 = vector.broadcast %arg0 : i32 to vector<16xi32>
        %add3A_728 = arith.addi %mul3A_726, %add3A_727 : vector<16xi32>
        %mul3A_729 = arith.constant 16 : i32
        %mul3A_730 = arith.muli %add3A_717, %mul3A_729 : i32
        %swap3A = arith.index_cast %mul3A_730 : i32 to index
        %swap3A_731 = tpu.vector_load %arg19[%swap3A] {strides = array<i32>} : memref<128xi32, #tpu.memory_space<vmem>>, vector<16xi32>,
        %swap3A_732 = vector.shape_cast %swap3A_731 : vector<16xi32> to vector<16xi32>
        %swap3A_733 = vector.shape_cast %add3A_728 : vector<16xi32> to vector<16xi32>
        tpu.vector_store %arg19[%swap3A], %swap3A_733 {strides = array<i32>} : memref<128xi32, #tpu.memory_space<vmem>>, vector<16xi32>,
      }
      %scan3A_378 = arith.constant 8 : i32
      %dma_start3A_379 = arith.constant 0 : i32
      %dma_start3A_380 = arith.constant 0 : i32
      %dma_start3A_381 = tpu.memref_slice %arg2[%dma_start3A_379, %dma_start3A_380] : memref<20000x64xf32, #tpu.memory_space<hbm>> -> memref<20000x64xf32, #tpu.memory_space<hbm>>
      tpu.enqueue_indirect_dma source(%dma_start3A_381 : memref<20000x64xf32, #tpu.memory_space<hbm>>) target(%arg27 : memref<128x64xf32, #tpu.memory_space<vmem>>) offsets(%arg19 : memref<128xi32, #tpu.memory_space<vmem>>) semaphore(%arg50 : memref<!tpu.dma_semaphore, #tpu.memory_space<semaphore_mem>>)
      %dma_wait3A_382 = arith.constant 0 : i32
      %dma_wait3A_383 = arith.constant 0 : i32
      %dma_wait3A_384 = tpu.memref_slice %arg3[%dma_wait3A_382, %dma_wait3A_383] : memref<2x320000xi32, #tpu.memory_space<hbm>> -> memref<2x128xi32, #tpu.memory_space<hbm>>
      %dma_wait3A_385 = arith.constant 0 : i32
      %dma_wait3A_386 = arith.constant 0 : i32
      %dma_wait3A_387 = tpu.memref_slice %arg3[%dma_wait3A_385, %dma_wait3A_386] : memref<2x320000xi32, #tpu.memory_space<hbm>> -> memref<2x128xi32, #tpu.memory_space<hbm>>
      tpu.wait_dma2 semaphore(%arg43 : memref<!tpu.dma_semaphore, #tpu.memory_space<semaphore_mem>>) src(%dma_wait3A_387 : memref<2x128xi32, #tpu.memory_space<hbm>>) dst(%arg12 : memref<2x128xi32, #tpu.memory_space<vmem>>)
      %scan3A_388 = arith.constant 0 : i32
      %scan3A_389 = arith.constant 8 : i32
      %scan3A_390 = arith.addi %scan3A_388, %scan3A_389 : i32
      %scan3A_391 = arith.constant 1 : i32
      scf.for %scan3A_713 = %scan3A_388 to %scan3A_390 step %scan3A_391  : i32 {
        %mul3A_714 = arith.constant 1 : i32
        %mul3A_715 = arith.muli %scan3A_713, %mul3A_714 : i32
        %add3A_716 = arith.constant 0 : i32
        %add3A_717 = arith.addi %add3A_716, %mul3A_715 : i32
        %mul3A_718 = arith.constant 16 : i32
        %mul3A_719 = arith.muli %add3A_717, %mul3A_718 : i32
        %get3A = arith.constant 0 : i32
        %get3A_720 = arith.index_cast %get3A : i32 to index
        %get3A_721 = arith.index_cast %mul3A_719 : i32 to index
        %get3A_722 = tpu.vector_load %arg12[%get3A_720, %get3A_721] {strides = array<i32>} : memref<2x128xi32, #tpu.memory_space<vmem>>, vector<1x16xi32>,
        %get3A_723 = vector.shape_cast %get3A_722 : vector<1x16xi32> to vector<16xi32>
        %mul3A_724 = arith.constant 2 : i32
        %mul3A_725 = vector.broadcast %mul3A_724 : i32 to vector<16xi32>
        %mul3A_726 = arith.muli %get3A_723, %mul3A_725 : vector<16xi32>
        %add3A_727 = vector.broadcast %arg0 : i32 to vector<16xi32>
        %add3A_728 = arith.addi %mul3A_726, %add3A_727 : vector<16xi32>
        %mul3A_729 = arith.constant 16 : i32
        %mul3A_730 = arith.muli %add3A_717, %mul3A_729 : i32
        %swap3A = arith.index_cast %mul3A_730 : i32 to index
        %swap3A_731 = tpu.vector_load %arg20[%swap3A] {strides = array<i32>} : memref<128xi32, #tpu.memory_space<vmem>>, vector<16xi32>,
        %swap3A_732 = vector.shape_cast %swap3A_731 : vector<16xi32> to vector<16xi32>
        %swap3A_733 = vector.shape_cast %add3A_728 : vector<16xi32> to vector<16xi32>
        tpu.vector_store %arg20[%swap3A], %swap3A_733 {strides = array<i32>} : memref<128xi32, #tpu.memory_space<vmem>>, vector<16xi32>,
      }
      %scan3A_392 = arith.constant 8 : i32
      %dma_start3A_393 = arith.constant 0 : i32
      %dma_start3A_394 = arith.constant 0 : i32
      %dma_start3A_395 = tpu.memref_slice %arg2[%dma_start3A_393, %dma_start3A_394] : memref<20000x64xf32, #tpu.memory_space<hbm>> -> memref<20000x64xf32, #tpu.memory_space<hbm>>
      tpu.enqueue_indirect_dma source(%dma_start3A_395 : memref<20000x64xf32, #tpu.memory_space<hbm>>) target(%arg28 : memref<128x64xf32, #tpu.memory_space<vmem>>) offsets(%arg20 : memref<128xi32, #tpu.memory_space<vmem>>) semaphore(%arg51 : memref<!tpu.dma_semaphore, #tpu.memory_space<semaphore_mem>>)
      %dma_wait3A_396 = arith.constant 0 : i32
      %dma_wait3A_397 = arith.constant 0 : i32
      %dma_wait3A_398 = tpu.memref_slice %arg3[%dma_wait3A_396, %dma_wait3A_397] : memref<2x320000xi32, #tpu.memory_space<hbm>> -> memref<2x128xi32, #tpu.memory_space<hbm>>
      %dma_wait3A_399 = arith.constant 0 : i32
      %dma_wait3A_400 = arith.constant 0 : i32
      %dma_wait3A_401 = tpu.memref_slice %arg3[%dma_wait3A_399, %dma_wait3A_400] : memref<2x320000xi32, #tpu.memory_space<hbm>> -> memref<2x128xi32, #tpu.memory_space<hbm>>
      tpu.wait_dma2 semaphore(%arg44 : memref<!tpu.dma_semaphore, #tpu.memory_space<semaphore_mem>>) src(%dma_wait3A_401 : memref<2x128xi32, #tpu.memory_space<hbm>>) dst(%arg13 : memref<2x128xi32, #tpu.memory_space<vmem>>)
      %scan3A_402 = arith.constant 0 : i32
      %scan3A_403 = arith.constant 8 : i32
      %scan3A_404 = arith.addi %scan3A_402, %scan3A_403 : i32
      %scan3A_405 = arith.constant 1 : i32
      scf.for %scan3A_713 = %scan3A_402 to %scan3A_404 step %scan3A_405  : i32 {
        %mul3A_714 = arith.constant 1 : i32
        %mul3A_715 = arith.muli %scan3A_713, %mul3A_714 : i32
        %add3A_716 = arith.constant 0 : i32
        %add3A_717 = arith.addi %add3A_716, %mul3A_715 : i32
        %mul3A_718 = arith.constant 16 : i32
        %mul3A_719 = arith.muli %add3A_717, %mul3A_718 : i32
        %get3A = arith.constant 0 : i32
        %get3A_720 = arith.index_cast %get3A : i32 to index
        %get3A_721 = arith.index_cast %mul3A_719 : i32 to index
        %get3A_722 = tpu.vector_load %arg13[%get3A_720, %get3A_721] {strides = array<i32>} : memref<2x128xi32, #tpu.memory_space<vmem>>, vector<1x16xi32>,
        %get3A_723 = vector.shape_cast %get3A_722 : vector<1x16xi32> to vector<16xi32>
        %mul3A_724 = arith.constant 2 : i32
        %mul3A_725 = vector.broadcast %mul3A_724 : i32 to vector<16xi32>
        %mul3A_726 = arith.muli %get3A_723, %mul3A_725 : vector<16xi32>
        %add3A_727 = vector.broadcast %arg0 : i32 to vector<16xi32>
        %add3A_728 = arith.addi %mul3A_726, %add3A_727 : vector<16xi32>
        %mul3A_729 = arith.constant 16 : i32
        %mul3A_730 = arith.muli %add3A_717, %mul3A_729 : i32
        %swap3A = arith.index_cast %mul3A_730 : i32 to index
        %swap3A_731 = tpu.vector_load %arg21[%swap3A] {strides = array<i32>} : memref<128xi32, #tpu.memory_space<vmem>>, vector<16xi32>,
        %swap3A_732 = vector.shape_cast %swap3A_731 : vector<16xi32> to vector<16xi32>
        %swap3A_733 = vector.shape_cast %add3A_728 : vector<16xi32> to vector<16xi32>
        tpu.vector_store %arg21[%swap3A], %swap3A_733 {strides = array<i32>} : memref<128xi32, #tpu.memory_space<vmem>>, vector<16xi32>,
      }
      %scan3A_406 = arith.constant 8 : i32
      %dma_start3A_407 = arith.constant 0 : i32
      %dma_start3A_408 = arith.constant 0 : i32
      %dma_start3A_409 = tpu.memref_slice %arg2[%dma_start3A_407, %dma_start3A_408] : memref<20000x64xf32, #tpu.memory_space<hbm>> -> memref<20000x64xf32, #tpu.memory_space<hbm>>
      tpu.enqueue_indirect_dma source(%dma_start3A_409 : memref<20000x64xf32, #tpu.memory_space<hbm>>) target(%arg29 : memref<128x64xf32, #tpu.memory_space<vmem>>) offsets(%arg21 : memref<128xi32, #tpu.memory_space<vmem>>) semaphore(%arg52 : memref<!tpu.dma_semaphore, #tpu.memory_space<semaphore_mem>>)
      %dma_wait3A_410 = arith.constant 0 : i32
      %dma_wait3A_411 = arith.constant 0 : i32
      %dma_wait3A_412 = tpu.memref_slice %arg2[%dma_wait3A_410, %dma_wait3A_411] : memref<20000x64xf32, #tpu.memory_space<hbm>> -> memref<128x64xf32, #tpu.memory_space<hbm>>
      %dma_wait3A_413 = arith.constant 0 : i32
      %dma_wait3A_414 = arith.constant 0 : i32
      %dma_wait3A_415 = tpu.memref_slice %arg2[%dma_wait3A_413, %dma_wait3A_414] : memref<20000x64xf32, #tpu.memory_space<hbm>> -> memref<128x64xf32, #tpu.memory_space<hbm>>
      tpu.wait_dma2 semaphore(%arg45 : memref<!tpu.dma_semaphore, #tpu.memory_space<semaphore_mem>>) src(%dma_wait3A_415 : memref<128x64xf32, #tpu.memory_space<hbm>>) dst(%arg22 : memref<128x64xf32, #tpu.memory_space<vmem>>)
      %dma_start3A_416 = arith.constant 1 : i32
      %dma_start3A_417 = arith.constant 0 : i32
      %dma_start3A_418 = tpu.memref_slice %arg6[%dma_start3A_416, %dma_start3A_417] : memref<2x128xi32, #tpu.memory_space<vmem>> -> memref<1x128xi32, #tpu.memory_space<vmem>>
      %dma_start3A_419 = tpu.memref_squeeze %dma_start3A_418 : memref<1x128xi32, #tpu.memory_space<vmem>> -> memref<128xi32, #tpu.memory_space<vmem>>
      %dma_start3A_420 = arith.constant 0 : i32
      %dma_start3A_421 = arith.constant 0 : i32
      %dma_start3A_422 = tpu.memref_slice %arg35[%dma_start3A_420, %dma_start3A_421] : memref<10000x64xf32, #tpu.memory_space<vmem_shared>> -> memref<10000x64xf32, #tpu.memory_space<vmem_shared>>
      tpu.enqueue_indirect_dma source(%arg22 : memref<128x64xf32, #tpu.memory_space<vmem>>) target(%dma_start3A_422 : memref<10000x64xf32, #tpu.memory_space<vmem_shared>>) offsets(%dma_start3A_419 : memref<128xi32, #tpu.memory_space<vmem>>) semaphore(%arg53 : memref<!tpu.dma_semaphore, #tpu.memory_space<semaphore_mem>>) {add = true}
      %eq3A_423 = arith.constant 0 : i32
      %eq3A_424 = arith.cmpi eq, %arg0, %eq3A_423 : i32
      %convert_element_type3A_425 = arith.extui %eq3A_424 : i1 to i32
      %cond3A_426 = arith.constant 0 : i32
      %cond3A_427 = arith.cmpi ne, %convert_element_type3A_425, %cond3A_426 : i32
      scf.if %cond3A_427 {
        %dma_start3A_713 = arith.constant 1 : i32
        %dma_start3A_714 = arith.constant 0 : i32
        %dma_start3A_715 = tpu.memref_slice %arg6[%dma_start3A_713, %dma_start3A_714] : memref<2x128xi32, #tpu.memory_space<vmem>> -> memref<1x128xi32, #tpu.memory_space<vmem>>
        %dma_start3A_716 = tpu.memref_squeeze %dma_start3A_715 : memref<1x128xi32, #tpu.memory_space<vmem>> -> memref<128xi32, #tpu.memory_space<vmem>>
        %dma_start3A_717 = arith.constant 0 : i32
        %dma_start3A_718 = arith.constant 0 : i32
        %dma_start3A_719 = tpu.memref_slice %arg36[%dma_start3A_717, %dma_start3A_718] : memref<10000x16xf32, #tpu.memory_space<vmem_shared>> -> memref<10000x16xf32, #tpu.memory_space<vmem_shared>>
        tpu.enqueue_indirect_dma source(%arg32 : memref<128x16xf32, #tpu.memory_space<vmem>>) target(%dma_start3A_719 : memref<10000x16xf32, #tpu.memory_space<vmem_shared>>) offsets(%dma_start3A_716 : memref<128xi32, #tpu.memory_space<vmem>>) semaphore(%arg53 : memref<!tpu.dma_semaphore, #tpu.memory_space<semaphore_mem>>) {add = true}
      } else {
      }
      %dma_wait3A_428 = arith.constant 0 : i32
      %dma_wait3A_429 = arith.constant 0 : i32
      %dma_wait3A_430 = tpu.memref_slice %arg2[%dma_wait3A_428, %dma_wait3A_429] : memref<20000x64xf32, #tpu.memory_space<hbm>> -> memref<128x64xf32, #tpu.memory_space<hbm>>
      %dma_wait3A_431 = arith.constant 0 : i32
      %dma_wait3A_432 = arith.constant 0 : i32
      %dma_wait3A_433 = tpu.memref_slice %arg2[%dma_wait3A_431, %dma_wait3A_432] : memref<20000x64xf32, #tpu.memory_space<hbm>> -> memref<128x64xf32, #tpu.memory_space<hbm>>
      tpu.wait_dma2 semaphore(%arg46 : memref<!tpu.dma_semaphore, #tpu.memory_space<semaphore_mem>>) src(%dma_wait3A_433 : memref<128x64xf32, #tpu.memory_space<hbm>>) dst(%arg23 : memref<128x64xf32, #tpu.memory_space<vmem>>)
      %dma_start3A_434 = arith.constant 1 : i32
      %dma_start3A_435 = arith.constant 0 : i32
      %dma_start3A_436 = tpu.memref_slice %arg7[%dma_start3A_434, %dma_start3A_435] : memref<2x128xi32, #tpu.memory_space<vmem>> -> memref<1x128xi32, #tpu.memory_space<vmem>>
      %dma_start3A_437 = tpu.memref_squeeze %dma_start3A_436 : memref<1x128xi32, #tpu.memory_space<vmem>> -> memref<128xi32, #tpu.memory_space<vmem>>
      %dma_start3A_438 = arith.constant 0 : i32
      %dma_start3A_439 = arith.constant 0 : i32
      %dma_start3A_440 = tpu.memref_slice %arg35[%dma_start3A_438, %dma_start3A_439] : memref<10000x64xf32, #tpu.memory_space<vmem_shared>> -> memref<10000x64xf32, #tpu.memory_space<vmem_shared>>
      tpu.enqueue_indirect_dma source(%arg23 : memref<128x64xf32, #tpu.memory_space<vmem>>) target(%dma_start3A_440 : memref<10000x64xf32, #tpu.memory_space<vmem_shared>>) offsets(%dma_start3A_437 : memref<128xi32, #tpu.memory_space<vmem>>) semaphore(%arg54 : memref<!tpu.dma_semaphore, #tpu.memory_space<semaphore_mem>>) {add = true}
      %eq3A_441 = arith.constant 1 : i32
      %eq3A_442 = arith.cmpi eq, %arg0, %eq3A_441 : i32
      %convert_element_type3A_443 = arith.extui %eq3A_442 : i1 to i32
      %cond3A_444 = arith.constant 0 : i32
      %cond3A_445 = arith.cmpi ne, %convert_element_type3A_443, %cond3A_444 : i32
      scf.if %cond3A_445 {
        %dma_start3A_713 = arith.constant 1 : i32
        %dma_start3A_714 = arith.constant 0 : i32
        %dma_start3A_715 = tpu.memref_slice %arg7[%dma_start3A_713, %dma_start3A_714] : memref<2x128xi32, #tpu.memory_space<vmem>> -> memref<1x128xi32, #tpu.memory_space<vmem>>
        %dma_start3A_716 = tpu.memref_squeeze %dma_start3A_715 : memref<1x128xi32, #tpu.memory_space<vmem>> -> memref<128xi32, #tpu.memory_space<vmem>>
        %dma_start3A_717 = arith.constant 0 : i32
        %dma_start3A_718 = arith.constant 0 : i32
        %dma_start3A_719 = tpu.memref_slice %arg36[%dma_start3A_717, %dma_start3A_718] : memref<10000x16xf32, #tpu.memory_space<vmem_shared>> -> memref<10000x16xf32, #tpu.memory_space<vmem_shared>>
        tpu.enqueue_indirect_dma source(%arg32 : memref<128x16xf32, #tpu.memory_space<vmem>>) target(%dma_start3A_719 : memref<10000x16xf32, #tpu.memory_space<vmem_shared>>) offsets(%dma_start3A_716 : memref<128xi32, #tpu.memory_space<vmem>>) semaphore(%arg54 : memref<!tpu.dma_semaphore, #tpu.memory_space<semaphore_mem>>) {add = true}
      } else {
      }
      %dma_wait3A_446 = arith.constant 0 : i32
      %dma_wait3A_447 = arith.constant 0 : i32
      %dma_wait3A_448 = tpu.memref_slice %arg2[%dma_wait3A_446, %dma_wait3A_447] : memref<20000x64xf32, #tpu.memory_space<hbm>> -> memref<128x64xf32, #tpu.memory_space<hbm>>
      %dma_wait3A_449 = arith.constant 0 : i32
      %dma_wait3A_450 = arith.constant 0 : i32
      %dma_wait3A_451 = tpu.memref_slice %arg2[%dma_wait3A_449, %dma_wait3A_450] : memref<20000x64xf32, #tpu.memory_space<hbm>> -> memref<128x64xf32, #tpu.memory_space<hbm>>
      tpu.wait_dma2 semaphore(%arg47 : memref<!tpu.dma_semaphore, #tpu.memory_space<semaphore_mem>>) src(%dma_wait3A_451 : memref<128x64xf32, #tpu.memory_space<hbm>>) dst(%arg24 : memref<128x64xf32, #tpu.memory_space<vmem>>)
      %dma_start3A_452 = arith.constant 1 : i32
      %dma_start3A_453 = arith.constant 0 : i32
      %dma_start3A_454 = tpu.memref_slice %arg8[%dma_start3A_452, %dma_start3A_453] : memref<2x128xi32, #tpu.memory_space<vmem>> -> memref<1x128xi32, #tpu.memory_space<vmem>>
      %dma_start3A_455 = tpu.memref_squeeze %dma_start3A_454 : memref<1x128xi32, #tpu.memory_space<vmem>> -> memref<128xi32, #tpu.memory_space<vmem>>
      %dma_start3A_456 = arith.constant 0 : i32
      %dma_start3A_457 = arith.constant 0 : i32
      %dma_start3A_458 = tpu.memref_slice %arg35[%dma_start3A_456, %dma_start3A_457] : memref<10000x64xf32, #tpu.memory_space<vmem_shared>> -> memref<10000x64xf32, #tpu.memory_space<vmem_shared>>
      tpu.enqueue_indirect_dma source(%arg24 : memref<128x64xf32, #tpu.memory_space<vmem>>) target(%dma_start3A_458 : memref<10000x64xf32, #tpu.memory_space<vmem_shared>>) offsets(%dma_start3A_455 : memref<128xi32, #tpu.memory_space<vmem>>) semaphore(%arg55 : memref<!tpu.dma_semaphore, #tpu.memory_space<semaphore_mem>>) {add = true}
      %eq3A_459 = arith.constant 0 : i32
      %eq3A_460 = arith.cmpi eq, %arg0, %eq3A_459 : i32
      %convert_element_type3A_461 = arith.extui %eq3A_460 : i1 to i32
      %cond3A_462 = arith.constant 0 : i32
      %cond3A_463 = arith.cmpi ne, %convert_element_type3A_461, %cond3A_462 : i32
      scf.if %cond3A_463 {
        %dma_start3A_713 = arith.constant 1 : i32
        %dma_start3A_714 = arith.constant 0 : i32
        %dma_start3A_715 = tpu.memref_slice %arg8[%dma_start3A_713, %dma_start3A_714] : memref<2x128xi32, #tpu.memory_space<vmem>> -> memref<1x128xi32, #tpu.memory_space<vmem>>
        %dma_start3A_716 = tpu.memref_squeeze %dma_start3A_715 : memref<1x128xi32, #tpu.memory_space<vmem>> -> memref<128xi32, #tpu.memory_space<vmem>>
        %dma_start3A_717 = arith.constant 0 : i32
        %dma_start3A_718 = arith.constant 0 : i32
        %dma_start3A_719 = tpu.memref_slice %arg36[%dma_start3A_717, %dma_start3A_718] : memref<10000x16xf32, #tpu.memory_space<vmem_shared>> -> memref<10000x16xf32, #tpu.memory_space<vmem_shared>>
        tpu.enqueue_indirect_dma source(%arg32 : memref<128x16xf32, #tpu.memory_space<vmem>>) target(%dma_start3A_719 : memref<10000x16xf32, #tpu.memory_space<vmem_shared>>) offsets(%dma_start3A_716 : memref<128xi32, #tpu.memory_space<vmem>>) semaphore(%arg55 : memref<!tpu.dma_semaphore, #tpu.memory_space<semaphore_mem>>) {add = true}
      } else {
      }
      %dma_wait3A_464 = arith.constant 0 : i32
      %dma_wait3A_465 = arith.constant 0 : i32
      %dma_wait3A_466 = tpu.memref_slice %arg2[%dma_wait3A_464, %dma_wait3A_465] : memref<20000x64xf32, #tpu.memory_space<hbm>> -> memref<128x64xf32, #tpu.memory_space<hbm>>
      %dma_wait3A_467 = arith.constant 0 : i32
      %dma_wait3A_468 = arith.constant 0 : i32
      %dma_wait3A_469 = tpu.memref_slice %arg2[%dma_wait3A_467, %dma_wait3A_468] : memref<20000x64xf32, #tpu.memory_space<hbm>> -> memref<128x64xf32, #tpu.memory_space<hbm>>
      tpu.wait_dma2 semaphore(%arg48 : memref<!tpu.dma_semaphore, #tpu.memory_space<semaphore_mem>>) src(%dma_wait3A_469 : memref<128x64xf32, #tpu.memory_space<hbm>>) dst(%arg25 : memref<128x64xf32, #tpu.memory_space<vmem>>)
      %dma_start3A_470 = arith.constant 1 : i32
      %dma_start3A_471 = arith.constant 0 : i32
      %dma_start3A_472 = tpu.memref_slice %arg9[%dma_start3A_470, %dma_start3A_471] : memref<2x128xi32, #tpu.memory_space<vmem>> -> memref<1x128xi32, #tpu.memory_space<vmem>>
      %dma_start3A_473 = tpu.memref_squeeze %dma_start3A_472 : memref<1x128xi32, #tpu.memory_space<vmem>> -> memref<128xi32, #tpu.memory_space<vmem>>
      %dma_start3A_474 = arith.constant 0 : i32
      %dma_start3A_475 = arith.constant 0 : i32
      %dma_start3A_476 = tpu.memref_slice %arg35[%dma_start3A_474, %dma_start3A_475] : memref<10000x64xf32, #tpu.memory_space<vmem_shared>> -> memref<10000x64xf32, #tpu.memory_space<vmem_shared>>
      tpu.enqueue_indirect_dma source(%arg25 : memref<128x64xf32, #tpu.memory_space<vmem>>) target(%dma_start3A_476 : memref<10000x64xf32, #tpu.memory_space<vmem_shared>>) offsets(%dma_start3A_473 : memref<128xi32, #tpu.memory_space<vmem>>) semaphore(%arg56 : memref<!tpu.dma_semaphore, #tpu.memory_space<semaphore_mem>>) {add = true}
      %eq3A_477 = arith.constant 1 : i32
      %eq3A_478 = arith.cmpi eq, %arg0, %eq3A_477 : i32
      %convert_element_type3A_479 = arith.extui %eq3A_478 : i1 to i32
      %cond3A_480 = arith.constant 0 : i32
      %cond3A_481 = arith.cmpi ne, %convert_element_type3A_479, %cond3A_480 : i32
      scf.if %cond3A_481 {
        %dma_start3A_713 = arith.constant 1 : i32
        %dma_start3A_714 = arith.constant 0 : i32
        %dma_start3A_715 = tpu.memref_slice %arg9[%dma_start3A_713, %dma_start3A_714] : memref<2x128xi32, #tpu.memory_space<vmem>> -> memref<1x128xi32, #tpu.memory_space<vmem>>
        %dma_start3A_716 = tpu.memref_squeeze %dma_start3A_715 : memref<1x128xi32, #tpu.memory_space<vmem>> -> memref<128xi32, #tpu.memory_space<vmem>>
        %dma_start3A_717 = arith.constant 0 : i32
        %dma_start3A_718 = arith.constant 0 : i32
        %dma_start3A_719 = tpu.memref_slice %arg36[%dma_start3A_717, %dma_start3A_718] : memref<10000x16xf32, #tpu.memory_space<vmem_shared>> -> memref<10000x16xf32, #tpu.memory_space<vmem_shared>>
        tpu.enqueue_indirect_dma source(%arg32 : memref<128x16xf32, #tpu.memory_space<vmem>>) target(%dma_start3A_719 : memref<10000x16xf32, #tpu.memory_space<vmem_shared>>) offsets(%dma_start3A_716 : memref<128xi32, #tpu.memory_space<vmem>>) semaphore(%arg56 : memref<!tpu.dma_semaphore, #tpu.memory_space<semaphore_mem>>) {add = true}
      } else {
      }
      %dma_wait3A_482 = arith.constant 0 : i32
      %dma_wait3A_483 = arith.constant 0 : i32
      %dma_wait3A_484 = tpu.memref_slice %arg2[%dma_wait3A_482, %dma_wait3A_483] : memref<20000x64xf32, #tpu.memory_space<hbm>> -> memref<128x64xf32, #tpu.memory_space<hbm>>
      %dma_wait3A_485 = arith.constant 0 : i32
      %dma_wait3A_486 = arith.constant 0 : i32
      %dma_wait3A_487 = tpu.memref_slice %arg2[%dma_wait3A_485, %dma_wait3A_486] : memref<20000x64xf32, #tpu.memory_space<hbm>> -> memref<128x64xf32, #tpu.memory_space<hbm>>
      tpu.wait_dma2 semaphore(%arg49 : memref<!tpu.dma_semaphore, #tpu.memory_space<semaphore_mem>>) src(%dma_wait3A_487 : memref<128x64xf32, #tpu.memory_space<hbm>>) dst(%arg26 : memref<128x64xf32, #tpu.memory_space<vmem>>)
      %dma_start3A_488 = arith.constant 1 : i32
      %dma_start3A_489 = arith.constant 0 : i32
      %dma_start3A_490 = tpu.memref_slice %arg10[%dma_start3A_488, %dma_start3A_489] : memref<2x128xi32, #tpu.memory_space<vmem>> -> memref<1x128xi32, #tpu.memory_space<vmem>>
      %dma_start3A_491 = tpu.memref_squeeze %dma_start3A_490 : memref<1x128xi32, #tpu.memory_space<vmem>> -> memref<128xi32, #tpu.memory_space<vmem>>
      %dma_start3A_492 = arith.constant 0 : i32
      %dma_start3A_493 = arith.constant 0 : i32
      %dma_start3A_494 = tpu.memref_slice %arg35[%dma_start3A_492, %dma_start3A_493] : memref<10000x64xf32, #tpu.memory_space<vmem_shared>> -> memref<10000x64xf32, #tpu.memory_space<vmem_shared>>
      tpu.enqueue_indirect_dma source(%arg26 : memref<128x64xf32, #tpu.memory_space<vmem>>) target(%dma_start3A_494 : memref<10000x64xf32, #tpu.memory_space<vmem_shared>>) offsets(%dma_start3A_491 : memref<128xi32, #tpu.memory_space<vmem>>) semaphore(%arg57 : memref<!tpu.dma_semaphore, #tpu.memory_space<semaphore_mem>>) {add = true}
      %eq3A_495 = arith.constant 0 : i32
      %eq3A_496 = arith.cmpi eq, %arg0, %eq3A_495 : i32
      %convert_element_type3A_497 = arith.extui %eq3A_496 : i1 to i32
      %cond3A_498 = arith.constant 0 : i32
      %cond3A_499 = arith.cmpi ne, %convert_element_type3A_497, %cond3A_498 : i32
      scf.if %cond3A_499 {
        %dma_start3A_713 = arith.constant 1 : i32
        %dma_start3A_714 = arith.constant 0 : i32
        %dma_start3A_715 = tpu.memref_slice %arg10[%dma_start3A_713, %dma_start3A_714] : memref<2x128xi32, #tpu.memory_space<vmem>> -> memref<1x128xi32, #tpu.memory_space<vmem>>
        %dma_start3A_716 = tpu.memref_squeeze %dma_start3A_715 : memref<1x128xi32, #tpu.memory_space<vmem>> -> memref<128xi32, #tpu.memory_space<vmem>>
        %dma_start3A_717 = arith.constant 0 : i32
        %dma_start3A_718 = arith.constant 0 : i32
        %dma_start3A_719 = tpu.memref_slice %arg36[%dma_start3A_717, %dma_start3A_718] : memref<10000x16xf32, #tpu.memory_space<vmem_shared>> -> memref<10000x16xf32, #tpu.memory_space<vmem_shared>>
        tpu.enqueue_indirect_dma source(%arg32 : memref<128x16xf32, #tpu.memory_space<vmem>>) target(%dma_start3A_719 : memref<10000x16xf32, #tpu.memory_space<vmem_shared>>) offsets(%dma_start3A_716 : memref<128xi32, #tpu.memory_space<vmem>>) semaphore(%arg57 : memref<!tpu.dma_semaphore, #tpu.memory_space<semaphore_mem>>) {add = true}
      } else {
      }
      %dma_wait3A_500 = arith.constant 0 : i32
      %dma_wait3A_501 = arith.constant 0 : i32
      %dma_wait3A_502 = tpu.memref_slice %arg2[%dma_wait3A_500, %dma_wait3A_501] : memref<20000x64xf32, #tpu.memory_space<hbm>> -> memref<128x64xf32, #tpu.memory_space<hbm>>
      %dma_wait3A_503 = arith.constant 0 : i32
      %dma_wait3A_504 = arith.constant 0 : i32
      %dma_wait3A_505 = tpu.memref_slice %arg2[%dma_wait3A_503, %dma_wait3A_504] : memref<20000x64xf32, #tpu.memory_space<hbm>> -> memref<128x64xf32, #tpu.memory_space<hbm>>
      tpu.wait_dma2 semaphore(%arg50 : memref<!tpu.dma_semaphore, #tpu.memory_space<semaphore_mem>>) src(%dma_wait3A_505 : memref<128x64xf32, #tpu.memory_space<hbm>>) dst(%arg27 : memref<128x64xf32, #tpu.memory_space<vmem>>)
      %dma_start3A_506 = arith.constant 1 : i32
      %dma_start3A_507 = arith.constant 0 : i32
      %dma_start3A_508 = tpu.memref_slice %arg11[%dma_start3A_506, %dma_start3A_507] : memref<2x128xi32, #tpu.memory_space<vmem>> -> memref<1x128xi32, #tpu.memory_space<vmem>>
      %dma_start3A_509 = tpu.memref_squeeze %dma_start3A_508 : memref<1x128xi32, #tpu.memory_space<vmem>> -> memref<128xi32, #tpu.memory_space<vmem>>
      %dma_start3A_510 = arith.constant 0 : i32
      %dma_start3A_511 = arith.constant 0 : i32
      %dma_start3A_512 = tpu.memref_slice %arg35[%dma_start3A_510, %dma_start3A_511] : memref<10000x64xf32, #tpu.memory_space<vmem_shared>> -> memref<10000x64xf32, #tpu.memory_space<vmem_shared>>
      tpu.enqueue_indirect_dma source(%arg27 : memref<128x64xf32, #tpu.memory_space<vmem>>) target(%dma_start3A_512 : memref<10000x64xf32, #tpu.memory_space<vmem_shared>>) offsets(%dma_start3A_509 : memref<128xi32, #tpu.memory_space<vmem>>) semaphore(%arg58 : memref<!tpu.dma_semaphore, #tpu.memory_space<semaphore_mem>>) {add = true}
      %eq3A_513 = arith.constant 1 : i32
      %eq3A_514 = arith.cmpi eq, %arg0, %eq3A_513 : i32
      %convert_element_type3A_515 = arith.extui %eq3A_514 : i1 to i32
      %cond3A_516 = arith.constant 0 : i32
      %cond3A_517 = arith.cmpi ne, %convert_element_type3A_515, %cond3A_516 : i32
      scf.if %cond3A_517 {
        %dma_start3A_713 = arith.constant 1 : i32
        %dma_start3A_714 = arith.constant 0 : i32
        %dma_start3A_715 = tpu.memref_slice %arg11[%dma_start3A_713, %dma_start3A_714] : memref<2x128xi32, #tpu.memory_space<vmem>> -> memref<1x128xi32, #tpu.memory_space<vmem>>
        %dma_start3A_716 = tpu.memref_squeeze %dma_start3A_715 : memref<1x128xi32, #tpu.memory_space<vmem>> -> memref<128xi32, #tpu.memory_space<vmem>>
        %dma_start3A_717 = arith.constant 0 : i32
        %dma_start3A_718 = arith.constant 0 : i32
        %dma_start3A_719 = tpu.memref_slice %arg36[%dma_start3A_717, %dma_start3A_718] : memref<10000x16xf32, #tpu.memory_space<vmem_shared>> -> memref<10000x16xf32, #tpu.memory_space<vmem_shared>>
        tpu.enqueue_indirect_dma source(%arg32 : memref<128x16xf32, #tpu.memory_space<vmem>>) target(%dma_start3A_719 : memref<10000x16xf32, #tpu.memory_space<vmem_shared>>) offsets(%dma_start3A_716 : memref<128xi32, #tpu.memory_space<vmem>>) semaphore(%arg58 : memref<!tpu.dma_semaphore, #tpu.memory_space<semaphore_mem>>) {add = true}
      } else {
      }
      %dma_wait3A_518 = arith.constant 0 : i32
      %dma_wait3A_519 = arith.constant 0 : i32
      %dma_wait3A_520 = tpu.memref_slice %arg2[%dma_wait3A_518, %dma_wait3A_519] : memref<20000x64xf32, #tpu.memory_space<hbm>> -> memref<128x64xf32, #tpu.memory_space<hbm>>
      %dma_wait3A_521 = arith.constant 0 : i32
      %dma_wait3A_522 = arith.constant 0 : i32
      %dma_wait3A_523 = tpu.memref_slice %arg2[%dma_wait3A_521, %dma_wait3A_522] : memref<20000x64xf32, #tpu.memory_space<hbm>> -> memref<128x64xf32, #tpu.memory_space<hbm>>
      tpu.wait_dma2 semaphore(%arg51 : memref<!tpu.dma_semaphore, #tpu.memory_space<semaphore_mem>>) src(%dma_wait3A_523 : memref<128x64xf32, #tpu.memory_space<hbm>>) dst(%arg28 : memref<128x64xf32, #tpu.memory_space<vmem>>)
      %dma_start3A_524 = arith.constant 1 : i32
      %dma_start3A_525 = arith.constant 0 : i32
      %dma_start3A_526 = tpu.memref_slice %arg12[%dma_start3A_524, %dma_start3A_525] : memref<2x128xi32, #tpu.memory_space<vmem>> -> memref<1x128xi32, #tpu.memory_space<vmem>>
      %dma_start3A_527 = tpu.memref_squeeze %dma_start3A_526 : memref<1x128xi32, #tpu.memory_space<vmem>> -> memref<128xi32, #tpu.memory_space<vmem>>
      %dma_start3A_528 = arith.constant 0 : i32
      %dma_start3A_529 = arith.constant 0 : i32
      %dma_start3A_530 = tpu.memref_slice %arg35[%dma_start3A_528, %dma_start3A_529] : memref<10000x64xf32, #tpu.memory_space<vmem_shared>> -> memref<10000x64xf32, #tpu.memory_space<vmem_shared>>
      tpu.enqueue_indirect_dma source(%arg28 : memref<128x64xf32, #tpu.memory_space<vmem>>) target(%dma_start3A_530 : memref<10000x64xf32, #tpu.memory_space<vmem_shared>>) offsets(%dma_start3A_527 : memref<128xi32, #tpu.memory_space<vmem>>) semaphore(%arg59 : memref<!tpu.dma_semaphore, #tpu.memory_space<semaphore_mem>>) {add = true}
      %eq3A_531 = arith.constant 0 : i32
      %eq3A_532 = arith.cmpi eq, %arg0, %eq3A_531 : i32
      %convert_element_type3A_533 = arith.extui %eq3A_532 : i1 to i32
      %cond3A_534 = arith.constant 0 : i32
      %cond3A_535 = arith.cmpi ne, %convert_element_type3A_533, %cond3A_534 : i32
      scf.if %cond3A_535 {
        %dma_start3A_713 = arith.constant 1 : i32
        %dma_start3A_714 = arith.constant 0 : i32
        %dma_start3A_715 = tpu.memref_slice %arg12[%dma_start3A_713, %dma_start3A_714] : memref<2x128xi32, #tpu.memory_space<vmem>> -> memref<1x128xi32, #tpu.memory_space<vmem>>
        %dma_start3A_716 = tpu.memref_squeeze %dma_start3A_715 : memref<1x128xi32, #tpu.memory_space<vmem>> -> memref<128xi32, #tpu.memory_space<vmem>>
        %dma_start3A_717 = arith.constant 0 : i32
        %dma_start3A_718 = arith.constant 0 : i32
        %dma_start3A_719 = tpu.memref_slice %arg36[%dma_start3A_717, %dma_start3A_718] : memref<10000x16xf32, #tpu.memory_space<vmem_shared>> -> memref<10000x16xf32, #tpu.memory_space<vmem_shared>>
        tpu.enqueue_indirect_dma source(%arg32 : memref<128x16xf32, #tpu.memory_space<vmem>>) target(%dma_start3A_719 : memref<10000x16xf32, #tpu.memory_space<vmem_shared>>) offsets(%dma_start3A_716 : memref<128xi32, #tpu.memory_space<vmem>>) semaphore(%arg59 : memref<!tpu.dma_semaphore, #tpu.memory_space<semaphore_mem>>) {add = true}
      } else {
      }
      %dma_wait3A_536 = arith.constant 0 : i32
      %dma_wait3A_537 = arith.constant 0 : i32
      %dma_wait3A_538 = tpu.memref_slice %arg2[%dma_wait3A_536, %dma_wait3A_537] : memref<20000x64xf32, #tpu.memory_space<hbm>> -> memref<128x64xf32, #tpu.memory_space<hbm>>
      %dma_wait3A_539 = arith.constant 0 : i32
      %dma_wait3A_540 = arith.constant 0 : i32
      %dma_wait3A_541 = tpu.memref_slice %arg2[%dma_wait3A_539, %dma_wait3A_540] : memref<20000x64xf32, #tpu.memory_space<hbm>> -> memref<128x64xf32, #tpu.memory_space<hbm>>
      tpu.wait_dma2 semaphore(%arg52 : memref<!tpu.dma_semaphore, #tpu.memory_space<semaphore_mem>>) src(%dma_wait3A_541 : memref<128x64xf32, #tpu.memory_space<hbm>>) dst(%arg29 : memref<128x64xf32, #tpu.memory_space<vmem>>)
      %dma_start3A_542 = arith.constant 1 : i32
      %dma_start3A_543 = arith.constant 0 : i32
      %dma_start3A_544 = tpu.memref_slice %arg13[%dma_start3A_542, %dma_start3A_543] : memref<2x128xi32, #tpu.memory_space<vmem>> -> memref<1x128xi32, #tpu.memory_space<vmem>>
      %dma_start3A_545 = tpu.memref_squeeze %dma_start3A_544 : memref<1x128xi32, #tpu.memory_space<vmem>> -> memref<128xi32, #tpu.memory_space<vmem>>
      %dma_start3A_546 = arith.constant 0 : i32
      %dma_start3A_547 = arith.constant 0 : i32
      %dma_start3A_548 = tpu.memref_slice %arg35[%dma_start3A_546, %dma_start3A_547] : memref<10000x64xf32, #tpu.memory_space<vmem_shared>> -> memref<10000x64xf32, #tpu.memory_space<vmem_shared>>
      tpu.enqueue_indirect_dma source(%arg29 : memref<128x64xf32, #tpu.memory_space<vmem>>) target(%dma_start3A_548 : memref<10000x64xf32, #tpu.memory_space<vmem_shared>>) offsets(%dma_start3A_545 : memref<128xi32, #tpu.memory_space<vmem>>) semaphore(%arg60 : memref<!tpu.dma_semaphore, #tpu.memory_space<semaphore_mem>>) {add = true}
      %eq3A_549 = arith.constant 1 : i32
      %eq3A_550 = arith.cmpi eq, %arg0, %eq3A_549 : i32
      %convert_element_type3A_551 = arith.extui %eq3A_550 : i1 to i32
      %cond3A_552 = arith.constant 0 : i32
      %cond3A_553 = arith.cmpi ne, %convert_element_type3A_551, %cond3A_552 : i32
      scf.if %cond3A_553 {
        %dma_start3A_713 = arith.constant 1 : i32
        %dma_start3A_714 = arith.constant 0 : i32
        %dma_start3A_715 = tpu.memref_slice %arg13[%dma_start3A_713, %dma_start3A_714] : memref<2x128xi32, #tpu.memory_space<vmem>> -> memref<1x128xi32, #tpu.memory_space<vmem>>
        %dma_start3A_716 = tpu.memref_squeeze %dma_start3A_715 : memref<1x128xi32, #tpu.memory_space<vmem>> -> memref<128xi32, #tpu.memory_space<vmem>>
        %dma_start3A_717 = arith.constant 0 : i32
        %dma_start3A_718 = arith.constant 0 : i32
        %dma_start3A_719 = tpu.memref_slice %arg36[%dma_start3A_717, %dma_start3A_718] : memref<10000x16xf32, #tpu.memory_space<vmem_shared>> -> memref<10000x16xf32, #tpu.memory_space<vmem_shared>>
        tpu.enqueue_indirect_dma source(%arg32 : memref<128x16xf32, #tpu.memory_space<vmem>>) target(%dma_start3A_719 : memref<10000x16xf32, #tpu.memory_space<vmem_shared>>) offsets(%dma_start3A_716 : memref<128xi32, #tpu.memory_space<vmem>>) semaphore(%arg60 : memref<!tpu.dma_semaphore, #tpu.memory_space<semaphore_mem>>) {add = true}
      } else {
      }
      %dma_wait3A_554 = arith.constant 0 : i32
      %dma_wait3A_555 = arith.constant 0 : i32
      %dma_wait3A_556 = tpu.memref_slice %arg2[%dma_wait3A_554, %dma_wait3A_555] : memref<20000x64xf32, #tpu.memory_space<hbm>> -> memref<128x64xf32, #tpu.memory_space<hbm>>
      %dma_wait3A_557 = arith.constant 0 : i32
      %dma_wait3A_558 = arith.constant 0 : i32
      %dma_wait3A_559 = tpu.memref_slice %arg2[%dma_wait3A_557, %dma_wait3A_558] : memref<20000x64xf32, #tpu.memory_space<hbm>> -> memref<128x64xf32, #tpu.memory_space<hbm>>
      tpu.wait_dma2 semaphore(%arg53 : memref<!tpu.dma_semaphore, #tpu.memory_space<semaphore_mem>>) src(%dma_wait3A_559 : memref<128x64xf32, #tpu.memory_space<hbm>>) dst(%arg22 : memref<128x64xf32, #tpu.memory_space<vmem>>)
      %eq3A_560 = arith.constant 0 : i32
      %eq3A_561 = arith.cmpi eq, %arg0, %eq3A_560 : i32
      %convert_element_type3A_562 = arith.extui %eq3A_561 : i1 to i32
      %cond3A_563 = arith.constant 0 : i32
      %cond3A_564 = arith.cmpi ne, %convert_element_type3A_562, %cond3A_563 : i32
      scf.if %cond3A_564 {
        %dma_wait3A_713 = arith.constant 0 : i32
        %dma_wait3A_714 = arith.constant 0 : i32
        %dma_wait3A_715 = arith.constant 0 : i32
        %dma_wait3A_716 = tpu.memref_slice %arg5[%dma_wait3A_713, %dma_wait3A_714, %dma_wait3A_715] : memref<2x10000x16xf32, #tpu.memory_space<hbm>> -> memref<1x128x16xf32, #tpu.memory_space<hbm>>
        %dma_wait3A_717 = tpu.memref_squeeze %dma_wait3A_716 : memref<1x128x16xf32, #tpu.memory_space<hbm>> -> memref<128x16xf32, #tpu.memory_space<hbm>>
        %dma_wait3A_718 = arith.constant 0 : i32
        %dma_wait3A_719 = arith.constant 0 : i32
        %dma_wait3A_720 = tpu.memref_slice %arg5[%dma_wait3A_713, %dma_wait3A_718, %dma_wait3A_719] : memref<2x10000x16xf32, #tpu.memory_space<hbm>> -> memref<1x128x16xf32, #tpu.memory_space<hbm>>
        %dma_wait3A_721 = tpu.memref_squeeze %dma_wait3A_720 : memref<1x128x16xf32, #tpu.memory_space<hbm>> -> memref<128x16xf32, #tpu.memory_space<hbm>>
        tpu.wait_dma2 semaphore(%arg53 : memref<!tpu.dma_semaphore, #tpu.memory_space<semaphore_mem>>) src(%dma_wait3A_721 : memref<128x16xf32, #tpu.memory_space<hbm>>) dst(%arg32 : memref<128x16xf32, #tpu.memory_space<vmem>>)
      } else {
      }
      %add3A_565 = arith.constant 8 : i32
      %add3A_566 = arith.addi %mul3A_297, %add3A_565 : i32
      %add3A_567 = arith.constant 0 : i32
      %add3A_568 = arith.addi %add3A_566, %add3A_567 : i32
      %lt3A = arith.constant 156 : i32
      %lt3A_569 = arith.cmpi slt, %add3A_568, %lt3A : i32
      %convert_element_type3A_570 = arith.extui %lt3A_569 : i1 to i32
      %cond3A_571 = arith.constant 0 : i32
      %cond3A_572 = arith.cmpi ne, %convert_element_type3A_570, %cond3A_571 : i32
      scf.if %cond3A_572 {
        %mul3A_713 = arith.constant 128 : i32
        %mul3A_714 = arith.muli %add3A_568, %mul3A_713 : i32
        %add3A_715 = arith.addi %mul3A_14, %mul3A_714 : i32
        %multiple_of3A_716 = tpu.assume_multiple %add3A_715, 8 : i32
        %dma_start3A_717 = arith.constant 0 : i32
        %dma_start3A_718 = tpu.memref_slice %arg3[%dma_start3A_717, %multiple_of3A_716] : memref<2x320000xi32, #tpu.memory_space<hbm>> -> memref<2x128xi32, #tpu.memory_space<hbm>>
        %dma_start3A_719 = arith.constant 0 : i32
        %dma_start3A_720 = tpu.memref_slice %arg3[%dma_start3A_719, %multiple_of3A_716] : memref<2x320000xi32, #tpu.memory_space<hbm>> -> memref<2x128xi32, #tpu.memory_space<hbm>>
        tpu.enqueue_dma source(%dma_start3A_720 : memref<2x128xi32, #tpu.memory_space<hbm>>) target(%arg6 : memref<2x128xi32, #tpu.memory_space<vmem>>) target_semaphore(%arg37 : memref<!tpu.dma_semaphore, #tpu.memory_space<semaphore_mem>>)
      } else {
      }
      %dma_wait3A_573 = arith.constant 0 : i32
      %dma_wait3A_574 = arith.constant 0 : i32
      %dma_wait3A_575 = tpu.memref_slice %arg2[%dma_wait3A_573, %dma_wait3A_574] : memref<20000x64xf32, #tpu.memory_space<hbm>> -> memref<128x64xf32, #tpu.memory_space<hbm>>
      %dma_wait3A_576 = arith.constant 0 : i32
      %dma_wait3A_577 = arith.constant 0 : i32
      %dma_wait3A_578 = tpu.memref_slice %arg2[%dma_wait3A_576, %dma_wait3A_577] : memref<20000x64xf32, #tpu.memory_space<hbm>> -> memref<128x64xf32, #tpu.memory_space<hbm>>
      tpu.wait_dma2 semaphore(%arg54 : memref<!tpu.dma_semaphore, #tpu.memory_space<semaphore_mem>>) src(%dma_wait3A_578 : memref<128x64xf32, #tpu.memory_space<hbm>>) dst(%arg23 : memref<128x64xf32, #tpu.memory_space<vmem>>)
      %eq3A_579 = arith.constant 1 : i32
      %eq3A_580 = arith.cmpi eq, %arg0, %eq3A_579 : i32
      %convert_element_type3A_581 = arith.extui %eq3A_580 : i1 to i32
      %cond3A_582 = arith.constant 0 : i32
      %cond3A_583 = arith.cmpi ne, %convert_element_type3A_581, %cond3A_582 : i32
      scf.if %cond3A_583 {
        %dma_wait3A_713 = arith.constant 0 : i32
        %dma_wait3A_714 = arith.constant 0 : i32
        %dma_wait3A_715 = arith.constant 0 : i32
        %dma_wait3A_716 = tpu.memref_slice %arg5[%dma_wait3A_713, %dma_wait3A_714, %dma_wait3A_715] : memref<2x10000x16xf32, #tpu.memory_space<hbm>> -> memref<1x128x16xf32, #tpu.memory_space<hbm>>
        %dma_wait3A_717 = tpu.memref_squeeze %dma_wait3A_716 : memref<1x128x16xf32, #tpu.memory_space<hbm>> -> memref<128x16xf32, #tpu.memory_space<hbm>>
        %dma_wait3A_718 = arith.constant 0 : i32
        %dma_wait3A_719 = arith.constant 0 : i32
        %dma_wait3A_720 = tpu.memref_slice %arg5[%dma_wait3A_713, %dma_wait3A_718, %dma_wait3A_719] : memref<2x10000x16xf32, #tpu.memory_space<hbm>> -> memref<1x128x16xf32, #tpu.memory_space<hbm>>
        %dma_wait3A_721 = tpu.memref_squeeze %dma_wait3A_720 : memref<1x128x16xf32, #tpu.memory_space<hbm>> -> memref<128x16xf32, #tpu.memory_space<hbm>>
        tpu.wait_dma2 semaphore(%arg54 : memref<!tpu.dma_semaphore, #tpu.memory_space<semaphore_mem>>) src(%dma_wait3A_721 : memref<128x16xf32, #tpu.memory_space<hbm>>) dst(%arg32 : memref<128x16xf32, #tpu.memory_space<vmem>>)
      } else {
      }
      %add3A_584 = arith.constant 8 : i32
      %add3A_585 = arith.addi %mul3A_297, %add3A_584 : i32
      %add3A_586 = arith.constant 1 : i32
      %add3A_587 = arith.addi %add3A_585, %add3A_586 : i32
      %lt3A_588 = arith.constant 156 : i32
      %lt3A_589 = arith.cmpi slt, %add3A_587, %lt3A_588 : i32
      %convert_element_type3A_590 = arith.extui %lt3A_589 : i1 to i32
      %cond3A_591 = arith.constant 0 : i32
      %cond3A_592 = arith.cmpi ne, %convert_element_type3A_590, %cond3A_591 : i32
      scf.if %cond3A_592 {
        %mul3A_713 = arith.constant 128 : i32
        %mul3A_714 = arith.muli %add3A_587, %mul3A_713 : i32
        %add3A_715 = arith.addi %mul3A_14, %mul3A_714 : i32
        %multiple_of3A_716 = tpu.assume_multiple %add3A_715, 8 : i32
        %dma_start3A_717 = arith.constant 0 : i32
        %dma_start3A_718 = tpu.memref_slice %arg3[%dma_start3A_717, %multiple_of3A_716] : memref<2x320000xi32, #tpu.memory_space<hbm>> -> memref<2x128xi32, #tpu.memory_space<hbm>>
        %dma_start3A_719 = arith.constant 0 : i32
        %dma_start3A_720 = tpu.memref_slice %arg3[%dma_start3A_719, %multiple_of3A_716] : memref<2x320000xi32, #tpu.memory_space<hbm>> -> memref<2x128xi32, #tpu.memory_space<hbm>>
        tpu.enqueue_dma source(%dma_start3A_720 : memref<2x128xi32, #tpu.memory_space<hbm>>) target(%arg7 : memref<2x128xi32, #tpu.memory_space<vmem>>) target_semaphore(%arg38 : memref<!tpu.dma_semaphore, #tpu.memory_space<semaphore_mem>>)
      } else {
      }
      %dma_wait3A_593 = arith.constant 0 : i32
      %dma_wait3A_594 = arith.constant 0 : i32
      %dma_wait3A_595 = tpu.memref_slice %arg2[%dma_wait3A_593, %dma_wait3A_594] : memref<20000x64xf32, #tpu.memory_space<hbm>> -> memref<128x64xf32, #tpu.memory_space<hbm>>
      %dma_wait3A_596 = arith.constant 0 : i32
      %dma_wait3A_597 = arith.constant 0 : i32
      %dma_wait3A_598 = tpu.memref_slice %arg2[%dma_wait3A_596, %dma_wait3A_597] : memref<20000x64xf32, #tpu.memory_space<hbm>> -> memref<128x64xf32, #tpu.memory_space<hbm>>
      tpu.wait_dma2 semaphore(%arg55 : memref<!tpu.dma_semaphore, #tpu.memory_space<semaphore_mem>>) src(%dma_wait3A_598 : memref<128x64xf32, #tpu.memory_space<hbm>>) dst(%arg24 : memref<128x64xf32, #tpu.memory_space<vmem>>)
      %eq3A_599 = arith.constant 0 : i32
      %eq3A_600 = arith.cmpi eq, %arg0, %eq3A_599 : i32
      %convert_element_type3A_601 = arith.extui %eq3A_600 : i1 to i32
      %cond3A_602 = arith.constant 0 : i32
      %cond3A_603 = arith.cmpi ne, %convert_element_type3A_601, %cond3A_602 : i32
      scf.if %cond3A_603 {
        %dma_wait3A_713 = arith.constant 0 : i32
        %dma_wait3A_714 = arith.constant 0 : i32
        %dma_wait3A_715 = arith.constant 0 : i32
        %dma_wait3A_716 = tpu.memref_slice %arg5[%dma_wait3A_713, %dma_wait3A_714, %dma_wait3A_715] : memref<2x10000x16xf32, #tpu.memory_space<hbm>> -> memref<1x128x16xf32, #tpu.memory_space<hbm>>
        %dma_wait3A_717 = tpu.memref_squeeze %dma_wait3A_716 : memref<1x128x16xf32, #tpu.memory_space<hbm>> -> memref<128x16xf32, #tpu.memory_space<hbm>>
        %dma_wait3A_718 = arith.constant 0 : i32
        %dma_wait3A_719 = arith.constant 0 : i32
        %dma_wait3A_720 = tpu.memref_slice %arg5[%dma_wait3A_713, %dma_wait3A_718, %dma_wait3A_719] : memref<2x10000x16xf32, #tpu.memory_space<hbm>> -> memref<1x128x16xf32, #tpu.memory_space<hbm>>
        %dma_wait3A_721 = tpu.memref_squeeze %dma_wait3A_720 : memref<1x128x16xf32, #tpu.memory_space<hbm>> -> memref<128x16xf32, #tpu.memory_space<hbm>>
        tpu.wait_dma2 semaphore(%arg55 : memref<!tpu.dma_semaphore, #tpu.memory_space<semaphore_mem>>) src(%dma_wait3A_721 : memref<128x16xf32, #tpu.memory_space<hbm>>) dst(%arg32 : memref<128x16xf32, #tpu.memory_space<vmem>>)
      } else {
      }
      %add3A_604 = arith.constant 8 : i32
      %add3A_605 = arith.addi %mul3A_297, %add3A_604 : i32
      %add3A_606 = arith.constant 2 : i32
      %add3A_607 = arith.addi %add3A_605, %add3A_606 : i32
      %lt3A_608 = arith.constant 156 : i32
      %lt3A_609 = arith.cmpi slt, %add3A_607, %lt3A_608 : i32
      %convert_element_type3A_610 = arith.extui %lt3A_609 : i1 to i32
      %cond3A_611 = arith.constant 0 : i32
      %cond3A_612 = arith.cmpi ne, %convert_element_type3A_610, %cond3A_611 : i32
      scf.if %cond3A_612 {
        %mul3A_713 = arith.constant 128 : i32
        %mul3A_714 = arith.muli %add3A_607, %mul3A_713 : i32
        %add3A_715 = arith.addi %mul3A_14, %mul3A_714 : i32
        %multiple_of3A_716 = tpu.assume_multiple %add3A_715, 8 : i32
        %dma_start3A_717 = arith.constant 0 : i32
        %dma_start3A_718 = tpu.memref_slice %arg3[%dma_start3A_717, %multiple_of3A_716] : memref<2x320000xi32, #tpu.memory_space<hbm>> -> memref<2x128xi32, #tpu.memory_space<hbm>>
        %dma_start3A_719 = arith.constant 0 : i32
        %dma_start3A_720 = tpu.memref_slice %arg3[%dma_start3A_719, %multiple_of3A_716] : memref<2x320000xi32, #tpu.memory_space<hbm>> -> memref<2x128xi32, #tpu.memory_space<hbm>>
        tpu.enqueue_dma source(%dma_start3A_720 : memref<2x128xi32, #tpu.memory_space<hbm>>) target(%arg8 : memref<2x128xi32, #tpu.memory_space<vmem>>) target_semaphore(%arg39 : memref<!tpu.dma_semaphore, #tpu.memory_space<semaphore_mem>>)
      } else {
      }
      %dma_wait3A_613 = arith.constant 0 : i32
      %dma_wait3A_614 = arith.constant 0 : i32
      %dma_wait3A_615 = tpu.memref_slice %arg2[%dma_wait3A_613, %dma_wait3A_614] : memref<20000x64xf32, #tpu.memory_space<hbm>> -> memref<128x64xf32, #tpu.memory_space<hbm>>
      %dma_wait3A_616 = arith.constant 0 : i32
      %dma_wait3A_617 = arith.constant 0 : i32
      %dma_wait3A_618 = tpu.memref_slice %arg2[%dma_wait3A_616, %dma_wait3A_617] : memref<20000x64xf32, #tpu.memory_space<hbm>> -> memref<128x64xf32, #tpu.memory_space<hbm>>
      tpu.wait_dma2 semaphore(%arg56 : memref<!tpu.dma_semaphore, #tpu.memory_space<semaphore_mem>>) src(%dma_wait3A_618 : memref<128x64xf32, #tpu.memory_space<hbm>>) dst(%arg25 : memref<128x64xf32, #tpu.memory_space<vmem>>)
      %eq3A_619 = arith.constant 1 : i32
      %eq3A_620 = arith.cmpi eq, %arg0, %eq3A_619 : i32
      %convert_element_type3A_621 = arith.extui %eq3A_620 : i1 to i32
      %cond3A_622 = arith.constant 0 : i32
      %cond3A_623 = arith.cmpi ne, %convert_element_type3A_621, %cond3A_622 : i32
      scf.if %cond3A_623 {
        %dma_wait3A_713 = arith.constant 0 : i32
        %dma_wait3A_714 = arith.constant 0 : i32
        %dma_wait3A_715 = arith.constant 0 : i32
        %dma_wait3A_716 = tpu.memref_slice %arg5[%dma_wait3A_713, %dma_wait3A_714, %dma_wait3A_715] : memref<2x10000x16xf32, #tpu.memory_space<hbm>> -> memref<1x128x16xf32, #tpu.memory_space<hbm>>
        %dma_wait3A_717 = tpu.memref_squeeze %dma_wait3A_716 : memref<1x128x16xf32, #tpu.memory_space<hbm>> -> memref<128x16xf32, #tpu.memory_space<hbm>>
        %dma_wait3A_718 = arith.constant 0 : i32
        %dma_wait3A_719 = arith.constant 0 : i32
        %dma_wait3A_720 = tpu.memref_slice %arg5[%dma_wait3A_713, %dma_wait3A_718, %dma_wait3A_719] : memref<2x10000x16xf32, #tpu.memory_space<hbm>> -> memref<1x128x16xf32, #tpu.memory_space<hbm>>
        %dma_wait3A_721 = tpu.memref_squeeze %dma_wait3A_720 : memref<1x128x16xf32, #tpu.memory_space<hbm>> -> memref<128x16xf32, #tpu.memory_space<hbm>>
        tpu.wait_dma2 semaphore(%arg56 : memref<!tpu.dma_semaphore, #tpu.memory_space<semaphore_mem>>) src(%dma_wait3A_721 : memref<128x16xf32, #tpu.memory_space<hbm>>) dst(%arg32 : memref<128x16xf32, #tpu.memory_space<vmem>>)
      } else {
      }
      %add3A_624 = arith.constant 8 : i32
      %add3A_625 = arith.addi %mul3A_297, %add3A_624 : i32
      %add3A_626 = arith.constant 3 : i32
      %add3A_627 = arith.addi %add3A_625, %add3A_626 : i32
      %lt3A_628 = arith.constant 156 : i32
      %lt3A_629 = arith.cmpi slt, %add3A_627, %lt3A_628 : i32
      %convert_element_type3A_630 = arith.extui %lt3A_629 : i1 to i32
      %cond3A_631 = arith.constant 0 : i32
      %cond3A_632 = arith.cmpi ne, %convert_element_type3A_630, %cond3A_631 : i32
      scf.if %cond3A_632 {
        %mul3A_713 = arith.constant 128 : i32
        %mul3A_714 = arith.muli %add3A_627, %mul3A_713 : i32
        %add3A_715 = arith.addi %mul3A_14, %mul3A_714 : i32
        %multiple_of3A_716 = tpu.assume_multiple %add3A_715, 8 : i32
        %dma_start3A_717 = arith.constant 0 : i32
        %dma_start3A_718 = tpu.memref_slice %arg3[%dma_start3A_717, %multiple_of3A_716] : memref<2x320000xi32, #tpu.memory_space<hbm>> -> memref<2x128xi32, #tpu.memory_space<hbm>>
        %dma_start3A_719 = arith.constant 0 : i32
        %dma_start3A_720 = tpu.memref_slice %arg3[%dma_start3A_719, %multiple_of3A_716] : memref<2x320000xi32, #tpu.memory_space<hbm>> -> memref<2x128xi32, #tpu.memory_space<hbm>>
        tpu.enqueue_dma source(%dma_start3A_720 : memref<2x128xi32, #tpu.memory_space<hbm>>) target(%arg9 : memref<2x128xi32, #tpu.memory_space<vmem>>) target_semaphore(%arg40 : memref<!tpu.dma_semaphore, #tpu.memory_space<semaphore_mem>>)
      } else {
      }
      %dma_wait3A_633 = arith.constant 0 : i32
      %dma_wait3A_634 = arith.constant 0 : i32
      %dma_wait3A_635 = tpu.memref_slice %arg2[%dma_wait3A_633, %dma_wait3A_634] : memref<20000x64xf32, #tpu.memory_space<hbm>> -> memref<128x64xf32, #tpu.memory_space<hbm>>
      %dma_wait3A_636 = arith.constant 0 : i32
      %dma_wait3A_637 = arith.constant 0 : i32
      %dma_wait3A_638 = tpu.memref_slice %arg2[%dma_wait3A_636, %dma_wait3A_637] : memref<20000x64xf32, #tpu.memory_space<hbm>> -> memref<128x64xf32, #tpu.memory_space<hbm>>
      tpu.wait_dma2 semaphore(%arg57 : memref<!tpu.dma_semaphore, #tpu.memory_space<semaphore_mem>>) src(%dma_wait3A_638 : memref<128x64xf32, #tpu.memory_space<hbm>>) dst(%arg26 : memref<128x64xf32, #tpu.memory_space<vmem>>)
      %eq3A_639 = arith.constant 0 : i32
      %eq3A_640 = arith.cmpi eq, %arg0, %eq3A_639 : i32
      %convert_element_type3A_641 = arith.extui %eq3A_640 : i1 to i32
      %cond3A_642 = arith.constant 0 : i32
      %cond3A_643 = arith.cmpi ne, %convert_element_type3A_641, %cond3A_642 : i32
      scf.if %cond3A_643 {
        %dma_wait3A_713 = arith.constant 0 : i32
        %dma_wait3A_714 = arith.constant 0 : i32
        %dma_wait3A_715 = arith.constant 0 : i32
        %dma_wait3A_716 = tpu.memref_slice %arg5[%dma_wait3A_713, %dma_wait3A_714, %dma_wait3A_715] : memref<2x10000x16xf32, #tpu.memory_space<hbm>> -> memref<1x128x16xf32, #tpu.memory_space<hbm>>
        %dma_wait3A_717 = tpu.memref_squeeze %dma_wait3A_716 : memref<1x128x16xf32, #tpu.memory_space<hbm>> -> memref<128x16xf32, #tpu.memory_space<hbm>>
        %dma_wait3A_718 = arith.constant 0 : i32
        %dma_wait3A_719 = arith.constant 0 : i32
        %dma_wait3A_720 = tpu.memref_slice %arg5[%dma_wait3A_713, %dma_wait3A_718, %dma_wait3A_719] : memref<2x10000x16xf32, #tpu.memory_space<hbm>> -> memref<1x128x16xf32, #tpu.memory_space<hbm>>
        %dma_wait3A_721 = tpu.memref_squeeze %dma_wait3A_720 : memref<1x128x16xf32, #tpu.memory_space<hbm>> -> memref<128x16xf32, #tpu.memory_space<hbm>>
        tpu.wait_dma2 semaphore(%arg57 : memref<!tpu.dma_semaphore, #tpu.memory_space<semaphore_mem>>) src(%dma_wait3A_721 : memref<128x16xf32, #tpu.memory_space<hbm>>) dst(%arg32 : memref<128x16xf32, #tpu.memory_space<vmem>>)
      } else {
      }
      %add3A_644 = arith.constant 8 : i32
      %add3A_645 = arith.addi %mul3A_297, %add3A_644 : i32
      %add3A_646 = arith.constant 4 : i32
      %add3A_647 = arith.addi %add3A_645, %add3A_646 : i32
      %lt3A_648 = arith.constant 156 : i32
      %lt3A_649 = arith.cmpi slt, %add3A_647, %lt3A_648 : i32
      %convert_element_type3A_650 = arith.extui %lt3A_649 : i1 to i32
      %cond3A_651 = arith.constant 0 : i32
      %cond3A_652 = arith.cmpi ne, %convert_element_type3A_650, %cond3A_651 : i32
      scf.if %cond3A_652 {
        %mul3A_713 = arith.constant 128 : i32
        %mul3A_714 = arith.muli %add3A_647, %mul3A_713 : i32
        %add3A_715 = arith.addi %mul3A_14, %mul3A_714 : i32
        %multiple_of3A_716 = tpu.assume_multiple %add3A_715, 8 : i32
        %dma_start3A_717 = arith.constant 0 : i32
        %dma_start3A_718 = tpu.memref_slice %arg3[%dma_start3A_717, %multiple_of3A_716] : memref<2x320000xi32, #tpu.memory_space<hbm>> -> memref<2x128xi32, #tpu.memory_space<hbm>>
        %dma_start3A_719 = arith.constant 0 : i32
        %dma_start3A_720 = tpu.memref_slice %arg3[%dma_start3A_719, %multiple_of3A_716] : memref<2x320000xi32, #tpu.memory_space<hbm>> -> memref<2x128xi32, #tpu.memory_space<hbm>>
        tpu.enqueue_dma source(%dma_start3A_720 : memref<2x128xi32, #tpu.memory_space<hbm>>) target(%arg10 : memref<2x128xi32, #tpu.memory_space<vmem>>) target_semaphore(%arg41 : memref<!tpu.dma_semaphore, #tpu.memory_space<semaphore_mem>>)
      } else {
      }
      %dma_wait3A_653 = arith.constant 0 : i32
      %dma_wait3A_654 = arith.constant 0 : i32
      %dma_wait3A_655 = tpu.memref_slice %arg2[%dma_wait3A_653, %dma_wait3A_654] : memref<20000x64xf32, #tpu.memory_space<hbm>> -> memref<128x64xf32, #tpu.memory_space<hbm>>
      %dma_wait3A_656 = arith.constant 0 : i32
      %dma_wait3A_657 = arith.constant 0 : i32
      %dma_wait3A_658 = tpu.memref_slice %arg2[%dma_wait3A_656, %dma_wait3A_657] : memref<20000x64xf32, #tpu.memory_space<hbm>> -> memref<128x64xf32, #tpu.memory_space<hbm>>
      tpu.wait_dma2 semaphore(%arg58 : memref<!tpu.dma_semaphore, #tpu.memory_space<semaphore_mem>>) src(%dma_wait3A_658 : memref<128x64xf32, #tpu.memory_space<hbm>>) dst(%arg27 : memref<128x64xf32, #tpu.memory_space<vmem>>)
      %eq3A_659 = arith.constant 1 : i32
      %eq3A_660 = arith.cmpi eq, %arg0, %eq3A_659 : i32
      %convert_element_type3A_661 = arith.extui %eq3A_660 : i1 to i32
      %cond3A_662 = arith.constant 0 : i32
      %cond3A_663 = arith.cmpi ne, %convert_element_type3A_661, %cond3A_662 : i32
      scf.if %cond3A_663 {
        %dma_wait3A_713 = arith.constant 0 : i32
        %dma_wait3A_714 = arith.constant 0 : i32
        %dma_wait3A_715 = arith.constant 0 : i32
        %dma_wait3A_716 = tpu.memref_slice %arg5[%dma_wait3A_713, %dma_wait3A_714, %dma_wait3A_715] : memref<2x10000x16xf32, #tpu.memory_space<hbm>> -> memref<1x128x16xf32, #tpu.memory_space<hbm>>
        %dma_wait3A_717 = tpu.memref_squeeze %dma_wait3A_716 : memref<1x128x16xf32, #tpu.memory_space<hbm>> -> memref<128x16xf32, #tpu.memory_space<hbm>>
        %dma_wait3A_718 = arith.constant 0 : i32
        %dma_wait3A_719 = arith.constant 0 : i32
        %dma_wait3A_720 = tpu.memref_slice %arg5[%dma_wait3A_713, %dma_wait3A_718, %dma_wait3A_719] : memref<2x10000x16xf32, #tpu.memory_space<hbm>> -> memref<1x128x16xf32, #tpu.memory_space<hbm>>
        %dma_wait3A_721 = tpu.memref_squeeze %dma_wait3A_720 : memref<1x128x16xf32, #tpu.memory_space<hbm>> -> memref<128x16xf32, #tpu.memory_space<hbm>>
        tpu.wait_dma2 semaphore(%arg58 : memref<!tpu.dma_semaphore, #tpu.memory_space<semaphore_mem>>) src(%dma_wait3A_721 : memref<128x16xf32, #tpu.memory_space<hbm>>) dst(%arg32 : memref<128x16xf32, #tpu.memory_space<vmem>>)
      } else {
      }
      %add3A_664 = arith.constant 8 : i32
      %add3A_665 = arith.addi %mul3A_297, %add3A_664 : i32
      %add3A_666 = arith.constant 5 : i32
      %add3A_667 = arith.addi %add3A_665, %add3A_666 : i32
      %lt3A_668 = arith.constant 156 : i32
      %lt3A_669 = arith.cmpi slt, %add3A_667, %lt3A_668 : i32
      %convert_element_type3A_670 = arith.extui %lt3A_669 : i1 to i32
      %cond3A_671 = arith.constant 0 : i32
      %cond3A_672 = arith.cmpi ne, %convert_element_type3A_670, %cond3A_671 : i32
      scf.if %cond3A_672 {
        %mul3A_713 = arith.constant 128 : i32
        %mul3A_714 = arith.muli %add3A_667, %mul3A_713 : i32
        %add3A_715 = arith.addi %mul3A_14, %mul3A_714 : i32
        %multiple_of3A_716 = tpu.assume_multiple %add3A_715, 8 : i32
        %dma_start3A_717 = arith.constant 0 : i32
        %dma_start3A_718 = tpu.memref_slice %arg3[%dma_start3A_717, %multiple_of3A_716] : memref<2x320000xi32, #tpu.memory_space<hbm>> -> memref<2x128xi32, #tpu.memory_space<hbm>>
        %dma_start3A_719 = arith.constant 0 : i32
        %dma_start3A_720 = tpu.memref_slice %arg3[%dma_start3A_719, %multiple_of3A_716] : memref<2x320000xi32, #tpu.memory_space<hbm>> -> memref<2x128xi32, #tpu.memory_space<hbm>>
        tpu.enqueue_dma source(%dma_start3A_720 : memref<2x128xi32, #tpu.memory_space<hbm>>) target(%arg11 : memref<2x128xi32, #tpu.memory_space<vmem>>) target_semaphore(%arg42 : memref<!tpu.dma_semaphore, #tpu.memory_space<semaphore_mem>>)
      } else {
      }
      %dma_wait3A_673 = arith.constant 0 : i32
      %dma_wait3A_674 = arith.constant 0 : i32
      %dma_wait3A_675 = tpu.memref_slice %arg2[%dma_wait3A_673, %dma_wait3A_674] : memref<20000x64xf32, #tpu.memory_space<hbm>> -> memref<128x64xf32, #tpu.memory_space<hbm>>
      %dma_wait3A_676 = arith.constant 0 : i32
      %dma_wait3A_677 = arith.constant 0 : i32
      %dma_wait3A_678 = tpu.memref_slice %arg2[%dma_wait3A_676, %dma_wait3A_677] : memref<20000x64xf32, #tpu.memory_space<hbm>> -> memref<128x64xf32, #tpu.memory_space<hbm>>
      tpu.wait_dma2 semaphore(%arg59 : memref<!tpu.dma_semaphore, #tpu.memory_space<semaphore_mem>>) src(%dma_wait3A_678 : memref<128x64xf32, #tpu.memory_space<hbm>>) dst(%arg28 : memref<128x64xf32, #tpu.memory_space<vmem>>)
      %eq3A_679 = arith.constant 0 : i32
      %eq3A_680 = arith.cmpi eq, %arg0, %eq3A_679 : i32
      %convert_element_type3A_681 = arith.extui %eq3A_680 : i1 to i32
      %cond3A_682 = arith.constant 0 : i32
      %cond3A_683 = arith.cmpi ne, %convert_element_type3A_681, %cond3A_682 : i32
      scf.if %cond3A_683 {
        %dma_wait3A_713 = arith.constant 0 : i32
        %dma_wait3A_714 = arith.constant 0 : i32
        %dma_wait3A_715 = arith.constant 0 : i32
        %dma_wait3A_716 = tpu.memref_slice %arg5[%dma_wait3A_713, %dma_wait3A_714, %dma_wait3A_715] : memref<2x10000x16xf32, #tpu.memory_space<hbm>> -> memref<1x128x16xf32, #tpu.memory_space<hbm>>
        %dma_wait3A_717 = tpu.memref_squeeze %dma_wait3A_716 : memref<1x128x16xf32, #tpu.memory_space<hbm>> -> memref<128x16xf32, #tpu.memory_space<hbm>>
        %dma_wait3A_718 = arith.constant 0 : i32
        %dma_wait3A_719 = arith.constant 0 : i32
        %dma_wait3A_720 = tpu.memref_slice %arg5[%dma_wait3A_713, %dma_wait3A_718, %dma_wait3A_719] : memref<2x10000x16xf32, #tpu.memory_space<hbm>> -> memref<1x128x16xf32, #tpu.memory_space<hbm>>
        %dma_wait3A_721 = tpu.memref_squeeze %dma_wait3A_720 : memref<1x128x16xf32, #tpu.memory_space<hbm>> -> memref<128x16xf32, #tpu.memory_space<hbm>>
        tpu.wait_dma2 semaphore(%arg59 : memref<!tpu.dma_semaphore, #tpu.memory_space<semaphore_mem>>) src(%dma_wait3A_721 : memref<128x16xf32, #tpu.memory_space<hbm>>) dst(%arg32 : memref<128x16xf32, #tpu.memory_space<vmem>>)
      } else {
      }
      %add3A_684 = arith.constant 8 : i32
      %add3A_685 = arith.addi %mul3A_297, %add3A_684 : i32
      %add3A_686 = arith.constant 6 : i32
      %add3A_687 = arith.addi %add3A_685, %add3A_686 : i32
      %lt3A_688 = arith.constant 156 : i32
      %lt3A_689 = arith.cmpi slt, %add3A_687, %lt3A_688 : i32
      %convert_element_type3A_690 = arith.extui %lt3A_689 : i1 to i32
      %cond3A_691 = arith.constant 0 : i32
      %cond3A_692 = arith.cmpi ne, %convert_element_type3A_690, %cond3A_691 : i32
      scf.if %cond3A_692 {
        %mul3A_713 = arith.constant 128 : i32
        %mul3A_714 = arith.muli %add3A_687, %mul3A_713 : i32
        %add3A_715 = arith.addi %mul3A_14, %mul3A_714 : i32
        %multiple_of3A_716 = tpu.assume_multiple %add3A_715, 8 : i32
        %dma_start3A_717 = arith.constant 0 : i32
        %dma_start3A_718 = tpu.memref_slice %arg3[%dma_start3A_717, %multiple_of3A_716] : memref<2x320000xi32, #tpu.memory_space<hbm>> -> memref<2x128xi32, #tpu.memory_space<hbm>>
        %dma_start3A_719 = arith.constant 0 : i32
        %dma_start3A_720 = tpu.memref_slice %arg3[%dma_start3A_719, %multiple_of3A_716] : memref<2x320000xi32, #tpu.memory_space<hbm>> -> memref<2x128xi32, #tpu.memory_space<hbm>>
        tpu.enqueue_dma source(%dma_start3A_720 : memref<2x128xi32, #tpu.memory_space<hbm>>) target(%arg12 : memref<2x128xi32, #tpu.memory_space<vmem>>) target_semaphore(%arg43 : memref<!tpu.dma_semaphore, #tpu.memory_space<semaphore_mem>>)
      } else {
      }
      %dma_wait3A_693 = arith.constant 0 : i32
      %dma_wait3A_694 = arith.constant 0 : i32
      %dma_wait3A_695 = tpu.memref_slice %arg2[%dma_wait3A_693, %dma_wait3A_694] : memref<20000x64xf32, #tpu.memory_space<hbm>> -> memref<128x64xf32, #tpu.memory_space<hbm>>
      %dma_wait3A_696 = arith.constant 0 : i32
      %dma_wait3A_697 = arith.constant 0 : i32
      %dma_wait3A_698 = tpu.memref_slice %arg2[%dma_wait3A_696, %dma_wait3A_697] : memref<20000x64xf32, #tpu.memory_space<hbm>> -> memref<128x64xf32, #tpu.memory_space<hbm>>
      tpu.wait_dma2 semaphore(%arg60 : memref<!tpu.dma_semaphore, #tpu.memory_space<semaphore_mem>>) src(%dma_wait3A_698 : memref<128x64xf32, #tpu.memory_space<hbm>>) dst(%arg29 : memref<128x64xf32, #tpu.memory_space<vmem>>)
      %eq3A_699 = arith.constant 1 : i32
      %eq3A_700 = arith.cmpi eq, %arg0, %eq3A_699 : i32
      %convert_element_type3A_701 = arith.extui %eq3A_700 : i1 to i32
      %cond3A_702 = arith.constant 0 : i32
      %cond3A_703 = arith.cmpi ne, %convert_element_type3A_701, %cond3A_702 : i32
      scf.if %cond3A_703 {
        %dma_wait3A_713 = arith.constant 0 : i32
        %dma_wait3A_714 = arith.constant 0 : i32
        %dma_wait3A_715 = arith.constant 0 : i32
        %dma_wait3A_716 = tpu.memref_slice %arg5[%dma_wait3A_713, %dma_wait3A_714, %dma_wait3A_715] : memref<2x10000x16xf32, #tpu.memory_space<hbm>> -> memref<1x128x16xf32, #tpu.memory_space<hbm>>
        %dma_wait3A_717 = tpu.memref_squeeze %dma_wait3A_716 : memref<1x128x16xf32, #tpu.memory_space<hbm>> -> memref<128x16xf32, #tpu.memory_space<hbm>>
        %dma_wait3A_718 = arith.constant 0 : i32
        %dma_wait3A_719 = arith.constant 0 : i32
        %dma_wait3A_720 = tpu.memref_slice %arg5[%dma_wait3A_713, %dma_wait3A_718, %dma_wait3A_719] : memref<2x10000x16xf32, #tpu.memory_space<hbm>> -> memref<1x128x16xf32, #tpu.memory_space<hbm>>
        %dma_wait3A_721 = tpu.memref_squeeze %dma_wait3A_720 : memref<1x128x16xf32, #tpu.memory_space<hbm>> -> memref<128x16xf32, #tpu.memory_space<hbm>>
        tpu.wait_dma2 semaphore(%arg60 : memref<!tpu.dma_semaphore, #tpu.memory_space<semaphore_mem>>) src(%dma_wait3A_721 : memref<128x16xf32, #tpu.memory_space<hbm>>) dst(%arg32 : memref<128x16xf32, #tpu.memory_space<vmem>>)
      } else {
      }
      %add3A_704 = arith.constant 8 : i32
      %add3A_705 = arith.addi %mul3A_297, %add3A_704 : i32
      %add3A_706 = arith.constant 7 : i32
      %add3A_707 = arith.addi %add3A_705, %add3A_706 : i32
      %lt3A_708 = arith.constant 156 : i32
      %lt3A_709 = arith.cmpi slt, %add3A_707, %lt3A_708 : i32
      %convert_element_type3A_710 = arith.extui %lt3A_709 : i1 to i32
      %cond3A_711 = arith.constant 0 : i32
      %cond3A_712 = arith.cmpi ne, %convert_element_type3A_710, %cond3A_711 : i32
      scf.if %cond3A_712 {
        %mul3A_713 = arith.constant 128 : i32
        %mul3A_714 = arith.muli %add3A_707, %mul3A_713 : i32
        %add3A_715 = arith.addi %mul3A_14, %mul3A_714 : i32
        %multiple_of3A_716 = tpu.assume_multiple %add3A_715, 8 : i32
        %dma_start3A_717 = arith.constant 0 : i32
        %dma_start3A_718 = tpu.memref_slice %arg3[%dma_start3A_717, %multiple_of3A_716] : memref<2x320000xi32, #tpu.memory_space<hbm>> -> memref<2x128xi32, #tpu.memory_space<hbm>>
        %dma_start3A_719 = arith.constant 0 : i32
        %dma_start3A_720 = tpu.memref_slice %arg3[%dma_start3A_719, %multiple_of3A_716] : memref<2x320000xi32, #tpu.memory_space<hbm>> -> memref<2x128xi32, #tpu.memory_space<hbm>>
        tpu.enqueue_dma source(%dma_start3A_720 : memref<2x128xi32, #tpu.memory_space<hbm>>) target(%arg13 : memref<2x128xi32, #tpu.memory_space<vmem>>) target_semaphore(%arg44 : memref<!tpu.dma_semaphore, #tpu.memory_space<semaphore_mem>>)
      } else {
      }
    }
    %scan3A_88 = arith.constant 19 : i32
    %dma_wait3A = arith.constant 0 : i32
    %dma_wait3A_89 = arith.constant 0 : i32
    %dma_wait3A_90 = tpu.memref_slice %arg3[%dma_wait3A, %dma_wait3A_89] : memref<2x320000xi32, #tpu.memory_space<hbm>> -> memref<2x128xi32, #tpu.memory_space<hbm>>
    %dma_wait3A_91 = arith.constant 0 : i32
    %dma_wait3A_92 = arith.constant 0 : i32
    %dma_wait3A_93 = tpu.memref_slice %arg3[%dma_wait3A_91, %dma_wait3A_92] : memref<2x320000xi32, #tpu.memory_space<hbm>> -> memref<2x128xi32, #tpu.memory_space<hbm>>
    tpu.wait_dma2 semaphore(%arg37 : memref<!tpu.dma_semaphore, #tpu.memory_space<semaphore_mem>>) src(%dma_wait3A_93 : memref<2x128xi32, #tpu.memory_space<hbm>>) dst(%arg6 : memref<2x128xi32, #tpu.memory_space<vmem>>)
    %scan3A_94 = arith.constant 0 : i32
    %scan3A_95 = arith.constant 8 : i32
    %scan3A_96 = arith.addi %scan3A_94, %scan3A_95 : i32
    %scan3A_97 = arith.constant 1 : i32
    scf.for %scan3A_291 = %scan3A_94 to %scan3A_96 step %scan3A_97  : i32 {
      %mul3A_292 = arith.constant 1 : i32
      %mul3A_293 = arith.muli %scan3A_291, %mul3A_292 : i32
      %add3A_294 = arith.constant 0 : i32
      %add3A_295 = arith.addi %add3A_294, %mul3A_293 : i32
      %mul3A_296 = arith.constant 16 : i32
      %mul3A_297 = arith.muli %add3A_295, %mul3A_296 : i32
      %get3A = arith.constant 0 : i32
      %get3A_298 = arith.index_cast %get3A : i32 to index
      %get3A_299 = arith.index_cast %mul3A_297 : i32 to index
      %get3A_300 = tpu.vector_load %arg6[%get3A_298, %get3A_299] {strides = array<i32>} : memref<2x128xi32, #tpu.memory_space<vmem>>, vector<1x16xi32>,
      %get3A_301 = vector.shape_cast %get3A_300 : vector<1x16xi32> to vector<16xi32>
      %mul3A_302 = arith.constant 2 : i32
      %mul3A_303 = vector.broadcast %mul3A_302 : i32 to vector<16xi32>
      %mul3A_304 = arith.muli %get3A_301, %mul3A_303 : vector<16xi32>
      %add3A_305 = vector.broadcast %arg0 : i32 to vector<16xi32>
      %add3A_306 = arith.addi %mul3A_304, %add3A_305 : vector<16xi32>
      %mul3A_307 = arith.constant 16 : i32
      %mul3A_308 = arith.muli %add3A_295, %mul3A_307 : i32
      %swap3A = arith.index_cast %mul3A_308 : i32 to index
      %swap3A_309 = tpu.vector_load %arg14[%swap3A] {strides = array<i32>} : memref<128xi32, #tpu.memory_space<vmem>>, vector<16xi32>,
      %swap3A_310 = vector.shape_cast %swap3A_309 : vector<16xi32> to vector<16xi32>
      %swap3A_311 = vector.shape_cast %add3A_306 : vector<16xi32> to vector<16xi32>
      tpu.vector_store %arg14[%swap3A], %swap3A_311 {strides = array<i32>} : memref<128xi32, #tpu.memory_space<vmem>>, vector<16xi32>,
    }
    %scan3A_98 = arith.constant 8 : i32
    %dma_start3A_99 = arith.constant 0 : i32
    %dma_start3A_100 = arith.constant 0 : i32
    %dma_start3A_101 = tpu.memref_slice %arg2[%dma_start3A_99, %dma_start3A_100] : memref<20000x64xf32, #tpu.memory_space<hbm>> -> memref<20000x64xf32, #tpu.memory_space<hbm>>
    tpu.enqueue_indirect_dma source(%dma_start3A_101 : memref<20000x64xf32, #tpu.memory_space<hbm>>) target(%arg22 : memref<128x64xf32, #tpu.memory_space<vmem>>) offsets(%arg14 : memref<128xi32, #tpu.memory_space<vmem>>) semaphore(%arg45 : memref<!tpu.dma_semaphore, #tpu.memory_space<semaphore_mem>>)
    %dma_wait3A_102 = arith.constant 0 : i32
    %dma_wait3A_103 = arith.constant 0 : i32
    %dma_wait3A_104 = tpu.memref_slice %arg3[%dma_wait3A_102, %dma_wait3A_103] : memref<2x320000xi32, #tpu.memory_space<hbm>> -> memref<2x128xi32, #tpu.memory_space<hbm>>
    %dma_wait3A_105 = arith.constant 0 : i32
    %dma_wait3A_106 = arith.constant 0 : i32
    %dma_wait3A_107 = tpu.memref_slice %arg3[%dma_wait3A_105, %dma_wait3A_106] : memref<2x320000xi32, #tpu.memory_space<hbm>> -> memref<2x128xi32, #tpu.memory_space<hbm>>
    tpu.wait_dma2 semaphore(%arg38 : memref<!tpu.dma_semaphore, #tpu.memory_space<semaphore_mem>>) src(%dma_wait3A_107 : memref<2x128xi32, #tpu.memory_space<hbm>>) dst(%arg7 : memref<2x128xi32, #tpu.memory_space<vmem>>)
    %scan3A_108 = arith.constant 0 : i32
    %scan3A_109 = arith.constant 8 : i32
    %scan3A_110 = arith.addi %scan3A_108, %scan3A_109 : i32
    %scan3A_111 = arith.constant 1 : i32
    scf.for %scan3A_291 = %scan3A_108 to %scan3A_110 step %scan3A_111  : i32 {
      %mul3A_292 = arith.constant 1 : i32
      %mul3A_293 = arith.muli %scan3A_291, %mul3A_292 : i32
      %add3A_294 = arith.constant 0 : i32
      %add3A_295 = arith.addi %add3A_294, %mul3A_293 : i32
      %mul3A_296 = arith.constant 16 : i32
      %mul3A_297 = arith.muli %add3A_295, %mul3A_296 : i32
      %get3A = arith.constant 0 : i32
      %get3A_298 = arith.index_cast %get3A : i32 to index
      %get3A_299 = arith.index_cast %mul3A_297 : i32 to index
      %get3A_300 = tpu.vector_load %arg7[%get3A_298, %get3A_299] {strides = array<i32>} : memref<2x128xi32, #tpu.memory_space<vmem>>, vector<1x16xi32>,
      %get3A_301 = vector.shape_cast %get3A_300 : vector<1x16xi32> to vector<16xi32>
      %mul3A_302 = arith.constant 2 : i32
      %mul3A_303 = vector.broadcast %mul3A_302 : i32 to vector<16xi32>
      %mul3A_304 = arith.muli %get3A_301, %mul3A_303 : vector<16xi32>
      %add3A_305 = vector.broadcast %arg0 : i32 to vector<16xi32>
      %add3A_306 = arith.addi %mul3A_304, %add3A_305 : vector<16xi32>
      %mul3A_307 = arith.constant 16 : i32
      %mul3A_308 = arith.muli %add3A_295, %mul3A_307 : i32
      %swap3A = arith.index_cast %mul3A_308 : i32 to index
      %swap3A_309 = tpu.vector_load %arg15[%swap3A] {strides = array<i32>} : memref<128xi32, #tpu.memory_space<vmem>>, vector<16xi32>,
      %swap3A_310 = vector.shape_cast %swap3A_309 : vector<16xi32> to vector<16xi32>
      %swap3A_311 = vector.shape_cast %add3A_306 : vector<16xi32> to vector<16xi32>
      tpu.vector_store %arg15[%swap3A], %swap3A_311 {strides = array<i32>} : memref<128xi32, #tpu.memory_space<vmem>>, vector<16xi32>,
    }
    %scan3A_112 = arith.constant 8 : i32
    %dma_start3A_113 = arith.constant 0 : i32
    %dma_start3A_114 = arith.constant 0 : i32
    %dma_start3A_115 = tpu.memref_slice %arg2[%dma_start3A_113, %dma_start3A_114] : memref<20000x64xf32, #tpu.memory_space<hbm>> -> memref<20000x64xf32, #tpu.memory_space<hbm>>
    tpu.enqueue_indirect_dma source(%dma_start3A_115 : memref<20000x64xf32, #tpu.memory_space<hbm>>) target(%arg23 : memref<128x64xf32, #tpu.memory_space<vmem>>) offsets(%arg15 : memref<128xi32, #tpu.memory_space<vmem>>) semaphore(%arg46 : memref<!tpu.dma_semaphore, #tpu.memory_space<semaphore_mem>>)
    %dma_wait3A_116 = arith.constant 0 : i32
    %dma_wait3A_117 = arith.constant 0 : i32
    %dma_wait3A_118 = tpu.memref_slice %arg3[%dma_wait3A_116, %dma_wait3A_117] : memref<2x320000xi32, #tpu.memory_space<hbm>> -> memref<2x128xi32, #tpu.memory_space<hbm>>
    %dma_wait3A_119 = arith.constant 0 : i32
    %dma_wait3A_120 = arith.constant 0 : i32
    %dma_wait3A_121 = tpu.memref_slice %arg3[%dma_wait3A_119, %dma_wait3A_120] : memref<2x320000xi32, #tpu.memory_space<hbm>> -> memref<2x128xi32, #tpu.memory_space<hbm>>
    tpu.wait_dma2 semaphore(%arg39 : memref<!tpu.dma_semaphore, #tpu.memory_space<semaphore_mem>>) src(%dma_wait3A_121 : memref<2x128xi32, #tpu.memory_space<hbm>>) dst(%arg8 : memref<2x128xi32, #tpu.memory_space<vmem>>)
    %scan3A_122 = arith.constant 0 : i32
    %scan3A_123 = arith.constant 8 : i32
    %scan3A_124 = arith.addi %scan3A_122, %scan3A_123 : i32
    %scan3A_125 = arith.constant 1 : i32
    scf.for %scan3A_291 = %scan3A_122 to %scan3A_124 step %scan3A_125  : i32 {
      %mul3A_292 = arith.constant 1 : i32
      %mul3A_293 = arith.muli %scan3A_291, %mul3A_292 : i32
      %add3A_294 = arith.constant 0 : i32
      %add3A_295 = arith.addi %add3A_294, %mul3A_293 : i32
      %mul3A_296 = arith.constant 16 : i32
      %mul3A_297 = arith.muli %add3A_295, %mul3A_296 : i32
      %get3A = arith.constant 0 : i32
      %get3A_298 = arith.index_cast %get3A : i32 to index
      %get3A_299 = arith.index_cast %mul3A_297 : i32 to index
      %get3A_300 = tpu.vector_load %arg8[%get3A_298, %get3A_299] {strides = array<i32>} : memref<2x128xi32, #tpu.memory_space<vmem>>, vector<1x16xi32>,
      %get3A_301 = vector.shape_cast %get3A_300 : vector<1x16xi32> to vector<16xi32>
      %mul3A_302 = arith.constant 2 : i32
      %mul3A_303 = vector.broadcast %mul3A_302 : i32 to vector<16xi32>
      %mul3A_304 = arith.muli %get3A_301, %mul3A_303 : vector<16xi32>
      %add3A_305 = vector.broadcast %arg0 : i32 to vector<16xi32>
      %add3A_306 = arith.addi %mul3A_304, %add3A_305 : vector<16xi32>
      %mul3A_307 = arith.constant 16 : i32
      %mul3A_308 = arith.muli %add3A_295, %mul3A_307 : i32
      %swap3A = arith.index_cast %mul3A_308 : i32 to index
      %swap3A_309 = tpu.vector_load %arg16[%swap3A] {strides = array<i32>} : memref<128xi32, #tpu.memory_space<vmem>>, vector<16xi32>,
      %swap3A_310 = vector.shape_cast %swap3A_309 : vector<16xi32> to vector<16xi32>
      %swap3A_311 = vector.shape_cast %add3A_306 : vector<16xi32> to vector<16xi32>
      tpu.vector_store %arg16[%swap3A], %swap3A_311 {strides = array<i32>} : memref<128xi32, #tpu.memory_space<vmem>>, vector<16xi32>,
    }
    %scan3A_126 = arith.constant 8 : i32
    %dma_start3A_127 = arith.constant 0 : i32
    %dma_start3A_128 = arith.constant 0 : i32
    %dma_start3A_129 = tpu.memref_slice %arg2[%dma_start3A_127, %dma_start3A_128] : memref<20000x64xf32, #tpu.memory_space<hbm>> -> memref<20000x64xf32, #tpu.memory_space<hbm>>
    tpu.enqueue_indirect_dma source(%dma_start3A_129 : memref<20000x64xf32, #tpu.memory_space<hbm>>) target(%arg24 : memref<128x64xf32, #tpu.memory_space<vmem>>) offsets(%arg16 : memref<128xi32, #tpu.memory_space<vmem>>) semaphore(%arg47 : memref<!tpu.dma_semaphore, #tpu.memory_space<semaphore_mem>>)
    %dma_wait3A_130 = arith.constant 0 : i32
    %dma_wait3A_131 = arith.constant 0 : i32
    %dma_wait3A_132 = tpu.memref_slice %arg3[%dma_wait3A_130, %dma_wait3A_131] : memref<2x320000xi32, #tpu.memory_space<hbm>> -> memref<2x128xi32, #tpu.memory_space<hbm>>
    %dma_wait3A_133 = arith.constant 0 : i32
    %dma_wait3A_134 = arith.constant 0 : i32
    %dma_wait3A_135 = tpu.memref_slice %arg3[%dma_wait3A_133, %dma_wait3A_134] : memref<2x320000xi32, #tpu.memory_space<hbm>> -> memref<2x128xi32, #tpu.memory_space<hbm>>
    tpu.wait_dma2 semaphore(%arg40 : memref<!tpu.dma_semaphore, #tpu.memory_space<semaphore_mem>>) src(%dma_wait3A_135 : memref<2x128xi32, #tpu.memory_space<hbm>>) dst(%arg9 : memref<2x128xi32, #tpu.memory_space<vmem>>)
    %scan3A_136 = arith.constant 0 : i32
    %scan3A_137 = arith.constant 8 : i32
    %scan3A_138 = arith.addi %scan3A_136, %scan3A_137 : i32
    %scan3A_139 = arith.constant 1 : i32
    scf.for %scan3A_291 = %scan3A_136 to %scan3A_138 step %scan3A_139  : i32 {
      %mul3A_292 = arith.constant 1 : i32
      %mul3A_293 = arith.muli %scan3A_291, %mul3A_292 : i32
      %add3A_294 = arith.constant 0 : i32
      %add3A_295 = arith.addi %add3A_294, %mul3A_293 : i32
      %mul3A_296 = arith.constant 16 : i32
      %mul3A_297 = arith.muli %add3A_295, %mul3A_296 : i32
      %get3A = arith.constant 0 : i32
      %get3A_298 = arith.index_cast %get3A : i32 to index
      %get3A_299 = arith.index_cast %mul3A_297 : i32 to index
      %get3A_300 = tpu.vector_load %arg9[%get3A_298, %get3A_299] {strides = array<i32>} : memref<2x128xi32, #tpu.memory_space<vmem>>, vector<1x16xi32>,
      %get3A_301 = vector.shape_cast %get3A_300 : vector<1x16xi32> to vector<16xi32>
      %mul3A_302 = arith.constant 2 : i32
      %mul3A_303 = vector.broadcast %mul3A_302 : i32 to vector<16xi32>
      %mul3A_304 = arith.muli %get3A_301, %mul3A_303 : vector<16xi32>
      %add3A_305 = vector.broadcast %arg0 : i32 to vector<16xi32>
      %add3A_306 = arith.addi %mul3A_304, %add3A_305 : vector<16xi32>
      %mul3A_307 = arith.constant 16 : i32
      %mul3A_308 = arith.muli %add3A_295, %mul3A_307 : i32
      %swap3A = arith.index_cast %mul3A_308 : i32 to index
      %swap3A_309 = tpu.vector_load %arg17[%swap3A] {strides = array<i32>} : memref<128xi32, #tpu.memory_space<vmem>>, vector<16xi32>,
      %swap3A_310 = vector.shape_cast %swap3A_309 : vector<16xi32> to vector<16xi32>
      %swap3A_311 = vector.shape_cast %add3A_306 : vector<16xi32> to vector<16xi32>
      tpu.vector_store %arg17[%swap3A], %swap3A_311 {strides = array<i32>} : memref<128xi32, #tpu.memory_space<vmem>>, vector<16xi32>,
    }
    %scan3A_140 = arith.constant 8 : i32
    %dma_start3A_141 = arith.constant 0 : i32
    %dma_start3A_142 = arith.constant 0 : i32
    %dma_start3A_143 = tpu.memref_slice %arg2[%dma_start3A_141, %dma_start3A_142] : memref<20000x64xf32, #tpu.memory_space<hbm>> -> memref<20000x64xf32, #tpu.memory_space<hbm>>
    tpu.enqueue_indirect_dma source(%dma_start3A_143 : memref<20000x64xf32, #tpu.memory_space<hbm>>) target(%arg25 : memref<128x64xf32, #tpu.memory_space<vmem>>) offsets(%arg17 : memref<128xi32, #tpu.memory_space<vmem>>) semaphore(%arg48 : memref<!tpu.dma_semaphore, #tpu.memory_space<semaphore_mem>>)
    %dma_wait3A_144 = arith.constant 0 : i32
    %dma_wait3A_145 = arith.constant 0 : i32
    %dma_wait3A_146 = tpu.memref_slice %arg2[%dma_wait3A_144, %dma_wait3A_145] : memref<20000x64xf32, #tpu.memory_space<hbm>> -> memref<128x64xf32, #tpu.memory_space<hbm>>
    %dma_wait3A_147 = arith.constant 0 : i32
    %dma_wait3A_148 = arith.constant 0 : i32
    %dma_wait3A_149 = tpu.memref_slice %arg2[%dma_wait3A_147, %dma_wait3A_148] : memref<20000x64xf32, #tpu.memory_space<hbm>> -> memref<128x64xf32, #tpu.memory_space<hbm>>
    tpu.wait_dma2 semaphore(%arg45 : memref<!tpu.dma_semaphore, #tpu.memory_space<semaphore_mem>>) src(%dma_wait3A_149 : memref<128x64xf32, #tpu.memory_space<hbm>>) dst(%arg22 : memref<128x64xf32, #tpu.memory_space<vmem>>)
    %dma_start3A_150 = arith.constant 1 : i32
    %dma_start3A_151 = arith.constant 0 : i32
    %dma_start3A_152 = tpu.memref_slice %arg6[%dma_start3A_150, %dma_start3A_151] : memref<2x128xi32, #tpu.memory_space<vmem>> -> memref<1x128xi32, #tpu.memory_space<vmem>>
    %dma_start3A_153 = tpu.memref_squeeze %dma_start3A_152 : memref<1x128xi32, #tpu.memory_space<vmem>> -> memref<128xi32, #tpu.memory_space<vmem>>
    %dma_start3A_154 = arith.constant 0 : i32
    %dma_start3A_155 = arith.constant 0 : i32
    %dma_start3A_156 = tpu.memref_slice %arg35[%dma_start3A_154, %dma_start3A_155] : memref<10000x64xf32, #tpu.memory_space<vmem_shared>> -> memref<10000x64xf32, #tpu.memory_space<vmem_shared>>
    tpu.enqueue_indirect_dma source(%arg22 : memref<128x64xf32, #tpu.memory_space<vmem>>) target(%dma_start3A_156 : memref<10000x64xf32, #tpu.memory_space<vmem_shared>>) offsets(%dma_start3A_153 : memref<128xi32, #tpu.memory_space<vmem>>) semaphore(%arg53 : memref<!tpu.dma_semaphore, #tpu.memory_space<semaphore_mem>>) {add = true}
    %eq3A_157 = arith.constant 0 : i32
    %eq3A_158 = arith.cmpi eq, %arg0, %eq3A_157 : i32
    %convert_element_type3A_159 = arith.extui %eq3A_158 : i1 to i32
    %cond3A_160 = arith.constant 0 : i32
    %cond3A_161 = arith.cmpi ne, %convert_element_type3A_159, %cond3A_160 : i32
    scf.if %cond3A_161 {
      %dma_start3A_291 = arith.constant 1 : i32
      %dma_start3A_292 = arith.constant 0 : i32
      %dma_start3A_293 = tpu.memref_slice %arg6[%dma_start3A_291, %dma_start3A_292] : memref<2x128xi32, #tpu.memory_space<vmem>> -> memref<1x128xi32, #tpu.memory_space<vmem>>
      %dma_start3A_294 = tpu.memref_squeeze %dma_start3A_293 : memref<1x128xi32, #tpu.memory_space<vmem>> -> memref<128xi32, #tpu.memory_space<vmem>>
      %dma_start3A_295 = arith.constant 0 : i32
      %dma_start3A_296 = arith.constant 0 : i32
      %dma_start3A_297 = tpu.memref_slice %arg36[%dma_start3A_295, %dma_start3A_296] : memref<10000x16xf32, #tpu.memory_space<vmem_shared>> -> memref<10000x16xf32, #tpu.memory_space<vmem_shared>>
      tpu.enqueue_indirect_dma source(%arg32 : memref<128x16xf32, #tpu.memory_space<vmem>>) target(%dma_start3A_297 : memref<10000x16xf32, #tpu.memory_space<vmem_shared>>) offsets(%dma_start3A_294 : memref<128xi32, #tpu.memory_space<vmem>>) semaphore(%arg53 : memref<!tpu.dma_semaphore, #tpu.memory_space<semaphore_mem>>) {add = true}
    } else {
    }
    %dma_wait3A_162 = arith.constant 0 : i32
    %dma_wait3A_163 = arith.constant 0 : i32
    %dma_wait3A_164 = tpu.memref_slice %arg2[%dma_wait3A_162, %dma_wait3A_163] : memref<20000x64xf32, #tpu.memory_space<hbm>> -> memref<128x64xf32, #tpu.memory_space<hbm>>
    %dma_wait3A_165 = arith.constant 0 : i32
    %dma_wait3A_166 = arith.constant 0 : i32
    %dma_wait3A_167 = tpu.memref_slice %arg2[%dma_wait3A_165, %dma_wait3A_166] : memref<20000x64xf32, #tpu.memory_space<hbm>> -> memref<128x64xf32, #tpu.memory_space<hbm>>
    tpu.wait_dma2 semaphore(%arg46 : memref<!tpu.dma_semaphore, #tpu.memory_space<semaphore_mem>>) src(%dma_wait3A_167 : memref<128x64xf32, #tpu.memory_space<hbm>>) dst(%arg23 : memref<128x64xf32, #tpu.memory_space<vmem>>)
    %dma_start3A_168 = arith.constant 1 : i32
    %dma_start3A_169 = arith.constant 0 : i32
    %dma_start3A_170 = tpu.memref_slice %arg7[%dma_start3A_168, %dma_start3A_169] : memref<2x128xi32, #tpu.memory_space<vmem>> -> memref<1x128xi32, #tpu.memory_space<vmem>>
    %dma_start3A_171 = tpu.memref_squeeze %dma_start3A_170 : memref<1x128xi32, #tpu.memory_space<vmem>> -> memref<128xi32, #tpu.memory_space<vmem>>
    %dma_start3A_172 = arith.constant 0 : i32
    %dma_start3A_173 = arith.constant 0 : i32
    %dma_start3A_174 = tpu.memref_slice %arg35[%dma_start3A_172, %dma_start3A_173] : memref<10000x64xf32, #tpu.memory_space<vmem_shared>> -> memref<10000x64xf32, #tpu.memory_space<vmem_shared>>
    tpu.enqueue_indirect_dma source(%arg23 : memref<128x64xf32, #tpu.memory_space<vmem>>) target(%dma_start3A_174 : memref<10000x64xf32, #tpu.memory_space<vmem_shared>>) offsets(%dma_start3A_171 : memref<128xi32, #tpu.memory_space<vmem>>) semaphore(%arg54 : memref<!tpu.dma_semaphore, #tpu.memory_space<semaphore_mem>>) {add = true}
    %eq3A_175 = arith.constant 1 : i32
    %eq3A_176 = arith.cmpi eq, %arg0, %eq3A_175 : i32
    %convert_element_type3A_177 = arith.extui %eq3A_176 : i1 to i32
    %cond3A_178 = arith.constant 0 : i32
    %cond3A_179 = arith.cmpi ne, %convert_element_type3A_177, %cond3A_178 : i32
    scf.if %cond3A_179 {
      %dma_start3A_291 = arith.constant 1 : i32
      %dma_start3A_292 = arith.constant 0 : i32
      %dma_start3A_293 = tpu.memref_slice %arg7[%dma_start3A_291, %dma_start3A_292] : memref<2x128xi32, #tpu.memory_space<vmem>> -> memref<1x128xi32, #tpu.memory_space<vmem>>
      %dma_start3A_294 = tpu.memref_squeeze %dma_start3A_293 : memref<1x128xi32, #tpu.memory_space<vmem>> -> memref<128xi32, #tpu.memory_space<vmem>>
      %dma_start3A_295 = arith.constant 0 : i32
      %dma_start3A_296 = arith.constant 0 : i32
      %dma_start3A_297 = tpu.memref_slice %arg36[%dma_start3A_295, %dma_start3A_296] : memref<10000x16xf32, #tpu.memory_space<vmem_shared>> -> memref<10000x16xf32, #tpu.memory_space<vmem_shared>>
      tpu.enqueue_indirect_dma source(%arg32 : memref<128x16xf32, #tpu.memory_space<vmem>>) target(%dma_start3A_297 : memref<10000x16xf32, #tpu.memory_space<vmem_shared>>) offsets(%dma_start3A_294 : memref<128xi32, #tpu.memory_space<vmem>>) semaphore(%arg54 : memref<!tpu.dma_semaphore, #tpu.memory_space<semaphore_mem>>) {add = true}
    } else {
    }
    %dma_wait3A_180 = arith.constant 0 : i32
    %dma_wait3A_181 = arith.constant 0 : i32
    %dma_wait3A_182 = tpu.memref_slice %arg2[%dma_wait3A_180, %dma_wait3A_181] : memref<20000x64xf32, #tpu.memory_space<hbm>> -> memref<128x64xf32, #tpu.memory_space<hbm>>
    %dma_wait3A_183 = arith.constant 0 : i32
    %dma_wait3A_184 = arith.constant 0 : i32
    %dma_wait3A_185 = tpu.memref_slice %arg2[%dma_wait3A_183, %dma_wait3A_184] : memref<20000x64xf32, #tpu.memory_space<hbm>> -> memref<128x64xf32, #tpu.memory_space<hbm>>
    tpu.wait_dma2 semaphore(%arg47 : memref<!tpu.dma_semaphore, #tpu.memory_space<semaphore_mem>>) src(%dma_wait3A_185 : memref<128x64xf32, #tpu.memory_space<hbm>>) dst(%arg24 : memref<128x64xf32, #tpu.memory_space<vmem>>)
    %dma_start3A_186 = arith.constant 1 : i32
    %dma_start3A_187 = arith.constant 0 : i32
    %dma_start3A_188 = tpu.memref_slice %arg8[%dma_start3A_186, %dma_start3A_187] : memref<2x128xi32, #tpu.memory_space<vmem>> -> memref<1x128xi32, #tpu.memory_space<vmem>>
    %dma_start3A_189 = tpu.memref_squeeze %dma_start3A_188 : memref<1x128xi32, #tpu.memory_space<vmem>> -> memref<128xi32, #tpu.memory_space<vmem>>
    %dma_start3A_190 = arith.constant 0 : i32
    %dma_start3A_191 = arith.constant 0 : i32
    %dma_start3A_192 = tpu.memref_slice %arg35[%dma_start3A_190, %dma_start3A_191] : memref<10000x64xf32, #tpu.memory_space<vmem_shared>> -> memref<10000x64xf32, #tpu.memory_space<vmem_shared>>
    tpu.enqueue_indirect_dma source(%arg24 : memref<128x64xf32, #tpu.memory_space<vmem>>) target(%dma_start3A_192 : memref<10000x64xf32, #tpu.memory_space<vmem_shared>>) offsets(%dma_start3A_189 : memref<128xi32, #tpu.memory_space<vmem>>) semaphore(%arg55 : memref<!tpu.dma_semaphore, #tpu.memory_space<semaphore_mem>>) {add = true}
    %eq3A_193 = arith.constant 0 : i32
    %eq3A_194 = arith.cmpi eq, %arg0, %eq3A_193 : i32
    %convert_element_type3A_195 = arith.extui %eq3A_194 : i1 to i32
    %cond3A_196 = arith.constant 0 : i32
    %cond3A_197 = arith.cmpi ne, %convert_element_type3A_195, %cond3A_196 : i32
    scf.if %cond3A_197 {
      %dma_start3A_291 = arith.constant 1 : i32
      %dma_start3A_292 = arith.constant 0 : i32
      %dma_start3A_293 = tpu.memref_slice %arg8[%dma_start3A_291, %dma_start3A_292] : memref<2x128xi32, #tpu.memory_space<vmem>> -> memref<1x128xi32, #tpu.memory_space<vmem>>
      %dma_start3A_294 = tpu.memref_squeeze %dma_start3A_293 : memref<1x128xi32, #tpu.memory_space<vmem>> -> memref<128xi32, #tpu.memory_space<vmem>>
      %dma_start3A_295 = arith.constant 0 : i32
      %dma_start3A_296 = arith.constant 0 : i32
      %dma_start3A_297 = tpu.memref_slice %arg36[%dma_start3A_295, %dma_start3A_296] : memref<10000x16xf32, #tpu.memory_space<vmem_shared>> -> memref<10000x16xf32, #tpu.memory_space<vmem_shared>>
      tpu.enqueue_indirect_dma source(%arg32 : memref<128x16xf32, #tpu.memory_space<vmem>>) target(%dma_start3A_297 : memref<10000x16xf32, #tpu.memory_space<vmem_shared>>) offsets(%dma_start3A_294 : memref<128xi32, #tpu.memory_space<vmem>>) semaphore(%arg55 : memref<!tpu.dma_semaphore, #tpu.memory_space<semaphore_mem>>) {add = true}
    } else {
    }
    %dma_wait3A_198 = arith.constant 0 : i32
    %dma_wait3A_199 = arith.constant 0 : i32
    %dma_wait3A_200 = tpu.memref_slice %arg2[%dma_wait3A_198, %dma_wait3A_199] : memref<20000x64xf32, #tpu.memory_space<hbm>> -> memref<128x64xf32, #tpu.memory_space<hbm>>
    %dma_wait3A_201 = arith.constant 0 : i32
    %dma_wait3A_202 = arith.constant 0 : i32
    %dma_wait3A_203 = tpu.memref_slice %arg2[%dma_wait3A_201, %dma_wait3A_202] : memref<20000x64xf32, #tpu.memory_space<hbm>> -> memref<128x64xf32, #tpu.memory_space<hbm>>
    tpu.wait_dma2 semaphore(%arg48 : memref<!tpu.dma_semaphore, #tpu.memory_space<semaphore_mem>>) src(%dma_wait3A_203 : memref<128x64xf32, #tpu.memory_space<hbm>>) dst(%arg25 : memref<128x64xf32, #tpu.memory_space<vmem>>)
    %dma_start3A_204 = arith.constant 1 : i32
    %dma_start3A_205 = arith.constant 0 : i32
    %dma_start3A_206 = tpu.memref_slice %arg9[%dma_start3A_204, %dma_start3A_205] : memref<2x128xi32, #tpu.memory_space<vmem>> -> memref<1x128xi32, #tpu.memory_space<vmem>>
    %dma_start3A_207 = tpu.memref_squeeze %dma_start3A_206 : memref<1x128xi32, #tpu.memory_space<vmem>> -> memref<128xi32, #tpu.memory_space<vmem>>
    %dma_start3A_208 = arith.constant 0 : i32
    %dma_start3A_209 = arith.constant 0 : i32
    %dma_start3A_210 = tpu.memref_slice %arg35[%dma_start3A_208, %dma_start3A_209] : memref<10000x64xf32, #tpu.memory_space<vmem_shared>> -> memref<10000x64xf32, #tpu.memory_space<vmem_shared>>
    tpu.enqueue_indirect_dma source(%arg25 : memref<128x64xf32, #tpu.memory_space<vmem>>) target(%dma_start3A_210 : memref<10000x64xf32, #tpu.memory_space<vmem_shared>>) offsets(%dma_start3A_207 : memref<128xi32, #tpu.memory_space<vmem>>) semaphore(%arg56 : memref<!tpu.dma_semaphore, #tpu.memory_space<semaphore_mem>>) {add = true}
    %eq3A_211 = arith.constant 1 : i32
    %eq3A_212 = arith.cmpi eq, %arg0, %eq3A_211 : i32
    %convert_element_type3A_213 = arith.extui %eq3A_212 : i1 to i32
    %cond3A_214 = arith.constant 0 : i32
    %cond3A_215 = arith.cmpi ne, %convert_element_type3A_213, %cond3A_214 : i32
    scf.if %cond3A_215 {
      %dma_start3A_291 = arith.constant 1 : i32
      %dma_start3A_292 = arith.constant 0 : i32
      %dma_start3A_293 = tpu.memref_slice %arg9[%dma_start3A_291, %dma_start3A_292] : memref<2x128xi32, #tpu.memory_space<vmem>> -> memref<1x128xi32, #tpu.memory_space<vmem>>
      %dma_start3A_294 = tpu.memref_squeeze %dma_start3A_293 : memref<1x128xi32, #tpu.memory_space<vmem>> -> memref<128xi32, #tpu.memory_space<vmem>>
      %dma_start3A_295 = arith.constant 0 : i32
      %dma_start3A_296 = arith.constant 0 : i32
      %dma_start3A_297 = tpu.memref_slice %arg36[%dma_start3A_295, %dma_start3A_296] : memref<10000x16xf32, #tpu.memory_space<vmem_shared>> -> memref<10000x16xf32, #tpu.memory_space<vmem_shared>>
      tpu.enqueue_indirect_dma source(%arg32 : memref<128x16xf32, #tpu.memory_space<vmem>>) target(%dma_start3A_297 : memref<10000x16xf32, #tpu.memory_space<vmem_shared>>) offsets(%dma_start3A_294 : memref<128xi32, #tpu.memory_space<vmem>>) semaphore(%arg56 : memref<!tpu.dma_semaphore, #tpu.memory_space<semaphore_mem>>) {add = true}
    } else {
    }
    %dma_wait3A_216 = arith.constant 0 : i32
    %dma_wait3A_217 = arith.constant 0 : i32
    %dma_wait3A_218 = tpu.memref_slice %arg2[%dma_wait3A_216, %dma_wait3A_217] : memref<20000x64xf32, #tpu.memory_space<hbm>> -> memref<128x64xf32, #tpu.memory_space<hbm>>
    %dma_wait3A_219 = arith.constant 0 : i32
    %dma_wait3A_220 = arith.constant 0 : i32
    %dma_wait3A_221 = tpu.memref_slice %arg2[%dma_wait3A_219, %dma_wait3A_220] : memref<20000x64xf32, #tpu.memory_space<hbm>> -> memref<128x64xf32, #tpu.memory_space<hbm>>
    tpu.wait_dma2 semaphore(%arg53 : memref<!tpu.dma_semaphore, #tpu.memory_space<semaphore_mem>>) src(%dma_wait3A_221 : memref<128x64xf32, #tpu.memory_space<hbm>>) dst(%arg22 : memref<128x64xf32, #tpu.memory_space<vmem>>)
    %eq3A_222 = arith.constant 0 : i32
    %eq3A_223 = arith.cmpi eq, %arg0, %eq3A_222 : i32
    %convert_element_type3A_224 = arith.extui %eq3A_223 : i1 to i32
    %cond3A_225 = arith.constant 0 : i32
    %cond3A_226 = arith.cmpi ne, %convert_element_type3A_224, %cond3A_225 : i32
    scf.if %cond3A_226 {
      %dma_wait3A_291 = arith.constant 0 : i32
      %dma_wait3A_292 = arith.constant 0 : i32
      %dma_wait3A_293 = arith.constant 0 : i32
      %dma_wait3A_294 = tpu.memref_slice %arg5[%dma_wait3A_291, %dma_wait3A_292, %dma_wait3A_293] : memref<2x10000x16xf32, #tpu.memory_space<hbm>> -> memref<1x128x16xf32, #tpu.memory_space<hbm>>
      %dma_wait3A_295 = tpu.memref_squeeze %dma_wait3A_294 : memref<1x128x16xf32, #tpu.memory_space<hbm>> -> memref<128x16xf32, #tpu.memory_space<hbm>>
      %dma_wait3A_296 = arith.constant 0 : i32
      %dma_wait3A_297 = arith.constant 0 : i32
      %dma_wait3A_298 = tpu.memref_slice %arg5[%dma_wait3A_291, %dma_wait3A_296, %dma_wait3A_297] : memref<2x10000x16xf32, #tpu.memory_space<hbm>> -> memref<1x128x16xf32, #tpu.memory_space<hbm>>
      %dma_wait3A_299 = tpu.memref_squeeze %dma_wait3A_298 : memref<1x128x16xf32, #tpu.memory_space<hbm>> -> memref<128x16xf32, #tpu.memory_space<hbm>>
      tpu.wait_dma2 semaphore(%arg53 : memref<!tpu.dma_semaphore, #tpu.memory_space<semaphore_mem>>) src(%dma_wait3A_299 : memref<128x16xf32, #tpu.memory_space<hbm>>) dst(%arg32 : memref<128x16xf32, #tpu.memory_space<vmem>>)
    } else {
    }
    %dma_wait3A_227 = arith.constant 0 : i32
    %dma_wait3A_228 = arith.constant 0 : i32
    %dma_wait3A_229 = tpu.memref_slice %arg2[%dma_wait3A_227, %dma_wait3A_228] : memref<20000x64xf32, #tpu.memory_space<hbm>> -> memref<128x64xf32, #tpu.memory_space<hbm>>
    %dma_wait3A_230 = arith.constant 0 : i32
    %dma_wait3A_231 = arith.constant 0 : i32
    %dma_wait3A_232 = tpu.memref_slice %arg2[%dma_wait3A_230, %dma_wait3A_231] : memref<20000x64xf32, #tpu.memory_space<hbm>> -> memref<128x64xf32, #tpu.memory_space<hbm>>
    tpu.wait_dma2 semaphore(%arg54 : memref<!tpu.dma_semaphore, #tpu.memory_space<semaphore_mem>>) src(%dma_wait3A_232 : memref<128x64xf32, #tpu.memory_space<hbm>>) dst(%arg23 : memref<128x64xf32, #tpu.memory_space<vmem>>)
    %eq3A_233 = arith.constant 1 : i32
    %eq3A_234 = arith.cmpi eq, %arg0, %eq3A_233 : i32
    %convert_element_type3A_235 = arith.extui %eq3A_234 : i1 to i32
    %cond3A_236 = arith.constant 0 : i32
    %cond3A_237 = arith.cmpi ne, %convert_element_type3A_235, %cond3A_236 : i32
    scf.if %cond3A_237 {
      %dma_wait3A_291 = arith.constant 0 : i32
      %dma_wait3A_292 = arith.constant 0 : i32
      %dma_wait3A_293 = arith.constant 0 : i32
      %dma_wait3A_294 = tpu.memref_slice %arg5[%dma_wait3A_291, %dma_wait3A_292, %dma_wait3A_293] : memref<2x10000x16xf32, #tpu.memory_space<hbm>> -> memref<1x128x16xf32, #tpu.memory_space<hbm>>
      %dma_wait3A_295 = tpu.memref_squeeze %dma_wait3A_294 : memref<1x128x16xf32, #tpu.memory_space<hbm>> -> memref<128x16xf32, #tpu.memory_space<hbm>>
      %dma_wait3A_296 = arith.constant 0 : i32
      %dma_wait3A_297 = arith.constant 0 : i32
      %dma_wait3A_298 = tpu.memref_slice %arg5[%dma_wait3A_291, %dma_wait3A_296, %dma_wait3A_297] : memref<2x10000x16xf32, #tpu.memory_space<hbm>> -> memref<1x128x16xf32, #tpu.memory_space<hbm>>
      %dma_wait3A_299 = tpu.memref_squeeze %dma_wait3A_298 : memref<1x128x16xf32, #tpu.memory_space<hbm>> -> memref<128x16xf32, #tpu.memory_space<hbm>>
      tpu.wait_dma2 semaphore(%arg54 : memref<!tpu.dma_semaphore, #tpu.memory_space<semaphore_mem>>) src(%dma_wait3A_299 : memref<128x16xf32, #tpu.memory_space<hbm>>) dst(%arg32 : memref<128x16xf32, #tpu.memory_space<vmem>>)
    } else {
    }
    %dma_wait3A_238 = arith.constant 0 : i32
    %dma_wait3A_239 = arith.constant 0 : i32
    %dma_wait3A_240 = tpu.memref_slice %arg2[%dma_wait3A_238, %dma_wait3A_239] : memref<20000x64xf32, #tpu.memory_space<hbm>> -> memref<128x64xf32, #tpu.memory_space<hbm>>
    %dma_wait3A_241 = arith.constant 0 : i32
    %dma_wait3A_242 = arith.constant 0 : i32
    %dma_wait3A_243 = tpu.memref_slice %arg2[%dma_wait3A_241, %dma_wait3A_242] : memref<20000x64xf32, #tpu.memory_space<hbm>> -> memref<128x64xf32, #tpu.memory_space<hbm>>
    tpu.wait_dma2 semaphore(%arg55 : memref<!tpu.dma_semaphore, #tpu.memory_space<semaphore_mem>>) src(%dma_wait3A_243 : memref<128x64xf32, #tpu.memory_space<hbm>>) dst(%arg24 : memref<128x64xf32, #tpu.memory_space<vmem>>)
    %eq3A_244 = arith.constant 0 : i32
    %eq3A_245 = arith.cmpi eq, %arg0, %eq3A_244 : i32
    %convert_element_type3A_246 = arith.extui %eq3A_245 : i1 to i32
    %cond3A_247 = arith.constant 0 : i32
    %cond3A_248 = arith.cmpi ne, %convert_element_type3A_246, %cond3A_247 : i32
    scf.if %cond3A_248 {
      %dma_wait3A_291 = arith.constant 0 : i32
      %dma_wait3A_292 = arith.constant 0 : i32
      %dma_wait3A_293 = arith.constant 0 : i32
      %dma_wait3A_294 = tpu.memref_slice %arg5[%dma_wait3A_291, %dma_wait3A_292, %dma_wait3A_293] : memref<2x10000x16xf32, #tpu.memory_space<hbm>> -> memref<1x128x16xf32, #tpu.memory_space<hbm>>
      %dma_wait3A_295 = tpu.memref_squeeze %dma_wait3A_294 : memref<1x128x16xf32, #tpu.memory_space<hbm>> -> memref<128x16xf32, #tpu.memory_space<hbm>>
      %dma_wait3A_296 = arith.constant 0 : i32
      %dma_wait3A_297 = arith.constant 0 : i32
      %dma_wait3A_298 = tpu.memref_slice %arg5[%dma_wait3A_291, %dma_wait3A_296, %dma_wait3A_297] : memref<2x10000x16xf32, #tpu.memory_space<hbm>> -> memref<1x128x16xf32, #tpu.memory_space<hbm>>
      %dma_wait3A_299 = tpu.memref_squeeze %dma_wait3A_298 : memref<1x128x16xf32, #tpu.memory_space<hbm>> -> memref<128x16xf32, #tpu.memory_space<hbm>>
      tpu.wait_dma2 semaphore(%arg55 : memref<!tpu.dma_semaphore, #tpu.memory_space<semaphore_mem>>) src(%dma_wait3A_299 : memref<128x16xf32, #tpu.memory_space<hbm>>) dst(%arg32 : memref<128x16xf32, #tpu.memory_space<vmem>>)
    } else {
    }
    %dma_wait3A_249 = arith.constant 0 : i32
    %dma_wait3A_250 = arith.constant 0 : i32
    %dma_wait3A_251 = tpu.memref_slice %arg2[%dma_wait3A_249, %dma_wait3A_250] : memref<20000x64xf32, #tpu.memory_space<hbm>> -> memref<128x64xf32, #tpu.memory_space<hbm>>
    %dma_wait3A_252 = arith.constant 0 : i32
    %dma_wait3A_253 = arith.constant 0 : i32
    %dma_wait3A_254 = tpu.memref_slice %arg2[%dma_wait3A_252, %dma_wait3A_253] : memref<20000x64xf32, #tpu.memory_space<hbm>> -> memref<128x64xf32, #tpu.memory_space<hbm>>
    tpu.wait_dma2 semaphore(%arg56 : memref<!tpu.dma_semaphore, #tpu.memory_space<semaphore_mem>>) src(%dma_wait3A_254 : memref<128x64xf32, #tpu.memory_space<hbm>>) dst(%arg25 : memref<128x64xf32, #tpu.memory_space<vmem>>)
    %eq3A_255 = arith.constant 1 : i32
    %eq3A_256 = arith.cmpi eq, %arg0, %eq3A_255 : i32
    %convert_element_type3A_257 = arith.extui %eq3A_256 : i1 to i32
    %cond3A_258 = arith.constant 0 : i32
    %cond3A_259 = arith.cmpi ne, %convert_element_type3A_257, %cond3A_258 : i32
    scf.if %cond3A_259 {
      %dma_wait3A_291 = arith.constant 0 : i32
      %dma_wait3A_292 = arith.constant 0 : i32
      %dma_wait3A_293 = arith.constant 0 : i32
      %dma_wait3A_294 = tpu.memref_slice %arg5[%dma_wait3A_291, %dma_wait3A_292, %dma_wait3A_293] : memref<2x10000x16xf32, #tpu.memory_space<hbm>> -> memref<1x128x16xf32, #tpu.memory_space<hbm>>
      %dma_wait3A_295 = tpu.memref_squeeze %dma_wait3A_294 : memref<1x128x16xf32, #tpu.memory_space<hbm>> -> memref<128x16xf32, #tpu.memory_space<hbm>>
      %dma_wait3A_296 = arith.constant 0 : i32
      %dma_wait3A_297 = arith.constant 0 : i32
      %dma_wait3A_298 = tpu.memref_slice %arg5[%dma_wait3A_291, %dma_wait3A_296, %dma_wait3A_297] : memref<2x10000x16xf32, #tpu.memory_space<hbm>> -> memref<1x128x16xf32, #tpu.memory_space<hbm>>
      %dma_wait3A_299 = tpu.memref_squeeze %dma_wait3A_298 : memref<1x128x16xf32, #tpu.memory_space<hbm>> -> memref<128x16xf32, #tpu.memory_space<hbm>>
      tpu.wait_dma2 semaphore(%arg56 : memref<!tpu.dma_semaphore, #tpu.memory_space<semaphore_mem>>) src(%dma_wait3A_299 : memref<128x16xf32, #tpu.memory_space<hbm>>) dst(%arg32 : memref<128x16xf32, #tpu.memory_space<vmem>>)
    } else {
    }
    %add3A_260 = arith.constant 19968 : i32
    %add3A_261 = arith.addi %mul3A_14, %add3A_260 : i32
    %multiple_of3A_262 = tpu.assume_multiple %add3A_261, 8 : i32
    "tpu.region"() ({
      %run_scoped3A_291 = tpu.sem_alloc : memref<!tpu.dma_semaphore, #tpu.memory_space<semaphore_mem>>
      %dma_start3A_292 = arith.constant 0 : i32
      %dma_start3A_293 = tpu.memref_slice %arg3[%dma_start3A_292, %multiple_of3A_262] : memref<2x320000xi32, #tpu.memory_space<hbm>> -> memref<2x32xi32, #tpu.memory_space<hbm>>
      %dma_start3A_294 = arith.constant 0 : i32
      %dma_start3A_295 = tpu.memref_slice %arg3[%dma_start3A_294, %multiple_of3A_262] : memref<2x320000xi32, #tpu.memory_space<hbm>> -> memref<2x32xi32, #tpu.memory_space<hbm>>
      tpu.enqueue_dma source(%dma_start3A_295 : memref<2x32xi32, #tpu.memory_space<hbm>>) target(%arg30 : memref<2x32xi32, #tpu.memory_space<vmem>>) target_semaphore(%run_scoped3A_291 : memref<!tpu.dma_semaphore, #tpu.memory_space<semaphore_mem>>)
      %dma_wait3A_296 = arith.constant 0 : i32
      %dma_wait3A_297 = tpu.memref_slice %arg3[%dma_wait3A_296, %multiple_of3A_262] : memref<2x320000xi32, #tpu.memory_space<hbm>> -> memref<2x32xi32, #tpu.memory_space<hbm>>
      %dma_wait3A_298 = arith.constant 0 : i32
      %dma_wait3A_299 = tpu.memref_slice %arg3[%dma_wait3A_298, %multiple_of3A_262] : memref<2x320000xi32, #tpu.memory_space<hbm>> -> memref<2x32xi32, #tpu.memory_space<hbm>>
      tpu.wait_dma2 semaphore(%run_scoped3A_291 : memref<!tpu.dma_semaphore, #tpu.memory_space<semaphore_mem>>) src(%dma_wait3A_299 : memref<2x32xi32, #tpu.memory_space<hbm>>) dst(%arg30 : memref<2x32xi32, #tpu.memory_space<vmem>>)
      tpu.yield
    }) : () -> ()
    %scan3A_263 = arith.constant 0 : i32
    %scan3A_264 = arith.constant 2 : i32
    %scan3A_265 = arith.addi %scan3A_263, %scan3A_264 : i32
    %scan3A_266 = arith.constant 1 : i32
    scf.for %scan3A_291 = %scan3A_263 to %scan3A_265 step %scan3A_266  : i32 {
      %mul3A_292 = arith.constant 1 : i32
      %mul3A_293 = arith.muli %scan3A_291, %mul3A_292 : i32
      %add3A_294 = arith.constant 0 : i32
      %add3A_295 = arith.addi %add3A_294, %mul3A_293 : i32
      %mul3A_296 = arith.constant 16 : i32
      %mul3A_297 = arith.muli %add3A_295, %mul3A_296 : i32
      %get3A = arith.constant 0 : i32
      %get3A_298 = arith.index_cast %get3A : i32 to index
      %get3A_299 = arith.index_cast %mul3A_297 : i32 to index
      %get3A_300 = tpu.vector_load %arg30[%get3A_298, %get3A_299] {strides = array<i32>} : memref<2x32xi32, #tpu.memory_space<vmem>>, vector<1x16xi32>,
      %get3A_301 = vector.shape_cast %get3A_300 : vector<1x16xi32> to vector<16xi32>
      %mul3A_302 = arith.constant 2 : i32
      %mul3A_303 = vector.broadcast %mul3A_302 : i32 to vector<16xi32>
      %mul3A_304 = arith.muli %get3A_301, %mul3A_303 : vector<16xi32>
      %add3A_305 = vector.broadcast %arg0 : i32 to vector<16xi32>
      %add3A_306 = arith.addi %mul3A_304, %add3A_305 : vector<16xi32>
      %mul3A_307 = arith.constant 16 : i32
      %mul3A_308 = arith.muli %add3A_295, %mul3A_307 : i32
      %swap3A = arith.index_cast %mul3A_308 : i32 to index
      %swap3A_309 = tpu.vector_load %arg31[%swap3A] {strides = array<i32>} : memref<32xi32, #tpu.memory_space<vmem>>, vector<16xi32>,
      %swap3A_310 = vector.shape_cast %swap3A_309 : vector<16xi32> to vector<16xi32>
      %swap3A_311 = vector.shape_cast %add3A_306 : vector<16xi32> to vector<16xi32>
      tpu.vector_store %arg31[%swap3A], %swap3A_311 {strides = array<i32>} : memref<32xi32, #tpu.memory_space<vmem>>, vector<16xi32>,
    }
    %scan3A_267 = arith.constant 2 : i32
    %dma_start3A_268 = arith.constant 0 : i32
    %dma_start3A_269 = arith.constant 0 : i32
    %dma_start3A_270 = tpu.memref_slice %arg22[%dma_start3A_268, %dma_start3A_269] : memref<128x64xf32, #tpu.memory_space<vmem>> -> memref<32x64xf32, #tpu.memory_space<vmem>>
    %dma_start3A_271 = arith.constant 0 : i32
    %dma_start3A_272 = arith.constant 0 : i32
    %dma_start3A_273 = tpu.memref_slice %arg2[%dma_start3A_271, %dma_start3A_272] : memref<20000x64xf32, #tpu.memory_space<hbm>> -> memref<20000x64xf32, #tpu.memory_space<hbm>>
    tpu.enqueue_indirect_dma source(%dma_start3A_273 : memref<20000x64xf32, #tpu.memory_space<hbm>>) target(%dma_start3A_270 : memref<32x64xf32, #tpu.memory_space<vmem>>) offsets(%arg31 : memref<32xi32, #tpu.memory_space<vmem>>) semaphore(%arg61 : memref<!tpu.dma_semaphore, #tpu.memory_space<semaphore_mem>>)
    %dma_wait3A_274 = arith.constant 0 : i32
    %dma_wait3A_275 = arith.constant 0 : i32
    %dma_wait3A_276 = tpu.memref_slice %arg22[%dma_wait3A_274, %dma_wait3A_275] : memref<128x64xf32, #tpu.memory_space<vmem>> -> memref<32x64xf32, #tpu.memory_space<vmem>>
    %dma_wait3A_277 = arith.constant 0 : i32
    %dma_wait3A_278 = arith.constant 0 : i32
    %dma_wait3A_279 = tpu.memref_slice %arg2[%dma_wait3A_277, %dma_wait3A_278] : memref<20000x64xf32, #tpu.memory_space<hbm>> -> memref<20000x64xf32, #tpu.memory_space<hbm>>
    tpu.wait_indirect_dma semaphore(%arg61 : memref<!tpu.dma_semaphore, #tpu.memory_space<semaphore_mem>>) src(%dma_wait3A_279 : memref<20000x64xf32, #tpu.memory_space<hbm>>) dst(%dma_wait3A_276 : memref<32x64xf32, #tpu.memory_space<vmem>>)
    %run_scoped3A = arith.constant 1 : i32
    "tpu.region"() ({
      %run_scoped3A_291 = tpu.sem_alloc : memref<!tpu.dma_semaphore, #tpu.memory_space<semaphore_mem>>
      %dma_start3A_292 = arith.constant 0 : i32
      %dma_start3A_293 = arith.constant 0 : i32
      %dma_start3A_294 = tpu.memref_slice %arg22[%dma_start3A_292, %dma_start3A_293] : memref<128x64xf32, #tpu.memory_space<vmem>> -> memref<32x64xf32, #tpu.memory_space<vmem>>
      %dma_start3A_295 = arith.constant 0 : i32
      %dma_start3A_296 = tpu.memref_slice %arg30[%run_scoped3A, %dma_start3A_295] : memref<2x32xi32, #tpu.memory_space<vmem>> -> memref<1x32xi32, #tpu.memory_space<vmem>>
      %dma_start3A_297 = tpu.memref_squeeze %dma_start3A_296 : memref<1x32xi32, #tpu.memory_space<vmem>> -> memref<32xi32, #tpu.memory_space<vmem>>
      %dma_start3A_298 = arith.constant 0 : i32
      %dma_start3A_299 = arith.constant 0 : i32
      %dma_start3A_300 = tpu.memref_slice %arg35[%dma_start3A_298, %dma_start3A_299] : memref<10000x64xf32, #tpu.memory_space<vmem_shared>> -> memref<10000x64xf32, #tpu.memory_space<vmem_shared>>
      tpu.enqueue_indirect_dma source(%dma_start3A_294 : memref<32x64xf32, #tpu.memory_space<vmem>>) target(%dma_start3A_300 : memref<10000x64xf32, #tpu.memory_space<vmem_shared>>) offsets(%dma_start3A_297 : memref<32xi32, #tpu.memory_space<vmem>>) semaphore(%run_scoped3A_291 : memref<!tpu.dma_semaphore, #tpu.memory_space<semaphore_mem>>) {add = true}
      %dma_wait3A_301 = arith.constant 0 : i32
      %dma_wait3A_302 = arith.constant 0 : i32
      %dma_wait3A_303 = tpu.memref_slice %arg22[%dma_wait3A_301, %dma_wait3A_302] : memref<128x64xf32, #tpu.memory_space<vmem>> -> memref<32x64xf32, #tpu.memory_space<vmem>>
      %dma_wait3A_304 = arith.constant 0 : i32
      %dma_wait3A_305 = tpu.memref_slice %arg30[%run_scoped3A, %dma_wait3A_304] : memref<2x32xi32, #tpu.memory_space<vmem>> -> memref<1x32xi32, #tpu.memory_space<vmem>>
      %dma_wait3A_306 = tpu.memref_squeeze %dma_wait3A_305 : memref<1x32xi32, #tpu.memory_space<vmem>> -> memref<32xi32, #tpu.memory_space<vmem>>
      %dma_wait3A_307 = arith.constant 0 : i32
      %dma_wait3A_308 = arith.constant 0 : i32
      %dma_wait3A_309 = tpu.memref_slice %arg35[%dma_wait3A_307, %dma_wait3A_308] : memref<10000x64xf32, #tpu.memory_space<vmem_shared>> -> memref<10000x64xf32, #tpu.memory_space<vmem_shared>>
      tpu.wait_indirect_dma semaphore(%run_scoped3A_291 : memref<!tpu.dma_semaphore, #tpu.memory_space<semaphore_mem>>) src(%dma_wait3A_303 : memref<32x64xf32, #tpu.memory_space<vmem>>) dst(%dma_wait3A_309 : memref<10000x64xf32, #tpu.memory_space<vmem_shared>>)
      tpu.yield
    }) : () -> ()
    %eq3A_280 = arith.constant 0 : i32
    %eq3A_281 = arith.cmpi eq, %arg0, %eq3A_280 : i32
    %convert_element_type3A_282 = arith.extui %eq3A_281 : i1 to i32
    %cond3A_283 = arith.constant 0 : i32
    %cond3A_284 = arith.cmpi ne, %convert_element_type3A_282, %cond3A_283 : i32
    scf.if %cond3A_284 {
      %run_scoped3A_291 = arith.constant 1 : i32
      "tpu.region"() ({
        %run_scoped3A_292 = tpu.sem_alloc : memref<!tpu.dma_semaphore, #tpu.memory_space<semaphore_mem>>
        %dma_start3A_293 = arith.constant 0 : i32
        %dma_start3A_294 = arith.constant 0 : i32
        %dma_start3A_295 = tpu.memref_slice %arg32[%dma_start3A_293, %dma_start3A_294] : memref<128x16xf32, #tpu.memory_space<vmem>> -> memref<32x16xf32, #tpu.memory_space<vmem>>
        %dma_start3A_296 = arith.constant 0 : i32
        %dma_start3A_297 = tpu.memref_slice %arg30[%run_scoped3A_291, %dma_start3A_296] : memref<2x32xi32, #tpu.memory_space<vmem>> -> memref<1x32xi32, #tpu.memory_space<vmem>>
        %dma_start3A_298 = tpu.memref_squeeze %dma_start3A_297 : memref<1x32xi32, #tpu.memory_space<vmem>> -> memref<32xi32, #tpu.memory_space<vmem>>
        %dma_start3A_299 = arith.constant 0 : i32
        %dma_start3A_300 = arith.constant 0 : i32
        %dma_start3A_301 = tpu.memref_slice %arg36[%dma_start3A_299, %dma_start3A_300] : memref<10000x16xf32, #tpu.memory_space<vmem_shared>> -> memref<10000x16xf32, #tpu.memory_space<vmem_shared>>
        tpu.enqueue_indirect_dma source(%dma_start3A_295 : memref<32x16xf32, #tpu.memory_space<vmem>>) target(%dma_start3A_301 : memref<10000x16xf32, #tpu.memory_space<vmem_shared>>) offsets(%dma_start3A_298 : memref<32xi32, #tpu.memory_space<vmem>>) semaphore(%run_scoped3A_292 : memref<!tpu.dma_semaphore, #tpu.memory_space<semaphore_mem>>) {add = true}
        %dma_wait3A_302 = arith.constant 0 : i32
        %dma_wait3A_303 = arith.constant 0 : i32
        %dma_wait3A_304 = tpu.memref_slice %arg32[%dma_wait3A_302, %dma_wait3A_303] : memref<128x16xf32, #tpu.memory_space<vmem>> -> memref<32x16xf32, #tpu.memory_space<vmem>>
        %dma_wait3A_305 = arith.constant 0 : i32
        %dma_wait3A_306 = tpu.memref_slice %arg30[%run_scoped3A_291, %dma_wait3A_305] : memref<2x32xi32, #tpu.memory_space<vmem>> -> memref<1x32xi32, #tpu.memory_space<vmem>>
        %dma_wait3A_307 = tpu.memref_squeeze %dma_wait3A_306 : memref<1x32xi32, #tpu.memory_space<vmem>> -> memref<32xi32, #tpu.memory_space<vmem>>
        %dma_wait3A_308 = arith.constant 0 : i32
        %dma_wait3A_309 = arith.constant 0 : i32
        %dma_wait3A_310 = tpu.memref_slice %arg36[%dma_wait3A_308, %dma_wait3A_309] : memref<10000x16xf32, #tpu.memory_space<vmem_shared>> -> memref<10000x16xf32, #tpu.memory_space<vmem_shared>>
        tpu.wait_indirect_dma semaphore(%run_scoped3A_292 : memref<!tpu.dma_semaphore, #tpu.memory_space<semaphore_mem>>) src(%dma_wait3A_304 : memref<32x16xf32, #tpu.memory_space<vmem>>) dst(%dma_wait3A_310 : memref<10000x16xf32, #tpu.memory_space<vmem_shared>>)
        tpu.yield
      }) : () -> ()
    } else {
    }
    %barrier3A_285 = arith.constant 0 : index
    tpu.barrier barrier_id(%barrier3A_285)
    "tpu.region"() ({
      %run_scoped3A_291 = tpu.sem_alloc : memref<!tpu.dma_semaphore, #tpu.memory_space<semaphore_mem>>
      %dma_start3A_292 = arith.constant 0 : i32
      %dma_start3A_293 = tpu.memref_slice %arg4[%arg0, %mul3A_12, %dma_start3A_292] : memref<2x10000x64xf32, #tpu.memory_space<hbm>> -> memref<1x624x64xf32, #tpu.memory_space<hbm>>
      %dma_start3A_294 = tpu.memref_squeeze %dma_start3A_293 : memref<1x624x64xf32, #tpu.memory_space<hbm>> -> memref<624x64xf32, #tpu.memory_space<hbm>>
      %dma_start3A_295 = arith.constant 0 : i32
      %dma_start3A_296 = tpu.memref_slice %arg35[%mul3A_12, %dma_start3A_295] : memref<10000x64xf32, #tpu.memory_space<vmem_shared>> -> memref<624x64xf32, #tpu.memory_space<vmem_shared>>
      tpu.enqueue_dma source(%dma_start3A_296 : memref<624x64xf32, #tpu.memory_space<vmem_shared>>) target(%dma_start3A_294 : memref<624x64xf32, #tpu.memory_space<hbm>>) target_semaphore(%run_scoped3A_291 : memref<!tpu.dma_semaphore, #tpu.memory_space<semaphore_mem>>)
      %dma_wait3A_297 = arith.constant 0 : i32
      %dma_wait3A_298 = tpu.memref_slice %arg4[%arg0, %mul3A_12, %dma_wait3A_297] : memref<2x10000x64xf32, #tpu.memory_space<hbm>> -> memref<1x624x64xf32, #tpu.memory_space<hbm>>
      %dma_wait3A_299 = tpu.memref_squeeze %dma_wait3A_298 : memref<1x624x64xf32, #tpu.memory_space<hbm>> -> memref<624x64xf32, #tpu.memory_space<hbm>>
      %dma_wait3A_300 = arith.constant 0 : i32
      %dma_wait3A_301 = tpu.memref_slice %arg35[%mul3A_12, %dma_wait3A_300] : memref<10000x64xf32, #tpu.memory_space<vmem_shared>> -> memref<624x64xf32, #tpu.memory_space<vmem_shared>>
      tpu.wait_dma2 semaphore(%run_scoped3A_291 : memref<!tpu.dma_semaphore, #tpu.memory_space<semaphore_mem>>) src(%dma_wait3A_301 : memref<624x64xf32, #tpu.memory_space<vmem_shared>>) dst(%dma_wait3A_299 : memref<624x64xf32, #tpu.memory_space<hbm>>)
      tpu.yield
    }) : () -> ()
    "tpu.region"() ({
      %run_scoped3A_291 = tpu.sem_alloc : memref<!tpu.dma_semaphore, #tpu.memory_space<semaphore_mem>>
      %dma_start3A_292 = arith.constant 0 : i32
      %dma_start3A_293 = tpu.memref_slice %arg5[%arg0, %mul3A_12, %dma_start3A_292] : memref<2x10000x16xf32, #tpu.memory_space<hbm>> -> memref<1x624x16xf32, #tpu.memory_space<hbm>>
      %dma_start3A_294 = tpu.memref_squeeze %dma_start3A_293 : memref<1x624x16xf32, #tpu.memory_space<hbm>> -> memref<624x16xf32, #tpu.memory_space<hbm>>
      %dma_start3A_295 = arith.constant 0 : i32
      %dma_start3A_296 = tpu.memref_slice %arg36[%mul3A_12, %dma_start3A_295] : memref<10000x16xf32, #tpu.memory_space<vmem_shared>> -> memref<624x16xf32, #tpu.memory_space<vmem_shared>>
      tpu.enqueue_dma source(%dma_start3A_296 : memref<624x16xf32, #tpu.memory_space<vmem_shared>>) target(%dma_start3A_294 : memref<624x16xf32, #tpu.memory_space<hbm>>) target_semaphore(%run_scoped3A_291 : memref<!tpu.dma_semaphore, #tpu.memory_space<semaphore_mem>>)
      %dma_wait3A_297 = arith.constant 0 : i32
      %dma_wait3A_298 = tpu.memref_slice %arg5[%arg0, %mul3A_12, %dma_wait3A_297] : memref<2x10000x16xf32, #tpu.memory_space<hbm>> -> memref<1x624x16xf32, #tpu.memory_space<hbm>>
      %dma_wait3A_299 = tpu.memref_squeeze %dma_wait3A_298 : memref<1x624x16xf32, #tpu.memory_space<hbm>> -> memref<624x16xf32, #tpu.memory_space<hbm>>
      %dma_wait3A_300 = arith.constant 0 : i32
      %dma_wait3A_301 = tpu.memref_slice %arg36[%mul3A_12, %dma_wait3A_300] : memref<10000x16xf32, #tpu.memory_space<vmem_shared>> -> memref<624x16xf32, #tpu.memory_space<vmem_shared>>
      tpu.wait_dma2 semaphore(%run_scoped3A_291 : memref<!tpu.dma_semaphore, #tpu.memory_space<semaphore_mem>>) src(%dma_wait3A_301 : memref<624x16xf32, #tpu.memory_space<vmem_shared>>) dst(%dma_wait3A_299 : memref<624x16xf32, #tpu.memory_space<hbm>>)
      tpu.yield
    }) : () -> ()
    %eq3A_286 = arith.constant 0 : i32
    %eq3A_287 = arith.cmpi eq, %arg1, %eq3A_286 : i32
    %convert_element_type3A_288 = arith.extui %eq3A_287 : i1 to i32
    %cond3A_289 = arith.constant 0 : i32
    %cond3A_290 = arith.cmpi ne, %convert_element_type3A_288, %cond3A_289 : i32
    scf.if %cond3A_290 {
      "tpu.region"() ({
        %run_scoped3A_291 = tpu.sem_alloc : memref<!tpu.dma_semaphore, #tpu.memory_space<semaphore_mem>>
        %dma_start3A_292 = arith.constant 9984 : i32
        %dma_start3A_293 = arith.constant 0 : i32
        %dma_start3A_294 = tpu.memref_slice %arg4[%arg0, %dma_start3A_292, %dma_start3A_293] : memref<2x10000x64xf32, #tpu.memory_space<hbm>> -> memref<1x16x64xf32, #tpu.memory_space<hbm>>
        %dma_start3A_295 = tpu.memref_squeeze %dma_start3A_294 : memref<1x16x64xf32, #tpu.memory_space<hbm>> -> memref<16x64xf32, #tpu.memory_space<hbm>>
        %dma_start3A_296 = arith.constant 9984 : i32
        %dma_start3A_297 = arith.constant 0 : i32
        %dma_start3A_298 = tpu.memref_slice %arg35[%dma_start3A_296, %dma_start3A_297] : memref<10000x64xf32, #tpu.memory_space<vmem_shared>> -> memref<16x64xf32, #tpu.memory_space<vmem_shared>>
        tpu.enqueue_dma source(%dma_start3A_298 : memref<16x64xf32, #tpu.memory_space<vmem_shared>>) target(%dma_start3A_295 : memref<16x64xf32, #tpu.memory_space<hbm>>) target_semaphore(%run_scoped3A_291 : memref<!tpu.dma_semaphore, #tpu.memory_space<semaphore_mem>>)
        %dma_wait3A_299 = arith.constant 9984 : i32
        %dma_wait3A_300 = arith.constant 0 : i32
        %dma_wait3A_301 = tpu.memref_slice %arg4[%arg0, %dma_wait3A_299, %dma_wait3A_300] : memref<2x10000x64xf32, #tpu.memory_space<hbm>> -> memref<1x16x64xf32, #tpu.memory_space<hbm>>
        %dma_wait3A_302 = tpu.memref_squeeze %dma_wait3A_301 : memref<1x16x64xf32, #tpu.memory_space<hbm>> -> memref<16x64xf32, #tpu.memory_space<hbm>>
        %dma_wait3A_303 = arith.constant 9984 : i32
        %dma_wait3A_304 = arith.constant 0 : i32
        %dma_wait3A_305 = tpu.memref_slice %arg35[%dma_wait3A_303, %dma_wait3A_304] : memref<10000x64xf32, #tpu.memory_space<vmem_shared>> -> memref<16x64xf32, #tpu.memory_space<vmem_shared>>
        tpu.wait_dma2 semaphore(%run_scoped3A_291 : memref<!tpu.dma_semaphore, #tpu.memory_space<semaphore_mem>>) src(%dma_wait3A_305 : memref<16x64xf32, #tpu.memory_space<vmem_shared>>) dst(%dma_wait3A_302 : memref<16x64xf32, #tpu.memory_space<hbm>>)
        tpu.yield
      }) : () -> ()
      "tpu.region"() ({
        %run_scoped3A_291 = tpu.sem_alloc : memref<!tpu.dma_semaphore, #tpu.memory_space<semaphore_mem>>
        %dma_start3A_292 = arith.constant 9984 : i32
        %dma_start3A_293 = arith.constant 0 : i32
        %dma_start3A_294 = tpu.memref_slice %arg5[%arg0, %dma_start3A_292, %dma_start3A_293] : memref<2x10000x16xf32, #tpu.memory_space<hbm>> -> memref<1x16x16xf32, #tpu.memory_space<hbm>>
        %dma_start3A_295 = tpu.memref_squeeze %dma_start3A_294 : memref<1x16x16xf32, #tpu.memory_space<hbm>> -> memref<16x16xf32, #tpu.memory_space<hbm>>
        %dma_start3A_296 = arith.constant 9984 : i32
        %dma_start3A_297 = arith.constant 0 : i32
        %dma_start3A_298 = tpu.memref_slice %arg36[%dma_start3A_296, %dma_start3A_297] : memref<10000x16xf32, #tpu.memory_space<vmem_shared>> -> memref<16x16xf32, #tpu.memory_space<vmem_shared>>
        tpu.enqueue_dma source(%dma_start3A_298 : memref<16x16xf32, #tpu.memory_space<vmem_shared>>) target(%dma_start3A_295 : memref<16x16xf32, #tpu.memory_space<hbm>>) target_semaphore(%run_scoped3A_291 : memref<!tpu.dma_semaphore, #tpu.memory_space<semaphore_mem>>)
        %dma_wait3A_299 = arith.constant 9984 : i32
        %dma_wait3A_300 = arith.constant 0 : i32
        %dma_wait3A_301 = tpu.memref_slice %arg5[%arg0, %dma_wait3A_299, %dma_wait3A_300] : memref<2x10000x16xf32, #tpu.memory_space<hbm>> -> memref<1x16x16xf32, #tpu.memory_space<hbm>>
        %dma_wait3A_302 = tpu.memref_squeeze %dma_wait3A_301 : memref<1x16x16xf32, #tpu.memory_space<hbm>> -> memref<16x16xf32, #tpu.memory_space<hbm>>
        %dma_wait3A_303 = arith.constant 9984 : i32
        %dma_wait3A_304 = arith.constant 0 : i32
        %dma_wait3A_305 = tpu.memref_slice %arg36[%dma_wait3A_303, %dma_wait3A_304] : memref<10000x16xf32, #tpu.memory_space<vmem_shared>> -> memref<16x16xf32, #tpu.memory_space<vmem_shared>>
        tpu.wait_dma2 semaphore(%run_scoped3A_291 : memref<!tpu.dma_semaphore, #tpu.memory_space<semaphore_mem>>) src(%dma_wait3A_305 : memref<16x16xf32, #tpu.memory_space<vmem_shared>>) dst(%dma_wait3A_302 : memref<16x16xf32, #tpu.memory_space<hbm>>)
        tpu.yield
      }) : () -> ()
    } else {
    }
    return
  }
}

#map = affine_map<(d0, d1) -> (0, 0)>
#map1 = affine_map<(d0, d1) -> (0, 0, 0)>
module attributes {stable_mosaic.version = 14 : i64} {
  func.func @_msg_body(%arg0: i32, %arg1: i32, %arg2: memref<20000x64xf32, #tpu.memory_space<hbm>>, %arg3: memref<2x320000xi32, #tpu.memory_space<hbm>>, %arg4: memref<2x10000x64xf32, #tpu.memory_space<hbm>>, %arg5: memref<2x128xi32, #tpu.memory_space<vmem>>, %arg6: memref<2x128xi32, #tpu.memory_space<vmem>>, %arg7: memref<2x128xi32, #tpu.memory_space<vmem>>, %arg8: memref<2x128xi32, #tpu.memory_space<vmem>>, %arg9: memref<2x128xi32, #tpu.memory_space<vmem>>, %arg10: memref<2x128xi32, #tpu.memory_space<vmem>>, %arg11: memref<2x128xi32, #tpu.memory_space<vmem>>, %arg12: memref<2x128xi32, #tpu.memory_space<vmem>>, %arg13: memref<128xi32, #tpu.memory_space<vmem>>, %arg14: memref<128xi32, #tpu.memory_space<vmem>>, %arg15: memref<128xi32, #tpu.memory_space<vmem>>, %arg16: memref<128xi32, #tpu.memory_space<vmem>>, %arg17: memref<128xi32, #tpu.memory_space<vmem>>, %arg18: memref<128xi32, #tpu.memory_space<vmem>>, %arg19: memref<128xi32, #tpu.memory_space<vmem>>, %arg20: memref<128xi32, #tpu.memory_space<vmem>>, %arg21: memref<128x64xf32, #tpu.memory_space<vmem>>, %arg22: memref<128x64xf32, #tpu.memory_space<vmem>>, %arg23: memref<128x64xf32, #tpu.memory_space<vmem>>, %arg24: memref<128x64xf32, #tpu.memory_space<vmem>>, %arg25: memref<128x64xf32, #tpu.memory_space<vmem>>, %arg26: memref<128x64xf32, #tpu.memory_space<vmem>>, %arg27: memref<128x64xf32, #tpu.memory_space<vmem>>, %arg28: memref<128x64xf32, #tpu.memory_space<vmem>>, %arg29: memref<2x32xi32, #tpu.memory_space<vmem>>, %arg30: memref<32xi32, #tpu.memory_space<vmem>>, %arg31: memref<128x16xf32, #tpu.memory_space<vmem>>, %arg32: memref<128x64xf32, #tpu.memory_space<vmem>>, %arg33: memref<128x16xf32, #tpu.memory_space<vmem>>, %arg34: memref<10000x64xf32, #tpu.memory_space<vmem_shared>>, %arg35: memref<!tpu.dma_semaphore, #tpu.memory_space<semaphore_mem>>, %arg36: memref<!tpu.dma_semaphore, #tpu.memory_space<semaphore_mem>>, %arg37: memref<!tpu.dma_semaphore, #tpu.memory_space<semaphore_mem>>, %arg38: memref<!tpu.dma_semaphore, #tpu.memory_space<semaphore_mem>>, %arg39: memref<!tpu.dma_semaphore, #tpu.memory_space<semaphore_mem>>, %arg40: memref<!tpu.dma_semaphore, #tpu.memory_space<semaphore_mem>>, %arg41: memref<!tpu.dma_semaphore, #tpu.memory_space<semaphore_mem>>, %arg42: memref<!tpu.dma_semaphore, #tpu.memory_space<semaphore_mem>>, %arg43: memref<!tpu.dma_semaphore, #tpu.memory_space<semaphore_mem>>, %arg44: memref<!tpu.dma_semaphore, #tpu.memory_space<semaphore_mem>>, %arg45: memref<!tpu.dma_semaphore, #tpu.memory_space<semaphore_mem>>, %arg46: memref<!tpu.dma_semaphore, #tpu.memory_space<semaphore_mem>>, %arg47: memref<!tpu.dma_semaphore, #tpu.memory_space<semaphore_mem>>, %arg48: memref<!tpu.dma_semaphore, #tpu.memory_space<semaphore_mem>>, %arg49: memref<!tpu.dma_semaphore, #tpu.memory_space<semaphore_mem>>, %arg50: memref<!tpu.dma_semaphore, #tpu.memory_space<semaphore_mem>>, %arg51: memref<!tpu.dma_semaphore, #tpu.memory_space<semaphore_mem>>, %arg52: memref<!tpu.dma_semaphore, #tpu.memory_space<semaphore_mem>>, %arg53: memref<!tpu.dma_semaphore, #tpu.memory_space<semaphore_mem>>, %arg54: memref<!tpu.dma_semaphore, #tpu.memory_space<semaphore_mem>>, %arg55: memref<!tpu.dma_semaphore, #tpu.memory_space<semaphore_mem>>, %arg56: memref<!tpu.dma_semaphore, #tpu.memory_space<semaphore_mem>>, %arg57: memref<!tpu.dma_semaphore, #tpu.memory_space<semaphore_mem>>, %arg58: memref<!tpu.dma_semaphore, #tpu.memory_space<semaphore_mem>>, %arg59: memref<!tpu.dma_semaphore, #tpu.memory_space<semaphore_mem>>) attributes {dimension_semantics = [#tpu.dimension_semantics<core_parallel>, #tpu.dimension_semantics<subcore_parallel>], iteration_bounds = array<i64: 2, 16>, scalar_prefetch = 0 : i64, scratch_operands = 55 : i64, tpu.core_type = #tpu.core_type<sc_vector_subcore>, window_params = [{transform_indices = #map}, {transform_indices = #map}, {transform_indices = #map1}]} {
    %broadcast_in_dim3A = arith.constant 0.000000e+00 : f32
    %broadcast_in_dim3A_0 = vector.broadcast %broadcast_in_dim3A : f32 to vector<16xf32>
    %broadcast_in_dim3A_1 = arith.constant 1.000000e+00 : f32
    %broadcast_in_dim3A_2 = vector.broadcast %broadcast_in_dim3A_1 : f32 to vector<16xf32>
    %scan3A = arith.constant 0 : i32
    %scan3A_3 = arith.constant 128 : i32
    %scan3A_4 = arith.addi %scan3A, %scan3A_3 : i32
    %scan3A_5 = arith.constant 1 : i32
    scf.for %scan3A_239 = %scan3A to %scan3A_4 step %scan3A_5  : i32 {
      %mul3A_240 = arith.constant 1 : i32
      %mul3A_241 = arith.muli %scan3A_239, %mul3A_240 : i32
      %add3A_242 = arith.constant 0 : i32
      %add3A_243 = arith.addi %add3A_242, %mul3A_241 : i32
      %scan3A_244 = arith.constant 0 : i32
      %scan3A_245 = arith.constant 4 : i32
      %scan3A_246 = arith.addi %scan3A_244, %scan3A_245 : i32
      %scan3A_247 = arith.constant 1 : i32
      scf.for %scan3A_249 = %scan3A_244 to %scan3A_246 step %scan3A_247  : i32 {
        %mul3A_250 = arith.constant 1 : i32
        %mul3A_251 = arith.muli %scan3A_249, %mul3A_250 : i32
        %add3A_252 = arith.constant 0 : i32
        %add3A_253 = arith.addi %add3A_252, %mul3A_251 : i32
        %mul3A_254 = arith.constant 16 : i32
        %mul3A_255 = arith.muli %add3A_253, %mul3A_254 : i32
        %swap3A = arith.index_cast %add3A_243 : i32 to index
        %swap3A_256 = arith.index_cast %mul3A_255 : i32 to index
        %swap3A_257 = tpu.vector_load %arg32[%swap3A, %swap3A_256] {strides = array<i32>} : memref<128x64xf32, #tpu.memory_space<vmem>>, vector<1x16xf32>,
        %swap3A_258 = vector.shape_cast %swap3A_257 : vector<1x16xf32> to vector<16xf32>
        %swap3A_259 = vector.shape_cast %broadcast_in_dim3A_0 : vector<16xf32> to vector<1x16xf32>
        tpu.vector_store %arg32[%swap3A, %swap3A_256], %swap3A_259 {strides = array<i32>} : memref<128x64xf32, #tpu.memory_space<vmem>>, vector<1x16xf32>,
      }
      %scan3A_248 = arith.constant 4 : i32
    }
    %scan3A_6 = arith.constant 128 : i32
    %scan3A_7 = arith.constant 0 : i32
    %scan3A_8 = arith.constant 128 : i32
    %scan3A_9 = arith.addi %scan3A_7, %scan3A_8 : i32
    %scan3A_10 = arith.constant 1 : i32
    scf.for %scan3A_239 = %scan3A_7 to %scan3A_9 step %scan3A_10  : i32 {
      %mul3A_240 = arith.constant 1 : i32
      %mul3A_241 = arith.muli %scan3A_239, %mul3A_240 : i32
      %add3A_242 = arith.constant 0 : i32
      %add3A_243 = arith.addi %add3A_242, %mul3A_241 : i32
      %swap3A = arith.index_cast %add3A_243 : i32 to index
      %swap3A_244 = arith.constant 0 : index
      %swap3A_245 = tpu.vector_load %arg33[%swap3A, %swap3A_244] {strides = array<i32>} : memref<128x16xf32, #tpu.memory_space<vmem>>, vector<1x16xf32>,
      %swap3A_246 = vector.shape_cast %swap3A_245 : vector<1x16xf32> to vector<16xf32>
      %swap3A_247 = vector.shape_cast %broadcast_in_dim3A_0 : vector<16xf32> to vector<1x16xf32>
      tpu.vector_store %arg33[%swap3A, %swap3A_244], %swap3A_247 {strides = array<i32>} : memref<128x16xf32, #tpu.memory_space<vmem>>, vector<1x16xf32>,
      %swap3A_248 = arith.index_cast %add3A_243 : i32 to index
      %swap3A_249 = arith.constant 0 : index
      %swap3A_250 = tpu.vector_load %arg31[%swap3A_248, %swap3A_249] {strides = array<i32>} : memref<128x16xf32, #tpu.memory_space<vmem>>, vector<1x16xf32>,
      %swap3A_251 = vector.shape_cast %swap3A_250 : vector<1x16xf32> to vector<16xf32>
      %swap3A_252 = vector.shape_cast %broadcast_in_dim3A_2 : vector<16xf32> to vector<1x16xf32>
      tpu.vector_store %arg31[%swap3A_248, %swap3A_249], %swap3A_252 {strides = array<i32>} : memref<128x16xf32, #tpu.memory_space<vmem>>, vector<1x16xf32>,
    }
    %scan3A_11 = arith.constant 128 : i32
    %mul3A = arith.constant 624 : i32
    %mul3A_12 = arith.muli %arg1, %mul3A : i32
    %mul3A_13 = arith.constant 20000 : i32
    %mul3A_14 = arith.muli %arg1, %mul3A_13 : i32
    %add3A = arith.constant 0 : i32
    %add3A_15 = arith.addi %mul3A_14, %add3A : i32
    %multiple_of3A = tpu.assume_multiple %add3A_15, 8 : i32
    %dma_start3A = arith.constant 0 : i32
    %dma_start3A_16 = tpu.memref_slice %arg3[%dma_start3A, %multiple_of3A] : memref<2x320000xi32, #tpu.memory_space<hbm>> -> memref<2x128xi32, #tpu.memory_space<hbm>>
    %dma_start3A_17 = arith.constant 0 : i32
    %dma_start3A_18 = tpu.memref_slice %arg3[%dma_start3A_17, %multiple_of3A] : memref<2x320000xi32, #tpu.memory_space<hbm>> -> memref<2x128xi32, #tpu.memory_space<hbm>>
    tpu.enqueue_dma source(%dma_start3A_18 : memref<2x128xi32, #tpu.memory_space<hbm>>) target(%arg5 : memref<2x128xi32, #tpu.memory_space<vmem>>) target_semaphore(%arg35 : memref<!tpu.dma_semaphore, #tpu.memory_space<semaphore_mem>>)
    %add3A_19 = arith.constant 128 : i32
    %add3A_20 = arith.addi %mul3A_14, %add3A_19 : i32
    %multiple_of3A_21 = tpu.assume_multiple %add3A_20, 8 : i32
    %dma_start3A_22 = arith.constant 0 : i32
    %dma_start3A_23 = tpu.memref_slice %arg3[%dma_start3A_22, %multiple_of3A_21] : memref<2x320000xi32, #tpu.memory_space<hbm>> -> memref<2x128xi32, #tpu.memory_space<hbm>>
    %dma_start3A_24 = arith.constant 0 : i32
    %dma_start3A_25 = tpu.memref_slice %arg3[%dma_start3A_24, %multiple_of3A_21] : memref<2x320000xi32, #tpu.memory_space<hbm>> -> memref<2x128xi32, #tpu.memory_space<hbm>>
    tpu.enqueue_dma source(%dma_start3A_25 : memref<2x128xi32, #tpu.memory_space<hbm>>) target(%arg6 : memref<2x128xi32, #tpu.memory_space<vmem>>) target_semaphore(%arg36 : memref<!tpu.dma_semaphore, #tpu.memory_space<semaphore_mem>>)
    %add3A_26 = arith.constant 256 : i32
    %add3A_27 = arith.addi %mul3A_14, %add3A_26 : i32
    %multiple_of3A_28 = tpu.assume_multiple %add3A_27, 8 : i32
    %dma_start3A_29 = arith.constant 0 : i32
    %dma_start3A_30 = tpu.memref_slice %arg3[%dma_start3A_29, %multiple_of3A_28] : memref<2x320000xi32, #tpu.memory_space<hbm>> -> memref<2x128xi32, #tpu.memory_space<hbm>>
    %dma_start3A_31 = arith.constant 0 : i32
    %dma_start3A_32 = tpu.memref_slice %arg3[%dma_start3A_31, %multiple_of3A_28] : memref<2x320000xi32, #tpu.memory_space<hbm>> -> memref<2x128xi32, #tpu.memory_space<hbm>>
    tpu.enqueue_dma source(%dma_start3A_32 : memref<2x128xi32, #tpu.memory_space<hbm>>) target(%arg7 : memref<2x128xi32, #tpu.memory_space<vmem>>) target_semaphore(%arg37 : memref<!tpu.dma_semaphore, #tpu.memory_space<semaphore_mem>>)
    %add3A_33 = arith.constant 384 : i32
    %add3A_34 = arith.addi %mul3A_14, %add3A_33 : i32
    %multiple_of3A_35 = tpu.assume_multiple %add3A_34, 8 : i32
    %dma_start3A_36 = arith.constant 0 : i32
    %dma_start3A_37 = tpu.memref_slice %arg3[%dma_start3A_36, %multiple_of3A_35] : memref<2x320000xi32, #tpu.memory_space<hbm>> -> memref<2x128xi32, #tpu.memory_space<hbm>>
    %dma_start3A_38 = arith.constant 0 : i32
    %dma_start3A_39 = tpu.memref_slice %arg3[%dma_start3A_38, %multiple_of3A_35] : memref<2x320000xi32, #tpu.memory_space<hbm>> -> memref<2x128xi32, #tpu.memory_space<hbm>>
    tpu.enqueue_dma source(%dma_start3A_39 : memref<2x128xi32, #tpu.memory_space<hbm>>) target(%arg8 : memref<2x128xi32, #tpu.memory_space<vmem>>) target_semaphore(%arg38 : memref<!tpu.dma_semaphore, #tpu.memory_space<semaphore_mem>>)
    %add3A_40 = arith.constant 512 : i32
    %add3A_41 = arith.addi %mul3A_14, %add3A_40 : i32
    %multiple_of3A_42 = tpu.assume_multiple %add3A_41, 8 : i32
    %dma_start3A_43 = arith.constant 0 : i32
    %dma_start3A_44 = tpu.memref_slice %arg3[%dma_start3A_43, %multiple_of3A_42] : memref<2x320000xi32, #tpu.memory_space<hbm>> -> memref<2x128xi32, #tpu.memory_space<hbm>>
    %dma_start3A_45 = arith.constant 0 : i32
    %dma_start3A_46 = tpu.memref_slice %arg3[%dma_start3A_45, %multiple_of3A_42] : memref<2x320000xi32, #tpu.memory_space<hbm>> -> memref<2x128xi32, #tpu.memory_space<hbm>>
    tpu.enqueue_dma source(%dma_start3A_46 : memref<2x128xi32, #tpu.memory_space<hbm>>) target(%arg9 : memref<2x128xi32, #tpu.memory_space<vmem>>) target_semaphore(%arg39 : memref<!tpu.dma_semaphore, #tpu.memory_space<semaphore_mem>>)
    %add3A_47 = arith.constant 640 : i32
    %add3A_48 = arith.addi %mul3A_14, %add3A_47 : i32
    %multiple_of3A_49 = tpu.assume_multiple %add3A_48, 8 : i32
    %dma_start3A_50 = arith.constant 0 : i32
    %dma_start3A_51 = tpu.memref_slice %arg3[%dma_start3A_50, %multiple_of3A_49] : memref<2x320000xi32, #tpu.memory_space<hbm>> -> memref<2x128xi32, #tpu.memory_space<hbm>>
    %dma_start3A_52 = arith.constant 0 : i32
    %dma_start3A_53 = tpu.memref_slice %arg3[%dma_start3A_52, %multiple_of3A_49] : memref<2x320000xi32, #tpu.memory_space<hbm>> -> memref<2x128xi32, #tpu.memory_space<hbm>>
    tpu.enqueue_dma source(%dma_start3A_53 : memref<2x128xi32, #tpu.memory_space<hbm>>) target(%arg10 : memref<2x128xi32, #tpu.memory_space<vmem>>) target_semaphore(%arg40 : memref<!tpu.dma_semaphore, #tpu.memory_space<semaphore_mem>>)
    %add3A_54 = arith.constant 768 : i32
    %add3A_55 = arith.addi %mul3A_14, %add3A_54 : i32
    %multiple_of3A_56 = tpu.assume_multiple %add3A_55, 8 : i32
    %dma_start3A_57 = arith.constant 0 : i32
    %dma_start3A_58 = tpu.memref_slice %arg3[%dma_start3A_57, %multiple_of3A_56] : memref<2x320000xi32, #tpu.memory_space<hbm>> -> memref<2x128xi32, #tpu.memory_space<hbm>>
    %dma_start3A_59 = arith.constant 0 : i32
    %dma_start3A_60 = tpu.memref_slice %arg3[%dma_start3A_59, %multiple_of3A_56] : memref<2x320000xi32, #tpu.memory_space<hbm>> -> memref<2x128xi32, #tpu.memory_space<hbm>>
    tpu.enqueue_dma source(%dma_start3A_60 : memref<2x128xi32, #tpu.memory_space<hbm>>) target(%arg11 : memref<2x128xi32, #tpu.memory_space<vmem>>) target_semaphore(%arg41 : memref<!tpu.dma_semaphore, #tpu.memory_space<semaphore_mem>>)
    %add3A_61 = arith.constant 896 : i32
    %add3A_62 = arith.addi %mul3A_14, %add3A_61 : i32
    %multiple_of3A_63 = tpu.assume_multiple %add3A_62, 8 : i32
    %dma_start3A_64 = arith.constant 0 : i32
    %dma_start3A_65 = tpu.memref_slice %arg3[%dma_start3A_64, %multiple_of3A_63] : memref<2x320000xi32, #tpu.memory_space<hbm>> -> memref<2x128xi32, #tpu.memory_space<hbm>>
    %dma_start3A_66 = arith.constant 0 : i32
    %dma_start3A_67 = tpu.memref_slice %arg3[%dma_start3A_66, %multiple_of3A_63] : memref<2x320000xi32, #tpu.memory_space<hbm>> -> memref<2x128xi32, #tpu.memory_space<hbm>>
    tpu.enqueue_dma source(%dma_start3A_67 : memref<2x128xi32, #tpu.memory_space<hbm>>) target(%arg12 : memref<2x128xi32, #tpu.memory_space<vmem>>) target_semaphore(%arg42 : memref<!tpu.dma_semaphore, #tpu.memory_space<semaphore_mem>>)
    %scan3A_68 = arith.constant 0 : i32
    %scan3A_69 = arith.constant 4 : i32
    %scan3A_70 = arith.addi %scan3A_68, %scan3A_69 : i32
    %scan3A_71 = arith.constant 1 : i32
    scf.for %scan3A_239 = %scan3A_68 to %scan3A_70 step %scan3A_71  : i32 {
      %mul3A_240 = arith.constant 1 : i32
      %mul3A_241 = arith.muli %scan3A_239, %mul3A_240 : i32
      %add3A_242 = arith.constant 0 : i32
      %add3A_243 = arith.addi %add3A_242, %mul3A_241 : i32
      %mul3A_244 = arith.constant 128 : i32
      %mul3A_245 = arith.muli %add3A_243, %mul3A_244 : i32
      %add3A_246 = arith.addi %mul3A_12, %mul3A_245 : i32
      "tpu.region"() ({
        %run_scoped3A_247 = tpu.sem_alloc : memref<!tpu.dma_semaphore, #tpu.memory_space<semaphore_mem>>
        %dma_start3A_248 = arith.constant 0 : i32
        %dma_start3A_249 = tpu.memref_slice %arg34[%add3A_246, %dma_start3A_248] : memref<10000x64xf32, #tpu.memory_space<vmem_shared>> -> memref<128x64xf32, #tpu.memory_space<vmem_shared>>
        %dma_start3A_250 = arith.constant 0 : i32
        %dma_start3A_251 = tpu.memref_slice %arg34[%add3A_246, %dma_start3A_250] : memref<10000x64xf32, #tpu.memory_space<vmem_shared>> -> memref<128x64xf32, #tpu.memory_space<vmem_shared>>
        tpu.enqueue_dma source(%arg32 : memref<128x64xf32, #tpu.memory_space<vmem>>) target(%dma_start3A_251 : memref<128x64xf32, #tpu.memory_space<vmem_shared>>) target_semaphore(%run_scoped3A_247 : memref<!tpu.dma_semaphore, #tpu.memory_space<semaphore_mem>>)
        %dma_wait3A_252 = arith.constant 0 : i32
        %dma_wait3A_253 = tpu.memref_slice %arg34[%add3A_246, %dma_wait3A_252] : memref<10000x64xf32, #tpu.memory_space<vmem_shared>> -> memref<128x64xf32, #tpu.memory_space<vmem_shared>>
        %dma_wait3A_254 = arith.constant 0 : i32
        %dma_wait3A_255 = tpu.memref_slice %arg34[%add3A_246, %dma_wait3A_254] : memref<10000x64xf32, #tpu.memory_space<vmem_shared>> -> memref<128x64xf32, #tpu.memory_space<vmem_shared>>
        tpu.wait_dma2 semaphore(%run_scoped3A_247 : memref<!tpu.dma_semaphore, #tpu.memory_space<semaphore_mem>>) src(%arg32 : memref<128x64xf32, #tpu.memory_space<vmem>>) dst(%dma_wait3A_255 : memref<128x64xf32, #tpu.memory_space<vmem_shared>>)
        tpu.yield
      }) : () -> ()
    }
    %scan3A_72 = arith.constant 4 : i32
    %add3A_73 = arith.constant 512 : i32
    %add3A_74 = arith.addi %mul3A_12, %add3A_73 : i32
    "tpu.region"() ({
      %run_scoped3A_239 = tpu.sem_alloc : memref<!tpu.dma_semaphore, #tpu.memory_space<semaphore_mem>>
      %dma_start3A_240 = arith.constant 0 : i32
      %dma_start3A_241 = arith.constant 0 : i32
      %dma_start3A_242 = tpu.memref_slice %arg32[%dma_start3A_240, %dma_start3A_241] : memref<128x64xf32, #tpu.memory_space<vmem>> -> memref<112x64xf32, #tpu.memory_space<vmem>>
      %dma_start3A_243 = arith.constant 0 : i32
      %dma_start3A_244 = tpu.memref_slice %arg34[%add3A_74, %dma_start3A_243] : memref<10000x64xf32, #tpu.memory_space<vmem_shared>> -> memref<112x64xf32, #tpu.memory_space<vmem_shared>>
      %dma_start3A_245 = arith.constant 0 : i32
      %dma_start3A_246 = tpu.memref_slice %arg34[%add3A_74, %dma_start3A_245] : memref<10000x64xf32, #tpu.memory_space<vmem_shared>> -> memref<112x64xf32, #tpu.memory_space<vmem_shared>>
      %dma_start3A_247 = arith.constant 0 : i32
      %dma_start3A_248 = arith.constant 0 : i32
      %dma_start3A_249 = tpu.memref_slice %arg32[%dma_start3A_247, %dma_start3A_248] : memref<128x64xf32, #tpu.memory_space<vmem>> -> memref<112x64xf32, #tpu.memory_space<vmem>>
      tpu.enqueue_dma source(%dma_start3A_249 : memref<112x64xf32, #tpu.memory_space<vmem>>) target(%dma_start3A_246 : memref<112x64xf32, #tpu.memory_space<vmem_shared>>) target_semaphore(%run_scoped3A_239 : memref<!tpu.dma_semaphore, #tpu.memory_space<semaphore_mem>>)
      %dma_wait3A_250 = arith.constant 0 : i32
      %dma_wait3A_251 = arith.constant 0 : i32
      %dma_wait3A_252 = tpu.memref_slice %arg32[%dma_wait3A_250, %dma_wait3A_251] : memref<128x64xf32, #tpu.memory_space<vmem>> -> memref<112x64xf32, #tpu.memory_space<vmem>>
      %dma_wait3A_253 = arith.constant 0 : i32
      %dma_wait3A_254 = tpu.memref_slice %arg34[%add3A_74, %dma_wait3A_253] : memref<10000x64xf32, #tpu.memory_space<vmem_shared>> -> memref<112x64xf32, #tpu.memory_space<vmem_shared>>
      %dma_wait3A_255 = arith.constant 0 : i32
      %dma_wait3A_256 = tpu.memref_slice %arg34[%add3A_74, %dma_wait3A_255] : memref<10000x64xf32, #tpu.memory_space<vmem_shared>> -> memref<112x64xf32, #tpu.memory_space<vmem_shared>>
      %dma_wait3A_257 = arith.constant 0 : i32
      %dma_wait3A_258 = arith.constant 0 : i32
      %dma_wait3A_259 = tpu.memref_slice %arg32[%dma_wait3A_257, %dma_wait3A_258] : memref<128x64xf32, #tpu.memory_space<vmem>> -> memref<112x64xf32, #tpu.memory_space<vmem>>
      tpu.wait_dma2 semaphore(%run_scoped3A_239 : memref<!tpu.dma_semaphore, #tpu.memory_space<semaphore_mem>>) src(%dma_wait3A_259 : memref<112x64xf32, #tpu.memory_space<vmem>>) dst(%dma_wait3A_256 : memref<112x64xf32, #tpu.memory_space<vmem_shared>>)
      tpu.yield
    }) : () -> ()
    %eq3A = arith.constant 0 : i32
    %eq3A_75 = arith.cmpi eq, %arg1, %eq3A : i32
    %convert_element_type3A = arith.extui %eq3A_75 : i1 to i32
    %cond3A = arith.constant 0 : i32
    %cond3A_76 = arith.cmpi ne, %convert_element_type3A, %cond3A : i32
    scf.if %cond3A_76 {
      "tpu.region"() ({
        %run_scoped3A_239 = tpu.sem_alloc : memref<!tpu.dma_semaphore, #tpu.memory_space<semaphore_mem>>
        %dma_start3A_240 = arith.constant 0 : i32
        %dma_start3A_241 = arith.constant 0 : i32
        %dma_start3A_242 = tpu.memref_slice %arg32[%dma_start3A_240, %dma_start3A_241] : memref<128x64xf32, #tpu.memory_space<vmem>> -> memref<16x64xf32, #tpu.memory_space<vmem>>
        %dma_start3A_243 = arith.constant 9984 : i32
        %dma_start3A_244 = arith.constant 0 : i32
        %dma_start3A_245 = tpu.memref_slice %arg34[%dma_start3A_243, %dma_start3A_244] : memref<10000x64xf32, #tpu.memory_space<vmem_shared>> -> memref<16x64xf32, #tpu.memory_space<vmem_shared>>
        %dma_start3A_246 = arith.constant 9984 : i32
        %dma_start3A_247 = arith.constant 0 : i32
        %dma_start3A_248 = tpu.memref_slice %arg34[%dma_start3A_246, %dma_start3A_247] : memref<10000x64xf32, #tpu.memory_space<vmem_shared>> -> memref<16x64xf32, #tpu.memory_space<vmem_shared>>
        %dma_start3A_249 = arith.constant 0 : i32
        %dma_start3A_250 = arith.constant 0 : i32
        %dma_start3A_251 = tpu.memref_slice %arg32[%dma_start3A_249, %dma_start3A_250] : memref<128x64xf32, #tpu.memory_space<vmem>> -> memref<16x64xf32, #tpu.memory_space<vmem>>
        tpu.enqueue_dma source(%dma_start3A_251 : memref<16x64xf32, #tpu.memory_space<vmem>>) target(%dma_start3A_248 : memref<16x64xf32, #tpu.memory_space<vmem_shared>>) target_semaphore(%run_scoped3A_239 : memref<!tpu.dma_semaphore, #tpu.memory_space<semaphore_mem>>)
        %dma_wait3A_252 = arith.constant 0 : i32
        %dma_wait3A_253 = arith.constant 0 : i32
        %dma_wait3A_254 = tpu.memref_slice %arg32[%dma_wait3A_252, %dma_wait3A_253] : memref<128x64xf32, #tpu.memory_space<vmem>> -> memref<16x64xf32, #tpu.memory_space<vmem>>
        %dma_wait3A_255 = arith.constant 9984 : i32
        %dma_wait3A_256 = arith.constant 0 : i32
        %dma_wait3A_257 = tpu.memref_slice %arg34[%dma_wait3A_255, %dma_wait3A_256] : memref<10000x64xf32, #tpu.memory_space<vmem_shared>> -> memref<16x64xf32, #tpu.memory_space<vmem_shared>>
        %dma_wait3A_258 = arith.constant 9984 : i32
        %dma_wait3A_259 = arith.constant 0 : i32
        %dma_wait3A_260 = tpu.memref_slice %arg34[%dma_wait3A_258, %dma_wait3A_259] : memref<10000x64xf32, #tpu.memory_space<vmem_shared>> -> memref<16x64xf32, #tpu.memory_space<vmem_shared>>
        %dma_wait3A_261 = arith.constant 0 : i32
        %dma_wait3A_262 = arith.constant 0 : i32
        %dma_wait3A_263 = tpu.memref_slice %arg32[%dma_wait3A_261, %dma_wait3A_262] : memref<128x64xf32, #tpu.memory_space<vmem>> -> memref<16x64xf32, #tpu.memory_space<vmem>>
        tpu.wait_dma2 semaphore(%run_scoped3A_239 : memref<!tpu.dma_semaphore, #tpu.memory_space<semaphore_mem>>) src(%dma_wait3A_263 : memref<16x64xf32, #tpu.memory_space<vmem>>) dst(%dma_wait3A_260 : memref<16x64xf32, #tpu.memory_space<vmem_shared>>)
        tpu.yield
      }) : () -> ()
    } else {
    }
    %barrier3A = arith.constant 0 : index
    tpu.barrier barrier_id(%barrier3A)
    %scan3A_77 = arith.constant 0 : i32
    %scan3A_78 = arith.constant 19 : i32
    %scan3A_79 = arith.addi %scan3A_77, %scan3A_78 : i32
    %scan3A_80 = arith.constant 1 : i32
    scf.for %scan3A_239 = %scan3A_77 to %scan3A_79 step %scan3A_80  : i32 {
      %mul3A_240 = arith.constant 1 : i32
      %mul3A_241 = arith.muli %scan3A_239, %mul3A_240 : i32
      %add3A_242 = arith.constant 0 : i32
      %add3A_243 = arith.addi %add3A_242, %mul3A_241 : i32
      %mul3A_244 = arith.constant 8 : i32
      %mul3A_245 = arith.muli %add3A_243, %mul3A_244 : i32
      %dma_wait3A_246 = arith.constant 0 : i32
      %dma_wait3A_247 = arith.constant 0 : i32
      %dma_wait3A_248 = tpu.memref_slice %arg3[%dma_wait3A_246, %dma_wait3A_247] : memref<2x320000xi32, #tpu.memory_space<hbm>> -> memref<2x128xi32, #tpu.memory_space<hbm>>
      %dma_wait3A_249 = arith.constant 0 : i32
      %dma_wait3A_250 = arith.constant 0 : i32
      %dma_wait3A_251 = tpu.memref_slice %arg3[%dma_wait3A_249, %dma_wait3A_250] : memref<2x320000xi32, #tpu.memory_space<hbm>> -> memref<2x128xi32, #tpu.memory_space<hbm>>
      tpu.wait_dma2 semaphore(%arg35 : memref<!tpu.dma_semaphore, #tpu.memory_space<semaphore_mem>>) src(%dma_wait3A_251 : memref<2x128xi32, #tpu.memory_space<hbm>>) dst(%arg5 : memref<2x128xi32, #tpu.memory_space<vmem>>)
      %scan3A_252 = arith.constant 0 : i32
      %scan3A_253 = arith.constant 8 : i32
      %scan3A_254 = arith.addi %scan3A_252, %scan3A_253 : i32
      %scan3A_255 = arith.constant 1 : i32
      scf.for %scan3A_581 = %scan3A_252 to %scan3A_254 step %scan3A_255  : i32 {
        %mul3A_582 = arith.constant 1 : i32
        %mul3A_583 = arith.muli %scan3A_581, %mul3A_582 : i32
        %add3A_584 = arith.constant 0 : i32
        %add3A_585 = arith.addi %add3A_584, %mul3A_583 : i32
        %mul3A_586 = arith.constant 16 : i32
        %mul3A_587 = arith.muli %add3A_585, %mul3A_586 : i32
        %get3A = arith.constant 0 : i32
        %get3A_588 = arith.index_cast %get3A : i32 to index
        %get3A_589 = arith.index_cast %mul3A_587 : i32 to index
        %get3A_590 = tpu.vector_load %arg5[%get3A_588, %get3A_589] {strides = array<i32>} : memref<2x128xi32, #tpu.memory_space<vmem>>, vector<1x16xi32>,
        %get3A_591 = vector.shape_cast %get3A_590 : vector<1x16xi32> to vector<16xi32>
        %mul3A_592 = arith.constant 2 : i32
        %mul3A_593 = vector.broadcast %mul3A_592 : i32 to vector<16xi32>
        %mul3A_594 = arith.muli %get3A_591, %mul3A_593 : vector<16xi32>
        %add3A_595 = vector.broadcast %arg0 : i32 to vector<16xi32>
        %add3A_596 = arith.addi %mul3A_594, %add3A_595 : vector<16xi32>
        %mul3A_597 = arith.constant 16 : i32
        %mul3A_598 = arith.muli %add3A_585, %mul3A_597 : i32
        %swap3A = arith.index_cast %mul3A_598 : i32 to index
        %swap3A_599 = tpu.vector_load %arg13[%swap3A] {strides = array<i32>} : memref<128xi32, #tpu.memory_space<vmem>>, vector<16xi32>,
        %swap3A_600 = vector.shape_cast %swap3A_599 : vector<16xi32> to vector<16xi32>
        %swap3A_601 = vector.shape_cast %add3A_596 : vector<16xi32> to vector<16xi32>
        tpu.vector_store %arg13[%swap3A], %swap3A_601 {strides = array<i32>} : memref<128xi32, #tpu.memory_space<vmem>>, vector<16xi32>,
      }
      %scan3A_256 = arith.constant 8 : i32
      %dma_start3A_257 = arith.constant 0 : i32
      %dma_start3A_258 = arith.constant 0 : i32
      %dma_start3A_259 = tpu.memref_slice %arg2[%dma_start3A_257, %dma_start3A_258] : memref<20000x64xf32, #tpu.memory_space<hbm>> -> memref<20000x64xf32, #tpu.memory_space<hbm>>
      tpu.enqueue_indirect_dma source(%dma_start3A_259 : memref<20000x64xf32, #tpu.memory_space<hbm>>) target(%arg21 : memref<128x64xf32, #tpu.memory_space<vmem>>) offsets(%arg13 : memref<128xi32, #tpu.memory_space<vmem>>) semaphore(%arg43 : memref<!tpu.dma_semaphore, #tpu.memory_space<semaphore_mem>>)
      %dma_wait3A_260 = arith.constant 0 : i32
      %dma_wait3A_261 = arith.constant 0 : i32
      %dma_wait3A_262 = tpu.memref_slice %arg3[%dma_wait3A_260, %dma_wait3A_261] : memref<2x320000xi32, #tpu.memory_space<hbm>> -> memref<2x128xi32, #tpu.memory_space<hbm>>
      %dma_wait3A_263 = arith.constant 0 : i32
      %dma_wait3A_264 = arith.constant 0 : i32
      %dma_wait3A_265 = tpu.memref_slice %arg3[%dma_wait3A_263, %dma_wait3A_264] : memref<2x320000xi32, #tpu.memory_space<hbm>> -> memref<2x128xi32, #tpu.memory_space<hbm>>
      tpu.wait_dma2 semaphore(%arg36 : memref<!tpu.dma_semaphore, #tpu.memory_space<semaphore_mem>>) src(%dma_wait3A_265 : memref<2x128xi32, #tpu.memory_space<hbm>>) dst(%arg6 : memref<2x128xi32, #tpu.memory_space<vmem>>)
      %scan3A_266 = arith.constant 0 : i32
      %scan3A_267 = arith.constant 8 : i32
      %scan3A_268 = arith.addi %scan3A_266, %scan3A_267 : i32
      %scan3A_269 = arith.constant 1 : i32
      scf.for %scan3A_581 = %scan3A_266 to %scan3A_268 step %scan3A_269  : i32 {
        %mul3A_582 = arith.constant 1 : i32
        %mul3A_583 = arith.muli %scan3A_581, %mul3A_582 : i32
        %add3A_584 = arith.constant 0 : i32
        %add3A_585 = arith.addi %add3A_584, %mul3A_583 : i32
        %mul3A_586 = arith.constant 16 : i32
        %mul3A_587 = arith.muli %add3A_585, %mul3A_586 : i32
        %get3A = arith.constant 0 : i32
        %get3A_588 = arith.index_cast %get3A : i32 to index
        %get3A_589 = arith.index_cast %mul3A_587 : i32 to index
        %get3A_590 = tpu.vector_load %arg6[%get3A_588, %get3A_589] {strides = array<i32>} : memref<2x128xi32, #tpu.memory_space<vmem>>, vector<1x16xi32>,
        %get3A_591 = vector.shape_cast %get3A_590 : vector<1x16xi32> to vector<16xi32>
        %mul3A_592 = arith.constant 2 : i32
        %mul3A_593 = vector.broadcast %mul3A_592 : i32 to vector<16xi32>
        %mul3A_594 = arith.muli %get3A_591, %mul3A_593 : vector<16xi32>
        %add3A_595 = vector.broadcast %arg0 : i32 to vector<16xi32>
        %add3A_596 = arith.addi %mul3A_594, %add3A_595 : vector<16xi32>
        %mul3A_597 = arith.constant 16 : i32
        %mul3A_598 = arith.muli %add3A_585, %mul3A_597 : i32
        %swap3A = arith.index_cast %mul3A_598 : i32 to index
        %swap3A_599 = tpu.vector_load %arg14[%swap3A] {strides = array<i32>} : memref<128xi32, #tpu.memory_space<vmem>>, vector<16xi32>,
        %swap3A_600 = vector.shape_cast %swap3A_599 : vector<16xi32> to vector<16xi32>
        %swap3A_601 = vector.shape_cast %add3A_596 : vector<16xi32> to vector<16xi32>
        tpu.vector_store %arg14[%swap3A], %swap3A_601 {strides = array<i32>} : memref<128xi32, #tpu.memory_space<vmem>>, vector<16xi32>,
      }
      %scan3A_270 = arith.constant 8 : i32
      %dma_start3A_271 = arith.constant 0 : i32
      %dma_start3A_272 = arith.constant 0 : i32
      %dma_start3A_273 = tpu.memref_slice %arg2[%dma_start3A_271, %dma_start3A_272] : memref<20000x64xf32, #tpu.memory_space<hbm>> -> memref<20000x64xf32, #tpu.memory_space<hbm>>
      tpu.enqueue_indirect_dma source(%dma_start3A_273 : memref<20000x64xf32, #tpu.memory_space<hbm>>) target(%arg22 : memref<128x64xf32, #tpu.memory_space<vmem>>) offsets(%arg14 : memref<128xi32, #tpu.memory_space<vmem>>) semaphore(%arg44 : memref<!tpu.dma_semaphore, #tpu.memory_space<semaphore_mem>>)
      %dma_wait3A_274 = arith.constant 0 : i32
      %dma_wait3A_275 = arith.constant 0 : i32
      %dma_wait3A_276 = tpu.memref_slice %arg3[%dma_wait3A_274, %dma_wait3A_275] : memref<2x320000xi32, #tpu.memory_space<hbm>> -> memref<2x128xi32, #tpu.memory_space<hbm>>
      %dma_wait3A_277 = arith.constant 0 : i32
      %dma_wait3A_278 = arith.constant 0 : i32
      %dma_wait3A_279 = tpu.memref_slice %arg3[%dma_wait3A_277, %dma_wait3A_278] : memref<2x320000xi32, #tpu.memory_space<hbm>> -> memref<2x128xi32, #tpu.memory_space<hbm>>
      tpu.wait_dma2 semaphore(%arg37 : memref<!tpu.dma_semaphore, #tpu.memory_space<semaphore_mem>>) src(%dma_wait3A_279 : memref<2x128xi32, #tpu.memory_space<hbm>>) dst(%arg7 : memref<2x128xi32, #tpu.memory_space<vmem>>)
      %scan3A_280 = arith.constant 0 : i32
      %scan3A_281 = arith.constant 8 : i32
      %scan3A_282 = arith.addi %scan3A_280, %scan3A_281 : i32
      %scan3A_283 = arith.constant 1 : i32
      scf.for %scan3A_581 = %scan3A_280 to %scan3A_282 step %scan3A_283  : i32 {
        %mul3A_582 = arith.constant 1 : i32
        %mul3A_583 = arith.muli %scan3A_581, %mul3A_582 : i32
        %add3A_584 = arith.constant 0 : i32
        %add3A_585 = arith.addi %add3A_584, %mul3A_583 : i32
        %mul3A_586 = arith.constant 16 : i32
        %mul3A_587 = arith.muli %add3A_585, %mul3A_586 : i32
        %get3A = arith.constant 0 : i32
        %get3A_588 = arith.index_cast %get3A : i32 to index
        %get3A_589 = arith.index_cast %mul3A_587 : i32 to index
        %get3A_590 = tpu.vector_load %arg7[%get3A_588, %get3A_589] {strides = array<i32>} : memref<2x128xi32, #tpu.memory_space<vmem>>, vector<1x16xi32>,
        %get3A_591 = vector.shape_cast %get3A_590 : vector<1x16xi32> to vector<16xi32>
        %mul3A_592 = arith.constant 2 : i32
        %mul3A_593 = vector.broadcast %mul3A_592 : i32 to vector<16xi32>
        %mul3A_594 = arith.muli %get3A_591, %mul3A_593 : vector<16xi32>
        %add3A_595 = vector.broadcast %arg0 : i32 to vector<16xi32>
        %add3A_596 = arith.addi %mul3A_594, %add3A_595 : vector<16xi32>
        %mul3A_597 = arith.constant 16 : i32
        %mul3A_598 = arith.muli %add3A_585, %mul3A_597 : i32
        %swap3A = arith.index_cast %mul3A_598 : i32 to index
        %swap3A_599 = tpu.vector_load %arg15[%swap3A] {strides = array<i32>} : memref<128xi32, #tpu.memory_space<vmem>>, vector<16xi32>,
        %swap3A_600 = vector.shape_cast %swap3A_599 : vector<16xi32> to vector<16xi32>
        %swap3A_601 = vector.shape_cast %add3A_596 : vector<16xi32> to vector<16xi32>
        tpu.vector_store %arg15[%swap3A], %swap3A_601 {strides = array<i32>} : memref<128xi32, #tpu.memory_space<vmem>>, vector<16xi32>,
      }
      %scan3A_284 = arith.constant 8 : i32
      %dma_start3A_285 = arith.constant 0 : i32
      %dma_start3A_286 = arith.constant 0 : i32
      %dma_start3A_287 = tpu.memref_slice %arg2[%dma_start3A_285, %dma_start3A_286] : memref<20000x64xf32, #tpu.memory_space<hbm>> -> memref<20000x64xf32, #tpu.memory_space<hbm>>
      tpu.enqueue_indirect_dma source(%dma_start3A_287 : memref<20000x64xf32, #tpu.memory_space<hbm>>) target(%arg23 : memref<128x64xf32, #tpu.memory_space<vmem>>) offsets(%arg15 : memref<128xi32, #tpu.memory_space<vmem>>) semaphore(%arg45 : memref<!tpu.dma_semaphore, #tpu.memory_space<semaphore_mem>>)
      %dma_wait3A_288 = arith.constant 0 : i32
      %dma_wait3A_289 = arith.constant 0 : i32
      %dma_wait3A_290 = tpu.memref_slice %arg3[%dma_wait3A_288, %dma_wait3A_289] : memref<2x320000xi32, #tpu.memory_space<hbm>> -> memref<2x128xi32, #tpu.memory_space<hbm>>
      %dma_wait3A_291 = arith.constant 0 : i32
      %dma_wait3A_292 = arith.constant 0 : i32
      %dma_wait3A_293 = tpu.memref_slice %arg3[%dma_wait3A_291, %dma_wait3A_292] : memref<2x320000xi32, #tpu.memory_space<hbm>> -> memref<2x128xi32, #tpu.memory_space<hbm>>
      tpu.wait_dma2 semaphore(%arg38 : memref<!tpu.dma_semaphore, #tpu.memory_space<semaphore_mem>>) src(%dma_wait3A_293 : memref<2x128xi32, #tpu.memory_space<hbm>>) dst(%arg8 : memref<2x128xi32, #tpu.memory_space<vmem>>)
      %scan3A_294 = arith.constant 0 : i32
      %scan3A_295 = arith.constant 8 : i32
      %scan3A_296 = arith.addi %scan3A_294, %scan3A_295 : i32
      %scan3A_297 = arith.constant 1 : i32
      scf.for %scan3A_581 = %scan3A_294 to %scan3A_296 step %scan3A_297  : i32 {
        %mul3A_582 = arith.constant 1 : i32
        %mul3A_583 = arith.muli %scan3A_581, %mul3A_582 : i32
        %add3A_584 = arith.constant 0 : i32
        %add3A_585 = arith.addi %add3A_584, %mul3A_583 : i32
        %mul3A_586 = arith.constant 16 : i32
        %mul3A_587 = arith.muli %add3A_585, %mul3A_586 : i32
        %get3A = arith.constant 0 : i32
        %get3A_588 = arith.index_cast %get3A : i32 to index
        %get3A_589 = arith.index_cast %mul3A_587 : i32 to index
        %get3A_590 = tpu.vector_load %arg8[%get3A_588, %get3A_589] {strides = array<i32>} : memref<2x128xi32, #tpu.memory_space<vmem>>, vector<1x16xi32>,
        %get3A_591 = vector.shape_cast %get3A_590 : vector<1x16xi32> to vector<16xi32>
        %mul3A_592 = arith.constant 2 : i32
        %mul3A_593 = vector.broadcast %mul3A_592 : i32 to vector<16xi32>
        %mul3A_594 = arith.muli %get3A_591, %mul3A_593 : vector<16xi32>
        %add3A_595 = vector.broadcast %arg0 : i32 to vector<16xi32>
        %add3A_596 = arith.addi %mul3A_594, %add3A_595 : vector<16xi32>
        %mul3A_597 = arith.constant 16 : i32
        %mul3A_598 = arith.muli %add3A_585, %mul3A_597 : i32
        %swap3A = arith.index_cast %mul3A_598 : i32 to index
        %swap3A_599 = tpu.vector_load %arg16[%swap3A] {strides = array<i32>} : memref<128xi32, #tpu.memory_space<vmem>>, vector<16xi32>,
        %swap3A_600 = vector.shape_cast %swap3A_599 : vector<16xi32> to vector<16xi32>
        %swap3A_601 = vector.shape_cast %add3A_596 : vector<16xi32> to vector<16xi32>
        tpu.vector_store %arg16[%swap3A], %swap3A_601 {strides = array<i32>} : memref<128xi32, #tpu.memory_space<vmem>>, vector<16xi32>,
      }
      %scan3A_298 = arith.constant 8 : i32
      %dma_start3A_299 = arith.constant 0 : i32
      %dma_start3A_300 = arith.constant 0 : i32
      %dma_start3A_301 = tpu.memref_slice %arg2[%dma_start3A_299, %dma_start3A_300] : memref<20000x64xf32, #tpu.memory_space<hbm>> -> memref<20000x64xf32, #tpu.memory_space<hbm>>
      tpu.enqueue_indirect_dma source(%dma_start3A_301 : memref<20000x64xf32, #tpu.memory_space<hbm>>) target(%arg24 : memref<128x64xf32, #tpu.memory_space<vmem>>) offsets(%arg16 : memref<128xi32, #tpu.memory_space<vmem>>) semaphore(%arg46 : memref<!tpu.dma_semaphore, #tpu.memory_space<semaphore_mem>>)
      %dma_wait3A_302 = arith.constant 0 : i32
      %dma_wait3A_303 = arith.constant 0 : i32
      %dma_wait3A_304 = tpu.memref_slice %arg3[%dma_wait3A_302, %dma_wait3A_303] : memref<2x320000xi32, #tpu.memory_space<hbm>> -> memref<2x128xi32, #tpu.memory_space<hbm>>
      %dma_wait3A_305 = arith.constant 0 : i32
      %dma_wait3A_306 = arith.constant 0 : i32
      %dma_wait3A_307 = tpu.memref_slice %arg3[%dma_wait3A_305, %dma_wait3A_306] : memref<2x320000xi32, #tpu.memory_space<hbm>> -> memref<2x128xi32, #tpu.memory_space<hbm>>
      tpu.wait_dma2 semaphore(%arg39 : memref<!tpu.dma_semaphore, #tpu.memory_space<semaphore_mem>>) src(%dma_wait3A_307 : memref<2x128xi32, #tpu.memory_space<hbm>>) dst(%arg9 : memref<2x128xi32, #tpu.memory_space<vmem>>)
      %scan3A_308 = arith.constant 0 : i32
      %scan3A_309 = arith.constant 8 : i32
      %scan3A_310 = arith.addi %scan3A_308, %scan3A_309 : i32
      %scan3A_311 = arith.constant 1 : i32
      scf.for %scan3A_581 = %scan3A_308 to %scan3A_310 step %scan3A_311  : i32 {
        %mul3A_582 = arith.constant 1 : i32
        %mul3A_583 = arith.muli %scan3A_581, %mul3A_582 : i32
        %add3A_584 = arith.constant 0 : i32
        %add3A_585 = arith.addi %add3A_584, %mul3A_583 : i32
        %mul3A_586 = arith.constant 16 : i32
        %mul3A_587 = arith.muli %add3A_585, %mul3A_586 : i32
        %get3A = arith.constant 0 : i32
        %get3A_588 = arith.index_cast %get3A : i32 to index
        %get3A_589 = arith.index_cast %mul3A_587 : i32 to index
        %get3A_590 = tpu.vector_load %arg9[%get3A_588, %get3A_589] {strides = array<i32>} : memref<2x128xi32, #tpu.memory_space<vmem>>, vector<1x16xi32>,
        %get3A_591 = vector.shape_cast %get3A_590 : vector<1x16xi32> to vector<16xi32>
        %mul3A_592 = arith.constant 2 : i32
        %mul3A_593 = vector.broadcast %mul3A_592 : i32 to vector<16xi32>
        %mul3A_594 = arith.muli %get3A_591, %mul3A_593 : vector<16xi32>
        %add3A_595 = vector.broadcast %arg0 : i32 to vector<16xi32>
        %add3A_596 = arith.addi %mul3A_594, %add3A_595 : vector<16xi32>
        %mul3A_597 = arith.constant 16 : i32
        %mul3A_598 = arith.muli %add3A_585, %mul3A_597 : i32
        %swap3A = arith.index_cast %mul3A_598 : i32 to index
        %swap3A_599 = tpu.vector_load %arg17[%swap3A] {strides = array<i32>} : memref<128xi32, #tpu.memory_space<vmem>>, vector<16xi32>,
        %swap3A_600 = vector.shape_cast %swap3A_599 : vector<16xi32> to vector<16xi32>
        %swap3A_601 = vector.shape_cast %add3A_596 : vector<16xi32> to vector<16xi32>
        tpu.vector_store %arg17[%swap3A], %swap3A_601 {strides = array<i32>} : memref<128xi32, #tpu.memory_space<vmem>>, vector<16xi32>,
      }
      %scan3A_312 = arith.constant 8 : i32
      %dma_start3A_313 = arith.constant 0 : i32
      %dma_start3A_314 = arith.constant 0 : i32
      %dma_start3A_315 = tpu.memref_slice %arg2[%dma_start3A_313, %dma_start3A_314] : memref<20000x64xf32, #tpu.memory_space<hbm>> -> memref<20000x64xf32, #tpu.memory_space<hbm>>
      tpu.enqueue_indirect_dma source(%dma_start3A_315 : memref<20000x64xf32, #tpu.memory_space<hbm>>) target(%arg25 : memref<128x64xf32, #tpu.memory_space<vmem>>) offsets(%arg17 : memref<128xi32, #tpu.memory_space<vmem>>) semaphore(%arg47 : memref<!tpu.dma_semaphore, #tpu.memory_space<semaphore_mem>>)
      %dma_wait3A_316 = arith.constant 0 : i32
      %dma_wait3A_317 = arith.constant 0 : i32
      %dma_wait3A_318 = tpu.memref_slice %arg3[%dma_wait3A_316, %dma_wait3A_317] : memref<2x320000xi32, #tpu.memory_space<hbm>> -> memref<2x128xi32, #tpu.memory_space<hbm>>
      %dma_wait3A_319 = arith.constant 0 : i32
      %dma_wait3A_320 = arith.constant 0 : i32
      %dma_wait3A_321 = tpu.memref_slice %arg3[%dma_wait3A_319, %dma_wait3A_320] : memref<2x320000xi32, #tpu.memory_space<hbm>> -> memref<2x128xi32, #tpu.memory_space<hbm>>
      tpu.wait_dma2 semaphore(%arg40 : memref<!tpu.dma_semaphore, #tpu.memory_space<semaphore_mem>>) src(%dma_wait3A_321 : memref<2x128xi32, #tpu.memory_space<hbm>>) dst(%arg10 : memref<2x128xi32, #tpu.memory_space<vmem>>)
      %scan3A_322 = arith.constant 0 : i32
      %scan3A_323 = arith.constant 8 : i32
      %scan3A_324 = arith.addi %scan3A_322, %scan3A_323 : i32
      %scan3A_325 = arith.constant 1 : i32
      scf.for %scan3A_581 = %scan3A_322 to %scan3A_324 step %scan3A_325  : i32 {
        %mul3A_582 = arith.constant 1 : i32
        %mul3A_583 = arith.muli %scan3A_581, %mul3A_582 : i32
        %add3A_584 = arith.constant 0 : i32
        %add3A_585 = arith.addi %add3A_584, %mul3A_583 : i32
        %mul3A_586 = arith.constant 16 : i32
        %mul3A_587 = arith.muli %add3A_585, %mul3A_586 : i32
        %get3A = arith.constant 0 : i32
        %get3A_588 = arith.index_cast %get3A : i32 to index
        %get3A_589 = arith.index_cast %mul3A_587 : i32 to index
        %get3A_590 = tpu.vector_load %arg10[%get3A_588, %get3A_589] {strides = array<i32>} : memref<2x128xi32, #tpu.memory_space<vmem>>, vector<1x16xi32>,
        %get3A_591 = vector.shape_cast %get3A_590 : vector<1x16xi32> to vector<16xi32>
        %mul3A_592 = arith.constant 2 : i32
        %mul3A_593 = vector.broadcast %mul3A_592 : i32 to vector<16xi32>
        %mul3A_594 = arith.muli %get3A_591, %mul3A_593 : vector<16xi32>
        %add3A_595 = vector.broadcast %arg0 : i32 to vector<16xi32>
        %add3A_596 = arith.addi %mul3A_594, %add3A_595 : vector<16xi32>
        %mul3A_597 = arith.constant 16 : i32
        %mul3A_598 = arith.muli %add3A_585, %mul3A_597 : i32
        %swap3A = arith.index_cast %mul3A_598 : i32 to index
        %swap3A_599 = tpu.vector_load %arg18[%swap3A] {strides = array<i32>} : memref<128xi32, #tpu.memory_space<vmem>>, vector<16xi32>,
        %swap3A_600 = vector.shape_cast %swap3A_599 : vector<16xi32> to vector<16xi32>
        %swap3A_601 = vector.shape_cast %add3A_596 : vector<16xi32> to vector<16xi32>
        tpu.vector_store %arg18[%swap3A], %swap3A_601 {strides = array<i32>} : memref<128xi32, #tpu.memory_space<vmem>>, vector<16xi32>,
      }
      %scan3A_326 = arith.constant 8 : i32
      %dma_start3A_327 = arith.constant 0 : i32
      %dma_start3A_328 = arith.constant 0 : i32
      %dma_start3A_329 = tpu.memref_slice %arg2[%dma_start3A_327, %dma_start3A_328] : memref<20000x64xf32, #tpu.memory_space<hbm>> -> memref<20000x64xf32, #tpu.memory_space<hbm>>
      tpu.enqueue_indirect_dma source(%dma_start3A_329 : memref<20000x64xf32, #tpu.memory_space<hbm>>) target(%arg26 : memref<128x64xf32, #tpu.memory_space<vmem>>) offsets(%arg18 : memref<128xi32, #tpu.memory_space<vmem>>) semaphore(%arg48 : memref<!tpu.dma_semaphore, #tpu.memory_space<semaphore_mem>>)
      %dma_wait3A_330 = arith.constant 0 : i32
      %dma_wait3A_331 = arith.constant 0 : i32
      %dma_wait3A_332 = tpu.memref_slice %arg3[%dma_wait3A_330, %dma_wait3A_331] : memref<2x320000xi32, #tpu.memory_space<hbm>> -> memref<2x128xi32, #tpu.memory_space<hbm>>
      %dma_wait3A_333 = arith.constant 0 : i32
      %dma_wait3A_334 = arith.constant 0 : i32
      %dma_wait3A_335 = tpu.memref_slice %arg3[%dma_wait3A_333, %dma_wait3A_334] : memref<2x320000xi32, #tpu.memory_space<hbm>> -> memref<2x128xi32, #tpu.memory_space<hbm>>
      tpu.wait_dma2 semaphore(%arg41 : memref<!tpu.dma_semaphore, #tpu.memory_space<semaphore_mem>>) src(%dma_wait3A_335 : memref<2x128xi32, #tpu.memory_space<hbm>>) dst(%arg11 : memref<2x128xi32, #tpu.memory_space<vmem>>)
      %scan3A_336 = arith.constant 0 : i32
      %scan3A_337 = arith.constant 8 : i32
      %scan3A_338 = arith.addi %scan3A_336, %scan3A_337 : i32
      %scan3A_339 = arith.constant 1 : i32
      scf.for %scan3A_581 = %scan3A_336 to %scan3A_338 step %scan3A_339  : i32 {
        %mul3A_582 = arith.constant 1 : i32
        %mul3A_583 = arith.muli %scan3A_581, %mul3A_582 : i32
        %add3A_584 = arith.constant 0 : i32
        %add3A_585 = arith.addi %add3A_584, %mul3A_583 : i32
        %mul3A_586 = arith.constant 16 : i32
        %mul3A_587 = arith.muli %add3A_585, %mul3A_586 : i32
        %get3A = arith.constant 0 : i32
        %get3A_588 = arith.index_cast %get3A : i32 to index
        %get3A_589 = arith.index_cast %mul3A_587 : i32 to index
        %get3A_590 = tpu.vector_load %arg11[%get3A_588, %get3A_589] {strides = array<i32>} : memref<2x128xi32, #tpu.memory_space<vmem>>, vector<1x16xi32>,
        %get3A_591 = vector.shape_cast %get3A_590 : vector<1x16xi32> to vector<16xi32>
        %mul3A_592 = arith.constant 2 : i32
        %mul3A_593 = vector.broadcast %mul3A_592 : i32 to vector<16xi32>
        %mul3A_594 = arith.muli %get3A_591, %mul3A_593 : vector<16xi32>
        %add3A_595 = vector.broadcast %arg0 : i32 to vector<16xi32>
        %add3A_596 = arith.addi %mul3A_594, %add3A_595 : vector<16xi32>
        %mul3A_597 = arith.constant 16 : i32
        %mul3A_598 = arith.muli %add3A_585, %mul3A_597 : i32
        %swap3A = arith.index_cast %mul3A_598 : i32 to index
        %swap3A_599 = tpu.vector_load %arg19[%swap3A] {strides = array<i32>} : memref<128xi32, #tpu.memory_space<vmem>>, vector<16xi32>,
        %swap3A_600 = vector.shape_cast %swap3A_599 : vector<16xi32> to vector<16xi32>
        %swap3A_601 = vector.shape_cast %add3A_596 : vector<16xi32> to vector<16xi32>
        tpu.vector_store %arg19[%swap3A], %swap3A_601 {strides = array<i32>} : memref<128xi32, #tpu.memory_space<vmem>>, vector<16xi32>,
      }
      %scan3A_340 = arith.constant 8 : i32
      %dma_start3A_341 = arith.constant 0 : i32
      %dma_start3A_342 = arith.constant 0 : i32
      %dma_start3A_343 = tpu.memref_slice %arg2[%dma_start3A_341, %dma_start3A_342] : memref<20000x64xf32, #tpu.memory_space<hbm>> -> memref<20000x64xf32, #tpu.memory_space<hbm>>
      tpu.enqueue_indirect_dma source(%dma_start3A_343 : memref<20000x64xf32, #tpu.memory_space<hbm>>) target(%arg27 : memref<128x64xf32, #tpu.memory_space<vmem>>) offsets(%arg19 : memref<128xi32, #tpu.memory_space<vmem>>) semaphore(%arg49 : memref<!tpu.dma_semaphore, #tpu.memory_space<semaphore_mem>>)
      %dma_wait3A_344 = arith.constant 0 : i32
      %dma_wait3A_345 = arith.constant 0 : i32
      %dma_wait3A_346 = tpu.memref_slice %arg3[%dma_wait3A_344, %dma_wait3A_345] : memref<2x320000xi32, #tpu.memory_space<hbm>> -> memref<2x128xi32, #tpu.memory_space<hbm>>
      %dma_wait3A_347 = arith.constant 0 : i32
      %dma_wait3A_348 = arith.constant 0 : i32
      %dma_wait3A_349 = tpu.memref_slice %arg3[%dma_wait3A_347, %dma_wait3A_348] : memref<2x320000xi32, #tpu.memory_space<hbm>> -> memref<2x128xi32, #tpu.memory_space<hbm>>
      tpu.wait_dma2 semaphore(%arg42 : memref<!tpu.dma_semaphore, #tpu.memory_space<semaphore_mem>>) src(%dma_wait3A_349 : memref<2x128xi32, #tpu.memory_space<hbm>>) dst(%arg12 : memref<2x128xi32, #tpu.memory_space<vmem>>)
      %scan3A_350 = arith.constant 0 : i32
      %scan3A_351 = arith.constant 8 : i32
      %scan3A_352 = arith.addi %scan3A_350, %scan3A_351 : i32
      %scan3A_353 = arith.constant 1 : i32
      scf.for %scan3A_581 = %scan3A_350 to %scan3A_352 step %scan3A_353  : i32 {
        %mul3A_582 = arith.constant 1 : i32
        %mul3A_583 = arith.muli %scan3A_581, %mul3A_582 : i32
        %add3A_584 = arith.constant 0 : i32
        %add3A_585 = arith.addi %add3A_584, %mul3A_583 : i32
        %mul3A_586 = arith.constant 16 : i32
        %mul3A_587 = arith.muli %add3A_585, %mul3A_586 : i32
        %get3A = arith.constant 0 : i32
        %get3A_588 = arith.index_cast %get3A : i32 to index
        %get3A_589 = arith.index_cast %mul3A_587 : i32 to index
        %get3A_590 = tpu.vector_load %arg12[%get3A_588, %get3A_589] {strides = array<i32>} : memref<2x128xi32, #tpu.memory_space<vmem>>, vector<1x16xi32>,
        %get3A_591 = vector.shape_cast %get3A_590 : vector<1x16xi32> to vector<16xi32>
        %mul3A_592 = arith.constant 2 : i32
        %mul3A_593 = vector.broadcast %mul3A_592 : i32 to vector<16xi32>
        %mul3A_594 = arith.muli %get3A_591, %mul3A_593 : vector<16xi32>
        %add3A_595 = vector.broadcast %arg0 : i32 to vector<16xi32>
        %add3A_596 = arith.addi %mul3A_594, %add3A_595 : vector<16xi32>
        %mul3A_597 = arith.constant 16 : i32
        %mul3A_598 = arith.muli %add3A_585, %mul3A_597 : i32
        %swap3A = arith.index_cast %mul3A_598 : i32 to index
        %swap3A_599 = tpu.vector_load %arg20[%swap3A] {strides = array<i32>} : memref<128xi32, #tpu.memory_space<vmem>>, vector<16xi32>,
        %swap3A_600 = vector.shape_cast %swap3A_599 : vector<16xi32> to vector<16xi32>
        %swap3A_601 = vector.shape_cast %add3A_596 : vector<16xi32> to vector<16xi32>
        tpu.vector_store %arg20[%swap3A], %swap3A_601 {strides = array<i32>} : memref<128xi32, #tpu.memory_space<vmem>>, vector<16xi32>,
      }
      %scan3A_354 = arith.constant 8 : i32
      %dma_start3A_355 = arith.constant 0 : i32
      %dma_start3A_356 = arith.constant 0 : i32
      %dma_start3A_357 = tpu.memref_slice %arg2[%dma_start3A_355, %dma_start3A_356] : memref<20000x64xf32, #tpu.memory_space<hbm>> -> memref<20000x64xf32, #tpu.memory_space<hbm>>
      tpu.enqueue_indirect_dma source(%dma_start3A_357 : memref<20000x64xf32, #tpu.memory_space<hbm>>) target(%arg28 : memref<128x64xf32, #tpu.memory_space<vmem>>) offsets(%arg20 : memref<128xi32, #tpu.memory_space<vmem>>) semaphore(%arg50 : memref<!tpu.dma_semaphore, #tpu.memory_space<semaphore_mem>>)
      %dma_wait3A_358 = arith.constant 0 : i32
      %dma_wait3A_359 = arith.constant 0 : i32
      %dma_wait3A_360 = tpu.memref_slice %arg2[%dma_wait3A_358, %dma_wait3A_359] : memref<20000x64xf32, #tpu.memory_space<hbm>> -> memref<128x64xf32, #tpu.memory_space<hbm>>
      %dma_wait3A_361 = arith.constant 0 : i32
      %dma_wait3A_362 = arith.constant 0 : i32
      %dma_wait3A_363 = tpu.memref_slice %arg2[%dma_wait3A_361, %dma_wait3A_362] : memref<20000x64xf32, #tpu.memory_space<hbm>> -> memref<128x64xf32, #tpu.memory_space<hbm>>
      tpu.wait_dma2 semaphore(%arg43 : memref<!tpu.dma_semaphore, #tpu.memory_space<semaphore_mem>>) src(%dma_wait3A_363 : memref<128x64xf32, #tpu.memory_space<hbm>>) dst(%arg21 : memref<128x64xf32, #tpu.memory_space<vmem>>)
      %dma_start3A_364 = arith.constant 1 : i32
      %dma_start3A_365 = arith.constant 0 : i32
      %dma_start3A_366 = tpu.memref_slice %arg5[%dma_start3A_364, %dma_start3A_365] : memref<2x128xi32, #tpu.memory_space<vmem>> -> memref<1x128xi32, #tpu.memory_space<vmem>>
      %dma_start3A_367 = tpu.memref_squeeze %dma_start3A_366 : memref<1x128xi32, #tpu.memory_space<vmem>> -> memref<128xi32, #tpu.memory_space<vmem>>
      %dma_start3A_368 = arith.constant 0 : i32
      %dma_start3A_369 = arith.constant 0 : i32
      %dma_start3A_370 = tpu.memref_slice %arg34[%dma_start3A_368, %dma_start3A_369] : memref<10000x64xf32, #tpu.memory_space<vmem_shared>> -> memref<10000x64xf32, #tpu.memory_space<vmem_shared>>
      tpu.enqueue_indirect_dma source(%arg21 : memref<128x64xf32, #tpu.memory_space<vmem>>) target(%dma_start3A_370 : memref<10000x64xf32, #tpu.memory_space<vmem_shared>>) offsets(%dma_start3A_367 : memref<128xi32, #tpu.memory_space<vmem>>) semaphore(%arg51 : memref<!tpu.dma_semaphore, #tpu.memory_space<semaphore_mem>>) {add = true}
      %dma_wait3A_371 = arith.constant 0 : i32
      %dma_wait3A_372 = arith.constant 0 : i32
      %dma_wait3A_373 = tpu.memref_slice %arg2[%dma_wait3A_371, %dma_wait3A_372] : memref<20000x64xf32, #tpu.memory_space<hbm>> -> memref<128x64xf32, #tpu.memory_space<hbm>>
      %dma_wait3A_374 = arith.constant 0 : i32
      %dma_wait3A_375 = arith.constant 0 : i32
      %dma_wait3A_376 = tpu.memref_slice %arg2[%dma_wait3A_374, %dma_wait3A_375] : memref<20000x64xf32, #tpu.memory_space<hbm>> -> memref<128x64xf32, #tpu.memory_space<hbm>>
      tpu.wait_dma2 semaphore(%arg44 : memref<!tpu.dma_semaphore, #tpu.memory_space<semaphore_mem>>) src(%dma_wait3A_376 : memref<128x64xf32, #tpu.memory_space<hbm>>) dst(%arg22 : memref<128x64xf32, #tpu.memory_space<vmem>>)
      %dma_start3A_377 = arith.constant 1 : i32
      %dma_start3A_378 = arith.constant 0 : i32
      %dma_start3A_379 = tpu.memref_slice %arg6[%dma_start3A_377, %dma_start3A_378] : memref<2x128xi32, #tpu.memory_space<vmem>> -> memref<1x128xi32, #tpu.memory_space<vmem>>
      %dma_start3A_380 = tpu.memref_squeeze %dma_start3A_379 : memref<1x128xi32, #tpu.memory_space<vmem>> -> memref<128xi32, #tpu.memory_space<vmem>>
      %dma_start3A_381 = arith.constant 0 : i32
      %dma_start3A_382 = arith.constant 0 : i32
      %dma_start3A_383 = tpu.memref_slice %arg34[%dma_start3A_381, %dma_start3A_382] : memref<10000x64xf32, #tpu.memory_space<vmem_shared>> -> memref<10000x64xf32, #tpu.memory_space<vmem_shared>>
      tpu.enqueue_indirect_dma source(%arg22 : memref<128x64xf32, #tpu.memory_space<vmem>>) target(%dma_start3A_383 : memref<10000x64xf32, #tpu.memory_space<vmem_shared>>) offsets(%dma_start3A_380 : memref<128xi32, #tpu.memory_space<vmem>>) semaphore(%arg52 : memref<!tpu.dma_semaphore, #tpu.memory_space<semaphore_mem>>) {add = true}
      %dma_wait3A_384 = arith.constant 0 : i32
      %dma_wait3A_385 = arith.constant 0 : i32
      %dma_wait3A_386 = tpu.memref_slice %arg2[%dma_wait3A_384, %dma_wait3A_385] : memref<20000x64xf32, #tpu.memory_space<hbm>> -> memref<128x64xf32, #tpu.memory_space<hbm>>
      %dma_wait3A_387 = arith.constant 0 : i32
      %dma_wait3A_388 = arith.constant 0 : i32
      %dma_wait3A_389 = tpu.memref_slice %arg2[%dma_wait3A_387, %dma_wait3A_388] : memref<20000x64xf32, #tpu.memory_space<hbm>> -> memref<128x64xf32, #tpu.memory_space<hbm>>
      tpu.wait_dma2 semaphore(%arg45 : memref<!tpu.dma_semaphore, #tpu.memory_space<semaphore_mem>>) src(%dma_wait3A_389 : memref<128x64xf32, #tpu.memory_space<hbm>>) dst(%arg23 : memref<128x64xf32, #tpu.memory_space<vmem>>)
      %dma_start3A_390 = arith.constant 1 : i32
      %dma_start3A_391 = arith.constant 0 : i32
      %dma_start3A_392 = tpu.memref_slice %arg7[%dma_start3A_390, %dma_start3A_391] : memref<2x128xi32, #tpu.memory_space<vmem>> -> memref<1x128xi32, #tpu.memory_space<vmem>>
      %dma_start3A_393 = tpu.memref_squeeze %dma_start3A_392 : memref<1x128xi32, #tpu.memory_space<vmem>> -> memref<128xi32, #tpu.memory_space<vmem>>
      %dma_start3A_394 = arith.constant 0 : i32
      %dma_start3A_395 = arith.constant 0 : i32
      %dma_start3A_396 = tpu.memref_slice %arg34[%dma_start3A_394, %dma_start3A_395] : memref<10000x64xf32, #tpu.memory_space<vmem_shared>> -> memref<10000x64xf32, #tpu.memory_space<vmem_shared>>
      tpu.enqueue_indirect_dma source(%arg23 : memref<128x64xf32, #tpu.memory_space<vmem>>) target(%dma_start3A_396 : memref<10000x64xf32, #tpu.memory_space<vmem_shared>>) offsets(%dma_start3A_393 : memref<128xi32, #tpu.memory_space<vmem>>) semaphore(%arg53 : memref<!tpu.dma_semaphore, #tpu.memory_space<semaphore_mem>>) {add = true}
      %dma_wait3A_397 = arith.constant 0 : i32
      %dma_wait3A_398 = arith.constant 0 : i32
      %dma_wait3A_399 = tpu.memref_slice %arg2[%dma_wait3A_397, %dma_wait3A_398] : memref<20000x64xf32, #tpu.memory_space<hbm>> -> memref<128x64xf32, #tpu.memory_space<hbm>>
      %dma_wait3A_400 = arith.constant 0 : i32
      %dma_wait3A_401 = arith.constant 0 : i32
      %dma_wait3A_402 = tpu.memref_slice %arg2[%dma_wait3A_400, %dma_wait3A_401] : memref<20000x64xf32, #tpu.memory_space<hbm>> -> memref<128x64xf32, #tpu.memory_space<hbm>>
      tpu.wait_dma2 semaphore(%arg46 : memref<!tpu.dma_semaphore, #tpu.memory_space<semaphore_mem>>) src(%dma_wait3A_402 : memref<128x64xf32, #tpu.memory_space<hbm>>) dst(%arg24 : memref<128x64xf32, #tpu.memory_space<vmem>>)
      %dma_start3A_403 = arith.constant 1 : i32
      %dma_start3A_404 = arith.constant 0 : i32
      %dma_start3A_405 = tpu.memref_slice %arg8[%dma_start3A_403, %dma_start3A_404] : memref<2x128xi32, #tpu.memory_space<vmem>> -> memref<1x128xi32, #tpu.memory_space<vmem>>
      %dma_start3A_406 = tpu.memref_squeeze %dma_start3A_405 : memref<1x128xi32, #tpu.memory_space<vmem>> -> memref<128xi32, #tpu.memory_space<vmem>>
      %dma_start3A_407 = arith.constant 0 : i32
      %dma_start3A_408 = arith.constant 0 : i32
      %dma_start3A_409 = tpu.memref_slice %arg34[%dma_start3A_407, %dma_start3A_408] : memref<10000x64xf32, #tpu.memory_space<vmem_shared>> -> memref<10000x64xf32, #tpu.memory_space<vmem_shared>>
      tpu.enqueue_indirect_dma source(%arg24 : memref<128x64xf32, #tpu.memory_space<vmem>>) target(%dma_start3A_409 : memref<10000x64xf32, #tpu.memory_space<vmem_shared>>) offsets(%dma_start3A_406 : memref<128xi32, #tpu.memory_space<vmem>>) semaphore(%arg54 : memref<!tpu.dma_semaphore, #tpu.memory_space<semaphore_mem>>) {add = true}
      %dma_wait3A_410 = arith.constant 0 : i32
      %dma_wait3A_411 = arith.constant 0 : i32
      %dma_wait3A_412 = tpu.memref_slice %arg2[%dma_wait3A_410, %dma_wait3A_411] : memref<20000x64xf32, #tpu.memory_space<hbm>> -> memref<128x64xf32, #tpu.memory_space<hbm>>
      %dma_wait3A_413 = arith.constant 0 : i32
      %dma_wait3A_414 = arith.constant 0 : i32
      %dma_wait3A_415 = tpu.memref_slice %arg2[%dma_wait3A_413, %dma_wait3A_414] : memref<20000x64xf32, #tpu.memory_space<hbm>> -> memref<128x64xf32, #tpu.memory_space<hbm>>
      tpu.wait_dma2 semaphore(%arg47 : memref<!tpu.dma_semaphore, #tpu.memory_space<semaphore_mem>>) src(%dma_wait3A_415 : memref<128x64xf32, #tpu.memory_space<hbm>>) dst(%arg25 : memref<128x64xf32, #tpu.memory_space<vmem>>)
      %dma_start3A_416 = arith.constant 1 : i32
      %dma_start3A_417 = arith.constant 0 : i32
      %dma_start3A_418 = tpu.memref_slice %arg9[%dma_start3A_416, %dma_start3A_417] : memref<2x128xi32, #tpu.memory_space<vmem>> -> memref<1x128xi32, #tpu.memory_space<vmem>>
      %dma_start3A_419 = tpu.memref_squeeze %dma_start3A_418 : memref<1x128xi32, #tpu.memory_space<vmem>> -> memref<128xi32, #tpu.memory_space<vmem>>
      %dma_start3A_420 = arith.constant 0 : i32
      %dma_start3A_421 = arith.constant 0 : i32
      %dma_start3A_422 = tpu.memref_slice %arg34[%dma_start3A_420, %dma_start3A_421] : memref<10000x64xf32, #tpu.memory_space<vmem_shared>> -> memref<10000x64xf32, #tpu.memory_space<vmem_shared>>
      tpu.enqueue_indirect_dma source(%arg25 : memref<128x64xf32, #tpu.memory_space<vmem>>) target(%dma_start3A_422 : memref<10000x64xf32, #tpu.memory_space<vmem_shared>>) offsets(%dma_start3A_419 : memref<128xi32, #tpu.memory_space<vmem>>) semaphore(%arg55 : memref<!tpu.dma_semaphore, #tpu.memory_space<semaphore_mem>>) {add = true}
      %dma_wait3A_423 = arith.constant 0 : i32
      %dma_wait3A_424 = arith.constant 0 : i32
      %dma_wait3A_425 = tpu.memref_slice %arg2[%dma_wait3A_423, %dma_wait3A_424] : memref<20000x64xf32, #tpu.memory_space<hbm>> -> memref<128x64xf32, #tpu.memory_space<hbm>>
      %dma_wait3A_426 = arith.constant 0 : i32
      %dma_wait3A_427 = arith.constant 0 : i32
      %dma_wait3A_428 = tpu.memref_slice %arg2[%dma_wait3A_426, %dma_wait3A_427] : memref<20000x64xf32, #tpu.memory_space<hbm>> -> memref<128x64xf32, #tpu.memory_space<hbm>>
      tpu.wait_dma2 semaphore(%arg48 : memref<!tpu.dma_semaphore, #tpu.memory_space<semaphore_mem>>) src(%dma_wait3A_428 : memref<128x64xf32, #tpu.memory_space<hbm>>) dst(%arg26 : memref<128x64xf32, #tpu.memory_space<vmem>>)
      %dma_start3A_429 = arith.constant 1 : i32
      %dma_start3A_430 = arith.constant 0 : i32
      %dma_start3A_431 = tpu.memref_slice %arg10[%dma_start3A_429, %dma_start3A_430] : memref<2x128xi32, #tpu.memory_space<vmem>> -> memref<1x128xi32, #tpu.memory_space<vmem>>
      %dma_start3A_432 = tpu.memref_squeeze %dma_start3A_431 : memref<1x128xi32, #tpu.memory_space<vmem>> -> memref<128xi32, #tpu.memory_space<vmem>>
      %dma_start3A_433 = arith.constant 0 : i32
      %dma_start3A_434 = arith.constant 0 : i32
      %dma_start3A_435 = tpu.memref_slice %arg34[%dma_start3A_433, %dma_start3A_434] : memref<10000x64xf32, #tpu.memory_space<vmem_shared>> -> memref<10000x64xf32, #tpu.memory_space<vmem_shared>>
      tpu.enqueue_indirect_dma source(%arg26 : memref<128x64xf32, #tpu.memory_space<vmem>>) target(%dma_start3A_435 : memref<10000x64xf32, #tpu.memory_space<vmem_shared>>) offsets(%dma_start3A_432 : memref<128xi32, #tpu.memory_space<vmem>>) semaphore(%arg56 : memref<!tpu.dma_semaphore, #tpu.memory_space<semaphore_mem>>) {add = true}
      %dma_wait3A_436 = arith.constant 0 : i32
      %dma_wait3A_437 = arith.constant 0 : i32
      %dma_wait3A_438 = tpu.memref_slice %arg2[%dma_wait3A_436, %dma_wait3A_437] : memref<20000x64xf32, #tpu.memory_space<hbm>> -> memref<128x64xf32, #tpu.memory_space<hbm>>
      %dma_wait3A_439 = arith.constant 0 : i32
      %dma_wait3A_440 = arith.constant 0 : i32
      %dma_wait3A_441 = tpu.memref_slice %arg2[%dma_wait3A_439, %dma_wait3A_440] : memref<20000x64xf32, #tpu.memory_space<hbm>> -> memref<128x64xf32, #tpu.memory_space<hbm>>
      tpu.wait_dma2 semaphore(%arg49 : memref<!tpu.dma_semaphore, #tpu.memory_space<semaphore_mem>>) src(%dma_wait3A_441 : memref<128x64xf32, #tpu.memory_space<hbm>>) dst(%arg27 : memref<128x64xf32, #tpu.memory_space<vmem>>)
      %dma_start3A_442 = arith.constant 1 : i32
      %dma_start3A_443 = arith.constant 0 : i32
      %dma_start3A_444 = tpu.memref_slice %arg11[%dma_start3A_442, %dma_start3A_443] : memref<2x128xi32, #tpu.memory_space<vmem>> -> memref<1x128xi32, #tpu.memory_space<vmem>>
      %dma_start3A_445 = tpu.memref_squeeze %dma_start3A_444 : memref<1x128xi32, #tpu.memory_space<vmem>> -> memref<128xi32, #tpu.memory_space<vmem>>
      %dma_start3A_446 = arith.constant 0 : i32
      %dma_start3A_447 = arith.constant 0 : i32
      %dma_start3A_448 = tpu.memref_slice %arg34[%dma_start3A_446, %dma_start3A_447] : memref<10000x64xf32, #tpu.memory_space<vmem_shared>> -> memref<10000x64xf32, #tpu.memory_space<vmem_shared>>
      tpu.enqueue_indirect_dma source(%arg27 : memref<128x64xf32, #tpu.memory_space<vmem>>) target(%dma_start3A_448 : memref<10000x64xf32, #tpu.memory_space<vmem_shared>>) offsets(%dma_start3A_445 : memref<128xi32, #tpu.memory_space<vmem>>) semaphore(%arg57 : memref<!tpu.dma_semaphore, #tpu.memory_space<semaphore_mem>>) {add = true}
      %dma_wait3A_449 = arith.constant 0 : i32
      %dma_wait3A_450 = arith.constant 0 : i32
      %dma_wait3A_451 = tpu.memref_slice %arg2[%dma_wait3A_449, %dma_wait3A_450] : memref<20000x64xf32, #tpu.memory_space<hbm>> -> memref<128x64xf32, #tpu.memory_space<hbm>>
      %dma_wait3A_452 = arith.constant 0 : i32
      %dma_wait3A_453 = arith.constant 0 : i32
      %dma_wait3A_454 = tpu.memref_slice %arg2[%dma_wait3A_452, %dma_wait3A_453] : memref<20000x64xf32, #tpu.memory_space<hbm>> -> memref<128x64xf32, #tpu.memory_space<hbm>>
      tpu.wait_dma2 semaphore(%arg50 : memref<!tpu.dma_semaphore, #tpu.memory_space<semaphore_mem>>) src(%dma_wait3A_454 : memref<128x64xf32, #tpu.memory_space<hbm>>) dst(%arg28 : memref<128x64xf32, #tpu.memory_space<vmem>>)
      %dma_start3A_455 = arith.constant 1 : i32
      %dma_start3A_456 = arith.constant 0 : i32
      %dma_start3A_457 = tpu.memref_slice %arg12[%dma_start3A_455, %dma_start3A_456] : memref<2x128xi32, #tpu.memory_space<vmem>> -> memref<1x128xi32, #tpu.memory_space<vmem>>
      %dma_start3A_458 = tpu.memref_squeeze %dma_start3A_457 : memref<1x128xi32, #tpu.memory_space<vmem>> -> memref<128xi32, #tpu.memory_space<vmem>>
      %dma_start3A_459 = arith.constant 0 : i32
      %dma_start3A_460 = arith.constant 0 : i32
      %dma_start3A_461 = tpu.memref_slice %arg34[%dma_start3A_459, %dma_start3A_460] : memref<10000x64xf32, #tpu.memory_space<vmem_shared>> -> memref<10000x64xf32, #tpu.memory_space<vmem_shared>>
      tpu.enqueue_indirect_dma source(%arg28 : memref<128x64xf32, #tpu.memory_space<vmem>>) target(%dma_start3A_461 : memref<10000x64xf32, #tpu.memory_space<vmem_shared>>) offsets(%dma_start3A_458 : memref<128xi32, #tpu.memory_space<vmem>>) semaphore(%arg58 : memref<!tpu.dma_semaphore, #tpu.memory_space<semaphore_mem>>) {add = true}
      %dma_wait3A_462 = arith.constant 0 : i32
      %dma_wait3A_463 = arith.constant 0 : i32
      %dma_wait3A_464 = tpu.memref_slice %arg2[%dma_wait3A_462, %dma_wait3A_463] : memref<20000x64xf32, #tpu.memory_space<hbm>> -> memref<128x64xf32, #tpu.memory_space<hbm>>
      %dma_wait3A_465 = arith.constant 0 : i32
      %dma_wait3A_466 = arith.constant 0 : i32
      %dma_wait3A_467 = tpu.memref_slice %arg2[%dma_wait3A_465, %dma_wait3A_466] : memref<20000x64xf32, #tpu.memory_space<hbm>> -> memref<128x64xf32, #tpu.memory_space<hbm>>
      tpu.wait_dma2 semaphore(%arg51 : memref<!tpu.dma_semaphore, #tpu.memory_space<semaphore_mem>>) src(%dma_wait3A_467 : memref<128x64xf32, #tpu.memory_space<hbm>>) dst(%arg21 : memref<128x64xf32, #tpu.memory_space<vmem>>)
      %add3A_468 = arith.constant 8 : i32
      %add3A_469 = arith.addi %mul3A_245, %add3A_468 : i32
      %add3A_470 = arith.constant 0 : i32
      %add3A_471 = arith.addi %add3A_469, %add3A_470 : i32
      %lt3A = arith.constant 156 : i32
      %lt3A_472 = arith.cmpi slt, %add3A_471, %lt3A : i32
      %convert_element_type3A_473 = arith.extui %lt3A_472 : i1 to i32
      %cond3A_474 = arith.constant 0 : i32
      %cond3A_475 = arith.cmpi ne, %convert_element_type3A_473, %cond3A_474 : i32
      scf.if %cond3A_475 {
        %mul3A_581 = arith.constant 128 : i32
        %mul3A_582 = arith.muli %add3A_471, %mul3A_581 : i32
        %add3A_583 = arith.addi %mul3A_14, %mul3A_582 : i32
        %multiple_of3A_584 = tpu.assume_multiple %add3A_583, 8 : i32
        %dma_start3A_585 = arith.constant 0 : i32
        %dma_start3A_586 = tpu.memref_slice %arg3[%dma_start3A_585, %multiple_of3A_584] : memref<2x320000xi32, #tpu.memory_space<hbm>> -> memref<2x128xi32, #tpu.memory_space<hbm>>
        %dma_start3A_587 = arith.constant 0 : i32
        %dma_start3A_588 = tpu.memref_slice %arg3[%dma_start3A_587, %multiple_of3A_584] : memref<2x320000xi32, #tpu.memory_space<hbm>> -> memref<2x128xi32, #tpu.memory_space<hbm>>
        tpu.enqueue_dma source(%dma_start3A_588 : memref<2x128xi32, #tpu.memory_space<hbm>>) target(%arg5 : memref<2x128xi32, #tpu.memory_space<vmem>>) target_semaphore(%arg35 : memref<!tpu.dma_semaphore, #tpu.memory_space<semaphore_mem>>)
      } else {
      }
      %dma_wait3A_476 = arith.constant 0 : i32
      %dma_wait3A_477 = arith.constant 0 : i32
      %dma_wait3A_478 = tpu.memref_slice %arg2[%dma_wait3A_476, %dma_wait3A_477] : memref<20000x64xf32, #tpu.memory_space<hbm>> -> memref<128x64xf32, #tpu.memory_space<hbm>>
      %dma_wait3A_479 = arith.constant 0 : i32
      %dma_wait3A_480 = arith.constant 0 : i32
      %dma_wait3A_481 = tpu.memref_slice %arg2[%dma_wait3A_479, %dma_wait3A_480] : memref<20000x64xf32, #tpu.memory_space<hbm>> -> memref<128x64xf32, #tpu.memory_space<hbm>>
      tpu.wait_dma2 semaphore(%arg52 : memref<!tpu.dma_semaphore, #tpu.memory_space<semaphore_mem>>) src(%dma_wait3A_481 : memref<128x64xf32, #tpu.memory_space<hbm>>) dst(%arg22 : memref<128x64xf32, #tpu.memory_space<vmem>>)
      %add3A_482 = arith.constant 8 : i32
      %add3A_483 = arith.addi %mul3A_245, %add3A_482 : i32
      %add3A_484 = arith.constant 1 : i32
      %add3A_485 = arith.addi %add3A_483, %add3A_484 : i32
      %lt3A_486 = arith.constant 156 : i32
      %lt3A_487 = arith.cmpi slt, %add3A_485, %lt3A_486 : i32
      %convert_element_type3A_488 = arith.extui %lt3A_487 : i1 to i32
      %cond3A_489 = arith.constant 0 : i32
      %cond3A_490 = arith.cmpi ne, %convert_element_type3A_488, %cond3A_489 : i32
      scf.if %cond3A_490 {
        %mul3A_581 = arith.constant 128 : i32
        %mul3A_582 = arith.muli %add3A_485, %mul3A_581 : i32
        %add3A_583 = arith.addi %mul3A_14, %mul3A_582 : i32
        %multiple_of3A_584 = tpu.assume_multiple %add3A_583, 8 : i32
        %dma_start3A_585 = arith.constant 0 : i32
        %dma_start3A_586 = tpu.memref_slice %arg3[%dma_start3A_585, %multiple_of3A_584] : memref<2x320000xi32, #tpu.memory_space<hbm>> -> memref<2x128xi32, #tpu.memory_space<hbm>>
        %dma_start3A_587 = arith.constant 0 : i32
        %dma_start3A_588 = tpu.memref_slice %arg3[%dma_start3A_587, %multiple_of3A_584] : memref<2x320000xi32, #tpu.memory_space<hbm>> -> memref<2x128xi32, #tpu.memory_space<hbm>>
        tpu.enqueue_dma source(%dma_start3A_588 : memref<2x128xi32, #tpu.memory_space<hbm>>) target(%arg6 : memref<2x128xi32, #tpu.memory_space<vmem>>) target_semaphore(%arg36 : memref<!tpu.dma_semaphore, #tpu.memory_space<semaphore_mem>>)
      } else {
      }
      %dma_wait3A_491 = arith.constant 0 : i32
      %dma_wait3A_492 = arith.constant 0 : i32
      %dma_wait3A_493 = tpu.memref_slice %arg2[%dma_wait3A_491, %dma_wait3A_492] : memref<20000x64xf32, #tpu.memory_space<hbm>> -> memref<128x64xf32, #tpu.memory_space<hbm>>
      %dma_wait3A_494 = arith.constant 0 : i32
      %dma_wait3A_495 = arith.constant 0 : i32
      %dma_wait3A_496 = tpu.memref_slice %arg2[%dma_wait3A_494, %dma_wait3A_495] : memref<20000x64xf32, #tpu.memory_space<hbm>> -> memref<128x64xf32, #tpu.memory_space<hbm>>
      tpu.wait_dma2 semaphore(%arg53 : memref<!tpu.dma_semaphore, #tpu.memory_space<semaphore_mem>>) src(%dma_wait3A_496 : memref<128x64xf32, #tpu.memory_space<hbm>>) dst(%arg23 : memref<128x64xf32, #tpu.memory_space<vmem>>)
      %add3A_497 = arith.constant 8 : i32
      %add3A_498 = arith.addi %mul3A_245, %add3A_497 : i32
      %add3A_499 = arith.constant 2 : i32
      %add3A_500 = arith.addi %add3A_498, %add3A_499 : i32
      %lt3A_501 = arith.constant 156 : i32
      %lt3A_502 = arith.cmpi slt, %add3A_500, %lt3A_501 : i32
      %convert_element_type3A_503 = arith.extui %lt3A_502 : i1 to i32
      %cond3A_504 = arith.constant 0 : i32
      %cond3A_505 = arith.cmpi ne, %convert_element_type3A_503, %cond3A_504 : i32
      scf.if %cond3A_505 {
        %mul3A_581 = arith.constant 128 : i32
        %mul3A_582 = arith.muli %add3A_500, %mul3A_581 : i32
        %add3A_583 = arith.addi %mul3A_14, %mul3A_582 : i32
        %multiple_of3A_584 = tpu.assume_multiple %add3A_583, 8 : i32
        %dma_start3A_585 = arith.constant 0 : i32
        %dma_start3A_586 = tpu.memref_slice %arg3[%dma_start3A_585, %multiple_of3A_584] : memref<2x320000xi32, #tpu.memory_space<hbm>> -> memref<2x128xi32, #tpu.memory_space<hbm>>
        %dma_start3A_587 = arith.constant 0 : i32
        %dma_start3A_588 = tpu.memref_slice %arg3[%dma_start3A_587, %multiple_of3A_584] : memref<2x320000xi32, #tpu.memory_space<hbm>> -> memref<2x128xi32, #tpu.memory_space<hbm>>
        tpu.enqueue_dma source(%dma_start3A_588 : memref<2x128xi32, #tpu.memory_space<hbm>>) target(%arg7 : memref<2x128xi32, #tpu.memory_space<vmem>>) target_semaphore(%arg37 : memref<!tpu.dma_semaphore, #tpu.memory_space<semaphore_mem>>)
      } else {
      }
      %dma_wait3A_506 = arith.constant 0 : i32
      %dma_wait3A_507 = arith.constant 0 : i32
      %dma_wait3A_508 = tpu.memref_slice %arg2[%dma_wait3A_506, %dma_wait3A_507] : memref<20000x64xf32, #tpu.memory_space<hbm>> -> memref<128x64xf32, #tpu.memory_space<hbm>>
      %dma_wait3A_509 = arith.constant 0 : i32
      %dma_wait3A_510 = arith.constant 0 : i32
      %dma_wait3A_511 = tpu.memref_slice %arg2[%dma_wait3A_509, %dma_wait3A_510] : memref<20000x64xf32, #tpu.memory_space<hbm>> -> memref<128x64xf32, #tpu.memory_space<hbm>>
      tpu.wait_dma2 semaphore(%arg54 : memref<!tpu.dma_semaphore, #tpu.memory_space<semaphore_mem>>) src(%dma_wait3A_511 : memref<128x64xf32, #tpu.memory_space<hbm>>) dst(%arg24 : memref<128x64xf32, #tpu.memory_space<vmem>>)
      %add3A_512 = arith.constant 8 : i32
      %add3A_513 = arith.addi %mul3A_245, %add3A_512 : i32
      %add3A_514 = arith.constant 3 : i32
      %add3A_515 = arith.addi %add3A_513, %add3A_514 : i32
      %lt3A_516 = arith.constant 156 : i32
      %lt3A_517 = arith.cmpi slt, %add3A_515, %lt3A_516 : i32
      %convert_element_type3A_518 = arith.extui %lt3A_517 : i1 to i32
      %cond3A_519 = arith.constant 0 : i32
      %cond3A_520 = arith.cmpi ne, %convert_element_type3A_518, %cond3A_519 : i32
      scf.if %cond3A_520 {
        %mul3A_581 = arith.constant 128 : i32
        %mul3A_582 = arith.muli %add3A_515, %mul3A_581 : i32
        %add3A_583 = arith.addi %mul3A_14, %mul3A_582 : i32
        %multiple_of3A_584 = tpu.assume_multiple %add3A_583, 8 : i32
        %dma_start3A_585 = arith.constant 0 : i32
        %dma_start3A_586 = tpu.memref_slice %arg3[%dma_start3A_585, %multiple_of3A_584] : memref<2x320000xi32, #tpu.memory_space<hbm>> -> memref<2x128xi32, #tpu.memory_space<hbm>>
        %dma_start3A_587 = arith.constant 0 : i32
        %dma_start3A_588 = tpu.memref_slice %arg3[%dma_start3A_587, %multiple_of3A_584] : memref<2x320000xi32, #tpu.memory_space<hbm>> -> memref<2x128xi32, #tpu.memory_space<hbm>>
        tpu.enqueue_dma source(%dma_start3A_588 : memref<2x128xi32, #tpu.memory_space<hbm>>) target(%arg8 : memref<2x128xi32, #tpu.memory_space<vmem>>) target_semaphore(%arg38 : memref<!tpu.dma_semaphore, #tpu.memory_space<semaphore_mem>>)
      } else {
      }
      %dma_wait3A_521 = arith.constant 0 : i32
      %dma_wait3A_522 = arith.constant 0 : i32
      %dma_wait3A_523 = tpu.memref_slice %arg2[%dma_wait3A_521, %dma_wait3A_522] : memref<20000x64xf32, #tpu.memory_space<hbm>> -> memref<128x64xf32, #tpu.memory_space<hbm>>
      %dma_wait3A_524 = arith.constant 0 : i32
      %dma_wait3A_525 = arith.constant 0 : i32
      %dma_wait3A_526 = tpu.memref_slice %arg2[%dma_wait3A_524, %dma_wait3A_525] : memref<20000x64xf32, #tpu.memory_space<hbm>> -> memref<128x64xf32, #tpu.memory_space<hbm>>
      tpu.wait_dma2 semaphore(%arg55 : memref<!tpu.dma_semaphore, #tpu.memory_space<semaphore_mem>>) src(%dma_wait3A_526 : memref<128x64xf32, #tpu.memory_space<hbm>>) dst(%arg25 : memref<128x64xf32, #tpu.memory_space<vmem>>)
      %add3A_527 = arith.constant 8 : i32
      %add3A_528 = arith.addi %mul3A_245, %add3A_527 : i32
      %add3A_529 = arith.constant 4 : i32
      %add3A_530 = arith.addi %add3A_528, %add3A_529 : i32
      %lt3A_531 = arith.constant 156 : i32
      %lt3A_532 = arith.cmpi slt, %add3A_530, %lt3A_531 : i32
      %convert_element_type3A_533 = arith.extui %lt3A_532 : i1 to i32
      %cond3A_534 = arith.constant 0 : i32
      %cond3A_535 = arith.cmpi ne, %convert_element_type3A_533, %cond3A_534 : i32
      scf.if %cond3A_535 {
        %mul3A_581 = arith.constant 128 : i32
        %mul3A_582 = arith.muli %add3A_530, %mul3A_581 : i32
        %add3A_583 = arith.addi %mul3A_14, %mul3A_582 : i32
        %multiple_of3A_584 = tpu.assume_multiple %add3A_583, 8 : i32
        %dma_start3A_585 = arith.constant 0 : i32
        %dma_start3A_586 = tpu.memref_slice %arg3[%dma_start3A_585, %multiple_of3A_584] : memref<2x320000xi32, #tpu.memory_space<hbm>> -> memref<2x128xi32, #tpu.memory_space<hbm>>
        %dma_start3A_587 = arith.constant 0 : i32
        %dma_start3A_588 = tpu.memref_slice %arg3[%dma_start3A_587, %multiple_of3A_584] : memref<2x320000xi32, #tpu.memory_space<hbm>> -> memref<2x128xi32, #tpu.memory_space<hbm>>
        tpu.enqueue_dma source(%dma_start3A_588 : memref<2x128xi32, #tpu.memory_space<hbm>>) target(%arg9 : memref<2x128xi32, #tpu.memory_space<vmem>>) target_semaphore(%arg39 : memref<!tpu.dma_semaphore, #tpu.memory_space<semaphore_mem>>)
      } else {
      }
      %dma_wait3A_536 = arith.constant 0 : i32
      %dma_wait3A_537 = arith.constant 0 : i32
      %dma_wait3A_538 = tpu.memref_slice %arg2[%dma_wait3A_536, %dma_wait3A_537] : memref<20000x64xf32, #tpu.memory_space<hbm>> -> memref<128x64xf32, #tpu.memory_space<hbm>>
      %dma_wait3A_539 = arith.constant 0 : i32
      %dma_wait3A_540 = arith.constant 0 : i32
      %dma_wait3A_541 = tpu.memref_slice %arg2[%dma_wait3A_539, %dma_wait3A_540] : memref<20000x64xf32, #tpu.memory_space<hbm>> -> memref<128x64xf32, #tpu.memory_space<hbm>>
      tpu.wait_dma2 semaphore(%arg56 : memref<!tpu.dma_semaphore, #tpu.memory_space<semaphore_mem>>) src(%dma_wait3A_541 : memref<128x64xf32, #tpu.memory_space<hbm>>) dst(%arg26 : memref<128x64xf32, #tpu.memory_space<vmem>>)
      %add3A_542 = arith.constant 8 : i32
      %add3A_543 = arith.addi %mul3A_245, %add3A_542 : i32
      %add3A_544 = arith.constant 5 : i32
      %add3A_545 = arith.addi %add3A_543, %add3A_544 : i32
      %lt3A_546 = arith.constant 156 : i32
      %lt3A_547 = arith.cmpi slt, %add3A_545, %lt3A_546 : i32
      %convert_element_type3A_548 = arith.extui %lt3A_547 : i1 to i32
      %cond3A_549 = arith.constant 0 : i32
      %cond3A_550 = arith.cmpi ne, %convert_element_type3A_548, %cond3A_549 : i32
      scf.if %cond3A_550 {
        %mul3A_581 = arith.constant 128 : i32
        %mul3A_582 = arith.muli %add3A_545, %mul3A_581 : i32
        %add3A_583 = arith.addi %mul3A_14, %mul3A_582 : i32
        %multiple_of3A_584 = tpu.assume_multiple %add3A_583, 8 : i32
        %dma_start3A_585 = arith.constant 0 : i32
        %dma_start3A_586 = tpu.memref_slice %arg3[%dma_start3A_585, %multiple_of3A_584] : memref<2x320000xi32, #tpu.memory_space<hbm>> -> memref<2x128xi32, #tpu.memory_space<hbm>>
        %dma_start3A_587 = arith.constant 0 : i32
        %dma_start3A_588 = tpu.memref_slice %arg3[%dma_start3A_587, %multiple_of3A_584] : memref<2x320000xi32, #tpu.memory_space<hbm>> -> memref<2x128xi32, #tpu.memory_space<hbm>>
        tpu.enqueue_dma source(%dma_start3A_588 : memref<2x128xi32, #tpu.memory_space<hbm>>) target(%arg10 : memref<2x128xi32, #tpu.memory_space<vmem>>) target_semaphore(%arg40 : memref<!tpu.dma_semaphore, #tpu.memory_space<semaphore_mem>>)
      } else {
      }
      %dma_wait3A_551 = arith.constant 0 : i32
      %dma_wait3A_552 = arith.constant 0 : i32
      %dma_wait3A_553 = tpu.memref_slice %arg2[%dma_wait3A_551, %dma_wait3A_552] : memref<20000x64xf32, #tpu.memory_space<hbm>> -> memref<128x64xf32, #tpu.memory_space<hbm>>
      %dma_wait3A_554 = arith.constant 0 : i32
      %dma_wait3A_555 = arith.constant 0 : i32
      %dma_wait3A_556 = tpu.memref_slice %arg2[%dma_wait3A_554, %dma_wait3A_555] : memref<20000x64xf32, #tpu.memory_space<hbm>> -> memref<128x64xf32, #tpu.memory_space<hbm>>
      tpu.wait_dma2 semaphore(%arg57 : memref<!tpu.dma_semaphore, #tpu.memory_space<semaphore_mem>>) src(%dma_wait3A_556 : memref<128x64xf32, #tpu.memory_space<hbm>>) dst(%arg27 : memref<128x64xf32, #tpu.memory_space<vmem>>)
      %add3A_557 = arith.constant 8 : i32
      %add3A_558 = arith.addi %mul3A_245, %add3A_557 : i32
      %add3A_559 = arith.constant 6 : i32
      %add3A_560 = arith.addi %add3A_558, %add3A_559 : i32
      %lt3A_561 = arith.constant 156 : i32
      %lt3A_562 = arith.cmpi slt, %add3A_560, %lt3A_561 : i32
      %convert_element_type3A_563 = arith.extui %lt3A_562 : i1 to i32
      %cond3A_564 = arith.constant 0 : i32
      %cond3A_565 = arith.cmpi ne, %convert_element_type3A_563, %cond3A_564 : i32
      scf.if %cond3A_565 {
        %mul3A_581 = arith.constant 128 : i32
        %mul3A_582 = arith.muli %add3A_560, %mul3A_581 : i32
        %add3A_583 = arith.addi %mul3A_14, %mul3A_582 : i32
        %multiple_of3A_584 = tpu.assume_multiple %add3A_583, 8 : i32
        %dma_start3A_585 = arith.constant 0 : i32
        %dma_start3A_586 = tpu.memref_slice %arg3[%dma_start3A_585, %multiple_of3A_584] : memref<2x320000xi32, #tpu.memory_space<hbm>> -> memref<2x128xi32, #tpu.memory_space<hbm>>
        %dma_start3A_587 = arith.constant 0 : i32
        %dma_start3A_588 = tpu.memref_slice %arg3[%dma_start3A_587, %multiple_of3A_584] : memref<2x320000xi32, #tpu.memory_space<hbm>> -> memref<2x128xi32, #tpu.memory_space<hbm>>
        tpu.enqueue_dma source(%dma_start3A_588 : memref<2x128xi32, #tpu.memory_space<hbm>>) target(%arg11 : memref<2x128xi32, #tpu.memory_space<vmem>>) target_semaphore(%arg41 : memref<!tpu.dma_semaphore, #tpu.memory_space<semaphore_mem>>)
      } else {
      }
      %dma_wait3A_566 = arith.constant 0 : i32
      %dma_wait3A_567 = arith.constant 0 : i32
      %dma_wait3A_568 = tpu.memref_slice %arg2[%dma_wait3A_566, %dma_wait3A_567] : memref<20000x64xf32, #tpu.memory_space<hbm>> -> memref<128x64xf32, #tpu.memory_space<hbm>>
      %dma_wait3A_569 = arith.constant 0 : i32
      %dma_wait3A_570 = arith.constant 0 : i32
      %dma_wait3A_571 = tpu.memref_slice %arg2[%dma_wait3A_569, %dma_wait3A_570] : memref<20000x64xf32, #tpu.memory_space<hbm>> -> memref<128x64xf32, #tpu.memory_space<hbm>>
      tpu.wait_dma2 semaphore(%arg58 : memref<!tpu.dma_semaphore, #tpu.memory_space<semaphore_mem>>) src(%dma_wait3A_571 : memref<128x64xf32, #tpu.memory_space<hbm>>) dst(%arg28 : memref<128x64xf32, #tpu.memory_space<vmem>>)
      %add3A_572 = arith.constant 8 : i32
      %add3A_573 = arith.addi %mul3A_245, %add3A_572 : i32
      %add3A_574 = arith.constant 7 : i32
      %add3A_575 = arith.addi %add3A_573, %add3A_574 : i32
      %lt3A_576 = arith.constant 156 : i32
      %lt3A_577 = arith.cmpi slt, %add3A_575, %lt3A_576 : i32
      %convert_element_type3A_578 = arith.extui %lt3A_577 : i1 to i32
      %cond3A_579 = arith.constant 0 : i32
      %cond3A_580 = arith.cmpi ne, %convert_element_type3A_578, %cond3A_579 : i32
      scf.if %cond3A_580 {
        %mul3A_581 = arith.constant 128 : i32
        %mul3A_582 = arith.muli %add3A_575, %mul3A_581 : i32
        %add3A_583 = arith.addi %mul3A_14, %mul3A_582 : i32
        %multiple_of3A_584 = tpu.assume_multiple %add3A_583, 8 : i32
        %dma_start3A_585 = arith.constant 0 : i32
        %dma_start3A_586 = tpu.memref_slice %arg3[%dma_start3A_585, %multiple_of3A_584] : memref<2x320000xi32, #tpu.memory_space<hbm>> -> memref<2x128xi32, #tpu.memory_space<hbm>>
        %dma_start3A_587 = arith.constant 0 : i32
        %dma_start3A_588 = tpu.memref_slice %arg3[%dma_start3A_587, %multiple_of3A_584] : memref<2x320000xi32, #tpu.memory_space<hbm>> -> memref<2x128xi32, #tpu.memory_space<hbm>>
        tpu.enqueue_dma source(%dma_start3A_588 : memref<2x128xi32, #tpu.memory_space<hbm>>) target(%arg12 : memref<2x128xi32, #tpu.memory_space<vmem>>) target_semaphore(%arg42 : memref<!tpu.dma_semaphore, #tpu.memory_space<semaphore_mem>>)
      } else {
      }
    }
    %scan3A_81 = arith.constant 19 : i32
    %dma_wait3A = arith.constant 0 : i32
    %dma_wait3A_82 = arith.constant 0 : i32
    %dma_wait3A_83 = tpu.memref_slice %arg3[%dma_wait3A, %dma_wait3A_82] : memref<2x320000xi32, #tpu.memory_space<hbm>> -> memref<2x128xi32, #tpu.memory_space<hbm>>
    %dma_wait3A_84 = arith.constant 0 : i32
    %dma_wait3A_85 = arith.constant 0 : i32
    %dma_wait3A_86 = tpu.memref_slice %arg3[%dma_wait3A_84, %dma_wait3A_85] : memref<2x320000xi32, #tpu.memory_space<hbm>> -> memref<2x128xi32, #tpu.memory_space<hbm>>
    tpu.wait_dma2 semaphore(%arg35 : memref<!tpu.dma_semaphore, #tpu.memory_space<semaphore_mem>>) src(%dma_wait3A_86 : memref<2x128xi32, #tpu.memory_space<hbm>>) dst(%arg5 : memref<2x128xi32, #tpu.memory_space<vmem>>)
    %scan3A_87 = arith.constant 0 : i32
    %scan3A_88 = arith.constant 8 : i32
    %scan3A_89 = arith.addi %scan3A_87, %scan3A_88 : i32
    %scan3A_90 = arith.constant 1 : i32
    scf.for %scan3A_239 = %scan3A_87 to %scan3A_89 step %scan3A_90  : i32 {
      %mul3A_240 = arith.constant 1 : i32
      %mul3A_241 = arith.muli %scan3A_239, %mul3A_240 : i32
      %add3A_242 = arith.constant 0 : i32
      %add3A_243 = arith.addi %add3A_242, %mul3A_241 : i32
      %mul3A_244 = arith.constant 16 : i32
      %mul3A_245 = arith.muli %add3A_243, %mul3A_244 : i32
      %get3A = arith.constant 0 : i32
      %get3A_246 = arith.index_cast %get3A : i32 to index
      %get3A_247 = arith.index_cast %mul3A_245 : i32 to index
      %get3A_248 = tpu.vector_load %arg5[%get3A_246, %get3A_247] {strides = array<i32>} : memref<2x128xi32, #tpu.memory_space<vmem>>, vector<1x16xi32>,
      %get3A_249 = vector.shape_cast %get3A_248 : vector<1x16xi32> to vector<16xi32>
      %mul3A_250 = arith.constant 2 : i32
      %mul3A_251 = vector.broadcast %mul3A_250 : i32 to vector<16xi32>
      %mul3A_252 = arith.muli %get3A_249, %mul3A_251 : vector<16xi32>
      %add3A_253 = vector.broadcast %arg0 : i32 to vector<16xi32>
      %add3A_254 = arith.addi %mul3A_252, %add3A_253 : vector<16xi32>
      %mul3A_255 = arith.constant 16 : i32
      %mul3A_256 = arith.muli %add3A_243, %mul3A_255 : i32
      %swap3A = arith.index_cast %mul3A_256 : i32 to index
      %swap3A_257 = tpu.vector_load %arg13[%swap3A] {strides = array<i32>} : memref<128xi32, #tpu.memory_space<vmem>>, vector<16xi32>,
      %swap3A_258 = vector.shape_cast %swap3A_257 : vector<16xi32> to vector<16xi32>
      %swap3A_259 = vector.shape_cast %add3A_254 : vector<16xi32> to vector<16xi32>
      tpu.vector_store %arg13[%swap3A], %swap3A_259 {strides = array<i32>} : memref<128xi32, #tpu.memory_space<vmem>>, vector<16xi32>,
    }
    %scan3A_91 = arith.constant 8 : i32
    %dma_start3A_92 = arith.constant 0 : i32
    %dma_start3A_93 = arith.constant 0 : i32
    %dma_start3A_94 = tpu.memref_slice %arg2[%dma_start3A_92, %dma_start3A_93] : memref<20000x64xf32, #tpu.memory_space<hbm>> -> memref<20000x64xf32, #tpu.memory_space<hbm>>
    tpu.enqueue_indirect_dma source(%dma_start3A_94 : memref<20000x64xf32, #tpu.memory_space<hbm>>) target(%arg21 : memref<128x64xf32, #tpu.memory_space<vmem>>) offsets(%arg13 : memref<128xi32, #tpu.memory_space<vmem>>) semaphore(%arg43 : memref<!tpu.dma_semaphore, #tpu.memory_space<semaphore_mem>>)
    %dma_wait3A_95 = arith.constant 0 : i32
    %dma_wait3A_96 = arith.constant 0 : i32
    %dma_wait3A_97 = tpu.memref_slice %arg3[%dma_wait3A_95, %dma_wait3A_96] : memref<2x320000xi32, #tpu.memory_space<hbm>> -> memref<2x128xi32, #tpu.memory_space<hbm>>
    %dma_wait3A_98 = arith.constant 0 : i32
    %dma_wait3A_99 = arith.constant 0 : i32
    %dma_wait3A_100 = tpu.memref_slice %arg3[%dma_wait3A_98, %dma_wait3A_99] : memref<2x320000xi32, #tpu.memory_space<hbm>> -> memref<2x128xi32, #tpu.memory_space<hbm>>
    tpu.wait_dma2 semaphore(%arg36 : memref<!tpu.dma_semaphore, #tpu.memory_space<semaphore_mem>>) src(%dma_wait3A_100 : memref<2x128xi32, #tpu.memory_space<hbm>>) dst(%arg6 : memref<2x128xi32, #tpu.memory_space<vmem>>)
    %scan3A_101 = arith.constant 0 : i32
    %scan3A_102 = arith.constant 8 : i32
    %scan3A_103 = arith.addi %scan3A_101, %scan3A_102 : i32
    %scan3A_104 = arith.constant 1 : i32
    scf.for %scan3A_239 = %scan3A_101 to %scan3A_103 step %scan3A_104  : i32 {
      %mul3A_240 = arith.constant 1 : i32
      %mul3A_241 = arith.muli %scan3A_239, %mul3A_240 : i32
      %add3A_242 = arith.constant 0 : i32
      %add3A_243 = arith.addi %add3A_242, %mul3A_241 : i32
      %mul3A_244 = arith.constant 16 : i32
      %mul3A_245 = arith.muli %add3A_243, %mul3A_244 : i32
      %get3A = arith.constant 0 : i32
      %get3A_246 = arith.index_cast %get3A : i32 to index
      %get3A_247 = arith.index_cast %mul3A_245 : i32 to index
      %get3A_248 = tpu.vector_load %arg6[%get3A_246, %get3A_247] {strides = array<i32>} : memref<2x128xi32, #tpu.memory_space<vmem>>, vector<1x16xi32>,
      %get3A_249 = vector.shape_cast %get3A_248 : vector<1x16xi32> to vector<16xi32>
      %mul3A_250 = arith.constant 2 : i32
      %mul3A_251 = vector.broadcast %mul3A_250 : i32 to vector<16xi32>
      %mul3A_252 = arith.muli %get3A_249, %mul3A_251 : vector<16xi32>
      %add3A_253 = vector.broadcast %arg0 : i32 to vector<16xi32>
      %add3A_254 = arith.addi %mul3A_252, %add3A_253 : vector<16xi32>
      %mul3A_255 = arith.constant 16 : i32
      %mul3A_256 = arith.muli %add3A_243, %mul3A_255 : i32
      %swap3A = arith.index_cast %mul3A_256 : i32 to index
      %swap3A_257 = tpu.vector_load %arg14[%swap3A] {strides = array<i32>} : memref<128xi32, #tpu.memory_space<vmem>>, vector<16xi32>,
      %swap3A_258 = vector.shape_cast %swap3A_257 : vector<16xi32> to vector<16xi32>
      %swap3A_259 = vector.shape_cast %add3A_254 : vector<16xi32> to vector<16xi32>
      tpu.vector_store %arg14[%swap3A], %swap3A_259 {strides = array<i32>} : memref<128xi32, #tpu.memory_space<vmem>>, vector<16xi32>,
    }
    %scan3A_105 = arith.constant 8 : i32
    %dma_start3A_106 = arith.constant 0 : i32
    %dma_start3A_107 = arith.constant 0 : i32
    %dma_start3A_108 = tpu.memref_slice %arg2[%dma_start3A_106, %dma_start3A_107] : memref<20000x64xf32, #tpu.memory_space<hbm>> -> memref<20000x64xf32, #tpu.memory_space<hbm>>
    tpu.enqueue_indirect_dma source(%dma_start3A_108 : memref<20000x64xf32, #tpu.memory_space<hbm>>) target(%arg22 : memref<128x64xf32, #tpu.memory_space<vmem>>) offsets(%arg14 : memref<128xi32, #tpu.memory_space<vmem>>) semaphore(%arg44 : memref<!tpu.dma_semaphore, #tpu.memory_space<semaphore_mem>>)
    %dma_wait3A_109 = arith.constant 0 : i32
    %dma_wait3A_110 = arith.constant 0 : i32
    %dma_wait3A_111 = tpu.memref_slice %arg3[%dma_wait3A_109, %dma_wait3A_110] : memref<2x320000xi32, #tpu.memory_space<hbm>> -> memref<2x128xi32, #tpu.memory_space<hbm>>
    %dma_wait3A_112 = arith.constant 0 : i32
    %dma_wait3A_113 = arith.constant 0 : i32
    %dma_wait3A_114 = tpu.memref_slice %arg3[%dma_wait3A_112, %dma_wait3A_113] : memref<2x320000xi32, #tpu.memory_space<hbm>> -> memref<2x128xi32, #tpu.memory_space<hbm>>
    tpu.wait_dma2 semaphore(%arg37 : memref<!tpu.dma_semaphore, #tpu.memory_space<semaphore_mem>>) src(%dma_wait3A_114 : memref<2x128xi32, #tpu.memory_space<hbm>>) dst(%arg7 : memref<2x128xi32, #tpu.memory_space<vmem>>)
    %scan3A_115 = arith.constant 0 : i32
    %scan3A_116 = arith.constant 8 : i32
    %scan3A_117 = arith.addi %scan3A_115, %scan3A_116 : i32
    %scan3A_118 = arith.constant 1 : i32
    scf.for %scan3A_239 = %scan3A_115 to %scan3A_117 step %scan3A_118  : i32 {
      %mul3A_240 = arith.constant 1 : i32
      %mul3A_241 = arith.muli %scan3A_239, %mul3A_240 : i32
      %add3A_242 = arith.constant 0 : i32
      %add3A_243 = arith.addi %add3A_242, %mul3A_241 : i32
      %mul3A_244 = arith.constant 16 : i32
      %mul3A_245 = arith.muli %add3A_243, %mul3A_244 : i32
      %get3A = arith.constant 0 : i32
      %get3A_246 = arith.index_cast %get3A : i32 to index
      %get3A_247 = arith.index_cast %mul3A_245 : i32 to index
      %get3A_248 = tpu.vector_load %arg7[%get3A_246, %get3A_247] {strides = array<i32>} : memref<2x128xi32, #tpu.memory_space<vmem>>, vector<1x16xi32>,
      %get3A_249 = vector.shape_cast %get3A_248 : vector<1x16xi32> to vector<16xi32>
      %mul3A_250 = arith.constant 2 : i32
      %mul3A_251 = vector.broadcast %mul3A_250 : i32 to vector<16xi32>
      %mul3A_252 = arith.muli %get3A_249, %mul3A_251 : vector<16xi32>
      %add3A_253 = vector.broadcast %arg0 : i32 to vector<16xi32>
      %add3A_254 = arith.addi %mul3A_252, %add3A_253 : vector<16xi32>
      %mul3A_255 = arith.constant 16 : i32
      %mul3A_256 = arith.muli %add3A_243, %mul3A_255 : i32
      %swap3A = arith.index_cast %mul3A_256 : i32 to index
      %swap3A_257 = tpu.vector_load %arg15[%swap3A] {strides = array<i32>} : memref<128xi32, #tpu.memory_space<vmem>>, vector<16xi32>,
      %swap3A_258 = vector.shape_cast %swap3A_257 : vector<16xi32> to vector<16xi32>
      %swap3A_259 = vector.shape_cast %add3A_254 : vector<16xi32> to vector<16xi32>
      tpu.vector_store %arg15[%swap3A], %swap3A_259 {strides = array<i32>} : memref<128xi32, #tpu.memory_space<vmem>>, vector<16xi32>,
    }
    %scan3A_119 = arith.constant 8 : i32
    %dma_start3A_120 = arith.constant 0 : i32
    %dma_start3A_121 = arith.constant 0 : i32
    %dma_start3A_122 = tpu.memref_slice %arg2[%dma_start3A_120, %dma_start3A_121] : memref<20000x64xf32, #tpu.memory_space<hbm>> -> memref<20000x64xf32, #tpu.memory_space<hbm>>
    tpu.enqueue_indirect_dma source(%dma_start3A_122 : memref<20000x64xf32, #tpu.memory_space<hbm>>) target(%arg23 : memref<128x64xf32, #tpu.memory_space<vmem>>) offsets(%arg15 : memref<128xi32, #tpu.memory_space<vmem>>) semaphore(%arg45 : memref<!tpu.dma_semaphore, #tpu.memory_space<semaphore_mem>>)
    %dma_wait3A_123 = arith.constant 0 : i32
    %dma_wait3A_124 = arith.constant 0 : i32
    %dma_wait3A_125 = tpu.memref_slice %arg3[%dma_wait3A_123, %dma_wait3A_124] : memref<2x320000xi32, #tpu.memory_space<hbm>> -> memref<2x128xi32, #tpu.memory_space<hbm>>
    %dma_wait3A_126 = arith.constant 0 : i32
    %dma_wait3A_127 = arith.constant 0 : i32
    %dma_wait3A_128 = tpu.memref_slice %arg3[%dma_wait3A_126, %dma_wait3A_127] : memref<2x320000xi32, #tpu.memory_space<hbm>> -> memref<2x128xi32, #tpu.memory_space<hbm>>
    tpu.wait_dma2 semaphore(%arg38 : memref<!tpu.dma_semaphore, #tpu.memory_space<semaphore_mem>>) src(%dma_wait3A_128 : memref<2x128xi32, #tpu.memory_space<hbm>>) dst(%arg8 : memref<2x128xi32, #tpu.memory_space<vmem>>)
    %scan3A_129 = arith.constant 0 : i32
    %scan3A_130 = arith.constant 8 : i32
    %scan3A_131 = arith.addi %scan3A_129, %scan3A_130 : i32
    %scan3A_132 = arith.constant 1 : i32
    scf.for %scan3A_239 = %scan3A_129 to %scan3A_131 step %scan3A_132  : i32 {
      %mul3A_240 = arith.constant 1 : i32
      %mul3A_241 = arith.muli %scan3A_239, %mul3A_240 : i32
      %add3A_242 = arith.constant 0 : i32
      %add3A_243 = arith.addi %add3A_242, %mul3A_241 : i32
      %mul3A_244 = arith.constant 16 : i32
      %mul3A_245 = arith.muli %add3A_243, %mul3A_244 : i32
      %get3A = arith.constant 0 : i32
      %get3A_246 = arith.index_cast %get3A : i32 to index
      %get3A_247 = arith.index_cast %mul3A_245 : i32 to index
      %get3A_248 = tpu.vector_load %arg8[%get3A_246, %get3A_247] {strides = array<i32>} : memref<2x128xi32, #tpu.memory_space<vmem>>, vector<1x16xi32>,
      %get3A_249 = vector.shape_cast %get3A_248 : vector<1x16xi32> to vector<16xi32>
      %mul3A_250 = arith.constant 2 : i32
      %mul3A_251 = vector.broadcast %mul3A_250 : i32 to vector<16xi32>
      %mul3A_252 = arith.muli %get3A_249, %mul3A_251 : vector<16xi32>
      %add3A_253 = vector.broadcast %arg0 : i32 to vector<16xi32>
      %add3A_254 = arith.addi %mul3A_252, %add3A_253 : vector<16xi32>
      %mul3A_255 = arith.constant 16 : i32
      %mul3A_256 = arith.muli %add3A_243, %mul3A_255 : i32
      %swap3A = arith.index_cast %mul3A_256 : i32 to index
      %swap3A_257 = tpu.vector_load %arg16[%swap3A] {strides = array<i32>} : memref<128xi32, #tpu.memory_space<vmem>>, vector<16xi32>,
      %swap3A_258 = vector.shape_cast %swap3A_257 : vector<16xi32> to vector<16xi32>
      %swap3A_259 = vector.shape_cast %add3A_254 : vector<16xi32> to vector<16xi32>
      tpu.vector_store %arg16[%swap3A], %swap3A_259 {strides = array<i32>} : memref<128xi32, #tpu.memory_space<vmem>>, vector<16xi32>,
    }
    %scan3A_133 = arith.constant 8 : i32
    %dma_start3A_134 = arith.constant 0 : i32
    %dma_start3A_135 = arith.constant 0 : i32
    %dma_start3A_136 = tpu.memref_slice %arg2[%dma_start3A_134, %dma_start3A_135] : memref<20000x64xf32, #tpu.memory_space<hbm>> -> memref<20000x64xf32, #tpu.memory_space<hbm>>
    tpu.enqueue_indirect_dma source(%dma_start3A_136 : memref<20000x64xf32, #tpu.memory_space<hbm>>) target(%arg24 : memref<128x64xf32, #tpu.memory_space<vmem>>) offsets(%arg16 : memref<128xi32, #tpu.memory_space<vmem>>) semaphore(%arg46 : memref<!tpu.dma_semaphore, #tpu.memory_space<semaphore_mem>>)
    %dma_wait3A_137 = arith.constant 0 : i32
    %dma_wait3A_138 = arith.constant 0 : i32
    %dma_wait3A_139 = tpu.memref_slice %arg2[%dma_wait3A_137, %dma_wait3A_138] : memref<20000x64xf32, #tpu.memory_space<hbm>> -> memref<128x64xf32, #tpu.memory_space<hbm>>
    %dma_wait3A_140 = arith.constant 0 : i32
    %dma_wait3A_141 = arith.constant 0 : i32
    %dma_wait3A_142 = tpu.memref_slice %arg2[%dma_wait3A_140, %dma_wait3A_141] : memref<20000x64xf32, #tpu.memory_space<hbm>> -> memref<128x64xf32, #tpu.memory_space<hbm>>
    tpu.wait_dma2 semaphore(%arg43 : memref<!tpu.dma_semaphore, #tpu.memory_space<semaphore_mem>>) src(%dma_wait3A_142 : memref<128x64xf32, #tpu.memory_space<hbm>>) dst(%arg21 : memref<128x64xf32, #tpu.memory_space<vmem>>)
    %dma_start3A_143 = arith.constant 1 : i32
    %dma_start3A_144 = arith.constant 0 : i32
    %dma_start3A_145 = tpu.memref_slice %arg5[%dma_start3A_143, %dma_start3A_144] : memref<2x128xi32, #tpu.memory_space<vmem>> -> memref<1x128xi32, #tpu.memory_space<vmem>>
    %dma_start3A_146 = tpu.memref_squeeze %dma_start3A_145 : memref<1x128xi32, #tpu.memory_space<vmem>> -> memref<128xi32, #tpu.memory_space<vmem>>
    %dma_start3A_147 = arith.constant 0 : i32
    %dma_start3A_148 = arith.constant 0 : i32
    %dma_start3A_149 = tpu.memref_slice %arg34[%dma_start3A_147, %dma_start3A_148] : memref<10000x64xf32, #tpu.memory_space<vmem_shared>> -> memref<10000x64xf32, #tpu.memory_space<vmem_shared>>
    tpu.enqueue_indirect_dma source(%arg21 : memref<128x64xf32, #tpu.memory_space<vmem>>) target(%dma_start3A_149 : memref<10000x64xf32, #tpu.memory_space<vmem_shared>>) offsets(%dma_start3A_146 : memref<128xi32, #tpu.memory_space<vmem>>) semaphore(%arg51 : memref<!tpu.dma_semaphore, #tpu.memory_space<semaphore_mem>>) {add = true}
    %dma_wait3A_150 = arith.constant 0 : i32
    %dma_wait3A_151 = arith.constant 0 : i32
    %dma_wait3A_152 = tpu.memref_slice %arg2[%dma_wait3A_150, %dma_wait3A_151] : memref<20000x64xf32, #tpu.memory_space<hbm>> -> memref<128x64xf32, #tpu.memory_space<hbm>>
    %dma_wait3A_153 = arith.constant 0 : i32
    %dma_wait3A_154 = arith.constant 0 : i32
    %dma_wait3A_155 = tpu.memref_slice %arg2[%dma_wait3A_153, %dma_wait3A_154] : memref<20000x64xf32, #tpu.memory_space<hbm>> -> memref<128x64xf32, #tpu.memory_space<hbm>>
    tpu.wait_dma2 semaphore(%arg44 : memref<!tpu.dma_semaphore, #tpu.memory_space<semaphore_mem>>) src(%dma_wait3A_155 : memref<128x64xf32, #tpu.memory_space<hbm>>) dst(%arg22 : memref<128x64xf32, #tpu.memory_space<vmem>>)
    %dma_start3A_156 = arith.constant 1 : i32
    %dma_start3A_157 = arith.constant 0 : i32
    %dma_start3A_158 = tpu.memref_slice %arg6[%dma_start3A_156, %dma_start3A_157] : memref<2x128xi32, #tpu.memory_space<vmem>> -> memref<1x128xi32, #tpu.memory_space<vmem>>
    %dma_start3A_159 = tpu.memref_squeeze %dma_start3A_158 : memref<1x128xi32, #tpu.memory_space<vmem>> -> memref<128xi32, #tpu.memory_space<vmem>>
    %dma_start3A_160 = arith.constant 0 : i32
    %dma_start3A_161 = arith.constant 0 : i32
    %dma_start3A_162 = tpu.memref_slice %arg34[%dma_start3A_160, %dma_start3A_161] : memref<10000x64xf32, #tpu.memory_space<vmem_shared>> -> memref<10000x64xf32, #tpu.memory_space<vmem_shared>>
    tpu.enqueue_indirect_dma source(%arg22 : memref<128x64xf32, #tpu.memory_space<vmem>>) target(%dma_start3A_162 : memref<10000x64xf32, #tpu.memory_space<vmem_shared>>) offsets(%dma_start3A_159 : memref<128xi32, #tpu.memory_space<vmem>>) semaphore(%arg52 : memref<!tpu.dma_semaphore, #tpu.memory_space<semaphore_mem>>) {add = true}
    %dma_wait3A_163 = arith.constant 0 : i32
    %dma_wait3A_164 = arith.constant 0 : i32
    %dma_wait3A_165 = tpu.memref_slice %arg2[%dma_wait3A_163, %dma_wait3A_164] : memref<20000x64xf32, #tpu.memory_space<hbm>> -> memref<128x64xf32, #tpu.memory_space<hbm>>
    %dma_wait3A_166 = arith.constant 0 : i32
    %dma_wait3A_167 = arith.constant 0 : i32
    %dma_wait3A_168 = tpu.memref_slice %arg2[%dma_wait3A_166, %dma_wait3A_167] : memref<20000x64xf32, #tpu.memory_space<hbm>> -> memref<128x64xf32, #tpu.memory_space<hbm>>
    tpu.wait_dma2 semaphore(%arg45 : memref<!tpu.dma_semaphore, #tpu.memory_space<semaphore_mem>>) src(%dma_wait3A_168 : memref<128x64xf32, #tpu.memory_space<hbm>>) dst(%arg23 : memref<128x64xf32, #tpu.memory_space<vmem>>)
    %dma_start3A_169 = arith.constant 1 : i32
    %dma_start3A_170 = arith.constant 0 : i32
    %dma_start3A_171 = tpu.memref_slice %arg7[%dma_start3A_169, %dma_start3A_170] : memref<2x128xi32, #tpu.memory_space<vmem>> -> memref<1x128xi32, #tpu.memory_space<vmem>>
    %dma_start3A_172 = tpu.memref_squeeze %dma_start3A_171 : memref<1x128xi32, #tpu.memory_space<vmem>> -> memref<128xi32, #tpu.memory_space<vmem>>
    %dma_start3A_173 = arith.constant 0 : i32
    %dma_start3A_174 = arith.constant 0 : i32
    %dma_start3A_175 = tpu.memref_slice %arg34[%dma_start3A_173, %dma_start3A_174] : memref<10000x64xf32, #tpu.memory_space<vmem_shared>> -> memref<10000x64xf32, #tpu.memory_space<vmem_shared>>
    tpu.enqueue_indirect_dma source(%arg23 : memref<128x64xf32, #tpu.memory_space<vmem>>) target(%dma_start3A_175 : memref<10000x64xf32, #tpu.memory_space<vmem_shared>>) offsets(%dma_start3A_172 : memref<128xi32, #tpu.memory_space<vmem>>) semaphore(%arg53 : memref<!tpu.dma_semaphore, #tpu.memory_space<semaphore_mem>>) {add = true}
    %dma_wait3A_176 = arith.constant 0 : i32
    %dma_wait3A_177 = arith.constant 0 : i32
    %dma_wait3A_178 = tpu.memref_slice %arg2[%dma_wait3A_176, %dma_wait3A_177] : memref<20000x64xf32, #tpu.memory_space<hbm>> -> memref<128x64xf32, #tpu.memory_space<hbm>>
    %dma_wait3A_179 = arith.constant 0 : i32
    %dma_wait3A_180 = arith.constant 0 : i32
    %dma_wait3A_181 = tpu.memref_slice %arg2[%dma_wait3A_179, %dma_wait3A_180] : memref<20000x64xf32, #tpu.memory_space<hbm>> -> memref<128x64xf32, #tpu.memory_space<hbm>>
    tpu.wait_dma2 semaphore(%arg46 : memref<!tpu.dma_semaphore, #tpu.memory_space<semaphore_mem>>) src(%dma_wait3A_181 : memref<128x64xf32, #tpu.memory_space<hbm>>) dst(%arg24 : memref<128x64xf32, #tpu.memory_space<vmem>>)
    %dma_start3A_182 = arith.constant 1 : i32
    %dma_start3A_183 = arith.constant 0 : i32
    %dma_start3A_184 = tpu.memref_slice %arg8[%dma_start3A_182, %dma_start3A_183] : memref<2x128xi32, #tpu.memory_space<vmem>> -> memref<1x128xi32, #tpu.memory_space<vmem>>
    %dma_start3A_185 = tpu.memref_squeeze %dma_start3A_184 : memref<1x128xi32, #tpu.memory_space<vmem>> -> memref<128xi32, #tpu.memory_space<vmem>>
    %dma_start3A_186 = arith.constant 0 : i32
    %dma_start3A_187 = arith.constant 0 : i32
    %dma_start3A_188 = tpu.memref_slice %arg34[%dma_start3A_186, %dma_start3A_187] : memref<10000x64xf32, #tpu.memory_space<vmem_shared>> -> memref<10000x64xf32, #tpu.memory_space<vmem_shared>>
    tpu.enqueue_indirect_dma source(%arg24 : memref<128x64xf32, #tpu.memory_space<vmem>>) target(%dma_start3A_188 : memref<10000x64xf32, #tpu.memory_space<vmem_shared>>) offsets(%dma_start3A_185 : memref<128xi32, #tpu.memory_space<vmem>>) semaphore(%arg54 : memref<!tpu.dma_semaphore, #tpu.memory_space<semaphore_mem>>) {add = true}
    %dma_wait3A_189 = arith.constant 0 : i32
    %dma_wait3A_190 = arith.constant 0 : i32
    %dma_wait3A_191 = tpu.memref_slice %arg2[%dma_wait3A_189, %dma_wait3A_190] : memref<20000x64xf32, #tpu.memory_space<hbm>> -> memref<128x64xf32, #tpu.memory_space<hbm>>
    %dma_wait3A_192 = arith.constant 0 : i32
    %dma_wait3A_193 = arith.constant 0 : i32
    %dma_wait3A_194 = tpu.memref_slice %arg2[%dma_wait3A_192, %dma_wait3A_193] : memref<20000x64xf32, #tpu.memory_space<hbm>> -> memref<128x64xf32, #tpu.memory_space<hbm>>
    tpu.wait_dma2 semaphore(%arg51 : memref<!tpu.dma_semaphore, #tpu.memory_space<semaphore_mem>>) src(%dma_wait3A_194 : memref<128x64xf32, #tpu.memory_space<hbm>>) dst(%arg21 : memref<128x64xf32, #tpu.memory_space<vmem>>)
    %dma_wait3A_195 = arith.constant 0 : i32
    %dma_wait3A_196 = arith.constant 0 : i32
    %dma_wait3A_197 = tpu.memref_slice %arg2[%dma_wait3A_195, %dma_wait3A_196] : memref<20000x64xf32, #tpu.memory_space<hbm>> -> memref<128x64xf32, #tpu.memory_space<hbm>>
    %dma_wait3A_198 = arith.constant 0 : i32
    %dma_wait3A_199 = arith.constant 0 : i32
    %dma_wait3A_200 = tpu.memref_slice %arg2[%dma_wait3A_198, %dma_wait3A_199] : memref<20000x64xf32, #tpu.memory_space<hbm>> -> memref<128x64xf32, #tpu.memory_space<hbm>>
    tpu.wait_dma2 semaphore(%arg52 : memref<!tpu.dma_semaphore, #tpu.memory_space<semaphore_mem>>) src(%dma_wait3A_200 : memref<128x64xf32, #tpu.memory_space<hbm>>) dst(%arg22 : memref<128x64xf32, #tpu.memory_space<vmem>>)
    %dma_wait3A_201 = arith.constant 0 : i32
    %dma_wait3A_202 = arith.constant 0 : i32
    %dma_wait3A_203 = tpu.memref_slice %arg2[%dma_wait3A_201, %dma_wait3A_202] : memref<20000x64xf32, #tpu.memory_space<hbm>> -> memref<128x64xf32, #tpu.memory_space<hbm>>
    %dma_wait3A_204 = arith.constant 0 : i32
    %dma_wait3A_205 = arith.constant 0 : i32
    %dma_wait3A_206 = tpu.memref_slice %arg2[%dma_wait3A_204, %dma_wait3A_205] : memref<20000x64xf32, #tpu.memory_space<hbm>> -> memref<128x64xf32, #tpu.memory_space<hbm>>
    tpu.wait_dma2 semaphore(%arg53 : memref<!tpu.dma_semaphore, #tpu.memory_space<semaphore_mem>>) src(%dma_wait3A_206 : memref<128x64xf32, #tpu.memory_space<hbm>>) dst(%arg23 : memref<128x64xf32, #tpu.memory_space<vmem>>)
    %dma_wait3A_207 = arith.constant 0 : i32
    %dma_wait3A_208 = arith.constant 0 : i32
    %dma_wait3A_209 = tpu.memref_slice %arg2[%dma_wait3A_207, %dma_wait3A_208] : memref<20000x64xf32, #tpu.memory_space<hbm>> -> memref<128x64xf32, #tpu.memory_space<hbm>>
    %dma_wait3A_210 = arith.constant 0 : i32
    %dma_wait3A_211 = arith.constant 0 : i32
    %dma_wait3A_212 = tpu.memref_slice %arg2[%dma_wait3A_210, %dma_wait3A_211] : memref<20000x64xf32, #tpu.memory_space<hbm>> -> memref<128x64xf32, #tpu.memory_space<hbm>>
    tpu.wait_dma2 semaphore(%arg54 : memref<!tpu.dma_semaphore, #tpu.memory_space<semaphore_mem>>) src(%dma_wait3A_212 : memref<128x64xf32, #tpu.memory_space<hbm>>) dst(%arg24 : memref<128x64xf32, #tpu.memory_space<vmem>>)
    %add3A_213 = arith.constant 19968 : i32
    %add3A_214 = arith.addi %mul3A_14, %add3A_213 : i32
    %multiple_of3A_215 = tpu.assume_multiple %add3A_214, 8 : i32
    "tpu.region"() ({
      %run_scoped3A_239 = tpu.sem_alloc : memref<!tpu.dma_semaphore, #tpu.memory_space<semaphore_mem>>
      %dma_start3A_240 = arith.constant 0 : i32
      %dma_start3A_241 = tpu.memref_slice %arg3[%dma_start3A_240, %multiple_of3A_215] : memref<2x320000xi32, #tpu.memory_space<hbm>> -> memref<2x32xi32, #tpu.memory_space<hbm>>
      %dma_start3A_242 = arith.constant 0 : i32
      %dma_start3A_243 = tpu.memref_slice %arg3[%dma_start3A_242, %multiple_of3A_215] : memref<2x320000xi32, #tpu.memory_space<hbm>> -> memref<2x32xi32, #tpu.memory_space<hbm>>
      tpu.enqueue_dma source(%dma_start3A_243 : memref<2x32xi32, #tpu.memory_space<hbm>>) target(%arg29 : memref<2x32xi32, #tpu.memory_space<vmem>>) target_semaphore(%run_scoped3A_239 : memref<!tpu.dma_semaphore, #tpu.memory_space<semaphore_mem>>)
      %dma_wait3A_244 = arith.constant 0 : i32
      %dma_wait3A_245 = tpu.memref_slice %arg3[%dma_wait3A_244, %multiple_of3A_215] : memref<2x320000xi32, #tpu.memory_space<hbm>> -> memref<2x32xi32, #tpu.memory_space<hbm>>
      %dma_wait3A_246 = arith.constant 0 : i32
      %dma_wait3A_247 = tpu.memref_slice %arg3[%dma_wait3A_246, %multiple_of3A_215] : memref<2x320000xi32, #tpu.memory_space<hbm>> -> memref<2x32xi32, #tpu.memory_space<hbm>>
      tpu.wait_dma2 semaphore(%run_scoped3A_239 : memref<!tpu.dma_semaphore, #tpu.memory_space<semaphore_mem>>) src(%dma_wait3A_247 : memref<2x32xi32, #tpu.memory_space<hbm>>) dst(%arg29 : memref<2x32xi32, #tpu.memory_space<vmem>>)
      tpu.yield
    }) : () -> ()
    %scan3A_216 = arith.constant 0 : i32
    %scan3A_217 = arith.constant 2 : i32
    %scan3A_218 = arith.addi %scan3A_216, %scan3A_217 : i32
    %scan3A_219 = arith.constant 1 : i32
    scf.for %scan3A_239 = %scan3A_216 to %scan3A_218 step %scan3A_219  : i32 {
      %mul3A_240 = arith.constant 1 : i32
      %mul3A_241 = arith.muli %scan3A_239, %mul3A_240 : i32
      %add3A_242 = arith.constant 0 : i32
      %add3A_243 = arith.addi %add3A_242, %mul3A_241 : i32
      %mul3A_244 = arith.constant 16 : i32
      %mul3A_245 = arith.muli %add3A_243, %mul3A_244 : i32
      %get3A = arith.constant 0 : i32
      %get3A_246 = arith.index_cast %get3A : i32 to index
      %get3A_247 = arith.index_cast %mul3A_245 : i32 to index
      %get3A_248 = tpu.vector_load %arg29[%get3A_246, %get3A_247] {strides = array<i32>} : memref<2x32xi32, #tpu.memory_space<vmem>>, vector<1x16xi32>,
      %get3A_249 = vector.shape_cast %get3A_248 : vector<1x16xi32> to vector<16xi32>
      %mul3A_250 = arith.constant 2 : i32
      %mul3A_251 = vector.broadcast %mul3A_250 : i32 to vector<16xi32>
      %mul3A_252 = arith.muli %get3A_249, %mul3A_251 : vector<16xi32>
      %add3A_253 = vector.broadcast %arg0 : i32 to vector<16xi32>
      %add3A_254 = arith.addi %mul3A_252, %add3A_253 : vector<16xi32>
      %mul3A_255 = arith.constant 16 : i32
      %mul3A_256 = arith.muli %add3A_243, %mul3A_255 : i32
      %swap3A = arith.index_cast %mul3A_256 : i32 to index
      %swap3A_257 = tpu.vector_load %arg30[%swap3A] {strides = array<i32>} : memref<32xi32, #tpu.memory_space<vmem>>, vector<16xi32>,
      %swap3A_258 = vector.shape_cast %swap3A_257 : vector<16xi32> to vector<16xi32>
      %swap3A_259 = vector.shape_cast %add3A_254 : vector<16xi32> to vector<16xi32>
      tpu.vector_store %arg30[%swap3A], %swap3A_259 {strides = array<i32>} : memref<32xi32, #tpu.memory_space<vmem>>, vector<16xi32>,
    }
    %scan3A_220 = arith.constant 2 : i32
    %dma_start3A_221 = arith.constant 0 : i32
    %dma_start3A_222 = arith.constant 0 : i32
    %dma_start3A_223 = tpu.memref_slice %arg21[%dma_start3A_221, %dma_start3A_222] : memref<128x64xf32, #tpu.memory_space<vmem>> -> memref<32x64xf32, #tpu.memory_space<vmem>>
    %dma_start3A_224 = arith.constant 0 : i32
    %dma_start3A_225 = arith.constant 0 : i32
    %dma_start3A_226 = tpu.memref_slice %arg2[%dma_start3A_224, %dma_start3A_225] : memref<20000x64xf32, #tpu.memory_space<hbm>> -> memref<20000x64xf32, #tpu.memory_space<hbm>>
    tpu.enqueue_indirect_dma source(%dma_start3A_226 : memref<20000x64xf32, #tpu.memory_space<hbm>>) target(%dma_start3A_223 : memref<32x64xf32, #tpu.memory_space<vmem>>) offsets(%arg30 : memref<32xi32, #tpu.memory_space<vmem>>) semaphore(%arg59 : memref<!tpu.dma_semaphore, #tpu.memory_space<semaphore_mem>>)
    %dma_wait3A_227 = arith.constant 0 : i32
    %dma_wait3A_228 = arith.constant 0 : i32
    %dma_wait3A_229 = tpu.memref_slice %arg21[%dma_wait3A_227, %dma_wait3A_228] : memref<128x64xf32, #tpu.memory_space<vmem>> -> memref<32x64xf32, #tpu.memory_space<vmem>>
    %dma_wait3A_230 = arith.constant 0 : i32
    %dma_wait3A_231 = arith.constant 0 : i32
    %dma_wait3A_232 = tpu.memref_slice %arg2[%dma_wait3A_230, %dma_wait3A_231] : memref<20000x64xf32, #tpu.memory_space<hbm>> -> memref<20000x64xf32, #tpu.memory_space<hbm>>
    tpu.wait_indirect_dma semaphore(%arg59 : memref<!tpu.dma_semaphore, #tpu.memory_space<semaphore_mem>>) src(%dma_wait3A_232 : memref<20000x64xf32, #tpu.memory_space<hbm>>) dst(%dma_wait3A_229 : memref<32x64xf32, #tpu.memory_space<vmem>>)
    %run_scoped3A = arith.constant 1 : i32
    "tpu.region"() ({
      %run_scoped3A_239 = tpu.sem_alloc : memref<!tpu.dma_semaphore, #tpu.memory_space<semaphore_mem>>
      %dma_start3A_240 = arith.constant 0 : i32
      %dma_start3A_241 = arith.constant 0 : i32
      %dma_start3A_242 = tpu.memref_slice %arg21[%dma_start3A_240, %dma_start3A_241] : memref<128x64xf32, #tpu.memory_space<vmem>> -> memref<32x64xf32, #tpu.memory_space<vmem>>
      %dma_start3A_243 = arith.constant 0 : i32
      %dma_start3A_244 = tpu.memref_slice %arg29[%run_scoped3A, %dma_start3A_243] : memref<2x32xi32, #tpu.memory_space<vmem>> -> memref<1x32xi32, #tpu.memory_space<vmem>>
      %dma_start3A_245 = tpu.memref_squeeze %dma_start3A_244 : memref<1x32xi32, #tpu.memory_space<vmem>> -> memref<32xi32, #tpu.memory_space<vmem>>
      %dma_start3A_246 = arith.constant 0 : i32
      %dma_start3A_247 = arith.constant 0 : i32
      %dma_start3A_248 = tpu.memref_slice %arg34[%dma_start3A_246, %dma_start3A_247] : memref<10000x64xf32, #tpu.memory_space<vmem_shared>> -> memref<10000x64xf32, #tpu.memory_space<vmem_shared>>
      tpu.enqueue_indirect_dma source(%dma_start3A_242 : memref<32x64xf32, #tpu.memory_space<vmem>>) target(%dma_start3A_248 : memref<10000x64xf32, #tpu.memory_space<vmem_shared>>) offsets(%dma_start3A_245 : memref<32xi32, #tpu.memory_space<vmem>>) semaphore(%run_scoped3A_239 : memref<!tpu.dma_semaphore, #tpu.memory_space<semaphore_mem>>) {add = true}
      %dma_wait3A_249 = arith.constant 0 : i32
      %dma_wait3A_250 = arith.constant 0 : i32
      %dma_wait3A_251 = tpu.memref_slice %arg21[%dma_wait3A_249, %dma_wait3A_250] : memref<128x64xf32, #tpu.memory_space<vmem>> -> memref<32x64xf32, #tpu.memory_space<vmem>>
      %dma_wait3A_252 = arith.constant 0 : i32
      %dma_wait3A_253 = tpu.memref_slice %arg29[%run_scoped3A, %dma_wait3A_252] : memref<2x32xi32, #tpu.memory_space<vmem>> -> memref<1x32xi32, #tpu.memory_space<vmem>>
      %dma_wait3A_254 = tpu.memref_squeeze %dma_wait3A_253 : memref<1x32xi32, #tpu.memory_space<vmem>> -> memref<32xi32, #tpu.memory_space<vmem>>
      %dma_wait3A_255 = arith.constant 0 : i32
      %dma_wait3A_256 = arith.constant 0 : i32
      %dma_wait3A_257 = tpu.memref_slice %arg34[%dma_wait3A_255, %dma_wait3A_256] : memref<10000x64xf32, #tpu.memory_space<vmem_shared>> -> memref<10000x64xf32, #tpu.memory_space<vmem_shared>>
      tpu.wait_indirect_dma semaphore(%run_scoped3A_239 : memref<!tpu.dma_semaphore, #tpu.memory_space<semaphore_mem>>) src(%dma_wait3A_251 : memref<32x64xf32, #tpu.memory_space<vmem>>) dst(%dma_wait3A_257 : memref<10000x64xf32, #tpu.memory_space<vmem_shared>>)
      tpu.yield
    }) : () -> ()
    %barrier3A_233 = arith.constant 0 : index
    tpu.barrier barrier_id(%barrier3A_233)
    "tpu.region"() ({
      %run_scoped3A_239 = tpu.sem_alloc : memref<!tpu.dma_semaphore, #tpu.memory_space<semaphore_mem>>
      %dma_start3A_240 = arith.constant 0 : i32
      %dma_start3A_241 = tpu.memref_slice %arg4[%arg0, %mul3A_12, %dma_start3A_240] : memref<2x10000x64xf32, #tpu.memory_space<hbm>> -> memref<1x624x64xf32, #tpu.memory_space<hbm>>
      %dma_start3A_242 = tpu.memref_squeeze %dma_start3A_241 : memref<1x624x64xf32, #tpu.memory_space<hbm>> -> memref<624x64xf32, #tpu.memory_space<hbm>>
      %dma_start3A_243 = arith.constant 0 : i32
      %dma_start3A_244 = tpu.memref_slice %arg34[%mul3A_12, %dma_start3A_243] : memref<10000x64xf32, #tpu.memory_space<vmem_shared>> -> memref<624x64xf32, #tpu.memory_space<vmem_shared>>
      tpu.enqueue_dma source(%dma_start3A_244 : memref<624x64xf32, #tpu.memory_space<vmem_shared>>) target(%dma_start3A_242 : memref<624x64xf32, #tpu.memory_space<hbm>>) target_semaphore(%run_scoped3A_239 : memref<!tpu.dma_semaphore, #tpu.memory_space<semaphore_mem>>)
      %dma_wait3A_245 = arith.constant 0 : i32
      %dma_wait3A_246 = tpu.memref_slice %arg4[%arg0, %mul3A_12, %dma_wait3A_245] : memref<2x10000x64xf32, #tpu.memory_space<hbm>> -> memref<1x624x64xf32, #tpu.memory_space<hbm>>
      %dma_wait3A_247 = tpu.memref_squeeze %dma_wait3A_246 : memref<1x624x64xf32, #tpu.memory_space<hbm>> -> memref<624x64xf32, #tpu.memory_space<hbm>>
      %dma_wait3A_248 = arith.constant 0 : i32
      %dma_wait3A_249 = tpu.memref_slice %arg34[%mul3A_12, %dma_wait3A_248] : memref<10000x64xf32, #tpu.memory_space<vmem_shared>> -> memref<624x64xf32, #tpu.memory_space<vmem_shared>>
      tpu.wait_dma2 semaphore(%run_scoped3A_239 : memref<!tpu.dma_semaphore, #tpu.memory_space<semaphore_mem>>) src(%dma_wait3A_249 : memref<624x64xf32, #tpu.memory_space<vmem_shared>>) dst(%dma_wait3A_247 : memref<624x64xf32, #tpu.memory_space<hbm>>)
      tpu.yield
    }) : () -> ()
    %eq3A_234 = arith.constant 0 : i32
    %eq3A_235 = arith.cmpi eq, %arg1, %eq3A_234 : i32
    %convert_element_type3A_236 = arith.extui %eq3A_235 : i1 to i32
    %cond3A_237 = arith.constant 0 : i32
    %cond3A_238 = arith.cmpi ne, %convert_element_type3A_236, %cond3A_237 : i32
    scf.if %cond3A_238 {
      "tpu.region"() ({
        %run_scoped3A_239 = tpu.sem_alloc : memref<!tpu.dma_semaphore, #tpu.memory_space<semaphore_mem>>
        %dma_start3A_240 = arith.constant 9984 : i32
        %dma_start3A_241 = arith.constant 0 : i32
        %dma_start3A_242 = tpu.memref_slice %arg4[%arg0, %dma_start3A_240, %dma_start3A_241] : memref<2x10000x64xf32, #tpu.memory_space<hbm>> -> memref<1x16x64xf32, #tpu.memory_space<hbm>>
        %dma_start3A_243 = tpu.memref_squeeze %dma_start3A_242 : memref<1x16x64xf32, #tpu.memory_space<hbm>> -> memref<16x64xf32, #tpu.memory_space<hbm>>
        %dma_start3A_244 = arith.constant 9984 : i32
        %dma_start3A_245 = arith.constant 0 : i32
        %dma_start3A_246 = tpu.memref_slice %arg34[%dma_start3A_244, %dma_start3A_245] : memref<10000x64xf32, #tpu.memory_space<vmem_shared>> -> memref<16x64xf32, #tpu.memory_space<vmem_shared>>
        tpu.enqueue_dma source(%dma_start3A_246 : memref<16x64xf32, #tpu.memory_space<vmem_shared>>) target(%dma_start3A_243 : memref<16x64xf32, #tpu.memory_space<hbm>>) target_semaphore(%run_scoped3A_239 : memref<!tpu.dma_semaphore, #tpu.memory_space<semaphore_mem>>)
        %dma_wait3A_247 = arith.constant 9984 : i32
        %dma_wait3A_248 = arith.constant 0 : i32
        %dma_wait3A_249 = tpu.memref_slice %arg4[%arg0, %dma_wait3A_247, %dma_wait3A_248] : memref<2x10000x64xf32, #tpu.memory_space<hbm>> -> memref<1x16x64xf32, #tpu.memory_space<hbm>>
        %dma_wait3A_250 = tpu.memref_squeeze %dma_wait3A_249 : memref<1x16x64xf32, #tpu.memory_space<hbm>> -> memref<16x64xf32, #tpu.memory_space<hbm>>
        %dma_wait3A_251 = arith.constant 9984 : i32
        %dma_wait3A_252 = arith.constant 0 : i32
        %dma_wait3A_253 = tpu.memref_slice %arg34[%dma_wait3A_251, %dma_wait3A_252] : memref<10000x64xf32, #tpu.memory_space<vmem_shared>> -> memref<16x64xf32, #tpu.memory_space<vmem_shared>>
        tpu.wait_dma2 semaphore(%run_scoped3A_239 : memref<!tpu.dma_semaphore, #tpu.memory_space<semaphore_mem>>) src(%dma_wait3A_253 : memref<16x64xf32, #tpu.memory_space<vmem_shared>>) dst(%dma_wait3A_250 : memref<16x64xf32, #tpu.memory_space<hbm>>)
        tpu.yield
      }) : () -> ()
    } else {
    }
    return
  }
}

module attributes {stable_mosaic.version = 14 : i64} {
  func.func @_pre_body(%arg0: i32, %arg1: memref<1000x128xf32, #tpu.memory_space<vmem>>, %arg2: memref<1000x1xi32, #tpu.memory_space<vmem>>, %arg3: memref<32x128xf32, #tpu.memory_space<vmem>>, %arg4: memref<128x128xf32, #tpu.memory_space<vmem>>, %arg5: memref<128x128xf32, #tpu.memory_space<vmem>>, %arg6: memref<1x128xf32, #tpu.memory_space<vmem>>, %arg7: memref<1000x128xf32, #tpu.memory_space<vmem>>) attributes {dimension_semantics = [#tpu.dimension_semantics<arbitrary>], iteration_bounds = array<i64: 10>, scalar_prefetch = 0 : i64, scratch_operands = 0 : i64, tpu.core_type = #tpu.core_type<tc>, window_params = [{transform_indices = @transform_0, window_bounds = array<i64: 1000, 128>}, {transform_indices = @transform_1, window_bounds = array<i64: 1000, 1>}, {pipeline_mode = #tpu.pipeline_mode<synchronous>, transform_indices = @transform_2, window_bounds = array<i64: 32, 128>}, {pipeline_mode = #tpu.pipeline_mode<synchronous>, transform_indices = @transform_3, window_bounds = array<i64: 128, 128>}, {pipeline_mode = #tpu.pipeline_mode<synchronous>, transform_indices = @transform_4, window_bounds = array<i64: 128, 128>}, {pipeline_mode = #tpu.pipeline_mode<synchronous>, transform_indices = @transform_5, window_bounds = array<i64: 1, 128>}, {transform_indices = @transform_6, window_bounds = array<i64: 1000, 128>}]} {
    %get3A = arith.constant 0 : index
    %get3A_0 = arith.constant 0 : index
    %get3A_1 = vector.load %arg3[%get3A, %get3A_0] : memref<32x128xf32, #tpu.memory_space<vmem>>, vector<32x128xf32>
    %get3A_2 = arith.constant 0 : index
    %get3A_3 = arith.constant 0 : index
    %get3A_4 = vector.load %arg5[%get3A_2, %get3A_3] : memref<128x128xf32, #tpu.memory_space<vmem>>, vector<128x128xf32>
    %dot_general3A = arith.constant dense<0.000000e+00> : vector<32x128xf32>
    %dot_general3A_5 = tpu.matmul %get3A_1, %get3A_4, %dot_general3A {dimension_numbers = #tpu.dot_dimension_numbers<[1], [0], [0], [1], [0, 0, 1, 1], [], []>, transpose_lhs_hint = false} : vector<32x128xf32>, vector<128x128xf32>, vector<32x128xf32> -> vector<32x128xf32>
    %get3A_6 = arith.constant 0 : index
    %get3A_7 = arith.constant 0 : index
    %get3A_8 = vector.load %arg2[%get3A_6, %get3A_7] : memref<1000x1xi32, #tpu.memory_space<vmem>>, vector<1000x1xi32>
    %iota3A = tpu.iota {dimensions = array<i32: 1>} : vector<1000x32xi32>
    %eq3A = vector.broadcast %get3A_8 : vector<1000x1xi32> to vector<1000x32xi32>
    %eq3A_9 = arith.cmpi eq, %eq3A, %iota3A : vector<1000x32xi32>
    %convert_element_type3A = arith.extui %eq3A_9 : vector<1000x32xi1> to vector<1000x32xi32>
    %convert_element_type3A_10 = arith.sitofp %convert_element_type3A : vector<1000x32xi32> to vector<1000x32xf32>
    %get3A_11 = arith.constant 0 : index
    %get3A_12 = arith.constant 0 : index
    %get3A_13 = vector.load %arg1[%get3A_11, %get3A_12] : memref<1000x128xf32, #tpu.memory_space<vmem>>, vector<1000x128xf32>
    %get3A_14 = arith.constant 0 : index
    %get3A_15 = arith.constant 0 : index
    %get3A_16 = vector.load %arg4[%get3A_14, %get3A_15] : memref<128x128xf32, #tpu.memory_space<vmem>>, vector<128x128xf32>
    %dot_general3A_17 = arith.constant dense<0.000000e+00> : vector<1000x128xf32>
    %dot_general3A_18 = tpu.matmul %get3A_13, %get3A_16, %dot_general3A_17 {dimension_numbers = #tpu.dot_dimension_numbers<[1], [0], [0], [1], [0, 0, 1, 1], [], []>, transpose_lhs_hint = false} : vector<1000x128xf32>, vector<128x128xf32>, vector<1000x128xf32> -> vector<1000x128xf32>
    %dot_general3A_19 = arith.constant dense<0.000000e+00> : vector<1000x128xf32>
    %dot_general3A_20 = tpu.matmul %convert_element_type3A_10, %dot_general3A_5, %dot_general3A_19 {dimension_numbers = #tpu.dot_dimension_numbers<[1], [0], [0], [1], [0, 0, 1, 1], [], []>, precision = #tpu.contract_precision<fp32>, transpose_lhs_hint = false} : vector<1000x32xf32>, vector<32x128xf32>, vector<1000x128xf32> -> vector<1000x128xf32>
    %add3A = arith.addf %dot_general3A_18, %dot_general3A_20 : vector<1000x128xf32>
    %get3A_21 = arith.constant 0 : index
    %get3A_22 = arith.constant 0 : index
    %get3A_23 = vector.load %arg6[%get3A_21, %get3A_22] : memref<1x128xf32, #tpu.memory_space<vmem>>, vector<1x128xf32>
    %add3A_24 = vector.broadcast %get3A_23 : vector<1x128xf32> to vector<1000x128xf32>
    %add3A_25 = arith.addf %add3A, %add3A_24 : vector<1000x128xf32>
    %swap3A = arith.constant 0 : index
    %swap3A_26 = arith.constant 0 : index
    %swap3A_27 = vector.load %arg7[%swap3A, %swap3A_26] : memref<1000x128xf32, #tpu.memory_space<vmem>>, vector<1000x128xf32>
    tpu.vector_store %arg7[%swap3A, %swap3A_26], %add3A_25 {strides = array<i32>} : memref<1000x128xf32, #tpu.memory_space<vmem>>, vector<1000x128xf32>,
    return
  }
  func.func @transform_0(%arg0: i32) -> (i32, i32) {
    %c0_i32 = arith.constant 0 : i32
    %c0_i32_0 = arith.constant 0 : i32
    return %arg0, %c0_i32 : i32, i32
  }
  func.func @transform_1(%arg0: i32) -> (i32, i32) {
    %c0_i32 = arith.constant 0 : i32
    %c0_i32_0 = arith.constant 0 : i32
    return %arg0, %c0_i32 : i32, i32
  }
  func.func @transform_2(%arg0: i32) -> (i32, i32) {
    %c0_i32 = arith.constant 0 : i32
    %c0_i32_0 = arith.constant 0 : i32
    %c0_i32_1 = arith.constant 0 : i32
    return %c0_i32, %c0_i32_0 : i32, i32
  }
  func.func @transform_3(%arg0: i32) -> (i32, i32) {
    %c0_i32 = arith.constant 0 : i32
    %c0_i32_0 = arith.constant 0 : i32
    %c0_i32_1 = arith.constant 0 : i32
    return %c0_i32, %c0_i32_0 : i32, i32
  }
  func.func @transform_4(%arg0: i32) -> (i32, i32) {
    %c0_i32 = arith.constant 0 : i32
    %c0_i32_0 = arith.constant 0 : i32
    %c0_i32_1 = arith.constant 0 : i32
    return %c0_i32, %c0_i32_0 : i32, i32
  }
  func.func @transform_5(%arg0: i32) -> (i32, i32) {
    %c0_i32 = arith.constant 0 : i32
    %c0_i32_0 = arith.constant 0 : i32
    %c0_i32_1 = arith.constant 0 : i32
    return %c0_i32, %c0_i32_0 : i32, i32
  }
  func.func @transform_6(%arg0: i32) -> (i32, i32) {
    %c0_i32 = arith.constant 0 : i32
    %c0_i32_0 = arith.constant 0 : i32
    return %arg0, %c0_i32 : i32, i32
  }
}

module attributes {stable_mosaic.version = 14 : i64} {
  func.func @_mid_body(%arg0: i32, %arg1: memref<1000x128xf32, #tpu.memory_space<vmem>>, %arg2: memref<2x1000x64xf32, #tpu.memory_space<vmem>>, %arg3: memref<2x1000x16xf32, #tpu.memory_space<vmem>>, %arg4: memref<1000x1xi32, #tpu.memory_space<vmem>>, %arg5: memref<32x128xf32, #tpu.memory_space<vmem>>, %arg6: memref<128x128xf32, #tpu.memory_space<vmem>>, %arg7: memref<128x128xf32, #tpu.memory_space<vmem>>, %arg8: memref<128x128xf32, #tpu.memory_space<vmem>>, %arg9: memref<1x128xf32, #tpu.memory_space<vmem>>, %arg10: memref<1000x128xf32, #tpu.memory_space<vmem>>, %arg11: memref<32x128xf32, #tpu.memory_space<vmem>>, %arg12: memref<32x128xf32, #tpu.memory_space<vmem>>, %arg13: memref<32x128xf32, #tpu.memory_space<vmem>>) attributes {dimension_semantics = [#tpu.dimension_semantics<arbitrary>], iteration_bounds = array<i64: 10>, scalar_prefetch = 0 : i64, scratch_operands = 2 : i64, tpu.core_type = #tpu.core_type<tc>, window_params = [{transform_indices = @transform_0, window_bounds = array<i64: 1000, 128>}, {transform_indices = @transform_1, window_bounds = array<i64: 2, 1000, 64>}, {transform_indices = @transform_2, window_bounds = array<i64: 2, 1000, 16>}, {transform_indices = @transform_3, window_bounds = array<i64: 1000, 1>}, {pipeline_mode = #tpu.pipeline_mode<synchronous>, transform_indices = @transform_4, window_bounds = array<i64: 32, 128>}, {pipeline_mode = #tpu.pipeline_mode<synchronous>, transform_indices = @transform_5, window_bounds = array<i64: 128, 128>}, {pipeline_mode = #tpu.pipeline_mode<synchronous>, transform_indices = @transform_6, window_bounds = array<i64: 128, 128>}, {pipeline_mode = #tpu.pipeline_mode<synchronous>, transform_indices = @transform_7, window_bounds = array<i64: 128, 128>}, {pipeline_mode = #tpu.pipeline_mode<synchronous>, transform_indices = @transform_8, window_bounds = array<i64: 1, 128>}, {transform_indices = @transform_9, window_bounds = array<i64: 1000, 128>}, {pipeline_mode = #tpu.pipeline_mode<synchronous>, transform_indices = @transform_10, window_bounds = array<i64: 32, 128>}]} {
    %get3A = arith.constant 0 : index
    %get3A_0 = arith.constant 0 : index
    %get3A_1 = arith.constant 0 : index
    %get3A_2 = vector.load %arg2[%get3A, %get3A_0, %get3A_1] : memref<2x1000x64xf32, #tpu.memory_space<vmem>>, vector<1x1000x64xf32>
    %get3A_3 = vector.shape_cast %get3A_2 : vector<1x1000x64xf32> to vector<1000x64xf32>
    %get3A_4 = arith.constant 1 : index
    %get3A_5 = arith.constant 0 : index
    %get3A_6 = arith.constant 0 : index
    %get3A_7 = vector.load %arg2[%get3A_4, %get3A_5, %get3A_6] : memref<2x1000x64xf32, #tpu.memory_space<vmem>>, vector<1x1000x64xf32>
    %get3A_8 = vector.shape_cast %get3A_7 : vector<1x1000x64xf32> to vector<1000x64xf32>
    %concatenate3A = tpu.concatenate %get3A_3, %get3A_8 in 1 : vector<1000x64xf32>, vector<1000x64xf32> -> vector<1000x128xf32>
    %get3A_9 = arith.constant 0 : index
    %get3A_10 = arith.constant 0 : index
    %get3A_11 = arith.constant 0 : index
    %get3A_12 = vector.load %arg3[%get3A_9, %get3A_10, %get3A_11] : memref<2x1000x16xf32, #tpu.memory_space<vmem>>, vector<1x1000x1xf32>
    %get3A_13 = vector.shape_cast %get3A_12 : vector<1x1000x1xf32> to vector<1000x1xf32>
    %get3A_14 = arith.constant 1 : index
    %get3A_15 = arith.constant 0 : index
    %get3A_16 = arith.constant 0 : index
    %get3A_17 = vector.load %arg3[%get3A_14, %get3A_15, %get3A_16] : memref<2x1000x16xf32, #tpu.memory_space<vmem>>, vector<1x1000x1xf32>
    %get3A_18 = vector.shape_cast %get3A_17 : vector<1x1000x1xf32> to vector<1000x1xf32>
    %add3A = arith.addf %get3A_13, %get3A_18 : vector<1000x1xf32>
    %max3A = arith.constant 1.000000e+00 : f32
    %max3A_19 = vector.broadcast %max3A : f32 to vector<1000x1xf32>
    %max3A_20 = arith.maximumf %add3A, %max3A_19 : vector<1000x1xf32>
    %get3A_21 = arith.constant 0 : index
    %get3A_22 = arith.constant 0 : index
    %get3A_23 = vector.load %arg1[%get3A_21, %get3A_22] : memref<1000x128xf32, #tpu.memory_space<vmem>>, vector<1000x128xf32>
    %div3A = vector.broadcast %max3A_20 : vector<1000x1xf32> to vector<1000x128xf32>
    %div3A_24 = arith.divf %concatenate3A, %div3A : vector<1000x128xf32>
    %get3A_25 = arith.constant 0 : index
    %get3A_26 = arith.constant 0 : index
    %get3A_27 = vector.load %arg6[%get3A_25, %get3A_26] : memref<128x128xf32, #tpu.memory_space<vmem>>, vector<128x128xf32>
    %dot_general3A = arith.constant dense<0.000000e+00> : vector<1000x128xf32>
    %dot_general3A_28 = tpu.matmul %div3A_24, %get3A_27, %dot_general3A {dimension_numbers = #tpu.dot_dimension_numbers<[1], [0], [0], [1], [0, 0, 1, 1], [], []>, transpose_lhs_hint = false} : vector<1000x128xf32>, vector<128x128xf32>, vector<1000x128xf32> -> vector<1000x128xf32>
    %add3A_29 = arith.addf %get3A_23, %dot_general3A_28 : vector<1000x128xf32>
    %max3A_30 = arith.constant 0.000000e+00 : f32
    %max3A_31 = vector.broadcast %max3A_30 : f32 to vector<1000x128xf32>
    %max3A_32 = arith.maximumf %add3A_29, %max3A_31 : vector<1000x128xf32>
    %swap3A = arith.constant 0 : index
    %swap3A_33 = arith.constant 0 : index
    %swap3A_34 = vector.load %arg10[%swap3A, %swap3A_33] : memref<1000x128xf32, #tpu.memory_space<vmem>>, vector<1000x128xf32>
    tpu.vector_store %arg10[%swap3A, %swap3A_33], %max3A_32 {strides = array<i32>} : memref<1000x128xf32, #tpu.memory_space<vmem>>, vector<1000x128xf32>,
    %get3A_35 = arith.constant 0 : index
    %get3A_36 = arith.constant 0 : index
    %get3A_37 = vector.load %arg4[%get3A_35, %get3A_36] : memref<1000x1xi32, #tpu.memory_space<vmem>>, vector<1000x1xi32>
    %iota3A = tpu.iota {dimensions = array<i32: 1>} : vector<1000x32xi32>
    %eq3A = vector.broadcast %get3A_37 : vector<1000x1xi32> to vector<1000x32xi32>
    %eq3A_38 = arith.cmpi eq, %eq3A, %iota3A : vector<1000x32xi32>
    %convert_element_type3A = arith.extui %eq3A_38 : vector<1000x32xi1> to vector<1000x32xi32>
    %convert_element_type3A_39 = arith.sitofp %convert_element_type3A : vector<1000x32xi32> to vector<1000x32xf32>
    %eq3A_40 = arith.constant 0 : i32
    %eq3A_41 = arith.cmpi eq, %arg0, %eq3A_40 : i32
    %convert_element_type3A_42 = arith.extui %eq3A_41 : i1 to i32
    %cond3A = arith.constant 0 : i32
    %cond3A_43 = arith.cmpi ne, %convert_element_type3A_42, %cond3A : i32
    scf.if %cond3A_43 {
      %broadcast_in_dim3A_68 = arith.constant 0.000000e+00 : f32
      %broadcast_in_dim3A_69 = vector.broadcast %broadcast_in_dim3A_68 : f32 to vector<32x128xf32>
      %swap3A_70 = arith.constant 0 : index
      %swap3A_71 = arith.constant 0 : index
      %swap3A_72 = vector.load %arg12[%swap3A_70, %swap3A_71] : memref<32x128xf32, #tpu.memory_space<vmem>>, vector<32x128xf32>
      tpu.vector_store %arg12[%swap3A_70, %swap3A_71], %broadcast_in_dim3A_69 {strides = array<i32>} : memref<32x128xf32, #tpu.memory_space<vmem>>, vector<32x128xf32>,
      %broadcast_in_dim3A_73 = arith.constant 0.000000e+00 : f32
      %broadcast_in_dim3A_74 = vector.broadcast %broadcast_in_dim3A_73 : f32 to vector<32x128xf32>
      %swap3A_75 = arith.constant 0 : index
      %swap3A_76 = arith.constant 0 : index
      %swap3A_77 = vector.load %arg13[%swap3A_75, %swap3A_76] : memref<32x128xf32, #tpu.memory_space<vmem>>, vector<32x128xf32>
      tpu.vector_store %arg13[%swap3A_75, %swap3A_76], %broadcast_in_dim3A_74 {strides = array<i32>} : memref<32x128xf32, #tpu.memory_space<vmem>>, vector<32x128xf32>,
    } else {
    }
    %get3A_44 = arith.constant 0 : index
    %get3A_45 = arith.constant 0 : index
    %get3A_46 = vector.load %arg12[%get3A_44, %get3A_45] : memref<32x128xf32, #tpu.memory_space<vmem>>, vector<32x128xf32>
    %dot_general3A_47 = arith.constant dense<0.000000e+00> : vector<32x128xf32>
    %dot_general3A_48 = tpu.matmul %convert_element_type3A_39, %max3A_32, %dot_general3A_47 {dimension_numbers = #tpu.dot_dimension_numbers<[0], [0], [1], [1], [0, 1, 1, 1], [], []>, precision = #tpu.contract_precision<fp32>, transpose_lhs_hint = false} : vector<1000x32xf32>, vector<1000x128xf32>, vector<32x128xf32> -> vector<32x128xf32>
    %add3A_49 = arith.addf %get3A_46, %dot_general3A_48 : vector<32x128xf32>
    %swap3A_50 = arith.constant 0 : index
    %swap3A_51 = arith.constant 0 : index
    %swap3A_52 = vector.load %arg12[%swap3A_50, %swap3A_51] : memref<32x128xf32, #tpu.memory_space<vmem>>, vector<32x128xf32>
    tpu.vector_store %arg12[%swap3A_50, %swap3A_51], %add3A_49 {strides = array<i32>} : memref<32x128xf32, #tpu.memory_space<vmem>>, vector<32x128xf32>,
    %get3A_53 = arith.constant 0 : index
    %get3A_54 = arith.constant 0 : index
    %get3A_55 = vector.load %arg13[%get3A_53, %get3A_54] : memref<32x128xf32, #tpu.memory_space<vmem>>, vector<32x128xf32>
    %broadcast_in_dim3A = arith.constant 1.000000e+00 : f32
    %broadcast_in_dim3A_56 = vector.broadcast %broadcast_in_dim3A : f32 to vector<1000x128xf32>
    %dot_general3A_57 = arith.constant dense<0.000000e+00> : vector<32x128xf32>
    %dot_general3A_58 = tpu.matmul %convert_element_type3A_39, %broadcast_in_dim3A_56, %dot_general3A_57 {dimension_numbers = #tpu.dot_dimension_numbers<[0], [0], [1], [1], [0, 1, 1, 1], [], []>, transpose_lhs_hint = false} : vector<1000x32xf32>, vector<1000x128xf32>, vector<32x128xf32> -> vector<32x128xf32>
    %add3A_59 = arith.addf %get3A_55, %dot_general3A_58 : vector<32x128xf32>
    %swap3A_60 = arith.constant 0 : index
    %swap3A_61 = arith.constant 0 : index
    %swap3A_62 = vector.load %arg13[%swap3A_60, %swap3A_61] : memref<32x128xf32, #tpu.memory_space<vmem>>, vector<32x128xf32>
    tpu.vector_store %arg13[%swap3A_60, %swap3A_61], %add3A_59 {strides = array<i32>} : memref<32x128xf32, #tpu.memory_space<vmem>>, vector<32x128xf32>,
    %eq3A_63 = arith.constant 9 : i32
    %eq3A_64 = arith.cmpi eq, %arg0, %eq3A_63 : i32
    %convert_element_type3A_65 = arith.extui %eq3A_64 : i1 to i32
    %cond3A_66 = arith.constant 0 : i32
    %cond3A_67 = arith.cmpi ne, %convert_element_type3A_65, %cond3A_66 : i32
    scf.if %cond3A_67 {
      %get3A_68 = arith.constant 0 : index
      %get3A_69 = arith.constant 0 : index
      %get3A_70 = vector.load %arg12[%get3A_68, %get3A_69] : memref<32x128xf32, #tpu.memory_space<vmem>>, vector<32x128xf32>
      %get3A_71 = arith.constant 0 : index
      %get3A_72 = arith.constant 0 : index
      %get3A_73 = vector.load %arg13[%get3A_71, %get3A_72] : memref<32x128xf32, #tpu.memory_space<vmem>>, vector<32x128xf32>
      %max3A_74 = arith.constant 1.000000e+00 : f32
      %max3A_75 = vector.broadcast %max3A_74 : f32 to vector<32x128xf32>
      %max3A_76 = arith.maximumf %get3A_73, %max3A_75 : vector<32x128xf32>
      %div3A_77 = arith.divf %get3A_70, %max3A_76 : vector<32x128xf32>
      %get3A_78 = arith.constant 0 : index
      %get3A_79 = arith.constant 0 : index
      %get3A_80 = vector.load %arg7[%get3A_78, %get3A_79] : memref<128x128xf32, #tpu.memory_space<vmem>>, vector<128x128xf32>
      %dot_general3A_81 = arith.constant dense<0.000000e+00> : vector<32x128xf32>
      %dot_general3A_82 = tpu.matmul %div3A_77, %get3A_80, %dot_general3A_81 {dimension_numbers = #tpu.dot_dimension_numbers<[1], [0], [0], [1], [0, 0, 1, 1], [], []>, transpose_lhs_hint = false} : vector<32x128xf32>, vector<128x128xf32>, vector<32x128xf32> -> vector<32x128xf32>
      %get3A_83 = arith.constant 0 : index
      %get3A_84 = arith.constant 0 : index
      %get3A_85 = vector.load %arg5[%get3A_83, %get3A_84] : memref<32x128xf32, #tpu.memory_space<vmem>>, vector<32x128xf32>
      %get3A_86 = arith.constant 0 : index
      %get3A_87 = arith.constant 0 : index
      %get3A_88 = vector.load %arg8[%get3A_86, %get3A_87] : memref<128x128xf32, #tpu.memory_space<vmem>>, vector<128x128xf32>
      %dot_general3A_89 = arith.constant dense<0.000000e+00> : vector<32x128xf32>
      %dot_general3A_90 = tpu.matmul %get3A_85, %get3A_88, %dot_general3A_89 {dimension_numbers = #tpu.dot_dimension_numbers<[1], [0], [0], [1], [0, 0, 1, 1], [], []>, transpose_lhs_hint = false} : vector<32x128xf32>, vector<128x128xf32>, vector<32x128xf32> -> vector<32x128xf32>
      %add3A_91 = arith.addf %dot_general3A_82, %dot_general3A_90 : vector<32x128xf32>
      %get3A_92 = arith.constant 0 : index
      %get3A_93 = arith.constant 0 : index
      %get3A_94 = vector.load %arg9[%get3A_92, %get3A_93] : memref<1x128xf32, #tpu.memory_space<vmem>>, vector<1x128xf32>
      %add3A_95 = vector.broadcast %get3A_94 : vector<1x128xf32> to vector<32x128xf32>
      %add3A_96 = arith.addf %add3A_91, %add3A_95 : vector<32x128xf32>
      %max3A_97 = arith.constant 0.000000e+00 : f32
      %max3A_98 = vector.broadcast %max3A_97 : f32 to vector<32x128xf32>
      %max3A_99 = arith.maximumf %add3A_96, %max3A_98 : vector<32x128xf32>
      %swap3A_100 = arith.constant 0 : index
      %swap3A_101 = arith.constant 0 : index
      %swap3A_102 = vector.load %arg11[%swap3A_100, %swap3A_101] : memref<32x128xf32, #tpu.memory_space<vmem>>, vector<32x128xf32>
      tpu.vector_store %arg11[%swap3A_100, %swap3A_101], %max3A_99 {strides = array<i32>} : memref<32x128xf32, #tpu.memory_space<vmem>>, vector<32x128xf32>,
    } else {
    }
    return
  }
  func.func @transform_0(%arg0: i32) -> (i32, i32) {
    %c0_i32 = arith.constant 0 : i32
    %c0_i32_0 = arith.constant 0 : i32
    return %arg0, %c0_i32 : i32, i32
  }
  func.func @transform_1(%arg0: i32) -> (i32, i32, i32) {
    %c0_i32 = arith.constant 0 : i32
    %c0_i32_0 = arith.constant 0 : i32
    %c0_i32_1 = arith.constant 0 : i32
    return %c0_i32, %arg0, %c0_i32_0 : i32, i32, i32
  }
  func.func @transform_2(%arg0: i32) -> (i32, i32, i32) {
    %c0_i32 = arith.constant 0 : i32
    %c0_i32_0 = arith.constant 0 : i32
    %c0_i32_1 = arith.constant 0 : i32
    return %c0_i32, %arg0, %c0_i32_0 : i32, i32, i32
  }
  func.func @transform_3(%arg0: i32) -> (i32, i32) {
    %c0_i32 = arith.constant 0 : i32
    %c0_i32_0 = arith.constant 0 : i32
    return %arg0, %c0_i32 : i32, i32
  }
  func.func @transform_4(%arg0: i32) -> (i32, i32) {
    %c0_i32 = arith.constant 0 : i32
    %c0_i32_0 = arith.constant 0 : i32
    %c0_i32_1 = arith.constant 0 : i32
    return %c0_i32, %c0_i32_0 : i32, i32
  }
  func.func @transform_5(%arg0: i32) -> (i32, i32) {
    %c0_i32 = arith.constant 0 : i32
    %c0_i32_0 = arith.constant 0 : i32
    %c0_i32_1 = arith.constant 0 : i32
    return %c0_i32, %c0_i32_0 : i32, i32
  }
  func.func @transform_6(%arg0: i32) -> (i32, i32) {
    %c0_i32 = arith.constant 0 : i32
    %c0_i32_0 = arith.constant 0 : i32
    %c0_i32_1 = arith.constant 0 : i32
    return %c0_i32, %c0_i32_0 : i32, i32
  }
  func.func @transform_7(%arg0: i32) -> (i32, i32) {
    %c0_i32 = arith.constant 0 : i32
    %c0_i32_0 = arith.constant 0 : i32
    %c0_i32_1 = arith.constant 0 : i32
    return %c0_i32, %c0_i32_0 : i32, i32
  }
  func.func @transform_8(%arg0: i32) -> (i32, i32) {
    %c0_i32 = arith.constant 0 : i32
    %c0_i32_0 = arith.constant 0 : i32
    %c0_i32_1 = arith.constant 0 : i32
    return %c0_i32, %c0_i32_0 : i32, i32
  }
  func.func @transform_9(%arg0: i32) -> (i32, i32) {
    %c0_i32 = arith.constant 0 : i32
    %c0_i32_0 = arith.constant 0 : i32
    return %arg0, %c0_i32 : i32, i32
  }
  func.func @transform_10(%arg0: i32) -> (i32, i32) {
    %c0_i32 = arith.constant 0 : i32
    %c0_i32_0 = arith.constant 0 : i32
    %c0_i32_1 = arith.constant 0 : i32
    return %c0_i32, %c0_i32_0 : i32, i32
  }
}

module attributes {stable_mosaic.version = 14 : i64} {
  func.func @_mid_head_body(%arg0: i32, %arg1: memref<1000x128xf32, #tpu.memory_space<vmem>>, %arg2: memref<2x1000x64xf32, #tpu.memory_space<vmem>>, %arg3: memref<2x1000x16xf32, #tpu.memory_space<vmem>>, %arg4: memref<1000x1xi32, #tpu.memory_space<vmem>>, %arg5: memref<32x128xf32, #tpu.memory_space<vmem>>, %arg6: memref<128x128xf32, #tpu.memory_space<vmem>>, %arg7: memref<128x128xf32, #tpu.memory_space<vmem>>, %arg8: memref<128x128xf32, #tpu.memory_space<vmem>>, %arg9: memref<1x128xf32, #tpu.memory_space<vmem>>, %arg10: memref<1000x2xf32, #tpu.memory_space<vmem>>, %arg11: memref<640x256xf32, #tpu.memory_space<vmem>>, %arg12: memref<1x256xf32, #tpu.memory_space<vmem>>, %arg13: memref<256x128xf32, #tpu.memory_space<vmem>>, %arg14: memref<1x128xf32, #tpu.memory_space<vmem>>, %arg15: memref<128x2xf32, #tpu.memory_space<vmem>>, %arg16: memref<1x2xf32, #tpu.memory_space<vmem>>, %arg17: memref<32x2xf32, #tpu.memory_space<vmem>>, %arg18: memref<32x128xf32, #tpu.memory_space<vmem>>, %arg19: memref<32x128xf32, #tpu.memory_space<vmem>>, %arg20: memref<128x128xf32, #tpu.memory_space<vmem>>) attributes {dimension_semantics = [#tpu.dimension_semantics<arbitrary>], iteration_bounds = array<i64: 10>, scalar_prefetch = 0 : i64, scratch_operands = 3 : i64, tpu.core_type = #tpu.core_type<tc>, window_params = [{transform_indices = @transform_0, window_bounds = array<i64: 1000, 128>}, {transform_indices = @transform_1, window_bounds = array<i64: 2, 1000, 64>}, {transform_indices = @transform_2, window_bounds = array<i64: 2, 1000, 16>}, {transform_indices = @transform_3, window_bounds = array<i64: 1000, 1>}, {pipeline_mode = #tpu.pipeline_mode<synchronous>, transform_indices = @transform_4, window_bounds = array<i64: 32, 128>}, {pipeline_mode = #tpu.pipeline_mode<synchronous>, transform_indices = @transform_5, window_bounds = array<i64: 128, 128>}, {pipeline_mode = #tpu.pipeline_mode<synchronous>, transform_indices = @transform_6, window_bounds = array<i64: 128, 128>}, {pipeline_mode = #tpu.pipeline_mode<synchronous>, transform_indices = @transform_7, window_bounds = array<i64: 128, 128>}, {pipeline_mode = #tpu.pipeline_mode<synchronous>, transform_indices = @transform_8, window_bounds = array<i64: 1, 128>}, {transform_indices = @transform_9, window_bounds = array<i64: 1000, 2>}, {pipeline_mode = #tpu.pipeline_mode<synchronous>, transform_indices = @transform_10, window_bounds = array<i64: 640, 256>}, {pipeline_mode = #tpu.pipeline_mode<synchronous>, transform_indices = @transform_11, window_bounds = array<i64: 1, 256>}, {pipeline_mode = #tpu.pipeline_mode<synchronous>, transform_indices = @transform_12, window_bounds = array<i64: 256, 128>}, {pipeline_mode = #tpu.pipeline_mode<synchronous>, transform_indices = @transform_13, window_bounds = array<i64: 1, 128>}, {pipeline_mode = #tpu.pipeline_mode<synchronous>, transform_indices = @transform_14, window_bounds = array<i64: 128, 2>}, {pipeline_mode = #tpu.pipeline_mode<synchronous>, transform_indices = @transform_15, window_bounds = array<i64: 1, 2>}, {pipeline_mode = #tpu.pipeline_mode<synchronous>, transform_indices = @transform_16, window_bounds = array<i64: 32, 2>}]} {
    %get3A = arith.constant 0 : index
    %get3A_0 = arith.constant 0 : index
    %get3A_1 = arith.constant 0 : index
    %get3A_2 = vector.load %arg2[%get3A, %get3A_0, %get3A_1] : memref<2x1000x64xf32, #tpu.memory_space<vmem>>, vector<1x1000x64xf32>
    %get3A_3 = vector.shape_cast %get3A_2 : vector<1x1000x64xf32> to vector<1000x64xf32>
    %get3A_4 = arith.constant 1 : index
    %get3A_5 = arith.constant 0 : index
    %get3A_6 = arith.constant 0 : index
    %get3A_7 = vector.load %arg2[%get3A_4, %get3A_5, %get3A_6] : memref<2x1000x64xf32, #tpu.memory_space<vmem>>, vector<1x1000x64xf32>
    %get3A_8 = vector.shape_cast %get3A_7 : vector<1x1000x64xf32> to vector<1000x64xf32>
    %concatenate3A = tpu.concatenate %get3A_3, %get3A_8 in 1 : vector<1000x64xf32>, vector<1000x64xf32> -> vector<1000x128xf32>
    %get3A_9 = arith.constant 0 : index
    %get3A_10 = arith.constant 0 : index
    %get3A_11 = arith.constant 0 : index
    %get3A_12 = vector.load %arg3[%get3A_9, %get3A_10, %get3A_11] : memref<2x1000x16xf32, #tpu.memory_space<vmem>>, vector<1x1000x1xf32>
    %get3A_13 = vector.shape_cast %get3A_12 : vector<1x1000x1xf32> to vector<1000x1xf32>
    %get3A_14 = arith.constant 1 : index
    %get3A_15 = arith.constant 0 : index
    %get3A_16 = arith.constant 0 : index
    %get3A_17 = vector.load %arg3[%get3A_14, %get3A_15, %get3A_16] : memref<2x1000x16xf32, #tpu.memory_space<vmem>>, vector<1x1000x1xf32>
    %get3A_18 = vector.shape_cast %get3A_17 : vector<1x1000x1xf32> to vector<1000x1xf32>
    %add3A = arith.addf %get3A_13, %get3A_18 : vector<1000x1xf32>
    %max3A = arith.constant 1.000000e+00 : f32
    %max3A_19 = vector.broadcast %max3A : f32 to vector<1000x1xf32>
    %max3A_20 = arith.maximumf %add3A, %max3A_19 : vector<1000x1xf32>
    %get3A_21 = arith.constant 0 : index
    %get3A_22 = arith.constant 0 : index
    %get3A_23 = vector.load %arg1[%get3A_21, %get3A_22] : memref<1000x128xf32, #tpu.memory_space<vmem>>, vector<1000x128xf32>
    %div3A = vector.broadcast %max3A_20 : vector<1000x1xf32> to vector<1000x128xf32>
    %div3A_24 = arith.divf %concatenate3A, %div3A : vector<1000x128xf32>
    %get3A_25 = arith.constant 0 : index
    %get3A_26 = arith.constant 0 : index
    %get3A_27 = vector.load %arg6[%get3A_25, %get3A_26] : memref<128x128xf32, #tpu.memory_space<vmem>>, vector<128x128xf32>
    %dot_general3A = arith.constant dense<0.000000e+00> : vector<1000x128xf32>
    %dot_general3A_28 = tpu.matmul %div3A_24, %get3A_27, %dot_general3A {dimension_numbers = #tpu.dot_dimension_numbers<[1], [0], [0], [1], [0, 0, 1, 1], [], []>, transpose_lhs_hint = false} : vector<1000x128xf32>, vector<128x128xf32>, vector<1000x128xf32> -> vector<1000x128xf32>
    %add3A_29 = arith.addf %get3A_23, %dot_general3A_28 : vector<1000x128xf32>
    %max3A_30 = arith.constant 0.000000e+00 : f32
    %max3A_31 = vector.broadcast %max3A_30 : f32 to vector<1000x128xf32>
    %max3A_32 = arith.maximumf %add3A_29, %max3A_31 : vector<1000x128xf32>
    %get3A_33 = arith.constant 0 : index
    %get3A_34 = arith.constant 0 : index
    %get3A_35 = vector.load %arg4[%get3A_33, %get3A_34] : memref<1000x1xi32, #tpu.memory_space<vmem>>, vector<1000x1xi32>
    %iota3A = tpu.iota {dimensions = array<i32: 1>} : vector<1000x32xi32>
    %eq3A = vector.broadcast %get3A_35 : vector<1000x1xi32> to vector<1000x32xi32>
    %eq3A_36 = arith.cmpi eq, %eq3A, %iota3A : vector<1000x32xi32>
    %convert_element_type3A = arith.extui %eq3A_36 : vector<1000x32xi1> to vector<1000x32xi32>
    %convert_element_type3A_37 = arith.sitofp %convert_element_type3A : vector<1000x32xi32> to vector<1000x32xf32>
    %get3A_38 = arith.constant 0 : index
    %get3A_39 = arith.constant 0 : index
    %get3A_40 = vector.load %arg10[%get3A_38, %get3A_39] : memref<1000x2xf32, #tpu.memory_space<vmem>>, vector<1000x2xf32>
    %slice3A = vector.extract_strided_slice %get3A_40 {offsets = [0, 0], sizes = [1000, 1], strides = [1, 1]} : vector<1000x2xf32> to vector<1000x1xf32>
    %sub3A = arith.constant 6.000000e+02 : f32
    %sub3A_41 = vector.broadcast %sub3A : f32 to vector<1000x1xf32>
    %sub3A_42 = arith.subf %slice3A, %sub3A_41 : vector<1000x1xf32>
    %slice3A_43 = vector.extract_strided_slice %get3A_40 {offsets = [0, 1], sizes = [1000, 1], strides = [1, 1]} : vector<1000x2xf32> to vector<1000x1xf32>
    %sub3A_44 = arith.constant 6.000000e+02 : f32
    %sub3A_45 = vector.broadcast %sub3A_44 : f32 to vector<1000x1xf32>
    %sub3A_46 = arith.subf %slice3A_43, %sub3A_45 : vector<1000x1xf32>
    %sub3A_47 = arith.subf %sub3A_46, %sub3A_42 : vector<1000x1xf32>
    %gt3A = arith.constant 0.000000e+00 : f32
    %gt3A_48 = vector.broadcast %gt3A : f32 to vector<1000x1xf32>
    %gt3A_49 = arith.cmpf ogt, %sub3A_47, %gt3A_48 : vector<1000x1xf32>
    %convert_element_type3A_50 = arith.extui %gt3A_49 : vector<1000x1xi1> to vector<1000x1xi32>
    %add3A_51 = arith.addf %sub3A_46, %sub3A_42 : vector<1000x1xf32>
    %lt3A = arith.constant 0.000000e+00 : f32
    %lt3A_52 = vector.broadcast %lt3A : f32 to vector<1000x1xf32>
    %lt3A_53 = arith.cmpf olt, %add3A_51, %lt3A_52 : vector<1000x1xf32>
    %convert_element_type3A_54 = arith.extui %lt3A_53 : vector<1000x1xi1> to vector<1000x1xi32>
    %mul3A = arith.constant 2 : i32
    %mul3A_55 = vector.broadcast %mul3A : i32 to vector<1000x1xi32>
    %mul3A_56 = arith.muli %mul3A_55, %convert_element_type3A_54 : vector<1000x1xi32>
    %add3A_57 = arith.addi %convert_element_type3A_50, %mul3A_56 : vector<1000x1xi32>
    %mul3A_58 = arith.constant 32 : i32
    %mul3A_59 = vector.broadcast %mul3A_58 : i32 to vector<1000x1xi32>
    %mul3A_60 = arith.muli %add3A_57, %mul3A_59 : vector<1000x1xi32>
    %get3A_61 = arith.constant 0 : index
    %get3A_62 = arith.constant 0 : index
    %get3A_63 = vector.load %arg4[%get3A_61, %get3A_62] : memref<1000x1xi32, #tpu.memory_space<vmem>>, vector<1000x1xi32>
    %add3A_64 = arith.addi %mul3A_60, %get3A_63 : vector<1000x1xi32>
    %iota3A_65 = tpu.iota {dimensions = array<i32: 1>} : vector<1000x128xi32>
    %eq3A_66 = vector.broadcast %add3A_64 : vector<1000x1xi32> to vector<1000x128xi32>
    %eq3A_67 = arith.cmpi eq, %eq3A_66, %iota3A_65 : vector<1000x128xi32>
    %convert_element_type3A_68 = arith.extui %eq3A_67 : vector<1000x128xi1> to vector<1000x128xi32>
    %convert_element_type3A_69 = arith.sitofp %convert_element_type3A_68 : vector<1000x128xi32> to vector<1000x128xf32>
    %eq3A_70 = arith.constant 0 : i32
    %eq3A_71 = arith.cmpi eq, %arg0, %eq3A_70 : i32
    %convert_element_type3A_72 = arith.extui %eq3A_71 : i1 to i32
    %cond3A = arith.constant 0 : i32
    %cond3A_73 = arith.cmpi ne, %convert_element_type3A_72, %cond3A : i32
    scf.if %cond3A_73 {
      %broadcast_in_dim3A_106 = arith.constant 0.000000e+00 : f32
      %broadcast_in_dim3A_107 = vector.broadcast %broadcast_in_dim3A_106 : f32 to vector<32x128xf32>
      %swap3A_108 = arith.constant 0 : index
      %swap3A_109 = arith.constant 0 : index
      %swap3A_110 = vector.load %arg18[%swap3A_108, %swap3A_109] : memref<32x128xf32, #tpu.memory_space<vmem>>, vector<32x128xf32>
      tpu.vector_store %arg18[%swap3A_108, %swap3A_109], %broadcast_in_dim3A_107 {strides = array<i32>} : memref<32x128xf32, #tpu.memory_space<vmem>>, vector<32x128xf32>,
      %broadcast_in_dim3A_111 = arith.constant 0.000000e+00 : f32
      %broadcast_in_dim3A_112 = vector.broadcast %broadcast_in_dim3A_111 : f32 to vector<32x128xf32>
      %swap3A_113 = arith.constant 0 : index
      %swap3A_114 = arith.constant 0 : index
      %swap3A_115 = vector.load %arg19[%swap3A_113, %swap3A_114] : memref<32x128xf32, #tpu.memory_space<vmem>>, vector<32x128xf32>
      tpu.vector_store %arg19[%swap3A_113, %swap3A_114], %broadcast_in_dim3A_112 {strides = array<i32>} : memref<32x128xf32, #tpu.memory_space<vmem>>, vector<32x128xf32>,
      %broadcast_in_dim3A_116 = arith.constant 0.000000e+00 : f32
      %broadcast_in_dim3A_117 = vector.broadcast %broadcast_in_dim3A_116 : f32 to vector<128x128xf32>
      %swap3A_118 = arith.constant 0 : index
      %swap3A_119 = arith.constant 0 : index
      %swap3A_120 = vector.load %arg20[%swap3A_118, %swap3A_119] : memref<128x128xf32, #tpu.memory_space<vmem>>, vector<128x128xf32>
      tpu.vector_store %arg20[%swap3A_118, %swap3A_119], %broadcast_in_dim3A_117 {strides = array<i32>} : memref<128x128xf32, #tpu.memory_space<vmem>>, vector<128x128xf32>,
    } else {
    }
    %get3A_74 = arith.constant 0 : index
    %get3A_75 = arith.constant 0 : index
    %get3A_76 = vector.load %arg18[%get3A_74, %get3A_75] : memref<32x128xf32, #tpu.memory_space<vmem>>, vector<32x128xf32>
    %dot_general3A_77 = arith.constant dense<0.000000e+00> : vector<32x128xf32>
    %dot_general3A_78 = tpu.matmul %convert_element_type3A_37, %max3A_32, %dot_general3A_77 {dimension_numbers = #tpu.dot_dimension_numbers<[0], [0], [1], [1], [0, 1, 1, 1], [], []>, precision = #tpu.contract_precision<fp32>, transpose_lhs_hint = false} : vector<1000x32xf32>, vector<1000x128xf32>, vector<32x128xf32> -> vector<32x128xf32>
    %add3A_79 = arith.addf %get3A_76, %dot_general3A_78 : vector<32x128xf32>
    %swap3A = arith.constant 0 : index
    %swap3A_80 = arith.constant 0 : index
    %swap3A_81 = vector.load %arg18[%swap3A, %swap3A_80] : memref<32x128xf32, #tpu.memory_space<vmem>>, vector<32x128xf32>
    tpu.vector_store %arg18[%swap3A, %swap3A_80], %add3A_79 {strides = array<i32>} : memref<32x128xf32, #tpu.memory_space<vmem>>, vector<32x128xf32>,
    %get3A_82 = arith.constant 0 : index
    %get3A_83 = arith.constant 0 : index
    %get3A_84 = vector.load %arg19[%get3A_82, %get3A_83] : memref<32x128xf32, #tpu.memory_space<vmem>>, vector<32x128xf32>
    %broadcast_in_dim3A = arith.constant 1.000000e+00 : f32
    %broadcast_in_dim3A_85 = vector.broadcast %broadcast_in_dim3A : f32 to vector<1000x128xf32>
    %dot_general3A_86 = arith.constant dense<0.000000e+00> : vector<32x128xf32>
    %dot_general3A_87 = tpu.matmul %convert_element_type3A_37, %broadcast_in_dim3A_85, %dot_general3A_86 {dimension_numbers = #tpu.dot_dimension_numbers<[0], [0], [1], [1], [0, 1, 1, 1], [], []>, transpose_lhs_hint = false} : vector<1000x32xf32>, vector<1000x128xf32>, vector<32x128xf32> -> vector<32x128xf32>
    %add3A_88 = arith.addf %get3A_84, %dot_general3A_87 : vector<32x128xf32>
    %swap3A_89 = arith.constant 0 : index
    %swap3A_90 = arith.constant 0 : index
    %swap3A_91 = vector.load %arg19[%swap3A_89, %swap3A_90] : memref<32x128xf32, #tpu.memory_space<vmem>>, vector<32x128xf32>
    tpu.vector_store %arg19[%swap3A_89, %swap3A_90], %add3A_88 {strides = array<i32>} : memref<32x128xf32, #tpu.memory_space<vmem>>, vector<32x128xf32>,
    %get3A_92 = arith.constant 0 : index
    %get3A_93 = arith.constant 0 : index
    %get3A_94 = vector.load %arg20[%get3A_92, %get3A_93] : memref<128x128xf32, #tpu.memory_space<vmem>>, vector<128x128xf32>
    %dot_general3A_95 = arith.constant dense<0.000000e+00> : vector<128x128xf32>
    %dot_general3A_96 = tpu.matmul %convert_element_type3A_69, %max3A_32, %dot_general3A_95 {dimension_numbers = #tpu.dot_dimension_numbers<[0], [0], [1], [1], [0, 1, 1, 1], [], []>, precision = #tpu.contract_precision<fp32>, transpose_lhs_hint = false} : vector<1000x128xf32>, vector<1000x128xf32>, vector<128x128xf32> -> vector<128x128xf32>
    %add3A_97 = arith.addf %get3A_94, %dot_general3A_96 : vector<128x128xf32>
    %swap3A_98 = arith.constant 0 : index
    %swap3A_99 = arith.constant 0 : index
    %swap3A_100 = vector.load %arg20[%swap3A_98, %swap3A_99] : memref<128x128xf32, #tpu.memory_space<vmem>>, vector<128x128xf32>
    tpu.vector_store %arg20[%swap3A_98, %swap3A_99], %add3A_97 {strides = array<i32>} : memref<128x128xf32, #tpu.memory_space<vmem>>, vector<128x128xf32>,
    %eq3A_101 = arith.constant 9 : i32
    %eq3A_102 = arith.cmpi eq, %arg0, %eq3A_101 : i32
    %convert_element_type3A_103 = arith.extui %eq3A_102 : i1 to i32
    %cond3A_104 = arith.constant 0 : i32
    %cond3A_105 = arith.cmpi ne, %convert_element_type3A_103, %cond3A_104 : i32
    scf.if %cond3A_105 {
      %get3A_106 = arith.constant 0 : index
      %get3A_107 = arith.constant 0 : index
      %get3A_108 = vector.load %arg18[%get3A_106, %get3A_107] : memref<32x128xf32, #tpu.memory_space<vmem>>, vector<32x128xf32>
      %get3A_109 = arith.constant 0 : index
      %get3A_110 = arith.constant 0 : index
      %get3A_111 = vector.load %arg19[%get3A_109, %get3A_110] : memref<32x128xf32, #tpu.memory_space<vmem>>, vector<32x128xf32>
      %max3A_112 = arith.constant 1.000000e+00 : f32
      %max3A_113 = vector.broadcast %max3A_112 : f32 to vector<32x128xf32>
      %max3A_114 = arith.maximumf %get3A_111, %max3A_113 : vector<32x128xf32>
      %div3A_115 = arith.divf %get3A_108, %max3A_114 : vector<32x128xf32>
      %get3A_116 = arith.constant 0 : index
      %get3A_117 = arith.constant 0 : index
      %get3A_118 = vector.load %arg7[%get3A_116, %get3A_117] : memref<128x128xf32, #tpu.memory_space<vmem>>, vector<128x128xf32>
      %dot_general3A_119 = arith.constant dense<0.000000e+00> : vector<32x128xf32>
      %dot_general3A_120 = tpu.matmul %div3A_115, %get3A_118, %dot_general3A_119 {dimension_numbers = #tpu.dot_dimension_numbers<[1], [0], [0], [1], [0, 0, 1, 1], [], []>, transpose_lhs_hint = false} : vector<32x128xf32>, vector<128x128xf32>, vector<32x128xf32> -> vector<32x128xf32>
      %get3A_121 = arith.constant 0 : index
      %get3A_122 = arith.constant 0 : index
      %get3A_123 = vector.load %arg5[%get3A_121, %get3A_122] : memref<32x128xf32, #tpu.memory_space<vmem>>, vector<32x128xf32>
      %get3A_124 = arith.constant 0 : index
      %get3A_125 = arith.constant 0 : index
      %get3A_126 = vector.load %arg8[%get3A_124, %get3A_125] : memref<128x128xf32, #tpu.memory_space<vmem>>, vector<128x128xf32>
      %dot_general3A_127 = arith.constant dense<0.000000e+00> : vector<32x128xf32>
      %dot_general3A_128 = tpu.matmul %get3A_123, %get3A_126, %dot_general3A_127 {dimension_numbers = #tpu.dot_dimension_numbers<[1], [0], [0], [1], [0, 0, 1, 1], [], []>, transpose_lhs_hint = false} : vector<32x128xf32>, vector<128x128xf32>, vector<32x128xf32> -> vector<32x128xf32>
      %add3A_129 = arith.addf %dot_general3A_120, %dot_general3A_128 : vector<32x128xf32>
      %get3A_130 = arith.constant 0 : index
      %get3A_131 = arith.constant 0 : index
      %get3A_132 = vector.load %arg9[%get3A_130, %get3A_131] : memref<1x128xf32, #tpu.memory_space<vmem>>, vector<1x128xf32>
      %add3A_133 = vector.broadcast %get3A_132 : vector<1x128xf32> to vector<32x128xf32>
      %add3A_134 = arith.addf %add3A_129, %add3A_133 : vector<32x128xf32>
      %max3A_135 = arith.constant 0.000000e+00 : f32
      %max3A_136 = vector.broadcast %max3A_135 : f32 to vector<32x128xf32>
      %max3A_137 = arith.maximumf %add3A_134, %max3A_136 : vector<32x128xf32>
      %get3A_138 = arith.constant 0 : index
      %get3A_139 = arith.constant 0 : index
      %get3A_140 = vector.load %arg20[%get3A_138, %get3A_139] : memref<128x128xf32, #tpu.memory_space<vmem>>, vector<128x128xf32>
      %get3A_141 = arith.constant 512 : index
      %get3A_142 = arith.constant 0 : index
      %get3A_143 = vector.load %arg11[%get3A_141, %get3A_142] : memref<640x256xf32, #tpu.memory_space<vmem>>, vector<128x256xf32>
      %dot_general3A_144 = arith.constant dense<0.000000e+00> : vector<32x256xf32>
      %dot_general3A_145 = tpu.matmul %max3A_137, %get3A_143, %dot_general3A_144 {dimension_numbers = #tpu.dot_dimension_numbers<[1], [0], [0], [1], [0, 0, 1, 1], [], []>, transpose_lhs_hint = false} : vector<32x128xf32>, vector<128x256xf32>, vector<32x256xf32> -> vector<32x256xf32>
      %slice3A_146 = vector.extract_strided_slice %get3A_140 {offsets = [0, 0], sizes = [32, 128], strides = [1, 1]} : vector<128x128xf32> to vector<32x128xf32>
      %get3A_147 = arith.constant 0 : index
      %get3A_148 = arith.constant 0 : index
      %get3A_149 = vector.load %arg11[%get3A_147, %get3A_148] : memref<640x256xf32, #tpu.memory_space<vmem>>, vector<128x256xf32>
      %dot_general3A_150 = arith.constant dense<0.000000e+00> : vector<32x256xf32>
      %dot_general3A_151 = tpu.matmul %slice3A_146, %get3A_149, %dot_general3A_150 {dimension_numbers = #tpu.dot_dimension_numbers<[1], [0], [0], [1], [0, 0, 1, 1], [], []>, transpose_lhs_hint = false} : vector<32x128xf32>, vector<128x256xf32>, vector<32x256xf32> -> vector<32x256xf32>
      %add3A_152 = arith.addf %dot_general3A_145, %dot_general3A_151 : vector<32x256xf32>
      %slice3A_153 = vector.extract_strided_slice %get3A_140 {offsets = [32, 0], sizes = [32, 128], strides = [1, 1]} : vector<128x128xf32> to vector<32x128xf32>
      %get3A_154 = arith.constant 128 : index
      %get3A_155 = arith.constant 0 : index
      %get3A_156 = vector.load %arg11[%get3A_154, %get3A_155] : memref<640x256xf32, #tpu.memory_space<vmem>>, vector<128x256xf32>
      %dot_general3A_157 = arith.constant dense<0.000000e+00> : vector<32x256xf32>
      %dot_general3A_158 = tpu.matmul %slice3A_153, %get3A_156, %dot_general3A_157 {dimension_numbers = #tpu.dot_dimension_numbers<[1], [0], [0], [1], [0, 0, 1, 1], [], []>, transpose_lhs_hint = false} : vector<32x128xf32>, vector<128x256xf32>, vector<32x256xf32> -> vector<32x256xf32>
      %add3A_159 = arith.addf %add3A_152, %dot_general3A_158 : vector<32x256xf32>
      %slice3A_160 = vector.extract_strided_slice %get3A_140 {offsets = [64, 0], sizes = [32, 128], strides = [1, 1]} : vector<128x128xf32> to vector<32x128xf32>
      %get3A_161 = arith.constant 256 : index
      %get3A_162 = arith.constant 0 : index
      %get3A_163 = vector.load %arg11[%get3A_161, %get3A_162] : memref<640x256xf32, #tpu.memory_space<vmem>>, vector<128x256xf32>
      %dot_general3A_164 = arith.constant dense<0.000000e+00> : vector<32x256xf32>
      %dot_general3A_165 = tpu.matmul %slice3A_160, %get3A_163, %dot_general3A_164 {dimension_numbers = #tpu.dot_dimension_numbers<[1], [0], [0], [1], [0, 0, 1, 1], [], []>, transpose_lhs_hint = false} : vector<32x128xf32>, vector<128x256xf32>, vector<32x256xf32> -> vector<32x256xf32>
      %add3A_166 = arith.addf %add3A_159, %dot_general3A_165 : vector<32x256xf32>
      %slice3A_167 = vector.extract_strided_slice %get3A_140 {offsets = [96, 0], sizes = [32, 128], strides = [1, 1]} : vector<128x128xf32> to vector<32x128xf32>
      %get3A_168 = arith.constant 384 : index
      %get3A_169 = arith.constant 0 : index
      %get3A_170 = vector.load %arg11[%get3A_168, %get3A_169] : memref<640x256xf32, #tpu.memory_space<vmem>>, vector<128x256xf32>
      %dot_general3A_171 = arith.constant dense<0.000000e+00> : vector<32x256xf32>
      %dot_general3A_172 = tpu.matmul %slice3A_167, %get3A_170, %dot_general3A_171 {dimension_numbers = #tpu.dot_dimension_numbers<[1], [0], [0], [1], [0, 0, 1, 1], [], []>, transpose_lhs_hint = false} : vector<32x128xf32>, vector<128x256xf32>, vector<32x256xf32> -> vector<32x256xf32>
      %add3A_173 = arith.addf %add3A_166, %dot_general3A_172 : vector<32x256xf32>
      %get3A_174 = arith.constant 0 : index
      %get3A_175 = arith.constant 0 : index
      %get3A_176 = vector.load %arg12[%get3A_174, %get3A_175] : memref<1x256xf32, #tpu.memory_space<vmem>>, vector<1x256xf32>
      %add3A_177 = vector.broadcast %get3A_176 : vector<1x256xf32> to vector<32x256xf32>
      %add3A_178 = arith.addf %add3A_173, %add3A_177 : vector<32x256xf32>
      %max3A_179 = arith.constant 0.000000e+00 : f32
      %max3A_180 = vector.broadcast %max3A_179 : f32 to vector<32x256xf32>
      %max3A_181 = arith.maximumf %add3A_178, %max3A_180 : vector<32x256xf32>
      %get3A_182 = arith.constant 0 : index
      %get3A_183 = arith.constant 0 : index
      %get3A_184 = vector.load %arg13[%get3A_182, %get3A_183] : memref<256x128xf32, #tpu.memory_space<vmem>>, vector<256x128xf32>
      %dot_general3A_185 = arith.constant dense<0.000000e+00> : vector<32x128xf32>
      %dot_general3A_186 = tpu.matmul %max3A_181, %get3A_184, %dot_general3A_185 {dimension_numbers = #tpu.dot_dimension_numbers<[1], [0], [0], [1], [0, 0, 1, 1], [], []>, transpose_lhs_hint = false} : vector<32x256xf32>, vector<256x128xf32>, vector<32x128xf32> -> vector<32x128xf32>
      %get3A_187 = arith.constant 0 : index
      %get3A_188 = arith.constant 0 : index
      %get3A_189 = vector.load %arg14[%get3A_187, %get3A_188] : memref<1x128xf32, #tpu.memory_space<vmem>>, vector<1x128xf32>
      %add3A_190 = vector.broadcast %get3A_189 : vector<1x128xf32> to vector<32x128xf32>
      %add3A_191 = arith.addf %dot_general3A_186, %add3A_190 : vector<32x128xf32>
      %max3A_192 = arith.constant 0.000000e+00 : f32
      %max3A_193 = vector.broadcast %max3A_192 : f32 to vector<32x128xf32>
      %max3A_194 = arith.maximumf %add3A_191, %max3A_193 : vector<32x128xf32>
      %get3A_195 = arith.constant 0 : index
      %get3A_196 = arith.constant 0 : index
      %get3A_197 = vector.load %arg15[%get3A_195, %get3A_196] : memref<128x2xf32, #tpu.memory_space<vmem>>, vector<128x2xf32>
      %dot_general3A_198 = arith.constant dense<0.000000e+00> : vector<32x2xf32>
      %dot_general3A_199 = tpu.matmul %max3A_194, %get3A_197, %dot_general3A_198 {dimension_numbers = #tpu.dot_dimension_numbers<[1], [0], [0], [1], [0, 0, 1, 1], [], []>, transpose_lhs_hint = false} : vector<32x128xf32>, vector<128x2xf32>, vector<32x2xf32> -> vector<32x2xf32>
      %get3A_200 = arith.constant 0 : index
      %get3A_201 = arith.constant 0 : index
      %get3A_202 = vector.load %arg16[%get3A_200, %get3A_201] : memref<1x2xf32, #tpu.memory_space<vmem>>, vector<1x2xf32>
      %add3A_203 = vector.broadcast %get3A_202 : vector<1x2xf32> to vector<32x2xf32>
      %add3A_204 = arith.addf %dot_general3A_199, %add3A_203 : vector<32x2xf32>
      %swap3A_205 = arith.constant 0 : index
      %swap3A_206 = arith.constant 0 : index
      %swap3A_207 = vector.load %arg17[%swap3A_205, %swap3A_206] : memref<32x2xf32, #tpu.memory_space<vmem>>, vector<32x2xf32>
      tpu.vector_store %arg17[%swap3A_205, %swap3A_206], %add3A_204 {strides = array<i32>} : memref<32x2xf32, #tpu.memory_space<vmem>>, vector<32x2xf32>,
    } else {
    }
    return
  }
  func.func @transform_0(%arg0: i32) -> (i32, i32) {
    %c0_i32 = arith.constant 0 : i32
    %c0_i32_0 = arith.constant 0 : i32
    return %arg0, %c0_i32 : i32, i32
  }
  func.func @transform_1(%arg0: i32) -> (i32, i32, i32) {
    %c0_i32 = arith.constant 0 : i32
    %c0_i32_0 = arith.constant 0 : i32
    %c0_i32_1 = arith.constant 0 : i32
    return %c0_i32, %arg0, %c0_i32_0 : i32, i32, i32
  }
  func.func @transform_2(%arg0: i32) -> (i32, i32, i32) {
    %c0_i32 = arith.constant 0 : i32
    %c0_i32_0 = arith.constant 0 : i32
    %c0_i32_1 = arith.constant 0 : i32
    return %c0_i32, %arg0, %c0_i32_0 : i32, i32, i32
  }
  func.func @transform_3(%arg0: i32) -> (i32, i32) {
    %c0_i32 = arith.constant 0 : i32
    %c0_i32_0 = arith.constant 0 : i32
    return %arg0, %c0_i32 : i32, i32
  }
  func.func @transform_4(%arg0: i32) -> (i32, i32) {
    %c0_i32 = arith.constant 0 : i32
    %c0_i32_0 = arith.constant 0 : i32
    %c0_i32_1 = arith.constant 0 : i32
    return %c0_i32, %c0_i32_0 : i32, i32
  }
  func.func @transform_5(%arg0: i32) -> (i32, i32) {
    %c0_i32 = arith.constant 0 : i32
    %c0_i32_0 = arith.constant 0 : i32
    %c0_i32_1 = arith.constant 0 : i32
    return %c0_i32, %c0_i32_0 : i32, i32
  }
  func.func @transform_6(%arg0: i32) -> (i32, i32) {
    %c0_i32 = arith.constant 0 : i32
    %c0_i32_0 = arith.constant 0 : i32
    %c0_i32_1 = arith.constant 0 : i32
    return %c0_i32, %c0_i32_0 : i32, i32
  }
  func.func @transform_7(%arg0: i32) -> (i32, i32) {
    %c0_i32 = arith.constant 0 : i32
    %c0_i32_0 = arith.constant 0 : i32
    %c0_i32_1 = arith.constant 0 : i32
    return %c0_i32, %c0_i32_0 : i32, i32
  }
  func.func @transform_8(%arg0: i32) -> (i32, i32) {
    %c0_i32 = arith.constant 0 : i32
    %c0_i32_0 = arith.constant 0 : i32
    %c0_i32_1 = arith.constant 0 : i32
    return %c0_i32, %c0_i32_0 : i32, i32
  }
  func.func @transform_9(%arg0: i32) -> (i32, i32) {
    %c0_i32 = arith.constant 0 : i32
    %c0_i32_0 = arith.constant 0 : i32
    return %arg0, %c0_i32 : i32, i32
  }
  func.func @transform_10(%arg0: i32) -> (i32, i32) {
    %c0_i32 = arith.constant 0 : i32
    %c0_i32_0 = arith.constant 0 : i32
    %c0_i32_1 = arith.constant 0 : i32
    return %c0_i32, %c0_i32_0 : i32, i32
  }
  func.func @transform_11(%arg0: i32) -> (i32, i32) {
    %c0_i32 = arith.constant 0 : i32
    %c0_i32_0 = arith.constant 0 : i32
    %c0_i32_1 = arith.constant 0 : i32
    return %c0_i32, %c0_i32_0 : i32, i32
  }
  func.func @transform_12(%arg0: i32) -> (i32, i32) {
    %c0_i32 = arith.constant 0 : i32
    %c0_i32_0 = arith.constant 0 : i32
    %c0_i32_1 = arith.constant 0 : i32
    return %c0_i32, %c0_i32_0 : i32, i32
  }
  func.func @transform_13(%arg0: i32) -> (i32, i32) {
    %c0_i32 = arith.constant 0 : i32
    %c0_i32_0 = arith.constant 0 : i32
    %c0_i32_1 = arith.constant 0 : i32
    return %c0_i32, %c0_i32_0 : i32, i32
  }
  func.func @transform_14(%arg0: i32) -> (i32, i32) {
    %c0_i32 = arith.constant 0 : i32
    %c0_i32_0 = arith.constant 0 : i32
    %c0_i32_1 = arith.constant 0 : i32
    return %c0_i32, %c0_i32_0 : i32, i32
  }
  func.func @transform_15(%arg0: i32) -> (i32, i32) {
    %c0_i32 = arith.constant 0 : i32
    %c0_i32_0 = arith.constant 0 : i32
    %c0_i32_1 = arith.constant 0 : i32
    return %c0_i32, %c0_i32_0 : i32, i32
  }
  func.func @transform_16(%arg0: i32) -> (i32, i32) {
    %c0_i32 = arith.constant 0 : i32
    %c0_i32_0 = arith.constant 0 : i32
    %c0_i32_1 = arith.constant 0 : i32
    return %c0_i32, %c0_i32_0 : i32, i32
  }
}

</mosaic_0001>

<sc_bundles>
// kernel: kernel.11.cloned.1.call-start
scs
__scs_entry_jumppad:
0x0: {  	(pc) =	sbr.rel $0x88, $3  }
0x1: {  	(tag) =	ssettag $0x0;
	lr =	simm.s32 $0x1  }
0x2: {  	[smem:$0x3F88] =	sst lr;
	_ =	strace $0xD0000000  }
0x3: {  	_ = 	snop  }
0x4: {  	_ = 	snop  }
0x5: {  	_ = 	snop  }
0x6: {  	_ = 	snop  }
0x7: {  	_ = 	snop  }
__scs_overlays_trampoline_lowered:
0x8: {  	[smem:$0x3F97] =	sst s0  }
0x9: {  	[smem:$0x3F98] =	sst s1  }
0xa: {  	[smem:$0x3F99] =	sst s2  }
0xb: {  	[smem:$0x3F9A] =	sst s3  }
0xc: {  	[smem:$0x3F9B] =	sst s4  }
0xd: {  	[smem:$0x3F9C] =	sst s5  }
0xe: {  	[smem:$0x3F9D] =	sst s6  }
0xf: {  	[smem:$0x3F9E] =	sst s7  }
0x10: {  	[smem:$0x3F9F] =	sst s8  }
0x11: {  	[smem:$0x3FA0] =	sst s9;
	s0 =	simm.s32 @!p0 $0x0  }
0x12: {  	s1 =	sld [smem:$0x3F86];
	s0 =	simm.s32 @p0 $0x1  }
0x13: {  	[smem:$0x3FA1] =	sst s0;
	s0 =	simm.s32 @!p1 $0x0  }
0x14: {  	s2 =	sld [smem:$0x3F85];
	s0 =	simm.s32 @p1 $0x1  }
0x15: {  	[smem:$0x3FA2] =	sst s0;
	s0 =	simm.s32 @!p2 $0x0  }
0x16: {  	s3 =	sld [smem:$0x3FDB];
	s0 =	simm.s32 @p2 $0x1  }
0x17: {  	s4 =	simm.s32 $0x1BF5;
	[smem:$0x3FA4] =	sst s0  }
0x18: {  	s0 =	sld [smem:$0x3F87];
	_ =	swait.ge [sflag:s4], $0x0  }
0x19: {  	s7 =	sld [smem:$0x3F88]  }
0x1a: {  	s8 =	sadd.s32 $0xFFFFE003, lr  }
0x1b: {  	s9 =	sadd.s32 $0xFFFFFEF7, lr;
	s5 =	simm.s32 $0xFFFFFFFF;
	p2 =	slt.u32 s8, $0xFFFFF086  }
0x1c: {  	p1 =	slt.u32 s9, $0xF7A;
	s5 =	simm.s32 @!p2 $0x0  }
0x1d: {  	s5 =	simm.s32 @p1 $0x1;
	p0 =	seq.s32 s7, s2  }
0x1e: {  	s7 =	smul.u32 @!p0 $0xF7A, s2;
	p2 =	seq.s32 @!p0 s5, $0x0  }
0x1f: {  	s9 =	smul.u32 $0xF7A, s1;
	s8 =	simm.s32 @!p0 $0x1BF5;
	p2 =	por !p2, p0  }
0x20: {  	[sflag:s8] =	ssyncset.s32 @!p0 $0xFFFFF086;
	s6 =	sadd.s32 @!p0 s3, s7;
	s7 =	simm.s32 @!p0 $0x108  }
0x21: {  	s3 =	sadd.s32 s3, s9;
	s6 =	sadd.s32 @!p0 $0x88, s6;
	s7 =	simm.s32 @p2 $0x1082  }
0x22: {  	[simem:s7], [sflag:s8] =	dma.local @!p0 [hbm:s6], $0xF7A  }
0x23: {  	s9 =	sor.u32 $0xD0000000, s2;
	s6 =	simm.s32 $0x108;
	_ =	swait.ge @!p0 [sflag:s8], $0x0  }
0x24: {  	s3 =	sadd.s32 $0x88, s3;
	s6 =	simm.s32 @!p1 $0x1082;
	[sflag:s4] =	ssyncset.s32 $0xFFFFF086  }
0x25: {  	[simem:s6], [sflag:s4] =	dma.local [hbm:s3], $0xF7A  }
0x26: {  	[smem:$0x3F88] =	sst s1;
	(tag) =	ssettag s2;
	_ =	strace s9  }
0x27: {  	s1 =	sld [smem:$0x3F98]  }
0x28: {  	s2 =	sld [smem:$0x3F99]  }
0x29: {  	s4 =	sld [smem:$0x3F9B]  }
0x2a: {  	p0 =	seq.s32 s5, $0x0;
	s5 =	sld [smem:$0x3F9C]  }
0x2b: {  	s6 =	sld [smem:$0x3F9D]  }
0x2c: {  	s7 =	sld [smem:$0x3F9E]  }
0x2d: {  	s3 =	simm.s32 $0x108;
	s8 =	sld [smem:$0x3F9F]  }
0x2e: {  	s3 =	simm.s32 @!p0 $0x1082;
	s9 =	sld [smem:$0x3FA0]  }
0x2f: {  	lr =	sadd.s32 s0, s3;
	s0 =	sld [smem:$0x3F97]  }
0x30: {  	s3 =	sld [smem:$0x3F9A]  }
0x31: {  	[smem:$0x3FA3] =	sst s10  }
0x32: {  	s10 =	sld [smem:$0x3FA1];
	_ =	sdelay $0x3  }
0x33: {  	p0 =	seq.s32 s10, $0x1;
	s10 =	sld [smem:$0x3FA3];
	_ =	sdelay $0x3  }
0x34: {  	[smem:$0x3FA3] =	sst s10  }
0x35: {  	s10 =	sld [smem:$0x3FA2];
	_ =	sdelay $0x3  }
0x36: {  	p1 =	seq.s32 s10, $0x1;
	s10 =	sld [smem:$0x3FA3];
	_ =	sdelay $0x3  }
0x37: {  	[smem:$0x3FA3] =	sst s10  }
0x38: {  	s10 =	sld [smem:$0x3FA4]  }
0x39: {  	_ = 	snop;
	(pc) =	sbr.ind lr, $3  }
0x3a: {  	_ = 	snop  }
0x3b: {  	_ = 	snop  }
0x3c: {  	p2 =	seq.s32 s10, $0x1;
	s10 =	sld [smem:$0x3FA3]  }
0x3d: {  	_ =	shalt  }
0x3e: {  	_ =	shalt  }
0x3f: {  	_ =	shalt  }
0x40: {  	_ =	shalt  }
0x41: {  	_ =	shalt  }
0x42: {  	_ =	shalt  }
0x43: {  	_ =	shalt  }
0x44: {  	_ =	shalt  }
0x45: {  	_ =	shalt  }
0x46: {  	_ =	shalt  }
0x47: {  	_ =	shalt  }
0x48: {  	_ =	shalt  }
0x49: {  	_ =	shalt  }
0x4a: {  	_ =	shalt  }
0x4b: {  	_ =	shalt  }
0x4c: {  	_ =	shalt  }
0x4d: {  	_ =	shalt  }
0x4e: {  	_ =	shalt  }
0x4f: {  	_ =	shalt  }
0x50: {  	_ =	shalt  }
0x51: {  	_ =	shalt  }
0x52: {  	_ =	shalt  }
0x53: {  	_ =	shalt  }
0x54: {  	_ =	shalt  }
0x55: {  	_ =	shalt  }
0x56: {  	_ =	shalt  }
0x57: {  	_ =	shalt  }
0x58: {  	_ =	shalt  }
0x59: {  	_ =	shalt  }
0x5a: {  	_ =	shalt  }
0x5b: {  	_ =	shalt  }
0x5c: {  	_ =	shalt  }
0x5d: {  	_ =	shalt  }
0x5e: {  	_ =	shalt  }
0x5f: {  	_ =	shalt  }
0x60: {  	_ =	shalt  }
0x61: {  	_ =	shalt  }
0x62: {  	_ =	shalt  }
0x63: {  	_ =	shalt  }
0x64: {  	_ =	shalt  }
0x65: {  	_ =	shalt  }
0x66: {  	_ =	shalt  }
0x67: {  	_ =	shalt  }
0x68: {  	_ =	shalt  }
0x69: {  	_ =	shalt  }
0x6a: {  	_ =	shalt  }
0x6b: {  	_ =	shalt  }
0x6c: {  	_ =	shalt  }
0x6d: {  	_ =	shalt  }
0x6e: {  	_ =	shalt  }
0x6f: {  	_ =	shalt  }
0x70: {  	_ =	shalt  }
0x71: {  	_ =	shalt  }
0x72: {  	_ =	shalt  }
0x73: {  	_ =	shalt  }
0x74: {  	_ =	shalt  }
0x75: {  	_ =	shalt  }
0x76: {  	_ =	shalt  }
0x77: {  	_ =	shalt  }
0x78: {  	_ =	shalt  }
0x79: {  	_ =	shalt  }
0x7a: {  	_ =	shalt  }
0x7b: {  	_ =	shalt  }
0x7c: {  	_ =	shalt  }
0x7d: {  	_ =	shalt  }
0x7e: {  	_ =	shalt  }
0x7f: {  	_ =	shalt  }
0x80: {  	_ =	shalt  }
0x81: {  	_ =	shalt  }
0x82: {  	_ =	shalt  }
0x83: {  	_ =	shalt  }
0x84: {  	_ =	shalt  }
0x85: {  	_ =	shalt  }
0x86: {  	_ =	shalt  }
0x87: {  	_ =	shalt  }
.Lfunc_end0:
.L_simem_size_0:
called_computation.1_lowered:
.L_overlay_start_0:
0x88: {  	s2 =	sld [smem:$0x3FD9]  }
0x89: {  	s3 =	sld [smem:$0x3FFE];
	_ =	sdelay $0x1  }
0x8a: {  	s1 =	srdreg.scid  }
0x8b: {  	s0 =	sand.u32 $0x1, s1  }
0x8c: {  	s16 =	sshll.u32 s0, $0xA;
	s2 =	sadd.s32 s3, s2  }
0x8d: {  	s2 =	sadd.s32 s2, s16  }
0x8e: {  	[smem:$0x3FAF] =	sst s2  }
0x8f: {  	_ = 	snop  }
0x90: {  	(tm) =	ssettm $0x1  }
0x91: {  	s17 =	sld [smem:$0x3FFB];
	_ =	sdelay $0x3  }
0x92: {  	_ =	strace s17  }
0x93: {  	s2 =	sld [smem:$0x3FFC];
	_ =	sdelay $0x3  }
0x94: {  	_ =	strace s2  }
0x95: {  	s2 =	sld [smem:$0x3FFD];
	_ =	sdelay $0x3  }
0x96: {  	_ =	strace s2  }
0x97: {  	_ =	strace $0x8FFFFFFF  }
0x98: {  	s18 =	sld [smem:$0x3FDB];
	_ =	sdelay $0x1  }
0x99: {  	s19 =	simm.s32 $_scs_section_size  }
0x9a: {  	s4 =	simm.s32 $_size__tile_overlayer_lowered;
	s5 =	simm.s32 $_tile_overlayer_lowered  }
0x9b: {  	s22 =	simm.s32 $0x1BFF;
	s21 =	sshll.u32 s5, $0x1;
	s2 =	sadd.s32 s19, s18  }
0x9c: {  	s6 =	simm.s32 $0x0;
	s20 =	sshll.u32 s4, $0x1;
	s4 =	sadd.s32 s21, s2  }
0x9d: {  	[timem:s6], [sflag:s22] =	dma.local [hbm:s4], s20  }
0x9e: {  	_ =	swait.ge [sflag:s22], s20  }
0x9f: {  	s3 =	ssub.s32 $0x0, s20;
	[sflag:s22] =	ssyncset.done $0x0  }
0xa0: {  	[sflag:s22] =	ssyncadd.s32 s3;
	_ =	sdelay $0x1  }
0xa1: {  	s23 =	simm.s32 $0x1B8B  }
0xa2: {  	_ =	swait.ge [sflag:s23], $0x1  }
0xa3: {  	[sflag:s23] =	ssyncset.done $0x0  }
0xa4: {  	s25 =	simm.s32 $0x1B8E;
	s24 =	sld [smem:$0x3FFE];
	[sflag:s23] =	ssyncadd.s32 $0xFFFFFFFF  }
0xa5: {  	s26 =	simm.s32 $execute0_lowered;
	[smem:$0x3FD2] =	sst s25  }
0xa6: {  	s4 =	sshll.u32 s26, $0x1;
	_ =	strace $0x80000049;
	[dreg:$0x1] =	wrdreg $0xFFFFFFFF  }
0xa7: {  	s28 =	simm.s32 $_size_execute0_lowered;
	s2 =	sadd.s32 s2, s4;
	[dreg:$0x0] =	wrdreg $0x0  }
0xa8: {  	s4 =	sshll.u32 s28, $0x1;
	[dreg:$0x2] =	wrdreg s2  }
0xa9: {  	[dreg:$0x3] =	wrdreg s4  }
0xaa: {  	[dreg:$0x4] =	wrdreg $0xC0  }
0xab: {  	_ =	task [dreg:s6], $0x5FFFF  }
0xac: {  	[dreg:$0x1] =	wrdreg $0xFFFFFFFF  }
0xad: {  	[dreg:$0x0] =	wrdreg $0x60  }
0xae: {  	[dreg:$0x2] =	wrdreg s24  }
0xaf: {  	[dreg:$0x3] =	wrdreg $0x13C600  }
0xb0: {  	[dreg:$0x4] =	wrdreg $0x9  }
0xb1: {  	_ =	task.clear_ibuf [dreg:s6], $0x5FFFF;
	_ =	strace $0x90000049  }
0xb2: {  	s29 =	simm.s32 $0x9;
	_ =	strace $0x8000004B  }
0xb3: {  	_ =	swait.ge [sflag:s29], $0x1  }
0xb4: {  	[sflag:s29] =	ssyncadd.s32 $0xFFFFFFFF  }
0xb5: {  	_ =	strace $0x9000004B  }
0xb6: {  	_ =	sfence  }
0xb7: {  	s30 =	sld [smem:$0x0];
	_ =	sdelay $0x2  }
0xb8: {  	s31 =	sshll.u32 s1, $0xD;
	s1 =	sshrl.u32 s1, $0x2  }
0xb9: {  	s3 =	sand.u32 $0x4000, s31;
	s1 =	sadd.s32 s1, s30  }
0xba: {  	s0 =	sor.u32 s3, s0;
	s1 =	sshll.u32 s1, $0x11  }
0xbb: {  	s0 =	sor.u32 s1, s0  }
0xbc: {  	s0 =	sadd.s32 $0x8F2B, s0  }
0xbd: {  	[sflag:s0] =	ssyncadd.remote.s32 $0x1  }
0xbe: {  	_ =	sfence.sel $0xFFFF  }
0xbf: {  	[dreg:$0x0] =	wrdreg $0xFFFFFFFF;
	(pc) =	sbr.abs _section_cstart, $3  }
0xc0: {  	[dreg:$0x1] =	wrdreg $0xFFFFFFFF  }
0xc1: {  	_ =	task.clear_ibuf [dreg:s6], $0x2FFFF;
	_ =	strace $0x9FFFFFFF  }
0xc2: {  	(tm) =	ssettm $0x7FFFFFFF  }
0xc3: {  	_ =	shalt  }
tec
execute0_lowered:
.L_overlay_start_1:
0x0: {  	(tag) =	ssettag $0x1  }
0x1: {  	s0 =	rddreg [dreg:$0x0]  }
0x2: {  	s1 =	rddreg [dreg:$0x1];
	s2 =	simm.s32 $0x0;
	s17 =	srdreg.scid  }
0x3: {  	s8 =	stileid.u32;
	s28 =	simm.s32 $0x9;
	s29 =	simm.s32 $0xA  }
0x4: {  	s30 =	simm.s32 $0x10;
	s31 =	simm.s32 $0x11;
	[smem:$0x7FF] =	sst s2  }
0x5: {  	s19 =	sand.u32 $0x1, s17;
	s18 =	smul.u32 $0x4E20, s8;
	s4 =	sadd.s32 $0x18400, s0  }
0x6: {  	s3 =	sadd.s32 $0x4A00, s0;
	s0 =	sadd.s32 $0x97600, s0;
	s20 =	smul.u32 $0x27000, s8  }
0x7: {  	s26 =	smul.u32 $0x9C00, s8;
	s24 =	sadd.s32 $0x9C000, s1;
	p0 =	sne.s32 s8, $0x0  }
0x8: {  	_ =	strace $0x8000004A;
	s5 =	ssub.s32 $0x2, s19;
	s23 =	smul.u32 $0x9C400, s19  }
0x9: {  	[dreg:$0xd] =	wrdreg s24;
	s6 =	sshrl.u32 s5, $0x1;
	s2 =	sshrl.u32 s18, $0x3  }
0xa: {  	s17 =	sadd.s32 s26, s1;
	s18 =	smul.u32 $0x9C4, s8;
	s8 =	simm.s32 $0x15  }
0xb: {  	s5 =	ssub.s32 s5, s6;
	s9 =	sadd.s32 s3, s2;
	s2 =	sshrl.u32 s20, $0x2  }
0xc: {  	s15 =	sadd.s32 s26, s23;
	s26 =	sshrl.u32 s17, $0x3;
	[dreg:$0x3] =	wrdreg s9  }
0xd: {  	s16 =	sshrl.u32 s23, $0x3;
	s21 =	sadd.s32 $0x10, s9;
	[dreg:$0x16] =	wrdreg s26  }
0xe: {  	s6 =	simm.s32 $0xC;
	s22 =	sadd.s32 $0x20, s9;
	[dreg:$0x4] =	wrdreg s21  }
0xf: {  	s17 =	simm.s32 $0xEC00;
	s7 =	sadd.s32 $0x30, s9;
	[dreg:$0x5] =	wrdreg s22  }
0x10: {  	s25 =	sadd.s32 $0x40, s9;
	s10 =	sadd.s32 $0x50, s9;
	[dreg:$0x6] =	wrdreg s7  }
0x11: {  	s12 =	sadd.s32 $0x60, s9;
	s13 =	sadd.s32 $0x70, s9;
	[dreg:$0x7] =	wrdreg s25  }
0x12: {  	s14 =	sadd.s32 s2, s1;
	s2 =	sshrl.u32 s15, $0x3;
	[dreg:$0x8] =	wrdreg s10  }
0x13: {  	s9 =	sadd.s32 $0x9C0, s9;
	s20 =	smax.u32 s5, $0x1;
	[dreg:$0x9] =	wrdreg s12  }
0x14: {  	s23 =	sadd.s32 s18, s3;
	s26 =	simm.s32 $0x4E200;
	[dreg:$0xa] =	wrdreg s13  }
0x15: {  	s18 =	simm.s32 $0xF;
	s5 =	simm.s32 $0x14;
	[dreg:$0xe] =	wrdreg s9  }
0x16: {  	s11 =	sadd.s32 $0x8000, s14;
	s2 =	sadd.s32 s0, s2;
	[dreg:$0x11] =	wrdreg s20  }
0x17: {  	s0 =	sadd.s32 s0, s16;
	s21 =	sadd.s32 $0x2000, s14;
	[dreg:$0x14] =	wrdreg s23  }
0x18: {  	s22 =	sadd.s32 $0x4000, s14;
	[dreg:$0xb] =	wrdreg s14;
	s25 =	sadd.s32 $0x6000, s14  }
0x19: {  	s20 =	simm.s32 $0x4;
	s7 =	simm.s32 $0xB;
	[dreg:$0xc] =	wrdreg s11  }
0x1a: {  	s14 =	simm.s32 $0xD;
	s10 =	simm.s32 $0x12;
	[dreg:$0xf] =	wrdreg s2  }
.Ltmp0:
0x1b: {  	s13 =	simm.s32 $0x17;
	[dreg:$0x12] =	wrdreg s21;
	(pc) =	sbr.rel .LBB2_1-.Ltmp0, $4  }
0x1c: {  	s16 =	simm.s32 $0x18;
	s9 =	simm.s32 $0xAC00;
	[dreg:$0x13] =	wrdreg s22  }
0x1d: {  	s12 =	simm.s32 $0xCC00;
	s0 =	sadd.s32 $0x13800, s0;
	[dreg:$0x15] =	wrdreg s25  }
0x1e: {  	s25 =	simm.s32 $0x80;
	s21 =	simm.s32 $0xE;
	s22 =	simm.s32 $0x13  }
0x1f: {  	v1 =	vimm.f32 $0.0e+00;
	v2 =	vimm.f32 $1.000000000e+00;
	v0 =	vmov s19;
	s2 =	simm.s32 $0x0;
	[dreg:$0x10] =	wrdreg s0;
	s0 =	simm.s32 $0x16  }
.LBB2_8:
0x20: {  	_ =	swait.ge [sflag:s0], $0x2000  }
0x21: {  	[sflag:s0] =	ssyncset.done $0x0  }
0x22: {  	[sflag:s0] =	ssyncadd.s32 $0xFFFFE000  }
0x23: {  	_ =	swait.ge [sflag:s13], $0x2000  }
0x24: {  	[sflag:s13] =	ssyncset.done $0x0  }
0x25: {  	[sflag:s13] =	ssyncadd.s32 $0xFFFFE000  }
0x26: {  	_ =	swait.ge [sflag:s16], $0x2000  }
0x27: {  	[sflag:s16] =	ssyncset.done $0x0  }
0x28: {  	s2 =	simm.s32 $0x1;
	[sflag:s16] =	ssyncadd.s32 $0xFFFFE000  }
0x29: {  	_ =	swait.ge [sflag:s2], $0x100  }
0x2a: {  	[sflag:s2] =	ssyncset.done $0x0  }
0x2b: {  	[sflag:s2] =	ssyncadd.s32 $0xFFFFFF00  }
0x2c: {  	v3 =	vld [tilespmem:$0x0]  }
0x2d: {  	v4 =	vld [tilespmem:$0x10]  }
0x2e: {  	v5 =	vld [tilespmem:$0x20]  }
0x2f: {  	v6 =	vld [tilespmem:$0x30]  }
0x30: {  	v7 =	vld [tilespmem:$0x40]  }
0x31: {  	v8 =	vld [tilespmem:$0x50];
	v3 =	vshll.u32 v3, $0x1  }
0x32: {  	v9 =	vld [tilespmem:$0x60];
	v4 =	vshll.u32 v4, $0x1;
	v3 =	vor.u32 v0, v3  }
0x33: {  	v18 =	vld [tilespmem:$0x70];
	v17 =	vshll.u32 v5, $0x1;
	[tilespmem:$0x800] =	vst v3;
	v3 =	vor.u32 v0, v4  }
0x34: {  	v19 =	vshll.u32 v6, $0x1;
	[tilespmem:$0x810] =	vst v3;
	v3 =	vor.u32 v0, v17  }
0x35: {  	v20 =	vshll.u32 v7, $0x1;
	[tilespmem:$0x820] =	vst v3;
	v3 =	vor.u32 v0, v19  }
0x36: {  	v21 =	vshll.u32 v8, $0x1;
	[tilespmem:$0x830] =	vst v3;
	v3 =	vor.u32 v0, v20  }
0x37: {  	v22 =	vshll.u32 v9, $0x1;
	[tilespmem:$0x840] =	vst v3;
	v3 =	vor.u32 v0, v21  }
0x38: {  	v23 =	vshll.u32 v18, $0x1;
	[tilespmem:$0x850] =	vst v3;
	v3 =	vor.u32 v0, v22  }
0x39: {  	[tilespmem:$0x860] =	vst v3;
	v3 =	vor.u32 v0, v23  }
0x3a: {  	s11 =	simm.s32 $0x800;
	s19 =	simm.s32 $0xC00;
	[tilespmem:$0x870] =	vst v3  }
0x3b: {  	[tilespmem:s19], [sflag:$0x9] =	stream.indirect.gather [hbm4b:s4+s25], $0x40, s11, s25, $0xb8;
	[tilespmem:$0x1D8A0] =	vst v63  }
0x3c: {  	s11 =	simm.s32 $0x2  }
0x3d: {  	_ =	swait.ge [sflag:s11], $0x100  }
0x3e: {  	[sflag:s11] =	ssyncset.done $0x0  }
0x3f: {  	[sflag:s11] =	ssyncadd.s32 $0xFFFFFF00  }
0x40: {  	v3 =	vld [tilespmem:$0x100]  }
0x41: {  	v24 =	vld [tilespmem:$0x110]  }
0x42: {  	v25 =	vld [tilespmem:$0x120]  }
0x43: {  	v26 =	vld [tilespmem:$0x130]  }
0x44: {  	v27 =	vld [tilespmem:$0x140]  }
0x45: {  	v28 =	vld [tilespmem:$0x150];
	v3 =	vshll.u32 v3, $0x1  }
0x46: {  	v29 =	vld [tilespmem:$0x160];
	v4 =	vshll.u32 v24, $0x1;
	v3 =	vor.u32 v0, v3  }
0x47: {  	v31 =	vld [tilespmem:$0x170];
	v30 =	vshll.u32 v25, $0x1;
	[tilespmem:$0x880] =	vst v3;
	v3 =	vor.u32 v0, v4  }
0x48: {  	v32 =	vshll.u32 v26, $0x1;
	[tilespmem:$0x890] =	vst v3;
	v3 =	vor.u32 v0, v30  }
0x49: {  	v33 =	vshll.u32 v27, $0x1;
	[tilespmem:$0x8A0] =	vst v3;
	v3 =	vor.u32 v0, v32  }
0x4a: {  	v34 =	vshll.u32 v28, $0x1;
	[tilespmem:$0x8B0] =	vst v3;
	v3 =	vor.u32 v0, v33  }
0x4b: {  	v35 =	vshll.u32 v29, $0x1;
	[tilespmem:$0x8C0] =	vst v3;
	v3 =	vor.u32 v0, v34  }
0x4c: {  	v36 =	vshll.u32 v31, $0x1;
	[tilespmem:$0x8D0] =	vst v3;
	v3 =	vor.u32 v0, v35  }
0x4d: {  	[tilespmem:$0x8E0] =	vst v3;
	v3 =	vor.u32 v0, v36  }
0x4e: {  	s15 =	simm.s32 $0x880;
	s23 =	simm.s32 $0x2C00;
	s24 =	simm.s32 $0x3;
	[tilespmem:$0x8F0] =	vst v3  }
0x4f: {  	[tilespmem:s23], [sflag:$0xA] =	stream.indirect.gather [hbm4b:s4+s25], $0x40, s15, s25, $0xb8;
	[tilespmem:$0x1D8A0] =	vst v63  }
0x50: {  	_ =	swait.ge [sflag:s24], $0x100  }
0x51: {  	[sflag:s24] =	ssyncset.done $0x0  }
0x52: {  	[sflag:s24] =	ssyncadd.s32 $0xFFFFFF00  }
0x53: {  	v3 =	vld [tilespmem:$0x200]  }
0x54: {  	v37 =	vld [tilespmem:$0x210]  }
0x55: {  	v38 =	vld [tilespmem:$0x220]  }
0x56: {  	v39 =	vld [tilespmem:$0x230]  }
0x57: {  	v40 =	vld [tilespmem:$0x240]  }
0x58: {  	v41 =	vld [tilespmem:$0x250];
	v3 =	vshll.u32 v3, $0x1  }
0x59: {  	v42 =	vld [tilespmem:$0x260];
	v4 =	vshll.u32 v37, $0x1;
	v3 =	vor.u32 v0, v3  }
0x5a: {  	v44 =	vld [tilespmem:$0x270];
	v43 =	vshll.u32 v38, $0x1;
	[tilespmem:$0x900] =	vst v3;
	v3 =	vor.u32 v0, v4  }
0x5b: {  	v45 =	vshll.u32 v39, $0x1;
	[tilespmem:$0x910] =	vst v3;
	v3 =	vor.u32 v0, v43  }
0x5c: {  	v46 =	vshll.u32 v40, $0x1;
	[tilespmem:$0x920] =	vst v3;
	v3 =	vor.u32 v0, v45  }
0x5d: {  	v47 =	vshll.u32 v41, $0x1;
	[tilespmem:$0x930] =	vst v3;
	v3 =	vor.u32 v0, v46  }
0x5e: {  	v48 =	vshll.u32 v42, $0x1;
	[tilespmem:$0x940] =	vst v3;
	v3 =	vor.u32 v0, v47  }
0x5f: {  	v49 =	vshll.u32 v44, $0x1;
	[tilespmem:$0x950] =	vst v3;
	v3 =	vor.u32 v0, v48  }
0x60: {  	[tilespmem:$0x960] =	vst v3;
	v3 =	vor.u32 v0, v49  }
0x61: {  	s2 =	simm.s32 $0x900;
	s15 =	simm.s32 $0x4C00;
	[tilespmem:$0x970] =	vst v3  }
0x62: {  	[tilespmem:s15], [sflag:$0xB] =	stream.indirect.gather [hbm4b:s4+s25], $0x40, s2, s25, $0xb8;
	[tilespmem:$0x1D8A0] =	vst v63  }
0x63: {  	_ =	swait.ge [sflag:s20], $0x100  }
0x64: {  	[sflag:s20] =	ssyncset.done $0x0  }
0x65: {  	[sflag:s20] =	ssyncadd.s32 $0xFFFFFF00  }
0x66: {  	v3 =	vld [tilespmem:$0x300]  }
0x67: {  	v50 =	vld [tilespmem:$0x310]  }
0x68: {  	v51 =	vld [tilespmem:$0x320]  }
0x69: {  	v52 =	vld [tilespmem:$0x330]  }
0x6a: {  	v53 =	vld [tilespmem:$0x340]  }
0x6b: {  	v54 =	vld [tilespmem:$0x350];
	v3 =	vshll.u32 v3, $0x1  }
0x6c: {  	v55 =	vld [tilespmem:$0x360];
	v4 =	vshll.u32 v50, $0x1;
	v3 =	vor.u32 v0, v3  }
0x6d: {  	v57 =	vld [tilespmem:$0x370];
	v56 =	vshll.u32 v51, $0x1;
	[tilespmem:$0x980] =	vst v3;
	v3 =	vor.u32 v0, v4  }
0x6e: {  	v58 =	vshll.u32 v52, $0x1;
	[tilespmem:$0x990] =	vst v3;
	v3 =	vor.u32 v0, v56  }
0x6f: {  	v59 =	vshll.u32 v53, $0x1;
	[tilespmem:$0x9A0] =	vst v3;
	v3 =	vor.u32 v0, v58  }
0x70: {  	v60 =	vshll.u32 v54, $0x1;
	[tilespmem:$0x9B0] =	vst v3;
	v3 =	vor.u32 v0, v59  }
0x71: {  	v61 =	vshll.u32 v55, $0x1;
	[tilespmem:$0x9C0] =	vst v3;
	v3 =	vor.u32 v0, v60  }
0x72: {  	v62 =	vshll.u32 v57, $0x1;
	[tilespmem:$0x9D0] =	vst v3;
	v3 =	vor.u32 v0, v61  }
0x73: {  	[tilespmem:$0x9E0] =	vst v3;
	v3 =	vor.u32 v0, v62  }
0x74: {  	s3 =	simm.s32 $0x980;
	s24 =	simm.s32 $0x6C00;
	[tilespmem:$0x9F0] =	vst v3  }
0x75: {  	[tilespmem:s24], [sflag:$0xC] =	stream.indirect.gather [hbm4b:s4+s25], $0x40, s3, s25, $0xb8;
	[tilespmem:$0x1D8A0] =	vst v63  }
0x76: {  	_ =	swait.ge [sflag:s28], $0x2000  }
0x77: {  	[sflag:s28] =	ssyncset.done $0x0  }
0x78: {  	[sflag:s28] =	ssyncadd.s32 $0xFFFFE000  }
0x79: {  	[spmem:s1] =	stream.indirect.scatter.add.f32 [tilespmem:s19], [sflag:$0x11], $0x40, s25, s25, $0xb8;
	[tilespmem:$0x1D8A0] =	vst v63  }
0x7a: {  	_ =	swait.ge [sflag:s29], $0x2000  }
0x7b: {  	[sflag:s29] =	ssyncset.done $0x0  }
0x7c: {  	s3 =	simm.s32 $0x180;
	[sflag:s29] =	ssyncadd.s32 $0xFFFFE000  }
0x7d: {  	[spmem:s1] =	stream.indirect.scatter.add.f32 [tilespmem:s23], [sflag:$0x12], $0x40, s3, s25, $0xb8;
	[tilespmem:$0x1D8A0] =	vst v63  }
0x7e: {  	_ =	swait.ge [sflag:s7], $0x2000  }
0x7f: {  	[sflag:s7] =	ssyncset.done $0x0  }
0x80: {  	s11 =	simm.s32 $0x280;
	[sflag:s7] =	ssyncadd.s32 $0xFFFFE000  }
0x81: {  	[spmem:s1] =	stream.indirect.scatter.add.f32 [tilespmem:s15], [sflag:$0x13], $0x40, s11, s25, $0xb8;
	[tilespmem:$0x1D8A0] =	vst v63  }
0x82: {  	_ =	swait.ge [sflag:s6], $0x2000  }
0x83: {  	[sflag:s6] =	ssyncset.done $0x0  }
0x84: {  	s15 =	simm.s32 $0x380;
	[sflag:s6] =	ssyncadd.s32 $0xFFFFE000  }
0x85: {  	[spmem:s1] =	stream.indirect.scatter.add.f32 [tilespmem:s24], [sflag:$0x14], $0x40, s15, s25, $0xb8;
	[tilespmem:$0x1D8A0] =	vst v63  }
0x86: {  	_ =	swait.ge [sflag:s31], $0x2000  }
0x87: {  	[sflag:s31] =	ssyncset.done $0x0  }
0x88: {  	[sflag:s31] =	ssyncadd.s32 $0xFFFFE000  }
0x89: {  	_ =	swait.ge [sflag:s10], $0x2000  }
0x8a: {  	[sflag:s10] =	ssyncset.done $0x0  }
0x8b: {  	[sflag:s10] =	ssyncadd.s32 $0xFFFFE000  }
0x8c: {  	_ =	swait.ge [sflag:s22], $0x2000  }
0x8d: {  	[sflag:s22] =	ssyncset.done $0x0  }
0x8e: {  	[sflag:s22] =	ssyncadd.s32 $0xFFFFE000  }
0x8f: {  	_ =	swait.ge [sflag:s5], $0x2000  }
0x90: {  	s2 =	simm.s32 $0x20;
	[sflag:s5] =	ssyncset.done $0x0  }
0x91: {  	s24 =	simm.s32 $0x10C00;
	s23 =	rddreg [dreg:$0xe];
	[sflag:s5] =	ssyncadd.s32 $0xFFFFE000  }
0x92: {  	[tilespmem:s24], [sflag:$0x1A] =	stream.strided.gather [hbm4b:s23+s2], $0x40, s26, s2, $0x38;
	[tilespmem:$0x1D8A0] =	vst v63  }
0x93: {  	s24 =	simm.s32 $0x1A  }
0x94: {  	_ =	swait.ge [sflag:s24], $0x40  }
0x95: {  	[sflag:s24] =	ssyncset.done $0x0  }
0x96: {  	[sflag:s24] =	ssyncadd.s32 $0xFFFFFFC0  }
0x97: {  	v3 =	vld [tilespmem:$0x10C00]  }
0x98: {  	v63 =	vld [tilespmem:$0x10C10];
	_ =	sdelay $0x3  }
0x99: {  	v3 =	vshll.u32 v3, $0x1  }
0x9a: {  	v4 =	vshll.u32 v63, $0x1;
	v3 =	vor.u32 v0, v3  }
0x9b: {  	[tilespmem:$0x10C40] =	vst v3;
	v3 =	vor.u32 v0, v4  }
0x9c: {  	s11 =	simm.s32 $0x10C40;
	s15 =	simm.s32 $0x19;
	[tilespmem:$0x10C50] =	vst v3  }
0x9d: {  	[tilespmem:s19], [sflag:$0x19] =	stream.indirect.gather [hbm4b:s4+s2], $0x40, s11, s2, $0xb8;
	[tilespmem:$0x1D8A0] =	vst v63  }
0x9e: {  	_ =	swait.ge [sflag:s15], $0x800  }
0x9f: {  	[sflag:s15] =	ssyncset.done $0x0  }
0xa0: {  	s23 =	simm.s32 $0x10C20;
	[sflag:s15] =	ssyncadd.s32 $0xFFFFF800  }
0xa1: {  	[spmem:s1] =	stream.indirect.scatter.add.f32 [tilespmem:s19], [sflag:$0x1A], $0x40, s23, s2, $0xb8;
	[tilespmem:$0x1D8A0] =	vst v63  }
0xa2: {  	_ =	swait.ge [sflag:s24], $0x800  }
0xa3: {  	[sflag:s24] =	ssyncset.done $0x0  }
0xa4: {  	[sflag:s24] =	ssyncadd.s32 $0xFFFFF800  }
0xa5: {  	s2 =	stileid.u32;
	[bflag:$0x0] =	sbarrier.arrive $0xFFFF  }
0xa6: {  	s11 =	sshll.u32 s2, $0x6;
	s3 =	rddreg [dreg:$0xf]  }
0xa7: {  	s11 =	sor.u32 $0x1C1A, s11;
	s15 =	rddreg [dreg:$0x16]  }
0xa8: {  	[hbm:s3], [sflag:s11] =	dma.local [spmem:s15], $0x1380  }
0xa9: {  	_ =	swait.ge [sflag:s24], $0x1380  }
0xaa: {  	[sflag:s24] =	ssyncset.done $0x0  }
0xab: {  	[sflag:s24] =	ssyncadd.s32 $0xFFFFEC80;
	s24 =	rddreg [dreg:$0xd]  }
0xac: {  	s23 =	rddreg [dreg:$0x10];
	s19 =	sshrl.u32 @!p0 s24, $0x3  }
0xad: {  	[hbm:s23], [sflag:s11] =	dma.local @!p0 [spmem:s19], $0x80  }
0xae: {  	s11 =	simm.s32 @!p0 $0x1A  }
0xaf: {  	_ =	swait.ge @!p0 [sflag:s11], $0x80  }
0xb0: {  	s19 =	rddreg [dreg:$0x17]  }
0xb1: {  	s23 =	rddreg [dreg:$0x11];
	s2 =	sadd.s32 $0x1, s19  }
0xb2: {  	p1 =	sne.s32 s2, s23  }
.Ltmp1:
0xb3: {  	_ = 	snop;
	(pc) =	sbr.rel @!p1 .LBB2_9-.Ltmp1, $3  }
0xb4: {  	_ =	sdelay $0x1  }
0xb5: {  	[sflag:s11] =	ssyncset.done @!p0 $0x0  }
0xb6: {  	[sflag:s11] =	ssyncadd.s32 @!p0 $0xFFFFFF80  }
.LBB2_1:
0xb7: {  	s19 =	simm.s32 $0x0  }
.LBB2_2:
0xb8: {  	p1 =	sne.s32 s19, $0x7F00  }
.Ltmp2:
0xb9: {  	s23 =	sshra.s32 s19, $0x2;
	(pc) =	sbr.rel @p1 .LBB2_2-.Ltmp2, $4  }
0xba: {  	[tilespmem:s23+$0x11460] =	vst v1  }
0xbb: {  	[tilespmem:s23+$0x11470] =	vst v1  }
0xbc: {  	[tilespmem:s23+$0x11480] =	vst v1  }
0xbd: {  	s19 =	sadd.s32 $0x100, s19;
	[tilespmem:s23+$0x11490] =	vst v1  }
0xbe: {  	[dreg:$0x17] =	wrdreg s2;
	s19 =	simm.s32 $0x40;
	s23 =	simm.s32 $0x0  }
.LBB2_4:
0xbf: {  	p1 =	sne.s32 s19, $0x1FC0;
	[tilespmem:s23+$0x13460] =	vst v1;
	s11 =	smov.u32 s19;
	s19 =	sadd.s32 $0x40, s19  }
.Ltmp3:
0xc0: {  	[tilespmem:s23+$0x10C60] =	vst v2;
	(pc) =	sbr.rel @p1 .LBB2_4-.Ltmp3, $2  }
0xc1: {  	_ =	sdelay $0x2  }
0xc2: {  	s23 =	sshra.s32 s11, $0x2  }
0xc3: {  	[tilespmem:s23+$0x13460] =	vst v1  }
0xc4: {  	[tilespmem:s23+$0x10C60] =	vst v2;
	s11 =	simm.s32 $0x0;
	s19 =	rddreg [dreg:$0x3]  }
0xc5: {  	[tilespmem:s11], [sflag:$0x1] =	stream.strided.gather [hbm4b:s19+s25], $0x100, s26, s25, $0x38;
	[tilespmem:$0x1D8A0] =	vst v63  }
0xc6: {  	s23 =	rddreg [dreg:$0x4];
	s2 =	simm.s32 $0x100  }
0xc7: {  	[tilespmem:s2], [sflag:$0x2] =	stream.strided.gather [hbm4b:s23+s25], $0x100, s26, s25, $0x38;
	[tilespmem:$0x1D8A0] =	vst v63  }
0xc8: {  	s3 =	rddreg [dreg:$0x5];
	s15 =	simm.s32 $0x200  }
0xc9: {  	[tilespmem:s15], [sflag:$0x3] =	stream.strided.gather [hbm4b:s3+s25], $0x100, s26, s25, $0x38;
	[tilespmem:$0x1D8A0] =	vst v63  }
0xca: {  	s23 =	rddreg [dreg:$0x6];
	s2 =	simm.s32 $0x300  }
0xcb: {  	[tilespmem:s2], [sflag:$0x4] =	stream.strided.gather [hbm4b:s23+s25], $0x100, s26, s25, $0x38;
	[tilespmem:$0x1D8A0] =	vst v63  }
0xcc: {  	s3 =	rddreg [dreg:$0x7];
	s15 =	simm.s32 $0x400  }
0xcd: {  	[tilespmem:s15], [sflag:$0x5] =	stream.strided.gather [hbm4b:s3+s25], $0x100, s26, s25, $0x38;
	[tilespmem:$0x1D8A0] =	vst v63  }
0xce: {  	s23 =	rddreg [dreg:$0x8];
	s2 =	simm.s32 $0x500  }
0xcf: {  	[tilespmem:s2], [sflag:$0x6] =	stream.strided.gather [hbm4b:s23+s25], $0x100, s26, s25, $0x38;
	[tilespmem:$0x1D8A0] =	vst v63  }
0xd0: {  	s3 =	rddreg [dreg:$0x9];
	s15 =	simm.s32 $0x600  }
0xd1: {  	[tilespmem:s15], [sflag:$0x7] =	stream.strided.gather [hbm4b:s3+s25], $0x100, s26, s25, $0x38;
	[tilespmem:$0x1D8A0] =	vst v63  }
0xd2: {  	s23 =	rddreg [dreg:$0xa];
	s2 =	simm.s32 $0x700  }
0xd3: {  	[tilespmem:s2], [sflag:$0x8] =	stream.strided.gather [hbm4b:s23+s25], $0x100, s26, s25, $0x38;
	[tilespmem:$0x1D8A0] =	vst v63  }
0xd4: {  	s19 =	simm.s32 $0x11460;
	s3 =	rddreg [dreg:$0xb];
	s23 =	simm.s32 $0x1A  }
0xd5: {  	[spmem:s3] =	stream.linear.scatter [tilespmem:s19], [sflag:$0x1A], $0x2000, $0x38;
	[tilespmem:$0x1D8A0] =	vst v63  }
0xd6: {  	_ =	swait.ge [sflag:s23], $0x2000  }
0xd7: {  	[sflag:s23] =	ssyncset.done $0x0  }
0xd8: {  	s15 =	rddreg [dreg:$0x12];
	[sflag:s23] =	ssyncadd.s32 $0xFFFFE000  }
0xd9: {  	[spmem:s15] =	stream.linear.scatter [tilespmem:s19], [sflag:$0x1A], $0x2000, $0x38;
	[tilespmem:$0x1D8A0] =	vst v63  }
0xda: {  	_ =	swait.ge [sflag:s23], $0x2000  }
0xdb: {  	[sflag:s23] =	ssyncset.done $0x0  }
0xdc: {  	s2 =	rddreg [dreg:$0x13];
	[sflag:s23] =	ssyncadd.s32 $0xFFFFE000  }
0xdd: {  	[spmem:s2] =	stream.linear.scatter [tilespmem:s19], [sflag:$0x1A], $0x2000, $0x38;
	[tilespmem:$0x1D8A0] =	vst v63  }
0xde: {  	_ =	swait.ge [sflag:s23], $0x2000  }
0xdf: {  	[sflag:s23] =	ssyncset.done $0x0  }
0xe0: {  	s3 =	rddreg [dreg:$0x15];
	[sflag:s23] =	ssyncadd.s32 $0xFFFFE000  }
0xe1: {  	[spmem:s3] =	stream.linear.scatter [tilespmem:s19], [sflag:$0x1A], $0x2000, $0x38;
	[tilespmem:$0x1D8A0] =	vst v63  }
0xe2: {  	_ =	swait.ge [sflag:s23], $0x2000  }
0xe3: {  	[sflag:s23] =	ssyncset.done $0x0  }
0xe4: {  	s15 =	rddreg [dreg:$0xc];
	[sflag:s23] =	ssyncadd.s32 $0xFFFFE000  }
0xe5: {  	[spmem:s15] =	stream.linear.scatter [tilespmem:s19], [sflag:$0x1A], $0x1C00, $0x38;
	[tilespmem:$0x1D8A0] =	vst v63  }
0xe6: {  	_ =	swait.ge [sflag:s23], $0x1C00  }
0xe7: {  	[sflag:s23] =	ssyncset.done $0x0  }
0xe8: {  	s11 =	simm.s32 @!p0 $0x11460;
	[sflag:s23] =	ssyncadd.s32 $0xFFFFE400  }
0xe9: {  	[spmem:s24] =	stream.linear.scatter @!p0 [tilespmem:s11], [sflag:$0x1A], $0x400, $0x38;
	[tilespmem:$0x1D8A0] =	vst v63  }
0xea: {  	s11 =	simm.s32 @!p0 $0x1A  }
0xeb: {  	_ =	swait.ge @!p0 [sflag:s11], $0x400  }
0xec: {  	[sflag:s11] =	ssyncset.done @!p0 $0x0  }
0xed: {  	[sflag:s11] =	ssyncadd.s32 @!p0 $0xFFFFFC00  }
0xee: {  	s19 =	simm.s32 $0x0;
	[bflag:$0x0] =	sbarrier.arrive $0xFFFF  }
.LBB2_6:
0xef: {  	s2 =	simm.s32 $0x1  }
0xf0: {  	_ =	swait.ge [sflag:s2], $0x100  }
0xf1: {  	[sflag:s2] =	ssyncset.done $0x0  }
0xf2: {  	[sflag:s2] =	ssyncadd.s32 $0xFFFFFF00  }
0xf3: {  	v3 =	vld [tilespmem:$0x0]  }
0xf4: {  	v4 =	vld [tilespmem:$0x10]  }
0xf5: {  	v5 =	vld [tilespmem:$0x20]  }
0xf6: {  	v6 =	vld [tilespmem:$0x30]  }
0xf7: {  	v7 =	vld [tilespmem:$0x40]  }
0xf8: {  	v8 =	vld [tilespmem:$0x50];
	v3 =	vshll.u32 v3, $0x1  }
0xf9: {  	v9 =	vld [tilespmem:$0x60];
	v4 =	vshll.u32 v4, $0x1;
	v3 =	vor.u32 v0, v3  }
0xfa: {  	v22 =	vld [tilespmem:$0x70];
	v21 =	vshll.u32 v5, $0x1;
	[tilespmem:$0x800] =	vst v3;
	v3 =	vor.u32 v0, v4  }
0xfb: {  	v23 =	vshll.u32 v6, $0x1;
	[tilespmem:$0x810] =	vst v3;
	v3 =	vor.u32 v0, v21  }
0xfc: {  	v24 =	vshll.u32 v7, $0x1;
	[tilespmem:$0x820] =	vst v3;
	v3 =	vor.u32 v0, v23  }
0xfd: {  	v25 =	vshll.u32 v8, $0x1;
	[tilespmem:$0x830] =	vst v3;
	v3 =	vor.u32 v0, v24  }
0xfe: {  	v26 =	vshll.u32 v9, $0x1;
	[tilespmem:$0x840] =	vst v3;
	v3 =	vor.u32 v0, v25  }
0xff: {  	v27 =	vshll.u32 v22, $0x1;
	[tilespmem:$0x850] =	vst v3;
	v3 =	vor.u32 v0, v26  }
0x100: {  	[tilespmem:$0x860] =	vst v3;
	v3 =	vor.u32 v0, v27  }
0x101: {  	s11 =	simm.s32 $0x800;
	s23 =	simm.s32 $0xC00;
	s24 =	simm.s32 $0x2;
	[tilespmem:$0x870] =	vst v3  }
0x102: {  	[tilespmem:s23], [sflag:$0x9] =	stream.indirect.gather [hbm4b:s4+s25], $0x40, s11, s25, $0xb8;
	[tilespmem:$0x1D8A0] =	vst v63  }
0x103: {  	_ =	swait.ge [sflag:s24], $0x100  }
0x104: {  	[sflag:s24] =	ssyncset.done $0x0  }
0x105: {  	[sflag:s24] =	ssyncadd.s32 $0xFFFFFF00  }
0x106: {  	v3 =	vld [tilespmem:$0x100]  }
0x107: {  	v28 =	vld [tilespmem:$0x110]  }
0x108: {  	v29 =	vld [tilespmem:$0x120]  }
0x109: {  	v30 =	vld [tilespmem:$0x130]  }
0x10a: {  	v31 =	vld [tilespmem:$0x140]  }
0x10b: {  	v32 =	vld [tilespmem:$0x150];
	v3 =	vshll.u32 v3, $0x1  }
0x10c: {  	v33 =	vld [tilespmem:$0x160];
	v4 =	vshll.u32 v28, $0x1;
	v3 =	vor.u32 v0, v3  }
0x10d: {  	v35 =	vld [tilespmem:$0x170];
	v34 =	vshll.u32 v29, $0x1;
	[tilespmem:$0x880] =	vst v3;
	v3 =	vor.u32 v0, v4  }
0x10e: {  	v36 =	vshll.u32 v30, $0x1;
	[tilespmem:$0x890] =	vst v3;
	v3 =	vor.u32 v0, v34  }
0x10f: {  	v37 =	vshll.u32 v31, $0x1;
	[tilespmem:$0x8A0] =	vst v3;
	v3 =	vor.u32 v0, v36  }
0x110: {  	v38 =	vshll.u32 v32, $0x1;
	[tilespmem:$0x8B0] =	vst v3;
	v3 =	vor.u32 v0, v37  }
0x111: {  	v39 =	vshll.u32 v33, $0x1;
	[tilespmem:$0x8C0] =	vst v3;
	v3 =	vor.u32 v0, v38  }
0x112: {  	v40 =	vshll.u32 v35, $0x1;
	[tilespmem:$0x8D0] =	vst v3;
	v3 =	vor.u32 v0, v39  }
0x113: {  	[tilespmem:$0x8E0] =	vst v3;
	v3 =	vor.u32 v0, v40  }
0x114: {  	s3 =	simm.s32 $0x880;
	s15 =	simm.s32 $0x3;
	s24 =	simm.s32 $0x2C00;
	[tilespmem:$0x8F0] =	vst v3  }
0x115: {  	[tilespmem:s24], [sflag:$0xA] =	stream.indirect.gather [hbm4b:s4+s25], $0x40, s3, s25, $0xb8;
	[tilespmem:$0x1D8A0] =	vst v63  }
0x116: {  	_ =	swait.ge [sflag:s15], $0x100  }
0x117: {  	[sflag:s15] =	ssyncset.done $0x0  }
0x118: {  	[sflag:s15] =	ssyncadd.s32 $0xFFFFFF00  }
0x119: {  	v3 =	vld [tilespmem:$0x200]  }
0x11a: {  	v41 =	vld [tilespmem:$0x210]  }
0x11b: {  	v42 =	vld [tilespmem:$0x220]  }
0x11c: {  	v43 =	vld [tilespmem:$0x230]  }
0x11d: {  	v44 =	vld [tilespmem:$0x240]  }
0x11e: {  	v45 =	vld [tilespmem:$0x250];
	v3 =	vshll.u32 v3, $0x1  }
0x11f: {  	v46 =	vld [tilespmem:$0x260];
	v4 =	vshll.u32 v41, $0x1;
	v3 =	vor.u32 v0, v3  }
0x120: {  	v48 =	vld [tilespmem:$0x270];
	v47 =	vshll.u32 v42, $0x1;
	[tilespmem:$0x900] =	vst v3;
	v3 =	vor.u32 v0, v4  }
0x121: {  	v49 =	vshll.u32 v43, $0x1;
	[tilespmem:$0x910] =	vst v3;
	v3 =	vor.u32 v0, v47  }
0x122: {  	v50 =	vshll.u32 v44, $0x1;
	[tilespmem:$0x920] =	vst v3;
	v3 =	vor.u32 v0, v49  }
0x123: {  	v51 =	vshll.u32 v45, $0x1;
	[tilespmem:$0x930] =	vst v3;
	v3 =	vor.u32 v0, v50  }
0x124: {  	v52 =	vshll.u32 v46, $0x1;
	[tilespmem:$0x940] =	vst v3;
	v3 =	vor.u32 v0, v51  }
0x125: {  	v53 =	vshll.u32 v48, $0x1;
	[tilespmem:$0x950] =	vst v3;
	v3 =	vor.u32 v0, v52  }
0x126: {  	[tilespmem:$0x960] =	vst v3;
	v3 =	vor.u32 v0, v53  }
0x127: {  	s2 =	simm.s32 $0x900;
	s15 =	simm.s32 $0x4C00;
	[tilespmem:$0x970] =	vst v3  }
0x128: {  	[tilespmem:s15], [sflag:$0xB] =	stream.indirect.gather [hbm4b:s4+s25], $0x40, s2, s25, $0xb8;
	[tilespmem:$0x1D8A0] =	vst v63  }
0x129: {  	_ =	swait.ge [sflag:s20], $0x100  }
0x12a: {  	[sflag:s20] =	ssyncset.done $0x0  }
0x12b: {  	[sflag:s20] =	ssyncadd.s32 $0xFFFFFF00  }
0x12c: {  	v3 =	vld [tilespmem:$0x300]  }
0x12d: {  	v54 =	vld [tilespmem:$0x310]  }
0x12e: {  	v55 =	vld [tilespmem:$0x320]  }
0x12f: {  	v56 =	vld [tilespmem:$0x330]  }
0x130: {  	v57 =	vld [tilespmem:$0x340]  }
0x131: {  	v58 =	vld [tilespmem:$0x350];
	v3 =	vshll.u32 v3, $0x1  }
0x132: {  	v59 =	vld [tilespmem:$0x360];
	v4 =	vshll.u32 v54, $0x1;
	v3 =	vor.u32 v0, v3  }
0x133: {  	v61 =	vld [tilespmem:$0x370];
	v60 =	vshll.u32 v55, $0x1;
	[tilespmem:$0x980] =	vst v3;
	v3 =	vor.u32 v0, v4  }
0x134: {  	v62 =	vshll.u32 v56, $0x1;
	[tilespmem:$0x990] =	vst v3;
	v3 =	vor.u32 v0, v60  }
0x135: {  	v63 =	vshll.u32 v57, $0x1;
	[tilespmem:$0x9A0] =	vst v3;
	v3 =	vor.u32 v0, v62  }
0x136: {  	v8 =	vshll.u32 v58, $0x1;
	[tilespmem:$0x9B0] =	vst v3;
	v3 =	vor.u32 v0, v63  }
0x137: {  	v10 =	vshll.u32 v59, $0x1;
	[tilespmem:$0x9C0] =	vst v3;
	v3 =	vor.u32 v0, v8  }
0x138: {  	v11 =	vshll.u32 v61, $0x1;
	[tilespmem:$0x9D0] =	vst v3;
	v3 =	vor.u32 v0, v10  }
0x139: {  	[tilespmem:$0x9E0] =	vst v3;
	v3 =	vor.u32 v0, v11  }
0x13a: {  	s3 =	simm.s32 $0x980;
	s2 =	simm.s32 $0x6C00;
	[tilespmem:$0x9F0] =	vst v3  }
0x13b: {  	[tilespmem:s2], [sflag:$0xC] =	stream.indirect.gather [hbm4b:s4+s25], $0x40, s3, s25, $0xb8;
	[tilespmem:$0x1D8A0] =	vst v63  }
0x13c: {  	s3 =	simm.s32 $0x5  }
0x13d: {  	_ =	swait.ge [sflag:s3], $0x100  }
0x13e: {  	[sflag:s3] =	ssyncset.done $0x0  }
0x13f: {  	[sflag:s3] =	ssyncadd.s32 $0xFFFFFF00  }
0x140: {  	v3 =	vld [tilespmem:$0x400]  }
0x141: {  	v12 =	vld [tilespmem:$0x410]  }
0x142: {  	v13 =	vld [tilespmem:$0x420]  }
0x143: {  	v14 =	vld [tilespmem:$0x430]  }
0x144: {  	v15 =	vld [tilespmem:$0x440]  }
0x145: {  	v16 =	vld [tilespmem:$0x450];
	v3 =	vshll.u32 v3, $0x1  }
0x146: {  	v17 =	vld [tilespmem:$0x460];
	v4 =	vshll.u32 v12, $0x1;
	v3 =	vor.u32 v0, v3  }
0x147: {  	v19 =	vld [tilespmem:$0x470];
	v18 =	vshll.u32 v13, $0x1;
	[tilespmem:$0xA00] =	vst v3;
	v3 =	vor.u32 v0, v4  }
0x148: {  	v20 =	vshll.u32 v14, $0x1;
	[tilespmem:$0xA10] =	vst v3;
	v3 =	vor.u32 v0, v18  }
0x149: {  	v21 =	vshll.u32 v15, $0x1;
	[tilespmem:$0xA20] =	vst v3;
	v3 =	vor.u32 v0, v20  }
0x14a: {  	v22 =	vshll.u32 v16, $0x1;
	[tilespmem:$0xA30] =	vst v3;
	v3 =	vor.u32 v0, v21  }
0x14b: {  	v23 =	vshll.u32 v17, $0x1;
	[tilespmem:$0xA40] =	vst v3;
	v3 =	vor.u32 v0, v22  }
0x14c: {  	v24 =	vshll.u32 v19, $0x1;
	[tilespmem:$0xA50] =	vst v3;
	v3 =	vor.u32 v0, v23  }
0x14d: {  	[tilespmem:$0xA60] =	vst v3;
	v3 =	vor.u32 v0, v24  }
0x14e: {  	s11 =	simm.s32 $0xA00;
	s3 =	simm.s32 $0x8C00;
	[tilespmem:$0xA70] =	vst v3  }
0x14f: {  	[tilespmem:s3], [sflag:$0xD] =	stream.indirect.gather [hbm4b:s4+s25], $0x40, s11, s25, $0xb8;
	[tilespmem:$0x1D8A0] =	vst v63  }
0x150: {  	s11 =	simm.s32 $0x6  }
0x151: {  	_ =	swait.ge [sflag:s11], $0x100  }
0x152: {  	[sflag:s11] =	ssyncset.done $0x0  }
0x153: {  	[sflag:s11] =	ssyncadd.s32 $0xFFFFFF00  }
0x154: {  	v3 =	vld [tilespmem:$0x500]  }
0x155: {  	v25 =	vld [tilespmem:$0x510]  }
0x156: {  	v26 =	vld [tilespmem:$0x520]  }
0x157: {  	v27 =	vld [tilespmem:$0x530]  }
0x158: {  	v28 =	vld [tilespmem:$0x540]  }
0x159: {  	v29 =	vld [tilespmem:$0x550];
	v3 =	vshll.u32 v3, $0x1  }
0x15a: {  	v30 =	vld [tilespmem:$0x560];
	v4 =	vshll.u32 v25, $0x1;
	v3 =	vor.u32 v0, v3  }
0x15b: {  	v32 =	vld [tilespmem:$0x570];
	v31 =	vshll.u32 v26, $0x1;
	[tilespmem:$0xA80] =	vst v3;
	v3 =	vor.u32 v0, v4  }
0x15c: {  	v33 =	vshll.u32 v27, $0x1;
	[tilespmem:$0xA90] =	vst v3;
	v3 =	vor.u32 v0, v31  }
0x15d: {  	v34 =	vshll.u32 v28, $0x1;
	[tilespmem:$0xAA0] =	vst v3;
	v3 =	vor.u32 v0, v33  }
0x15e: {  	v35 =	vshll.u32 v29, $0x1;
	[tilespmem:$0xAB0] =	vst v3;
	v3 =	vor.u32 v0, v34  }
0x15f: {  	v36 =	vshll.u32 v30, $0x1;
	[tilespmem:$0xAC0] =	vst v3;
	v3 =	vor.u32 v0, v35  }
0x160: {  	v37 =	vshll.u32 v32, $0x1;
	[tilespmem:$0xAD0] =	vst v3;
	v3 =	vor.u32 v0, v36  }
0x161: {  	[tilespmem:$0xAE0] =	vst v3;
	v3 =	vor.u32 v0, v37  }
0x162: {  	s11 =	simm.s32 $0xA80;
	[tilespmem:$0xAF0] =	vst v3  }
0x163: {  	[tilespmem:s9], [sflag:$0xE] =	stream.indirect.gather [hbm4b:s4+s25], $0x40, s11, s25, $0xb8;
	[tilespmem:$0x1D8A0] =	vst v63  }
0x164: {  	s11 =	simm.s32 $0x7  }
0x165: {  	_ =	swait.ge [sflag:s11], $0x100  }
0x166: {  	[sflag:s11] =	ssyncset.done $0x0  }
0x167: {  	[sflag:s11] =	ssyncadd.s32 $0xFFFFFF00  }
0x168: {  	v3 =	vld [tilespmem:$0x600]  }
0x169: {  	v38 =	vld [tilespmem:$0x610]  }
0x16a: {  	v39 =	vld [tilespmem:$0x620]  }
0x16b: {  	v40 =	vld [tilespmem:$0x630]  }
0x16c: {  	v41 =	vld [tilespmem:$0x640]  }
0x16d: {  	v42 =	vld [tilespmem:$0x650];
	v3 =	vshll.u32 v3, $0x1  }
0x16e: {  	v43 =	vld [tilespmem:$0x660];
	v4 =	vshll.u32 v38, $0x1;
	v3 =	vor.u32 v0, v3  }
0x16f: {  	v45 =	vld [tilespmem:$0x670];
	v44 =	vshll.u32 v39, $0x1;
	[tilespmem:$0xB00] =	vst v3;
	v3 =	vor.u32 v0, v4  }
0x170: {  	v46 =	vshll.u32 v40, $0x1;
	[tilespmem:$0xB10] =	vst v3;
	v3 =	vor.u32 v0, v44  }
0x171: {  	v47 =	vshll.u32 v41, $0x1;
	[tilespmem:$0xB20] =	vst v3;
	v3 =	vor.u32 v0, v46  }
0x172: {  	v48 =	vshll.u32 v42, $0x1;
	[tilespmem:$0xB30] =	vst v3;
	v3 =	vor.u32 v0, v47  }
0x173: {  	v49 =	vshll.u32 v43, $0x1;
	[tilespmem:$0xB40] =	vst v3;
	v3 =	vor.u32 v0, v48  }
0x174: {  	v50 =	vshll.u32 v45, $0x1;
	[tilespmem:$0xB50] =	vst v3;
	v3 =	vor.u32 v0, v49  }
0x175: {  	[tilespmem:$0xB60] =	vst v3;
	v3 =	vor.u32 v0, v50  }
0x176: {  	s11 =	simm.s32 $0xB00;
	[tilespmem:$0xB70] =	vst v3  }
0x177: {  	[tilespmem:s12], [sflag:$0xF] =	stream.indirect.gather [hbm4b:s4+s25], $0x40, s11, s25, $0xb8;
	[tilespmem:$0x1D8A0] =	vst v63  }
0x178: {  	s11 =	simm.s32 $0x8  }
0x179: {  	_ =	swait.ge [sflag:s11], $0x100  }
0x17a: {  	[sflag:s11] =	ssyncset.done $0x0  }
0x17b: {  	[sflag:s11] =	ssyncadd.s32 $0xFFFFFF00  }
0x17c: {  	v3 =	vld [tilespmem:$0x700]  }
0x17d: {  	v51 =	vld [tilespmem:$0x710]  }
0x17e: {  	v52 =	vld [tilespmem:$0x720]  }
0x17f: {  	v53 =	vld [tilespmem:$0x730]  }
0x180: {  	v54 =	vld [tilespmem:$0x740]  }
0x181: {  	v55 =	vld [tilespmem:$0x750];
	v3 =	vshll.u32 v3, $0x1  }
0x182: {  	v56 =	vld [tilespmem:$0x760];
	v4 =	vshll.u32 v51, $0x1;
	v3 =	vor.u32 v0, v3  }
0x183: {  	v58 =	vld [tilespmem:$0x770];
	v57 =	vshll.u32 v52, $0x1;
	[tilespmem:$0xB80] =	vst v3;
	v3 =	vor.u32 v0, v4  }
0x184: {  	v59 =	vshll.u32 v53, $0x1;
	[tilespmem:$0xB90] =	vst v3;
	v3 =	vor.u32 v0, v57  }
0x185: {  	v60 =	vshll.u32 v54, $0x1;
	[tilespmem:$0xBA0] =	vst v3;
	v3 =	vor.u32 v0, v59  }
0x186: {  	v61 =	vshll.u32 v55, $0x1;
	[tilespmem:$0xBB0] =	vst v3;
	v3 =	vor.u32 v0, v60  }
0x187: {  	v62 =	vshll.u32 v56, $0x1;
	[tilespmem:$0xBC0] =	vst v3;
	v3 =	vor.u32 v0, v61  }
0x188: {  	v63 =	vshll.u32 v58, $0x1;
	[tilespmem:$0xBD0] =	vst v3;
	v3 =	vor.u32 v0, v62  }
0x189: {  	[tilespmem:$0xBE0] =	vst v3;
	v3 =	vor.u32 v0, v63  }
0x18a: {  	s11 =	simm.s32 $0xB80;
	[tilespmem:$0xBF0] =	vst v3  }
0x18b: {  	[tilespmem:s17], [sflag:$0x10] =	stream.indirect.gather [hbm4b:s4+s25], $0x40, s11, s25, $0xb8;
	[tilespmem:$0x1D8A0] =	vst v63  }
0x18c: {  	_ =	swait.ge [sflag:s28], $0x2000  }
0x18d: {  	[sflag:s28] =	ssyncset.done $0x0  }
0x18e: {  	[sflag:s28] =	ssyncadd.s32 $0xFFFFE000  }
0x18f: {  	[spmem:s1] =	stream.indirect.scatter.add.f32 [tilespmem:s23], [sflag:$0x11], $0x40, s25, s25, $0xb8;
	[tilespmem:$0x1D8A0] =	vst v63  }
0x190: {  	_ =	swait.ge [sflag:s29], $0x2000  }
0x191: {  	[sflag:s29] =	ssyncset.done $0x0  }
0x192: {  	s23 =	simm.s32 $0x180;
	[sflag:s29] =	ssyncadd.s32 $0xFFFFE000  }
0x193: {  	[spmem:s1] =	stream.indirect.scatter.add.f32 [tilespmem:s24], [sflag:$0x12], $0x40, s23, s25, $0xb8;
	[tilespmem:$0x1D8A0] =	vst v63  }
0x194: {  	_ =	swait.ge [sflag:s7], $0x2000  }
0x195: {  	[sflag:s7] =	ssyncset.done $0x0  }
0x196: {  	s24 =	simm.s32 $0x280;
	[sflag:s7] =	ssyncadd.s32 $0xFFFFE000  }
0x197: {  	[spmem:s1] =	stream.indirect.scatter.add.f32 [tilespmem:s15], [sflag:$0x13], $0x40, s24, s25, $0xb8;
	[tilespmem:$0x1D8A0] =	vst v63  }
0x198: {  	_ =	swait.ge [sflag:s6], $0x2000  }
0x199: {  	[sflag:s6] =	ssyncset.done $0x0  }
0x19a: {  	s23 =	simm.s32 $0x380;
	[sflag:s6] =	ssyncadd.s32 $0xFFFFE000  }
0x19b: {  	[spmem:s1] =	stream.indirect.scatter.add.f32 [tilespmem:s2], [sflag:$0x14], $0x40, s23, s25, $0xb8;
	[tilespmem:$0x1D8A0] =	vst v63  }
0x19c: {  	_ =	swait.ge [sflag:s14], $0x2000  }
0x19d: {  	[sflag:s14] =	ssyncset.done $0x0  }
0x19e: {  	s24 =	simm.s32 $0x480;
	[sflag:s14] =	ssyncadd.s32 $0xFFFFE000  }
0x19f: {  	[spmem:s1] =	stream.indirect.scatter.add.f32 [tilespmem:s3], [sflag:$0x15], $0x40, s24, s25, $0xb8;
	[tilespmem:$0x1D8A0] =	vst v63  }
0x1a0: {  	_ =	swait.ge [sflag:s21], $0x2000  }
0x1a1: {  	[sflag:s21] =	ssyncset.done $0x0  }
0x1a2: {  	s11 =	simm.s32 $0x580;
	[sflag:s21] =	ssyncadd.s32 $0xFFFFE000  }
0x1a3: {  	[spmem:s1] =	stream.indirect.scatter.add.f32 [tilespmem:s9], [sflag:$0x16], $0x40, s11, s25, $0xb8;
	[tilespmem:$0x1D8A0] =	vst v63  }
0x1a4: {  	_ =	swait.ge [sflag:s18], $0x2000  }
0x1a5: {  	[sflag:s18] =	ssyncset.done $0x0  }
0x1a6: {  	s15 =	simm.s32 $0x680;
	[sflag:s18] =	ssyncadd.s32 $0xFFFFE000  }
0x1a7: {  	[spmem:s1] =	stream.indirect.scatter.add.f32 [tilespmem:s12], [sflag:$0x17], $0x40, s15, s25, $0xb8;
	[tilespmem:$0x1D8A0] =	vst v63  }
0x1a8: {  	_ =	swait.ge [sflag:s30], $0x2000  }
0x1a9: {  	[sflag:s30] =	ssyncset.done $0x0  }
0x1aa: {  	s23 =	simm.s32 $0x780;
	[sflag:s30] =	ssyncadd.s32 $0xFFFFE000  }
0x1ab: {  	[spmem:s1] =	stream.indirect.scatter.add.f32 [tilespmem:s17], [sflag:$0x18], $0x40, s23, s25, $0xb8;
	[tilespmem:$0x1D8A0] =	vst v63  }
0x1ac: {  	_ =	swait.ge [sflag:s31], $0x2000  }
0x1ad: {  	s24 =	rddreg [dreg:$0x14]  }
0x1ae: {  	[sflag:s31] =	ssyncset.done $0x0;
	s23 =	sadd.s32 s19, s24  }
0x1af: {  	s2 =	simm.s32 $0x0;
	[sflag:s31] =	ssyncadd.s32 $0xFFFFE000;
	s11 =	sadd.s32 $0x80, s23  }
0x1b0: {  	[tilespmem:s2], [sflag:$0x1] =	stream.strided.gather [hbm4b:s11+s25], $0x100, s26, s25, $0x38;
	[tilespmem:$0x1D8A0] =	vst v63  }
0x1b1: {  	_ =	swait.ge [sflag:s10], $0x2000  }
0x1b2: {  	[sflag:s10] =	ssyncset.done $0x0  }
0x1b3: {  	s15 =	simm.s32 $0x100;
	s3 =	sadd.s32 $0x90, s23;
	[sflag:s10] =	ssyncadd.s32 $0xFFFFE000  }
0x1b4: {  	[tilespmem:s15], [sflag:$0x2] =	stream.strided.gather [hbm4b:s3+s25], $0x100, s26, s25, $0x38;
	[tilespmem:$0x1D8A0] =	vst v63  }
0x1b5: {  	_ =	swait.ge [sflag:s22], $0x2000  }
0x1b6: {  	[sflag:s22] =	ssyncset.done $0x0  }
0x1b7: {  	s24 =	sadd.s32 $0xA0, s23;
	s2 =	simm.s32 $0x200;
	[sflag:s22] =	ssyncadd.s32 $0xFFFFE000  }
0x1b8: {  	[tilespmem:s2], [sflag:$0x3] =	stream.strided.gather [hbm4b:s24+s25], $0x100, s26, s25, $0x38;
	[tilespmem:$0x1D8A0] =	vst v63  }
0x1b9: {  	_ =	swait.ge [sflag:s5], $0x2000  }
0x1ba: {  	p1 =	seq.s32 s19, $0x900;
	s3 =	sadd.s32 $0xB0, s23;
	[sflag:s5] =	ssyncset.done $0x0  }
.Ltmp4:
0x1bb: {  	s15 =	simm.s32 $0x300;
	[sflag:s5] =	ssyncadd.s32 $0xFFFFE000;
	(pc) =	sbr.rel @p1 .LBB2_8-.Ltmp4, $4  }
0x1bc: {  	[tilespmem:s15], [sflag:$0x4] =	stream.strided.gather [hbm4b:s3+s25], $0x100, s26, s25, $0x38;
	[tilespmem:$0x1D8A0] =	vst v63  }
0x1bd: {  	_ =	swait.ge [sflag:s8], $0x2000  }
0x1be: {  	[sflag:s8] =	ssyncset.done $0x0  }
0x1bf: {  	[sflag:s8] =	ssyncadd.s32 $0xFFFFE000  }
0x1c0: {  	s11 =	sadd.s32 $0xC0, s23;
	s24 =	simm.s32 $0x400  }
0x1c1: {  	[tilespmem:s24], [sflag:$0x5] =	stream.strided.gather [hbm4b:s11+s25], $0x100, s26, s25, $0x38;
	[tilespmem:$0x1D8A0] =	vst v63  }
0x1c2: {  	_ =	swait.ge [sflag:s0], $0x2000  }
0x1c3: {  	[sflag:s0] =	ssyncset.done $0x0  }
0x1c4: {  	s2 =	simm.s32 $0x500;
	s24 =	sadd.s32 $0xD0, s23;
	[sflag:s0] =	ssyncadd.s32 $0xFFFFE000  }
0x1c5: {  	[tilespmem:s2], [sflag:$0x6] =	stream.strided.gather [hbm4b:s24+s25], $0x100, s26, s25, $0x38;
	[tilespmem:$0x1D8A0] =	vst v63  }
0x1c6: {  	_ =	swait.ge [sflag:s13], $0x2000  }
0x1c7: {  	[sflag:s13] =	ssyncset.done $0x0  }
0x1c8: {  	s3 =	sadd.s32 $0xE0, s23;
	s15 =	simm.s32 $0x600;
	[sflag:s13] =	ssyncadd.s32 $0xFFFFE000  }
0x1c9: {  	[tilespmem:s15], [sflag:$0x7] =	stream.strided.gather [hbm4b:s3+s25], $0x100, s26, s25, $0x38;
	[tilespmem:$0x1D8A0] =	vst v63  }
.Ltmp5:
0x1ca: {  	_ = 	snop;
	(pc) =	sbr.rel .LBB2_6-.Ltmp5, $4  }
0x1cb: {  	_ =	swait.ge [sflag:s16], $0x2000  }
0x1cc: {  	s19 =	sadd.s32 $0x80, s19;
	[sflag:s16] =	ssyncset.done $0x0  }
0x1cd: {  	s23 =	sadd.s32 $0xF0, s23;
	s24 =	simm.s32 $0x700;
	[sflag:s16] =	ssyncadd.s32 $0xFFFFE000  }
0x1ce: {  	[tilespmem:s24], [sflag:$0x8] =	stream.strided.gather [hbm4b:s23+s25], $0x100, s26, s25, $0x38;
	[tilespmem:$0x1D8A0] =	vst v63  }
.LBB2_9:
0x1cf: {  	_ =	sfence.sel $0x180000  }
0x1d0: {  	[bflag:$0x0] =	sbarrier.arrive $0xFFFF  }
0x1d1: {  	_ =	strace $0x9000004A  }
0x1d2: {  	[bflag:$0x2] =	sbarrier.arrive $0xFFFF  }
0x1d3: {  	s0 =	rddreg [dreg:$0x2]  }
0x1d4: {  	s0 =	sadd.s32 @!p0 $0x100000, s0  }
0x1d5: {  	[sflag:s0] =	ssyncadd.tile.s32 @!p0 $0x1;
	_ =	shalt  }
.Lfunc_end2:
_tile_overlayer_lowered:
.L_overlay_start_2:
0x1d6: {  	(tag) =	ssettag $0x2  }
0x1d7: {  	s0 =	rddreg [dreg:$0x0];
	s2 =	stileid.u32  }
0x1d8: {  	s1 =	rddreg [dreg:$0x1];
	p0 =	sne.s32 s2, $0x0  }
0x1d9: {  	s3 =	rddreg [dreg:$0x2];
	[bflag:$0x3] =	sbarrier.arrive $0xFFFF;
	s2 =	simm.s32 @!p0 $0x1C1A  }
0x1da: {  	[timem:s3], [sflag:s2] =	dma.local @!p0 [hbm:s0], s1  }
0x1db: {  	s0 =	simm.s32 @!p0 $0x1A  }
0x1dc: {  	_ =	swait.ge @!p0 [sflag:s0], s1  }
0x1dd: {  	s1 =	ssub.s32 @!p0 $0x0, s1;
	[sflag:s0] =	ssyncset.done @!p0 $0x0  }
0x1de: {  	[sflag:s0] =	ssyncadd.s32 @!p0 s1  }
0x1df: {  	[bflag:$0x3] =	sbarrier.arrive $0xFFFF  }
0x1e0: {  	_ =	shalt  }

// kernel: kernel.8.cloned.1.call-start
scs
__scs_entry_jumppad:
0x0: {  	(pc) =	sbr.rel $0x88, $3  }
0x1: {  	(tag) =	ssettag $0x0;
	lr =	simm.s32 $0x1  }
0x2: {  	[smem:$0x3F88] =	sst lr;
	_ =	strace $0xD0000000  }
0x3: {  	_ = 	snop  }
0x4: {  	_ = 	snop  }
0x5: {  	_ = 	snop  }
0x6: {  	_ = 	snop  }
0x7: {  	_ = 	snop  }
__scs_overlays_trampoline_lowered:
0x8: {  	[smem:$0x3F97] =	sst s0  }
0x9: {  	[smem:$0x3F98] =	sst s1  }
0xa: {  	[smem:$0x3F99] =	sst s2  }
0xb: {  	[smem:$0x3F9A] =	sst s3  }
0xc: {  	[smem:$0x3F9B] =	sst s4  }
0xd: {  	[smem:$0x3F9C] =	sst s5  }
0xe: {  	[smem:$0x3F9D] =	sst s6  }
0xf: {  	[smem:$0x3F9E] =	sst s7  }
0x10: {  	[smem:$0x3F9F] =	sst s8  }
0x11: {  	[smem:$0x3FA0] =	sst s9;
	s0 =	simm.s32 @!p0 $0x0  }
0x12: {  	s1 =	sld [smem:$0x3F86];
	s0 =	simm.s32 @p0 $0x1  }
0x13: {  	[smem:$0x3FA1] =	sst s0;
	s0 =	simm.s32 @!p1 $0x0  }
0x14: {  	s2 =	sld [smem:$0x3F85];
	s0 =	simm.s32 @p1 $0x1  }
0x15: {  	[smem:$0x3FA2] =	sst s0;
	s0 =	simm.s32 @!p2 $0x0  }
0x16: {  	s3 =	sld [smem:$0x3FDB];
	s0 =	simm.s32 @p2 $0x1  }
0x17: {  	s4 =	simm.s32 $0x1BF5;
	[smem:$0x3FA4] =	sst s0  }
0x18: {  	s0 =	sld [smem:$0x3F87];
	_ =	swait.ge [sflag:s4], $0x0  }
0x19: {  	s7 =	sld [smem:$0x3F88]  }
0x1a: {  	s8 =	sadd.s32 $0xFFFFE003, lr  }
0x1b: {  	s9 =	sadd.s32 $0xFFFFFEF7, lr;
	s5 =	simm.s32 $0xFFFFFFFF;
	p2 =	slt.u32 s8, $0xFFFFF086  }
0x1c: {  	p1 =	slt.u32 s9, $0xF7A;
	s5 =	simm.s32 @!p2 $0x0  }
0x1d: {  	s5 =	simm.s32 @p1 $0x1;
	p0 =	seq.s32 s7, s2  }
0x1e: {  	s7 =	smul.u32 @!p0 $0xF7A, s2;
	p2 =	seq.s32 @!p0 s5, $0x0  }
0x1f: {  	s9 =	smul.u32 $0xF7A, s1;
	s8 =	simm.s32 @!p0 $0x1BF5;
	p2 =	por !p2, p0  }
0x20: {  	[sflag:s8] =	ssyncset.s32 @!p0 $0xFFFFF086;
	s6 =	sadd.s32 @!p0 s3, s7;
	s7 =	simm.s32 @!p0 $0x108  }
0x21: {  	s3 =	sadd.s32 s3, s9;
	s6 =	sadd.s32 @!p0 $0x88, s6;
	s7 =	simm.s32 @p2 $0x1082  }
0x22: {  	[simem:s7], [sflag:s8] =	dma.local @!p0 [hbm:s6], $0xF7A  }
0x23: {  	s9 =	sor.u32 $0xD0000000, s2;
	s6 =	simm.s32 $0x108;
	_ =	swait.ge @!p0 [sflag:s8], $0x0  }
0x24: {  	s3 =	sadd.s32 $0x88, s3;
	s6 =	simm.s32 @!p1 $0x1082;
	[sflag:s4] =	ssyncset.s32 $0xFFFFF086  }
0x25: {  	[simem:s6], [sflag:s4] =	dma.local [hbm:s3], $0xF7A  }
0x26: {  	[smem:$0x3F88] =	sst s1;
	(tag) =	ssettag s2;
	_ =	strace s9  }
0x27: {  	s1 =	sld [smem:$0x3F98]  }
0x28: {  	s2 =	sld [smem:$0x3F99]  }
0x29: {  	s4 =	sld [smem:$0x3F9B]  }
0x2a: {  	p0 =	seq.s32 s5, $0x0;
	s5 =	sld [smem:$0x3F9C]  }
0x2b: {  	s6 =	sld [smem:$0x3F9D]  }
0x2c: {  	s7 =	sld [smem:$0x3F9E]  }
0x2d: {  	s3 =	simm.s32 $0x108;
	s8 =	sld [smem:$0x3F9F]  }
0x2e: {  	s3 =	simm.s32 @!p0 $0x1082;
	s9 =	sld [smem:$0x3FA0]  }
0x2f: {  	lr =	sadd.s32 s0, s3;
	s0 =	sld [smem:$0x3F97]  }
0x30: {  	s3 =	sld [smem:$0x3F9A]  }
0x31: {  	[smem:$0x3FA3] =	sst s10  }
0x32: {  	s10 =	sld [smem:$0x3FA1];
	_ =	sdelay $0x3  }
0x33: {  	p0 =	seq.s32 s10, $0x1;
	s10 =	sld [smem:$0x3FA3];
	_ =	sdelay $0x3  }
0x34: {  	[smem:$0x3FA3] =	sst s10  }
0x35: {  	s10 =	sld [smem:$0x3FA2];
	_ =	sdelay $0x3  }
0x36: {  	p1 =	seq.s32 s10, $0x1;
	s10 =	sld [smem:$0x3FA3];
	_ =	sdelay $0x3  }
0x37: {  	[smem:$0x3FA3] =	sst s10  }
0x38: {  	s10 =	sld [smem:$0x3FA4]  }
0x39: {  	_ = 	snop;
	(pc) =	sbr.ind lr, $3  }
0x3a: {  	_ = 	snop  }
0x3b: {  	_ = 	snop  }
0x3c: {  	p2 =	seq.s32 s10, $0x1;
	s10 =	sld [smem:$0x3FA3]  }
0x3d: {  	_ =	shalt  }
0x3e: {  	_ =	shalt  }
0x3f: {  	_ =	shalt  }
0x40: {  	_ =	shalt  }
0x41: {  	_ =	shalt  }
0x42: {  	_ =	shalt  }
0x43: {  	_ =	shalt  }
0x44: {  	_ =	shalt  }
0x45: {  	_ =	shalt  }
0x46: {  	_ =	shalt  }
0x47: {  	_ =	shalt  }
0x48: {  	_ =	shalt  }
0x49: {  	_ =	shalt  }
0x4a: {  	_ =	shalt  }
0x4b: {  	_ =	shalt  }
0x4c: {  	_ =	shalt  }
0x4d: {  	_ =	shalt  }
0x4e: {  	_ =	shalt  }
0x4f: {  	_ =	shalt  }
0x50: {  	_ =	shalt  }
0x51: {  	_ =	shalt  }
0x52: {  	_ =	shalt  }
0x53: {  	_ =	shalt  }
0x54: {  	_ =	shalt  }
0x55: {  	_ =	shalt  }
0x56: {  	_ =	shalt  }
0x57: {  	_ =	shalt  }
0x58: {  	_ =	shalt  }
0x59: {  	_ =	shalt  }
0x5a: {  	_ =	shalt  }
0x5b: {  	_ =	shalt  }
0x5c: {  	_ =	shalt  }
0x5d: {  	_ =	shalt  }
0x5e: {  	_ =	shalt  }
0x5f: {  	_ =	shalt  }
0x60: {  	_ =	shalt  }
0x61: {  	_ =	shalt  }
0x62: {  	_ =	shalt  }
0x63: {  	_ =	shalt  }
0x64: {  	_ =	shalt  }
0x65: {  	_ =	shalt  }
0x66: {  	_ =	shalt  }
0x67: {  	_ =	shalt  }
0x68: {  	_ =	shalt  }
0x69: {  	_ =	shalt  }
0x6a: {  	_ =	shalt  }
0x6b: {  	_ =	shalt  }
0x6c: {  	_ =	shalt  }
0x6d: {  	_ =	shalt  }
0x6e: {  	_ =	shalt  }
0x6f: {  	_ =	shalt  }
0x70: {  	_ =	shalt  }
0x71: {  	_ =	shalt  }
0x72: {  	_ =	shalt  }
0x73: {  	_ =	shalt  }
0x74: {  	_ =	shalt  }
0x75: {  	_ =	shalt  }
0x76: {  	_ =	shalt  }
0x77: {  	_ =	shalt  }
0x78: {  	_ =	shalt  }
0x79: {  	_ =	shalt  }
0x7a: {  	_ =	shalt  }
0x7b: {  	_ =	shalt  }
0x7c: {  	_ =	shalt  }
0x7d: {  	_ =	shalt  }
0x7e: {  	_ =	shalt  }
0x7f: {  	_ =	shalt  }
0x80: {  	_ =	shalt  }
0x81: {  	_ =	shalt  }
0x82: {  	_ =	shalt  }
0x83: {  	_ =	shalt  }
0x84: {  	_ =	shalt  }
0x85: {  	_ =	shalt  }
0x86: {  	_ =	shalt  }
0x87: {  	_ =	shalt  }
.Lfunc_end0:
.L_simem_size_0:
called_computation_lowered:
.L_overlay_start_0:
0x88: {  	s2 =	sld [smem:$0x3FD9]  }
0x89: {  	s3 =	sld [smem:$0x3FFE];
	_ =	sdelay $0x1  }
0x8a: {  	s1 =	srdreg.scid  }
0x8b: {  	s0 =	sand.u32 $0x1, s1  }
0x8c: {  	s17 =	sshll.u32 s0, $0xA;
	s2 =	sadd.s32 s3, s2  }
0x8d: {  	s2 =	sadd.s32 s2, s17  }
0x8e: {  	[smem:$0x3FAF] =	sst s2  }
0x8f: {  	_ = 	snop  }
0x90: {  	s2 =	sld [smem:$0x3FC9];
	(tm) =	ssettm $0x1  }
0x91: {  	s18 =	sld [smem:$0x3FFB];
	_ =	sdelay $0x3  }
0x92: {  	_ =	strace s18  }
0x93: {  	s3 =	sld [smem:$0x3FFC];
	_ =	sdelay $0x3  }
0x94: {  	_ =	strace s3  }
0x95: {  	s3 =	sld [smem:$0x3FFD];
	_ =	sdelay $0x3  }
0x96: {  	_ =	strace s3  }
0x97: {  	_ =	strace $0x8FFFFFFF  }
0x98: {  	s19 =	sld [smem:$0x3FDB];
	_ =	sdelay $0x1  }
0x99: {  	s4 =	simm.s32 $_scs_section_size  }
0x9a: {  	s5 =	simm.s32 $_size__tile_overlayer_lowered;
	s6 =	simm.s32 $_tile_overlayer_lowered  }
0x9b: {  	s22 =	simm.s32 $0x1BFF;
	s21 =	sshll.u32 s6, $0x1;
	s3 =	sadd.s32 s4, s19  }
0x9c: {  	s7 =	simm.s32 $0x0;
	s20 =	sshll.u32 s5, $0x1;
	s5 =	sadd.s32 s21, s3  }
0x9d: {  	[timem:s7], [sflag:s22] =	dma.local [hbm:s5], s20  }
0x9e: {  	_ =	swait.ge [sflag:s22], s20  }
0x9f: {  	s4 =	ssub.s32 $0x0, s20;
	[sflag:s22] =	ssyncset.done $0x0  }
0xa0: {  	[sflag:s22] =	ssyncadd.s32 s4;
	_ =	sdelay $0x1  }
0xa1: {  	s23 =	simm.s32 $0x1B8B  }
0xa2: {  	_ =	swait.ge [sflag:s23], $0x1  }
0xa3: {  	[sflag:s23] =	ssyncset.done $0x0  }
0xa4: {  	s25 =	simm.s32 $0x1B8E;
	s24 =	sld [smem:$0x3FFE];
	[sflag:s23] =	ssyncadd.s32 $0xFFFFFFFF  }
0xa5: {  	s26 =	simm.s32 $execute0_lowered;
	[smem:$0x3FD2] =	sst s25  }
0xa6: {  	s5 =	sshll.u32 s26, $0x1;
	_ =	strace $0x80000046;
	[dreg:$0x1] =	wrdreg $0xFFFFFFFF  }
0xa7: {  	s28 =	simm.s32 $_size_execute0_lowered;
	s3 =	sadd.s32 s3, s5;
	[dreg:$0x0] =	wrdreg $0x0  }
0xa8: {  	s5 =	sshll.u32 s28, $0x1;
	[dreg:$0x2] =	wrdreg s3  }
0xa9: {  	[dreg:$0x3] =	wrdreg s5  }
0xaa: {  	[dreg:$0x4] =	wrdreg $0xC0  }
0xab: {  	_ =	task [dreg:s7], $0x5FFFF  }
0xac: {  	[dreg:$0x1] =	wrdreg $0xFFFFFFFF  }
0xad: {  	[dreg:$0x0] =	wrdreg $0x60  }
0xae: {  	[dreg:$0x2] =	wrdreg s2  }
0xaf: {  	[dreg:$0x3] =	wrdreg s24  }
0xb0: {  	[dreg:$0x4] =	wrdreg $0x13C600  }
0xb1: {  	[dreg:$0x5] =	wrdreg $0x1D8A00  }
0xb2: {  	[dreg:$0x6] =	wrdreg $0x9  }
0xb3: {  	_ =	task.clear_ibuf [dreg:s7], $0x7FFFF;
	_ =	strace $0x90000046  }
0xb4: {  	s29 =	simm.s32 $0x9;
	_ =	strace $0x80000048  }
0xb5: {  	_ =	swait.ge [sflag:s29], $0x1  }
0xb6: {  	[sflag:s29] =	ssyncadd.s32 $0xFFFFFFFF  }
0xb7: {  	_ =	strace $0x90000048  }
0xb8: {  	_ =	sfence  }
0xb9: {  	s30 =	sld [smem:$0x0];
	_ =	sdelay $0x2  }
0xba: {  	s31 =	sshll.u32 s1, $0xD;
	s1 =	sshrl.u32 s1, $0x2  }
0xbb: {  	s3 =	sand.u32 $0x4000, s31;
	s1 =	sadd.s32 s1, s30  }
0xbc: {  	s0 =	sor.u32 s3, s0;
	s1 =	sshll.u32 s1, $0x11  }
0xbd: {  	s0 =	sor.u32 s1, s0  }
0xbe: {  	s0 =	sadd.s32 $0x8F2B, s0  }
0xbf: {  	[sflag:s0] =	ssyncadd.remote.s32 $0x1  }
0xc0: {  	_ =	sfence.sel $0xFFFF  }
0xc1: {  	[dreg:$0x0] =	wrdreg $0xFFFFFFFF;
	(pc) =	sbr.abs _section_cstart, $3  }
0xc2: {  	[dreg:$0x1] =	wrdreg $0xFFFFFFFF  }
0xc3: {  	_ =	task.clear_ibuf [dreg:s7], $0x2FFFF;
	_ =	strace $0x9FFFFFFF  }
0xc4: {  	(tm) =	ssettm $0x7FFFFFFF  }
0xc5: {  	_ =	shalt  }
tec
execute0_lowered:
.L_overlay_start_1:
0x0: {  	(tag) =	ssettag $0x1  }
0x1: {  	s3 =	stileid.u32  }
0x2: {  	s4 =	rddreg [dreg:$0x1];
	s6 =	smul.u32 $0x270, s3  }
0x3: {  	s2 =	rddreg [dreg:$0x2];
	s8 =	smul.u32 $0x4E20, s3  }
0x4: {  	s1 =	rddreg [dreg:$0x3];
	s10 =	smul.u32 $0x27000, s3  }
0x5: {  	s0 =	simm.s32 $0x0;
	s19 =	srdreg.scid;
	s12 =	smul.u32 $0x9C00, s3  }
0x6: {  	[smem:$0x7FF] =	sst s0;
	s5 =	sadd.s32 $0x4A00, s4;
	s29 =	smul.u32 $0x9C4, s3  }
0x7: {  	s0 =	sand.u32 $0x1, s19;
	s25 =	smul.u32 $0x2700, s3;
	s8 =	sshrl.u32 s8, $0x3  }
0x8: {  	_ =	strace $0x80000047;
	s17 =	sadd.s32 s5, s8;
	s5 =	sadd.s32 s29, s5  }
0x9: {  	s9 =	ssub.s32 $0x2, s0;
	s10 =	sshrl.u32 s10, $0x2;
	[dreg:$0x10] =	wrdreg s5  }
0xa: {  	s20 =	smul.u32 $0x9C400, s0;
	s10 =	sadd.s32 s10, s2;
	[dreg:$0x5] =	wrdreg s17  }
0xb: {  	s23 =	smul.u32 $0x27100, s0;
	s21 =	sadd.s32 $0x10, s17;
	[dreg:$0xe] =	wrdreg s10  }
0xc: {  	s11 =	sshrl.u32 s9, $0x1;
	s22 =	sadd.s32 $0x20, s17;
	[dreg:$0x6] =	wrdreg s21  }
0xd: {  	s6 =	sadd.s32 $0x200, s6;
	s13 =	sadd.s32 $0x30, s17;
	[dreg:$0x7] =	wrdreg s22  }
0xe: {  	s9 =	ssub.s32 s9, s11;
	s24 =	sadd.s32 $0x40, s17;
	[dreg:$0x8] =	wrdreg s13  }
0xf: {  	s26 =	sadd.s32 s12, s20;
	s14 =	sadd.s32 $0x50, s17;
	[dreg:$0x9] =	wrdreg s24  }
0x10: {  	s16 =	sshll.u32 s6, $0x6;
	s30 =	sadd.s32 $0x60, s17;
	[dreg:$0xa] =	wrdreg s14  }
0x11: {  	s6 =	sshll.u32 s6, $0x4;
	s31 =	sadd.s32 s16, s2;
	[dreg:$0xd] =	wrdreg s30  }
0x12: {  	s15 =	sadd.s32 s25, s23;
	s16 =	sadd.s32 s6, s1;
	[dreg:$0xf] =	wrdreg s31  }
0x13: {  	s8 =	sshrl.u32 s20, $0x3;
	s20 =	smax.u32 s9, $0x1;
	[dreg:$0x12] =	wrdreg s16  }
0x14: {  	s11 =	sshrl.u32 s23, $0x3;
	s23 =	sadd.s32 $0x70, s17;
	[dreg:$0x15] =	wrdreg s20  }
0x15: {  	s19 =	sadd.s32 s25, s1;
	s25 =	sadd.s32 $0x2000, s10;
	[dreg:$0x18] =	wrdreg s23  }
0x16: {  	s18 =	sadd.s32 s12, s2;
	s6 =	sadd.s32 $0x9C000, s2;
	[dreg:$0x1c] =	wrdreg s25  }
0x17: {  	s7 =	sadd.s32 $0x22200, s4;
	s21 =	sshrl.u32 s18, $0x3;
	[dreg:$0x19] =	wrdreg s6  }
0x18: {  	s4 =	sadd.s32 $0x18400, s4;
	s22 =	sshrl.u32 s19, $0x3;
	[dreg:$0x16] =	wrdreg s21  }
0x19: {  	p0 =	sne.s32 s3, $0x0;
	s24 =	sadd.s32 $0x9C0, s17;
	[dreg:$0x17] =	wrdreg s22  }
0x1a: {  	s14 =	sshrl.u32 s26, $0x3;
	s26 =	sadd.s32 $0x4000, s10;
	[dreg:$0x1b] =	wrdreg s24  }
0x1b: {  	s28 =	sshrl.u32 s15, $0x3;
	s14 =	sadd.s32 s7, s14;
	[dreg:$0x1d] =	wrdreg s26  }
0x1c: {  	s7 =	sadd.s32 s7, s8;
	[dreg:$0xb] =	wrdreg s14;
	s14 =	sadd.s32 s4, s28  }
0x1d: {  	s3 =	simm.s32 $0x0;
	s7 =	sadd.s32 $0x13800, s7;
	[dreg:$0xc] =	wrdreg s14  }
0x1e: {  	s4 =	sadd.s32 s4, s11;
	s28 =	sadd.s32 $0x6000, s10;
	[dreg:$0x13] =	wrdreg s7  }
0x1f: {  	p1 =	sne.s32 s0, $0x0;
	s4 =	sadd.s32 $0x4E00, s4;
	[dreg:$0x1e] =	wrdreg s28  }
0x20: {  	s14 =	sshrl.u32 s12, $0x2;
	s7 =	sadd.s32 $0x27000, s1;
	[dreg:$0x14] =	wrdreg s4  }
.Ltmp0:
0x21: {  	s15 =	sadd.s32 s14, s1;
	[dreg:$0x1a] =	wrdreg s7;
	(pc) =	sbr.rel .LBB2_1-.Ltmp0, $4  }
0x22: {  	p2 =	seq.s32 s0, $0x0;
	s29 =	sadd.s32 $0x800, s15;
	[dreg:$0x11] =	wrdreg s15  }
0x23: {  	s9 =	simm.s32 $0x80;
	s30 =	sadd.s32 $0x1000, s15;
	[dreg:$0x1f] =	wrdreg s29  }
0x24: {  	s13 =	simm.s32 $0x4E200;
	s31 =	sadd.s32 $0x1800, s15;
	[smem:$0x7FC] =	sst s30  }
0x25: {  	v1 =	vimm.f32 $0.0e+00;
	v2 =	vimm.f32 $1.000000000e+00;
	v0 =	vmov s0;
	s8 =	simm.s32 $0x1A;
	s26 =	simm.s32 $0x4E200;
	[smem:$0x7FD] =	sst s31  }
.LBB2_8:
0x26: {  	s1 =	simm.s32 $0x1  }
0x27: {  	_ =	swait.ge [sflag:s1], $0x100  }
0x28: {  	[sflag:s1] =	ssyncset.done $0x0  }
0x29: {  	[sflag:s1] =	ssyncadd.s32 $0xFFFFFF00  }
0x2a: {  	v3 =	vld [tilespmem:$0x0]  }
0x2b: {  	v4 =	vld [tilespmem:$0x10]  }
0x2c: {  	v5 =	vld [tilespmem:$0x20]  }
0x2d: {  	v6 =	vld [tilespmem:$0x30]  }
0x2e: {  	v7 =	vld [tilespmem:$0x40]  }
0x2f: {  	v8 =	vld [tilespmem:$0x50];
	v3 =	vshll.u32 v3, $0x1  }
0x30: {  	v9 =	vld [tilespmem:$0x60];
	v4 =	vshll.u32 v4, $0x1;
	v3 =	vor.u32 v0, v3  }
0x31: {  	v18 =	vld [tilespmem:$0x70];
	v17 =	vshll.u32 v5, $0x1;
	[tilespmem:$0x800] =	vst v3;
	v3 =	vor.u32 v0, v4  }
0x32: {  	v19 =	vshll.u32 v6, $0x1;
	[tilespmem:$0x810] =	vst v3;
	v3 =	vor.u32 v0, v17  }
0x33: {  	v20 =	vshll.u32 v7, $0x1;
	[tilespmem:$0x820] =	vst v3;
	v3 =	vor.u32 v0, v19  }
0x34: {  	v21 =	vshll.u32 v8, $0x1;
	[tilespmem:$0x830] =	vst v3;
	v3 =	vor.u32 v0, v20  }
0x35: {  	v22 =	vshll.u32 v9, $0x1;
	[tilespmem:$0x840] =	vst v3;
	v3 =	vor.u32 v0, v21  }
0x36: {  	v23 =	vshll.u32 v18, $0x1;
	[tilespmem:$0x850] =	vst v3;
	v3 =	vor.u32 v0, v22  }
0x37: {  	s3 =	simm.s32 $0x800;
	[tilespmem:$0x860] =	vst v3;
	v3 =	vor.u32 v0, v23  }
0x38: {  	s7 =	simm.s32 $0xC00;
	s10 =	simm.s32 $0x2;
	s1 =	rddreg [dreg:$0x0];
	[tilespmem:$0x870] =	vst v3  }
0x39: {  	[tilespmem:s7], [sflag:$0x9] =	stream.indirect.gather [hbm4b:s1+s9], $0x40, s3, s9, $0xb8;
	[tilespmem:$0x1FFB0] =	vst v63  }
0x3a: {  	_ =	swait.ge [sflag:s10], $0x100  }
0x3b: {  	[sflag:s10] =	ssyncset.done $0x0  }
0x3c: {  	[sflag:s10] =	ssyncadd.s32 $0xFFFFFF00  }
0x3d: {  	v3 =	vld [tilespmem:$0x100]  }
0x3e: {  	v24 =	vld [tilespmem:$0x110]  }
0x3f: {  	v25 =	vld [tilespmem:$0x120]  }
0x40: {  	v26 =	vld [tilespmem:$0x130]  }
0x41: {  	v27 =	vld [tilespmem:$0x140]  }
0x42: {  	v28 =	vld [tilespmem:$0x150];
	v3 =	vshll.u32 v3, $0x1  }
0x43: {  	v29 =	vld [tilespmem:$0x160];
	v4 =	vshll.u32 v24, $0x1;
	v3 =	vor.u32 v0, v3  }
0x44: {  	v31 =	vld [tilespmem:$0x170];
	v30 =	vshll.u32 v25, $0x1;
	[tilespmem:$0x880] =	vst v3;
	v3 =	vor.u32 v0, v4  }
0x45: {  	v32 =	vshll.u32 v26, $0x1;
	[tilespmem:$0x890] =	vst v3;
	v3 =	vor.u32 v0, v30  }
0x46: {  	v33 =	vshll.u32 v27, $0x1;
	[tilespmem:$0x8A0] =	vst v3;
	v3 =	vor.u32 v0, v32  }
0x47: {  	v34 =	vshll.u32 v28, $0x1;
	[tilespmem:$0x8B0] =	vst v3;
	v3 =	vor.u32 v0, v33  }
0x48: {  	v35 =	vshll.u32 v29, $0x1;
	[tilespmem:$0x8C0] =	vst v3;
	v3 =	vor.u32 v0, v34  }
0x49: {  	v36 =	vshll.u32 v31, $0x1;
	[tilespmem:$0x8D0] =	vst v3;
	v3 =	vor.u32 v0, v35  }
0x4a: {  	[tilespmem:$0x8E0] =	vst v3;
	v3 =	vor.u32 v0, v36  }
0x4b: {  	s12 =	simm.s32 $0x880;
	s13 =	simm.s32 $0x3;
	s10 =	simm.s32 $0x2C00;
	[tilespmem:$0x8F0] =	vst v3  }
0x4c: {  	[tilespmem:s10], [sflag:$0xA] =	stream.indirect.gather [hbm4b:s1+s9], $0x40, s12, s9, $0xb8;
	[tilespmem:$0x1FFB0] =	vst v63  }
0x4d: {  	_ =	swait.ge [sflag:s13], $0x100  }
0x4e: {  	[sflag:s13] =	ssyncset.done $0x0  }
0x4f: {  	[sflag:s13] =	ssyncadd.s32 $0xFFFFFF00  }
0x50: {  	v3 =	vld [tilespmem:$0x200]  }
0x51: {  	v37 =	vld [tilespmem:$0x210]  }
0x52: {  	v38 =	vld [tilespmem:$0x220]  }
0x53: {  	v39 =	vld [tilespmem:$0x230]  }
0x54: {  	v40 =	vld [tilespmem:$0x240]  }
0x55: {  	v41 =	vld [tilespmem:$0x250];
	v3 =	vshll.u32 v3, $0x1  }
0x56: {  	v42 =	vld [tilespmem:$0x260];
	v4 =	vshll.u32 v37, $0x1;
	v3 =	vor.u32 v0, v3  }
0x57: {  	v44 =	vld [tilespmem:$0x270];
	v43 =	vshll.u32 v38, $0x1;
	[tilespmem:$0x900] =	vst v3;
	v3 =	vor.u32 v0, v4  }
0x58: {  	v45 =	vshll.u32 v39, $0x1;
	[tilespmem:$0x910] =	vst v3;
	v3 =	vor.u32 v0, v43  }
0x59: {  	v46 =	vshll.u32 v40, $0x1;
	[tilespmem:$0x920] =	vst v3;
	v3 =	vor.u32 v0, v45  }
0x5a: {  	v47 =	vshll.u32 v41, $0x1;
	[tilespmem:$0x930] =	vst v3;
	v3 =	vor.u32 v0, v46  }
0x5b: {  	v48 =	vshll.u32 v42, $0x1;
	[tilespmem:$0x940] =	vst v3;
	v3 =	vor.u32 v0, v47  }
0x5c: {  	v49 =	vshll.u32 v44, $0x1;
	[tilespmem:$0x950] =	vst v3;
	v3 =	vor.u32 v0, v48  }
0x5d: {  	[tilespmem:$0x960] =	vst v3;
	v3 =	vor.u32 v0, v49  }
0x5e: {  	s17 =	simm.s32 $0x900;
	s25 =	simm.s32 $0x4C00;
	s31 =	simm.s32 $0x4;
	[tilespmem:$0x970] =	vst v3  }
0x5f: {  	[tilespmem:s25], [sflag:$0xB] =	stream.indirect.gather [hbm4b:s1+s9], $0x40, s17, s9, $0xb8;
	[tilespmem:$0x1FFB0] =	vst v63  }
0x60: {  	_ =	swait.ge [sflag:s31], $0x100  }
0x61: {  	[sflag:s31] =	ssyncset.done $0x0  }
0x62: {  	[sflag:s31] =	ssyncadd.s32 $0xFFFFFF00  }
0x63: {  	v3 =	vld [tilespmem:$0x300]  }
0x64: {  	v50 =	vld [tilespmem:$0x310]  }
0x65: {  	v51 =	vld [tilespmem:$0x320]  }
0x66: {  	v52 =	vld [tilespmem:$0x330]  }
0x67: {  	v53 =	vld [tilespmem:$0x340]  }
0x68: {  	v54 =	vld [tilespmem:$0x350];
	v3 =	vshll.u32 v3, $0x1  }
0x69: {  	v55 =	vld [tilespmem:$0x360];
	v4 =	vshll.u32 v50, $0x1;
	v3 =	vor.u32 v0, v3  }
0x6a: {  	v57 =	vld [tilespmem:$0x370];
	v56 =	vshll.u32 v51, $0x1;
	[tilespmem:$0x980] =	vst v3;
	v3 =	vor.u32 v0, v4  }
0x6b: {  	v58 =	vshll.u32 v52, $0x1;
	[tilespmem:$0x990] =	vst v3;
	v3 =	vor.u32 v0, v56  }
0x6c: {  	v59 =	vshll.u32 v53, $0x1;
	[tilespmem:$0x9A0] =	vst v3;
	v3 =	vor.u32 v0, v58  }
0x6d: {  	v60 =	vshll.u32 v54, $0x1;
	[tilespmem:$0x9B0] =	vst v3;
	v3 =	vor.u32 v0, v59  }
0x6e: {  	v61 =	vshll.u32 v55, $0x1;
	[tilespmem:$0x9C0] =	vst v3;
	v3 =	vor.u32 v0, v60  }
0x6f: {  	v62 =	vshll.u32 v57, $0x1;
	[tilespmem:$0x9D0] =	vst v3;
	v3 =	vor.u32 v0, v61  }
0x70: {  	[tilespmem:$0x9E0] =	vst v3;
	v3 =	vor.u32 v0, v62  }
0x71: {  	s10 =	simm.s32 $0x980;
	s12 =	simm.s32 $0x6C00;
	s13 =	simm.s32 $0x9;
	[tilespmem:$0x9F0] =	vst v3  }
0x72: {  	[tilespmem:s12], [sflag:$0xC] =	stream.indirect.gather [hbm4b:s1+s9], $0x40, s10, s9, $0xb8;
	[tilespmem:$0x1FFB0] =	vst v63  }
0x73: {  	_ =	swait.ge [sflag:s13], $0x2000  }
0x74: {  	[sflag:s13] =	ssyncset.done $0x0  }
0x75: {  	[sflag:s13] =	ssyncadd.s32 $0xFFFFE000  }
0x76: {  	[spmem:s2] =	stream.indirect.scatter.add.f32 [tilespmem:s7], [sflag:$0x11], $0x40, s9, s9, $0xb8;
	[tilespmem:$0x1FFB0] =	vst v63  }
0x77: {  	_ =	swait.ge @p1 [sflag:s22], $0x2000  }
0x78: {  	[sflag:s22] =	ssyncset.done @p1 $0x0  }
0x79: {  	s3 =	simm.s32 @p1 $0x2C00;
	[sflag:s22] =	ssyncadd.s32 @p1 $0xFFFFE000  }
0x7a: {  	[spmem:s2] =	stream.indirect.scatter.add.f32 @p1 [tilespmem:s3], [sflag:$0x12], $0x40, s23, s11, $0xb8;
	[tilespmem:$0x1FFB0] =	vst v63  }
0x7b: {  	s3 =	rddreg [dreg:$0x3]  }
0x7c: {  	[spmem:s3] =	stream.indirect.scatter.add.f32 @p1 [tilespmem:s19], [sflag:$0x12], $0x10, s23, s11, $0xb8;
	[tilespmem:$0x1FFB0] =	vst v63  }
0x7d: {  	_ =	swait.ge @p1 [sflag:s29], $0x2000  }
0x7e: {  	[sflag:s29] =	ssyncset.done @p1 $0x0  }
0x7f: {  	s10 =	simm.s32 @p1 $0x280;
	s12 =	simm.s32 @p1 $0x4C00;
	[sflag:s29] =	ssyncadd.s32 @p1 $0xFFFFE000  }
0x80: {  	[spmem:s2] =	stream.indirect.scatter.add.f32 @p1 [tilespmem:s12], [sflag:$0x13], $0x40, s10, s11, $0xb8;
	[tilespmem:$0x1FFB0] =	vst v63  }
0x81: {  	_ =	swait.ge @p1 [sflag:s0], $0x2000  }
0x82: {  	[sflag:s0] =	ssyncset.done @p1 $0x0  }
0x83: {  	[sflag:s0] =	ssyncadd.s32 @p1 $0xFFFFE000;
	s0 =	simm.s32 @p1 $0x6C00  }
0x84: {  	[spmem:s2] =	stream.indirect.scatter.add.f32 @p1 [tilespmem:s0], [sflag:$0x14], $0x40, s20, s11, $0xb8;
	[tilespmem:$0x1FFB0] =	vst v63  }
0x85: {  	_ = 	snop  }
0x86: {  	[spmem:s3] =	stream.indirect.scatter.add.f32 @p1 [tilespmem:s19], [sflag:$0x14], $0x10, s20, s11, $0xb8;
	[tilespmem:$0x1FFB0] =	vst v63  }
0x87: {  	_ =	swait.ge @p1 [sflag:s24], $0x2000  }
0x88: {  	[sflag:s24] =	ssyncset.done @p1 $0x0  }
0x89: {  	s0 =	simm.s32 @p1 $0x12;
	[sflag:s24] =	ssyncadd.s32 @p1 $0xFFFFE000  }
0x8a: {  	_ =	swait.ge @p1 [sflag:s0], $0x2000  }
0x8b: {  	[sflag:s0] =	ssyncset.done @p1 $0x0  }
0x8c: {  	[sflag:s0] =	ssyncadd.s32 @p1 $0xFFFFE000  }
0x8d: {  	_ =	swait.ge @p1 [sflag:s0], $0x800  }
0x8e: {  	[sflag:s0] =	ssyncset.done @p1 $0x0  }
0x8f: {  	[sflag:s0] =	ssyncadd.s32 @p1 $0xFFFFF800;
	s0 =	simm.s32 @p1 $0x13  }
0x90: {  	_ =	swait.ge @p1 [sflag:s0], $0x2000  }
0x91: {  	[sflag:s0] =	ssyncset.done @p1 $0x0  }
0x92: {  	[sflag:s0] =	ssyncadd.s32 @p1 $0xFFFFE000;
	s0 =	simm.s32 @p1 $0x14  }
0x93: {  	_ =	swait.ge @p1 [sflag:s0], $0x2000  }
0x94: {  	[sflag:s0] =	ssyncset.done @p1 $0x0  }
0x95: {  	[sflag:s0] =	ssyncadd.s32 @p1 $0xFFFFE000  }
0x96: {  	_ =	swait.ge @p1 [sflag:s0], $0x800  }
0x97: {  	[sflag:s0] =	ssyncset.done @p1 $0x0  }
0x98: {  	[sflag:s0] =	ssyncadd.s32 @p1 $0xFFFFF800  }
0x99: {  	[spmem:s3] =	stream.indirect.scatter.add.f32 @!p1 [tilespmem:s4], [sflag:$0x11], $0x10, s5, s5, $0xb8;
	[tilespmem:$0x1FFB0] =	vst v63  }
0x9a: {  	_ =	swait.ge @!p1 [sflag:s15], $0x2000  }
0x9b: {  	[sflag:s15] =	ssyncset.done @!p1 $0x0  }
0x9c: {  	s0 =	simm.s32 @!p1 $0x180;
	[sflag:s15] =	ssyncadd.s32 @!p1 $0xFFFFE000  }
0x9d: {  	[spmem:s2] =	stream.indirect.scatter.add.f32 @!p1 [tilespmem:s8], [sflag:$0x12], $0x40, s0, s5, $0xb8;
	[tilespmem:$0x1FFB0] =	vst v63  }
0x9e: {  	_ =	swait.ge @!p1 [sflag:s14], $0x2000  }
0x9f: {  	[sflag:s14] =	ssyncset.done @!p1 $0x0  }
0xa0: {  	[sflag:s14] =	ssyncadd.s32 @!p1 $0xFFFFE000  }
0xa1: {  	[spmem:s2] =	stream.indirect.scatter.add.f32 @!p1 [tilespmem:s28], [sflag:$0x13], $0x40, s18, s5, $0xb8;
	[tilespmem:$0x1FFB0] =	vst v63  }
0xa2: {  	_ = 	snop  }
0xa3: {  	[spmem:s3] =	stream.indirect.scatter.add.f32 @!p1 [tilespmem:s4], [sflag:$0x13], $0x10, s18, s5, $0xb8;
	[tilespmem:$0x1FFB0] =	vst v63  }
0xa4: {  	_ =	swait.ge @!p1 [sflag:s6], $0x2000  }
0xa5: {  	[sflag:s6] =	ssyncset.done @!p1 $0x0  }
0xa6: {  	[sflag:s6] =	ssyncadd.s32 @!p1 $0xFFFFE000  }
0xa7: {  	[spmem:s2] =	stream.indirect.scatter.add.f32 @!p1 [tilespmem:s21], [sflag:$0x14], $0x40, s16, s5, $0xb8;
	[tilespmem:$0x1FFB0] =	vst v63  }
0xa8: {  	_ =	swait.ge @!p1 [sflag:s30], $0x2000  }
0xa9: {  	[sflag:s30] =	ssyncset.done @!p1 $0x0  }
0xaa: {  	[sflag:s30] =	ssyncadd.s32 @!p1 $0xFFFFE000  }
0xab: {  	_ =	swait.ge @!p1 [sflag:s30], $0x800  }
0xac: {  	[sflag:s30] =	ssyncset.done @!p1 $0x0  }
0xad: {  	s0 =	simm.s32 @!p1 $0x12;
	[sflag:s30] =	ssyncadd.s32 @!p1 $0xFFFFF800  }
0xae: {  	_ =	swait.ge @!p1 [sflag:s0], $0x2000  }
0xaf: {  	[sflag:s0] =	ssyncset.done @!p1 $0x0  }
0xb0: {  	[sflag:s0] =	ssyncadd.s32 @!p1 $0xFFFFE000;
	s0 =	simm.s32 @!p1 $0x13  }
0xb1: {  	_ =	swait.ge @!p1 [sflag:s0], $0x2000  }
0xb2: {  	[sflag:s0] =	ssyncset.done @!p1 $0x0  }
0xb3: {  	[sflag:s0] =	ssyncadd.s32 @!p1 $0xFFFFE000  }
0xb4: {  	_ =	swait.ge @!p1 [sflag:s0], $0x800  }
0xb5: {  	[sflag:s0] =	ssyncset.done @!p1 $0x0  }
0xb6: {  	[sflag:s0] =	ssyncadd.s32 @!p1 $0xFFFFF800;
	s0 =	simm.s32 @!p1 $0x14  }
0xb7: {  	_ =	swait.ge @!p1 [sflag:s0], $0x2000  }
0xb8: {  	s19 =	simm.s32 $0x10C00;
	s8 =	simm.s32 $0x1A;
	[sflag:s0] =	ssyncset.done @!p1 $0x0  }
0xb9: {  	s18 =	simm.s32 $0x20;
	s17 =	rddreg [dreg:$0x1b];
	[sflag:s0] =	ssyncadd.s32 @!p1 $0xFFFFE000  }
0xba: {  	[tilespmem:s19], [sflag:$0x1A] =	stream.strided.gather [hbm4b:s17+s18], $0x40, s26, s18, $0x38;
	[tilespmem:$0x1FFB0] =	vst v63  }
0xbb: {  	_ =	swait.ge [sflag:s8], $0x40  }
0xbc: {  	[sflag:s8] =	ssyncset.done $0x0  }
0xbd: {  	[sflag:s8] =	ssyncadd.s32 $0xFFFFFFC0  }
0xbe: {  	v3 =	vld [tilespmem:$0x10C00]  }
0xbf: {  	v63 =	vld [tilespmem:$0x10C10];
	_ =	sdelay $0x3  }
0xc0: {  	v3 =	vshll.u32 v3, $0x1  }
0xc1: {  	v4 =	vshll.u32 v63, $0x1;
	v3 =	vor.u32 v0, v3  }
0xc2: {  	[tilespmem:$0x10C40] =	vst v3;
	v3 =	vor.u32 v0, v4  }
0xc3: {  	s20 =	simm.s32 $0x10C40;
	s21 =	simm.s32 $0x19;
	[tilespmem:$0x10C50] =	vst v3  }
0xc4: {  	[tilespmem:s7], [sflag:$0x19] =	stream.indirect.gather [hbm4b:s1+s18], $0x40, s20, s18, $0xb8;
	[tilespmem:$0x1FFB0] =	vst v63  }
0xc5: {  	_ =	swait.ge [sflag:s21], $0x800  }
0xc6: {  	[sflag:s21] =	ssyncset.done $0x0  }
0xc7: {  	s22 =	simm.s32 $0x10C20;
	[sflag:s21] =	ssyncadd.s32 $0xFFFFF800  }
0xc8: {  	[spmem:s2] =	stream.indirect.scatter.add.f32 [tilespmem:s7], [sflag:$0x1A], $0x40, s22, s18, $0xb8;
	[tilespmem:$0x1FFB0] =	vst v63  }
0xc9: {  	_ =	swait.ge [sflag:s8], $0x800  }
0xca: {  	[sflag:s8] =	ssyncset.done $0x0  }
0xcb: {  	s0 =	simm.s32 @!p1 $0x20;
	s1 =	simm.s32 @!p1 $0x10C20;
	[sflag:s8] =	ssyncadd.s32 $0xFFFFF800  }
0xcc: {  	[spmem:s3] =	stream.indirect.scatter.add.f32 @!p1 [tilespmem:s4], [sflag:$0x1A], $0x10, s1, s0, $0xb8;
	[tilespmem:$0x1FFB0] =	vst v63  }
0xcd: {  	s0 =	simm.s32 @!p1 $0x1A  }
0xce: {  	_ =	swait.ge @!p1 [sflag:s0], $0x200  }
0xcf: {  	[sflag:s0] =	ssyncset.done @!p1 $0x0  }
0xd0: {  	[sflag:s0] =	ssyncadd.s32 @!p1 $0xFFFFFE00  }
0xd1: {  	s23 =	stileid.u32;
	[bflag:$0x0] =	sbarrier.arrive $0xFFFF  }
0xd2: {  	s0 =	sshll.u32 s23, $0x6;
	s24 =	rddreg [dreg:$0xb]  }
0xd3: {  	s0 =	sor.u32 $0x1C1A, s0;
	s25 =	rddreg [dreg:$0x16]  }
0xd4: {  	[hbm:s24], [sflag:s0] =	dma.local [spmem:s25], $0x1380  }
0xd5: {  	_ =	swait.ge [sflag:s8], $0x1380  }
0xd6: {  	[sflag:s8] =	ssyncset.done $0x0;
	s28 =	rddreg [dreg:$0xc]  }
0xd7: {  	s29 =	rddreg [dreg:$0x17];
	[sflag:s8] =	ssyncadd.s32 $0xFFFFEC80  }
0xd8: {  	[hbm:s28], [sflag:s0] =	dma.local [spmem:s29], $0x4E0  }
0xd9: {  	_ =	swait.ge [sflag:s8], $0x4E0  }
0xda: {  	[sflag:s8] =	ssyncset.done $0x0;
	s6 =	rddreg [dreg:$0x19]  }
0xdb: {  	s3 =	rddreg [dreg:$0x13];
	[sflag:s8] =	ssyncadd.s32 $0xFFFFFB20;
	s1 =	sshrl.u32 @!p0 s6, $0x3  }
0xdc: {  	[hbm:s3], [sflag:s0] =	dma.local @!p0 [spmem:s1], $0x80  }
0xdd: {  	s1 =	simm.s32 @!p0 $0x1A  }
0xde: {  	_ =	swait.ge @!p0 [sflag:s1], $0x80  }
0xdf: {  	[sflag:s1] =	ssyncset.done @!p0 $0x0;
	s7 =	rddreg [dreg:$0x1a]  }
0xe0: {  	s4 =	rddreg [dreg:$0x14];
	[sflag:s1] =	ssyncadd.s32 @!p0 $0xFFFFFF80;
	s3 =	sshrl.u32 @!p0 s7, $0x3  }
0xe1: {  	[hbm:s4], [sflag:s0] =	dma.local @!p0 [spmem:s3], $0x20  }
0xe2: {  	_ =	swait.ge @!p0 [sflag:s1], $0x20  }
0xe3: {  	s30 =	sld [smem:$0x7FB];
	_ =	sdelay $0x2  }
0xe4: {  	s31 =	rddreg [dreg:$0x15];
	s3 =	sadd.s32 $0x1, s30  }
0xe5: {  	p3 =	sne.s32 s3, s31  }
.Ltmp1:
0xe6: {  	_ = 	snop;
	(pc) =	sbr.rel @!p3 .LBB2_9-.Ltmp1, $3  }
0xe7: {  	_ =	sdelay $0x1  }
0xe8: {  	[sflag:s1] =	ssyncset.done @!p0 $0x0  }
0xe9: {  	s13 =	simm.s32 $0x4E200;
	[sflag:s1] =	ssyncadd.s32 @!p0 $0xFFFFFFE0  }
.LBB2_1:
0xea: {  	s0 =	simm.s32 $0x0  }
.LBB2_2:
0xeb: {  	p3 =	sne.s32 s0, $0x7F00  }
.Ltmp2:
0xec: {  	s4 =	sshra.s32 s0, $0x2;
	(pc) =	sbr.rel @p3 .LBB2_2-.Ltmp2, $4  }
0xed: {  	[tilespmem:s4+$0x11460] =	vst v1  }
0xee: {  	[tilespmem:s4+$0x11470] =	vst v1  }
0xef: {  	[tilespmem:s4+$0x11480] =	vst v1  }
0xf0: {  	s0 =	sadd.s32 $0x100, s0;
	[tilespmem:s4+$0x11490] =	vst v1  }
0xf1: {  	[smem:$0x7FB] =	sst s3;
	s0 =	simm.s32 $0x40;
	s4 =	simm.s32 $0x0  }
.LBB2_4:
0xf2: {  	p3 =	sne.s32 s0, $0x1FC0;
	[tilespmem:s4+$0x13460] =	vst v1;
	s5 =	smov.u32 s0;
	s0 =	sadd.s32 $0x40, s0  }
.Ltmp3:
0xf3: {  	[tilespmem:s4+$0x10C60] =	vst v2;
	(pc) =	sbr.rel @p3 .LBB2_4-.Ltmp3, $2  }
0xf4: {  	_ =	sdelay $0x2  }
0xf5: {  	s4 =	sshra.s32 s5, $0x2  }
0xf6: {  	[tilespmem:s4+$0x13460] =	vst v1  }
0xf7: {  	[tilespmem:s4+$0x10C60] =	vst v2;
	s0 =	simm.s32 $0x0;
	s1 =	rddreg [dreg:$0x5]  }
0xf8: {  	[tilespmem:s0], [sflag:$0x1] =	stream.strided.gather [hbm4b:s1+s9], $0x100, s13, s9, $0x38;
	[tilespmem:$0x1FFB0] =	vst v63  }
0xf9: {  	s28 =	rddreg [dreg:$0x6];
	s29 =	simm.s32 $0x100  }
0xfa: {  	[tilespmem:s29], [sflag:$0x2] =	stream.strided.gather [hbm4b:s28+s9], $0x100, s13, s9, $0x38;
	[tilespmem:$0x1FFB0] =	vst v63  }
0xfb: {  	s30 =	rddreg [dreg:$0x7];
	s31 =	simm.s32 $0x200  }
0xfc: {  	[tilespmem:s31], [sflag:$0x3] =	stream.strided.gather [hbm4b:s30+s9], $0x100, s13, s9, $0x38;
	[tilespmem:$0x1FFB0] =	vst v63  }
0xfd: {  	s3 =	rddreg [dreg:$0x8];
	s4 =	simm.s32 $0x300  }
0xfe: {  	[tilespmem:s4], [sflag:$0x4] =	stream.strided.gather [hbm4b:s3+s9], $0x100, s13, s9, $0x38;
	[tilespmem:$0x1FFB0] =	vst v63  }
0xff: {  	s5 =	rddreg [dreg:$0x9];
	s10 =	simm.s32 $0x400  }
0x100: {  	[tilespmem:s10], [sflag:$0x5] =	stream.strided.gather [hbm4b:s5+s9], $0x100, s13, s9, $0x38;
	[tilespmem:$0x1FFB0] =	vst v63  }
0x101: {  	s11 =	rddreg [dreg:$0xa];
	s12 =	simm.s32 $0x500  }
0x102: {  	[tilespmem:s12], [sflag:$0x6] =	stream.strided.gather [hbm4b:s11+s9], $0x100, s13, s9, $0x38;
	[tilespmem:$0x1FFB0] =	vst v63  }
0x103: {  	s14 =	rddreg [dreg:$0xd];
	s15 =	simm.s32 $0x600  }
0x104: {  	[tilespmem:s15], [sflag:$0x7] =	stream.strided.gather [hbm4b:s14+s9], $0x100, s13, s9, $0x38;
	[tilespmem:$0x1FFB0] =	vst v63  }
0x105: {  	s16 =	rddreg [dreg:$0x18];
	s17 =	simm.s32 $0x700  }
0x106: {  	[tilespmem:s17], [sflag:$0x8] =	stream.strided.gather [hbm4b:s16+s9], $0x100, s13, s9, $0x38;
	[tilespmem:$0x1FFB0] =	vst v63  }
0x107: {  	s18 =	rddreg [dreg:$0xe];
	s19 =	simm.s32 $0x11460  }
0x108: {  	[spmem:s18] =	stream.linear.scatter [tilespmem:s19], [sflag:$0x1A], $0x2000, $0x38;
	[tilespmem:$0x1FFB0] =	vst v63  }
0x109: {  	_ =	swait.ge [sflag:s8], $0x2000  }
0x10a: {  	[sflag:s8] =	ssyncset.done $0x0  }
0x10b: {  	s20 =	rddreg [dreg:$0x1c];
	[sflag:s8] =	ssyncadd.s32 $0xFFFFE000  }
0x10c: {  	[spmem:s20] =	stream.linear.scatter [tilespmem:s19], [sflag:$0x1A], $0x2000, $0x38;
	[tilespmem:$0x1FFB0] =	vst v63  }
0x10d: {  	_ =	swait.ge [sflag:s8], $0x2000  }
0x10e: {  	[sflag:s8] =	ssyncset.done $0x0  }
0x10f: {  	s21 =	rddreg [dreg:$0x1d];
	[sflag:s8] =	ssyncadd.s32 $0xFFFFE000  }
0x110: {  	[spmem:s21] =	stream.linear.scatter [tilespmem:s19], [sflag:$0x1A], $0x2000, $0x38;
	[tilespmem:$0x1FFB0] =	vst v63  }
0x111: {  	_ =	swait.ge [sflag:s8], $0x2000  }
0x112: {  	[sflag:s8] =	ssyncset.done $0x0  }
0x113: {  	s22 =	rddreg [dreg:$0x1e];
	[sflag:s8] =	ssyncadd.s32 $0xFFFFE000  }
0x114: {  	[spmem:s22] =	stream.linear.scatter [tilespmem:s19], [sflag:$0x1A], $0x2000, $0x38;
	[tilespmem:$0x1FFB0] =	vst v63  }
0x115: {  	_ =	swait.ge [sflag:s8], $0x2000  }
0x116: {  	[sflag:s8] =	ssyncset.done $0x0  }
0x117: {  	s23 =	rddreg [dreg:$0xf];
	[sflag:s8] =	ssyncadd.s32 $0xFFFFE000  }
0x118: {  	[spmem:s23] =	stream.linear.scatter [tilespmem:s19], [sflag:$0x1A], $0x1C00, $0x38;
	[tilespmem:$0x1FFB0] =	vst v63  }
0x119: {  	_ =	swait.ge [sflag:s8], $0x1C00  }
0x11a: {  	[sflag:s8] =	ssyncset.done $0x0  }
0x11b: {  	s25 =	simm.s32 $0x13460;
	s24 =	rddreg [dreg:$0x11];
	[sflag:s8] =	ssyncadd.s32 $0xFFFFE400  }
0x11c: {  	[spmem:s24] =	stream.linear.scatter [tilespmem:s25], [sflag:$0x1A], $0x800, $0x38;
	[tilespmem:$0x1FFB0] =	vst v63  }
0x11d: {  	_ =	swait.ge [sflag:s8], $0x800  }
0x11e: {  	[sflag:s8] =	ssyncset.done $0x0  }
0x11f: {  	s28 =	rddreg [dreg:$0x1f];
	[sflag:s8] =	ssyncadd.s32 $0xFFFFF800  }
0x120: {  	[spmem:s28] =	stream.linear.scatter [tilespmem:s25], [sflag:$0x1A], $0x800, $0x38;
	[tilespmem:$0x1FFB0] =	vst v63  }
0x121: {  	_ =	swait.ge [sflag:s8], $0x800  }
0x122: {  	s29 =	sld [smem:$0x7FC]  }
0x123: {  	[sflag:s8] =	ssyncset.done $0x0  }
0x124: {  	[sflag:s8] =	ssyncadd.s32 $0xFFFFF800  }
0x125: {  	[spmem:s29] =	stream.linear.scatter [tilespmem:s25], [sflag:$0x1A], $0x800, $0x38;
	[tilespmem:$0x1FFB0] =	vst v63  }
0x126: {  	_ =	swait.ge [sflag:s8], $0x800  }
0x127: {  	s30 =	sld [smem:$0x7FD]  }
0x128: {  	[sflag:s8] =	ssyncset.done $0x0  }
0x129: {  	[sflag:s8] =	ssyncadd.s32 $0xFFFFF800  }
0x12a: {  	[spmem:s30] =	stream.linear.scatter [tilespmem:s25], [sflag:$0x1A], $0x800, $0x38;
	[tilespmem:$0x1FFB0] =	vst v63  }
0x12b: {  	_ =	swait.ge [sflag:s8], $0x800  }
0x12c: {  	[sflag:s8] =	ssyncset.done $0x0  }
0x12d: {  	s31 =	rddreg [dreg:$0x12];
	[sflag:s8] =	ssyncadd.s32 $0xFFFFF800  }
0x12e: {  	[spmem:s31] =	stream.linear.scatter [tilespmem:s25], [sflag:$0x1A], $0x700, $0x38;
	[tilespmem:$0x1FFB0] =	vst v63  }
0x12f: {  	_ =	swait.ge [sflag:s8], $0x700  }
0x130: {  	[sflag:s8] =	ssyncset.done $0x0  }
0x131: {  	s0 =	simm.s32 @!p0 $0x11460;
	[sflag:s8] =	ssyncadd.s32 $0xFFFFF900  }
0x132: {  	[spmem:s6] =	stream.linear.scatter @!p0 [tilespmem:s0], [sflag:$0x1A], $0x400, $0x38;
	[tilespmem:$0x1FFB0] =	vst v63  }
0x133: {  	s0 =	simm.s32 @!p0 $0x1A  }
0x134: {  	_ =	swait.ge @!p0 [sflag:s0], $0x400  }
0x135: {  	[sflag:s0] =	ssyncset.done @!p0 $0x0  }
0x136: {  	s4 =	simm.s32 @!p0 $0x13460;
	[sflag:s0] =	ssyncadd.s32 @!p0 $0xFFFFFC00  }
0x137: {  	[spmem:s7] =	stream.linear.scatter @!p0 [tilespmem:s4], [sflag:$0x1A], $0x100, $0x38;
	[tilespmem:$0x1FFB0] =	vst v63  }
0x138: {  	_ =	swait.ge @!p0 [sflag:s0], $0x100  }
0x139: {  	[sflag:s0] =	ssyncset.done @!p0 $0x0  }
0x13a: {  	[sflag:s0] =	ssyncadd.s32 @!p0 $0xFFFFFF00  }
0x13b: {  	s12 =	simm.s32 $0x0;
	[bflag:$0x0] =	sbarrier.arrive $0xFFFF  }
.LBB2_6:
0x13c: {  	s0 =	simm.s32 $0x1  }
0x13d: {  	_ =	swait.ge [sflag:s0], $0x100  }
0x13e: {  	[sflag:s0] =	ssyncset.done $0x0  }
0x13f: {  	[sflag:s0] =	ssyncadd.s32 $0xFFFFFF00  }
0x140: {  	v3 =	vld [tilespmem:$0x0]  }
0x141: {  	v4 =	vld [tilespmem:$0x10]  }
0x142: {  	v5 =	vld [tilespmem:$0x20]  }
0x143: {  	v6 =	vld [tilespmem:$0x30]  }
0x144: {  	v7 =	vld [tilespmem:$0x40]  }
0x145: {  	v8 =	vld [tilespmem:$0x50];
	v3 =	vshll.u32 v3, $0x1  }
0x146: {  	v9 =	vld [tilespmem:$0x60];
	v4 =	vshll.u32 v4, $0x1;
	v3 =	vor.u32 v0, v3  }
0x147: {  	v22 =	vld [tilespmem:$0x70];
	v21 =	vshll.u32 v5, $0x1;
	[tilespmem:$0x800] =	vst v3;
	v3 =	vor.u32 v0, v4  }
0x148: {  	v23 =	vshll.u32 v6, $0x1;
	[tilespmem:$0x810] =	vst v3;
	v3 =	vor.u32 v0, v21  }
0x149: {  	v24 =	vshll.u32 v7, $0x1;
	[tilespmem:$0x820] =	vst v3;
	v3 =	vor.u32 v0, v23  }
0x14a: {  	v25 =	vshll.u32 v8, $0x1;
	[tilespmem:$0x830] =	vst v3;
	v3 =	vor.u32 v0, v24  }
0x14b: {  	v26 =	vshll.u32 v9, $0x1;
	[tilespmem:$0x840] =	vst v3;
	v3 =	vor.u32 v0, v25  }
0x14c: {  	v27 =	vshll.u32 v22, $0x1;
	[tilespmem:$0x850] =	vst v3;
	v3 =	vor.u32 v0, v26  }
0x14d: {  	s1 =	simm.s32 $0x800;
	[tilespmem:$0x860] =	vst v3;
	v3 =	vor.u32 v0, v27  }
0x14e: {  	s3 =	simm.s32 $0xC00;
	s16 =	simm.s32 $0x2;
	s0 =	rddreg [dreg:$0x0];
	[tilespmem:$0x870] =	vst v3  }
0x14f: {  	[tilespmem:s3], [sflag:$0x9] =	stream.indirect.gather [hbm4b:s0+s9], $0x40, s1, s9, $0xb8;
	[tilespmem:$0x1FFB0] =	vst v63  }
0x150: {  	_ =	swait.ge [sflag:s16], $0x100  }
0x151: {  	[sflag:s16] =	ssyncset.done $0x0  }
0x152: {  	[sflag:s16] =	ssyncadd.s32 $0xFFFFFF00  }
0x153: {  	v3 =	vld [tilespmem:$0x100]  }
0x154: {  	v28 =	vld [tilespmem:$0x110]  }
0x155: {  	v29 =	vld [tilespmem:$0x120]  }
0x156: {  	v30 =	vld [tilespmem:$0x130]  }
0x157: {  	v31 =	vld [tilespmem:$0x140]  }
0x158: {  	v32 =	vld [tilespmem:$0x150];
	v3 =	vshll.u32 v3, $0x1  }
0x159: {  	v33 =	vld [tilespmem:$0x160];
	v4 =	vshll.u32 v28, $0x1;
	v3 =	vor.u32 v0, v3  }
0x15a: {  	v35 =	vld [tilespmem:$0x170];
	v34 =	vshll.u32 v29, $0x1;
	[tilespmem:$0x880] =	vst v3;
	v3 =	vor.u32 v0, v4  }
0x15b: {  	v36 =	vshll.u32 v30, $0x1;
	[tilespmem:$0x890] =	vst v3;
	v3 =	vor.u32 v0, v34  }
0x15c: {  	v37 =	vshll.u32 v31, $0x1;
	[tilespmem:$0x8A0] =	vst v3;
	v3 =	vor.u32 v0, v36  }
0x15d: {  	v38 =	vshll.u32 v32, $0x1;
	[tilespmem:$0x8B0] =	vst v3;
	v3 =	vor.u32 v0, v37  }
0x15e: {  	v39 =	vshll.u32 v33, $0x1;
	[tilespmem:$0x8C0] =	vst v3;
	v3 =	vor.u32 v0, v38  }
0x15f: {  	v40 =	vshll.u32 v35, $0x1;
	[tilespmem:$0x8D0] =	vst v3;
	v3 =	vor.u32 v0, v39  }
0x160: {  	[tilespmem:$0x8E0] =	vst v3;
	v3 =	vor.u32 v0, v40  }
0x161: {  	s17 =	simm.s32 $0x880;
	s4 =	simm.s32 $0x2C00;
	s18 =	simm.s32 $0x3;
	[tilespmem:$0x8F0] =	vst v3  }
0x162: {  	[tilespmem:s4], [sflag:$0xA] =	stream.indirect.gather [hbm4b:s0+s9], $0x40, s17, s9, $0xb8;
	[tilespmem:$0x1FFB0] =	vst v63  }
0x163: {  	_ =	swait.ge [sflag:s18], $0x100  }
0x164: {  	[sflag:s18] =	ssyncset.done $0x0  }
0x165: {  	[sflag:s18] =	ssyncadd.s32 $0xFFFFFF00  }
0x166: {  	v3 =	vld [tilespmem:$0x200]  }
0x167: {  	v41 =	vld [tilespmem:$0x210]  }
0x168: {  	v42 =	vld [tilespmem:$0x220]  }
0x169: {  	v43 =	vld [tilespmem:$0x230]  }
0x16a: {  	v44 =	vld [tilespmem:$0x240]  }
0x16b: {  	v45 =	vld [tilespmem:$0x250];
	v3 =	vshll.u32 v3, $0x1  }
0x16c: {  	v46 =	vld [tilespmem:$0x260];
	v4 =	vshll.u32 v41, $0x1;
	v3 =	vor.u32 v0, v3  }
0x16d: {  	v48 =	vld [tilespmem:$0x270];
	v47 =	vshll.u32 v42, $0x1;
	[tilespmem:$0x900] =	vst v3;
	v3 =	vor.u32 v0, v4  }
0x16e: {  	v49 =	vshll.u32 v43, $0x1;
	[tilespmem:$0x910] =	vst v3;
	v3 =	vor.u32 v0, v47  }
0x16f: {  	v50 =	vshll.u32 v44, $0x1;
	[tilespmem:$0x920] =	vst v3;
	v3 =	vor.u32 v0, v49  }
0x170: {  	v51 =	vshll.u32 v45, $0x1;
	[tilespmem:$0x930] =	vst v3;
	v3 =	vor.u32 v0, v50  }
0x171: {  	v52 =	vshll.u32 v46, $0x1;
	[tilespmem:$0x940] =	vst v3;
	v3 =	vor.u32 v0, v51  }
0x172: {  	v53 =	vshll.u32 v48, $0x1;
	[tilespmem:$0x950] =	vst v3;
	v3 =	vor.u32 v0, v52  }
0x173: {  	[tilespmem:$0x960] =	vst v3;
	v3 =	vor.u32 v0, v53  }
0x174: {  	s19 =	simm.s32 $0x900;
	s20 =	simm.s32 $0x4C00;
	s21 =	simm.s32 $0x4;
	[tilespmem:$0x970] =	vst v3  }
0x175: {  	[tilespmem:s20], [sflag:$0xB] =	stream.indirect.gather [hbm4b:s0+s9], $0x40, s19, s9, $0xb8;
	[tilespmem:$0x1FFB0] =	vst v63  }
0x176: {  	_ =	swait.ge [sflag:s21], $0x100  }
0x177: {  	[sflag:s21] =	ssyncset.done $0x0  }
0x178: {  	[sflag:s21] =	ssyncadd.s32 $0xFFFFFF00  }
0x179: {  	v3 =	vld [tilespmem:$0x300]  }
0x17a: {  	v54 =	vld [tilespmem:$0x310]  }
0x17b: {  	v55 =	vld [tilespmem:$0x320]  }
0x17c: {  	v56 =	vld [tilespmem:$0x330]  }
0x17d: {  	v57 =	vld [tilespmem:$0x340]  }
0x17e: {  	v58 =	vld [tilespmem:$0x350];
	v3 =	vshll.u32 v3, $0x1  }
0x17f: {  	v59 =	vld [tilespmem:$0x360];
	v4 =	vshll.u32 v54, $0x1;
	v3 =	vor.u32 v0, v3  }
0x180: {  	v61 =	vld [tilespmem:$0x370];
	v60 =	vshll.u32 v55, $0x1;
	[tilespmem:$0x980] =	vst v3;
	v3 =	vor.u32 v0, v4  }
0x181: {  	v62 =	vshll.u32 v56, $0x1;
	[tilespmem:$0x990] =	vst v3;
	v3 =	vor.u32 v0, v60  }
0x182: {  	v63 =	vshll.u32 v57, $0x1;
	[tilespmem:$0x9A0] =	vst v3;
	v3 =	vor.u32 v0, v62  }
0x183: {  	v8 =	vshll.u32 v58, $0x1;
	[tilespmem:$0x9B0] =	vst v3;
	v3 =	vor.u32 v0, v63  }
0x184: {  	v10 =	vshll.u32 v59, $0x1;
	[tilespmem:$0x9C0] =	vst v3;
	v3 =	vor.u32 v0, v8  }
0x185: {  	v11 =	vshll.u32 v61, $0x1;
	[tilespmem:$0x9D0] =	vst v3;
	v3 =	vor.u32 v0, v10  }
0x186: {  	[tilespmem:$0x9E0] =	vst v3;
	v3 =	vor.u32 v0, v11  }
0x187: {  	s22 =	simm.s32 $0x980;
	s23 =	simm.s32 $0x6C00;
	s24 =	simm.s32 $0x5;
	[tilespmem:$0x9F0] =	vst v3  }
0x188: {  	[tilespmem:s23], [sflag:$0xC] =	stream.indirect.gather [hbm4b:s0+s9], $0x40, s22, s9, $0xb8;
	[tilespmem:$0x1FFB0] =	vst v63  }
0x189: {  	_ =	swait.ge [sflag:s24], $0x100  }
0x18a: {  	[sflag:s24] =	ssyncset.done $0x0  }
0x18b: {  	[sflag:s24] =	ssyncadd.s32 $0xFFFFFF00  }
0x18c: {  	v3 =	vld [tilespmem:$0x400]  }
0x18d: {  	v12 =	vld [tilespmem:$0x410]  }
0x18e: {  	v13 =	vld [tilespmem:$0x420]  }
0x18f: {  	v14 =	vld [tilespmem:$0x430]  }
0x190: {  	v15 =	vld [tilespmem:$0x440]  }
0x191: {  	v16 =	vld [tilespmem:$0x450];
	v3 =	vshll.u32 v3, $0x1  }
0x192: {  	v17 =	vld [tilespmem:$0x460];
	v4 =	vshll.u32 v12, $0x1;
	v3 =	vor.u32 v0, v3  }
0x193: {  	v19 =	vld [tilespmem:$0x470];
	v18 =	vshll.u32 v13, $0x1;
	[tilespmem:$0xA00] =	vst v3;
	v3 =	vor.u32 v0, v4  }
0x194: {  	v20 =	vshll.u32 v14, $0x1;
	[tilespmem:$0xA10] =	vst v3;
	v3 =	vor.u32 v0, v18  }
0x195: {  	v21 =	vshll.u32 v15, $0x1;
	[tilespmem:$0xA20] =	vst v3;
	v3 =	vor.u32 v0, v20  }
0x196: {  	v22 =	vshll.u32 v16, $0x1;
	[tilespmem:$0xA30] =	vst v3;
	v3 =	vor.u32 v0, v21  }
0x197: {  	v23 =	vshll.u32 v17, $0x1;
	[tilespmem:$0xA40] =	vst v3;
	v3 =	vor.u32 v0, v22  }
0x198: {  	v24 =	vshll.u32 v19, $0x1;
	[tilespmem:$0xA50] =	vst v3;
	v3 =	vor.u32 v0, v23  }
0x199: {  	[tilespmem:$0xA60] =	vst v3;
	v3 =	vor.u32 v0, v24  }
0x19a: {  	s25 =	simm.s32 $0xA00;
	s31 =	simm.s32 $0x8C00;
	s4 =	simm.s32 $0x6;
	[tilespmem:$0xA70] =	vst v3  }
0x19b: {  	[tilespmem:s31], [sflag:$0xD] =	stream.indirect.gather [hbm4b:s0+s9], $0x40, s25, s9, $0xb8;
	[tilespmem:$0x1FFB0] =	vst v63  }
0x19c: {  	_ =	swait.ge [sflag:s4], $0x100  }
0x19d: {  	[sflag:s4] =	ssyncset.done $0x0  }
0x19e: {  	[sflag:s4] =	ssyncadd.s32 $0xFFFFFF00  }
0x19f: {  	v3 =	vld [tilespmem:$0x500]  }
0x1a0: {  	v25 =	vld [tilespmem:$0x510]  }
0x1a1: {  	v26 =	vld [tilespmem:$0x520]  }
0x1a2: {  	v27 =	vld [tilespmem:$0x530]  }
0x1a3: {  	v28 =	vld [tilespmem:$0x540]  }
0x1a4: {  	v29 =	vld [tilespmem:$0x550];
	v3 =	vshll.u32 v3, $0x1  }
0x1a5: {  	v30 =	vld [tilespmem:$0x560];
	v4 =	vshll.u32 v25, $0x1;
	v3 =	vor.u32 v0, v3  }
0x1a6: {  	v32 =	vld [tilespmem:$0x570];
	v31 =	vshll.u32 v26, $0x1;
	[tilespmem:$0xA80] =	vst v3;
	v3 =	vor.u32 v0, v4  }
0x1a7: {  	v33 =	vshll.u32 v27, $0x1;
	[tilespmem:$0xA90] =	vst v3;
	v3 =	vor.u32 v0, v31  }
0x1a8: {  	v34 =	vshll.u32 v28, $0x1;
	[tilespmem:$0xAA0] =	vst v3;
	v3 =	vor.u32 v0, v33  }
0x1a9: {  	v35 =	vshll.u32 v29, $0x1;
	[tilespmem:$0xAB0] =	vst v3;
	v3 =	vor.u32 v0, v34  }
0x1aa: {  	v36 =	vshll.u32 v30, $0x1;
	[tilespmem:$0xAC0] =	vst v3;
	v3 =	vor.u32 v0, v35  }
0x1ab: {  	v37 =	vshll.u32 v32, $0x1;
	[tilespmem:$0xAD0] =	vst v3;
	v3 =	vor.u32 v0, v36  }
0x1ac: {  	[tilespmem:$0xAE0] =	vst v3;
	v3 =	vor.u32 v0, v37  }
0x1ad: {  	s5 =	simm.s32 $0xA80;
	s6 =	simm.s32 $0xAC00;
	s7 =	simm.s32 $0x7;
	[tilespmem:$0xAF0] =	vst v3  }
0x1ae: {  	[tilespmem:s6], [sflag:$0xE] =	stream.indirect.gather [hbm4b:s0+s9], $0x40, s5, s9, $0xb8;
	[tilespmem:$0x1FFB0] =	vst v63  }
0x1af: {  	_ =	swait.ge [sflag:s7], $0x100  }
0x1b0: {  	[sflag:s7] =	ssyncset.done $0x0  }
0x1b1: {  	[sflag:s7] =	ssyncadd.s32 $0xFFFFFF00  }
0x1b2: {  	v3 =	vld [tilespmem:$0x600]  }
0x1b3: {  	v38 =	vld [tilespmem:$0x610]  }
0x1b4: {  	v39 =	vld [tilespmem:$0x620]  }
0x1b5: {  	v40 =	vld [tilespmem:$0x630]  }
0x1b6: {  	v41 =	vld [tilespmem:$0x640]  }
0x1b7: {  	v42 =	vld [tilespmem:$0x650];
	v3 =	vshll.u32 v3, $0x1  }
0x1b8: {  	v43 =	vld [tilespmem:$0x660];
	v4 =	vshll.u32 v38, $0x1;
	v3 =	vor.u32 v0, v3  }
0x1b9: {  	v45 =	vld [tilespmem:$0x670];
	v44 =	vshll.u32 v39, $0x1;
	[tilespmem:$0xB00] =	vst v3;
	v3 =	vor.u32 v0, v4  }
0x1ba: {  	v46 =	vshll.u32 v40, $0x1;
	[tilespmem:$0xB10] =	vst v3;
	v3 =	vor.u32 v0, v44  }
0x1bb: {  	v47 =	vshll.u32 v41, $0x1;
	[tilespmem:$0xB20] =	vst v3;
	v3 =	vor.u32 v0, v46  }
0x1bc: {  	v48 =	vshll.u32 v42, $0x1;
	[tilespmem:$0xB30] =	vst v3;
	v3 =	vor.u32 v0, v47  }
0x1bd: {  	v49 =	vshll.u32 v43, $0x1;
	[tilespmem:$0xB40] =	vst v3;
	v3 =	vor.u32 v0, v48  }
0x1be: {  	v50 =	vshll.u32 v45, $0x1;
	[tilespmem:$0xB50] =	vst v3;
	v3 =	vor.u32 v0, v49  }
0x1bf: {  	[tilespmem:$0xB60] =	vst v3;
	v3 =	vor.u32 v0, v50  }
0x1c0: {  	s8 =	simm.s32 $0xB00;
	s10 =	simm.s32 $0xCC00;
	s11 =	simm.s32 $0x8;
	[tilespmem:$0xB70] =	vst v3  }
0x1c1: {  	[tilespmem:s10], [sflag:$0xF] =	stream.indirect.gather [hbm4b:s0+s9], $0x40, s8, s9, $0xb8;
	[tilespmem:$0x1FFB0] =	vst v63  }
0x1c2: {  	_ =	swait.ge [sflag:s11], $0x100  }
0x1c3: {  	[sflag:s11] =	ssyncset.done $0x0  }
0x1c4: {  	[sflag:s11] =	ssyncadd.s32 $0xFFFFFF00  }
0x1c5: {  	v3 =	vld [tilespmem:$0x700]  }
0x1c6: {  	v51 =	vld [tilespmem:$0x710]  }
0x1c7: {  	v52 =	vld [tilespmem:$0x720]  }
0x1c8: {  	v53 =	vld [tilespmem:$0x730]  }
0x1c9: {  	v54 =	vld [tilespmem:$0x740]  }
0x1ca: {  	v55 =	vld [tilespmem:$0x750];
	v3 =	vshll.u32 v3, $0x1  }
0x1cb: {  	v56 =	vld [tilespmem:$0x760];
	v4 =	vshll.u32 v51, $0x1;
	v3 =	vor.u32 v0, v3  }
0x1cc: {  	v58 =	vld [tilespmem:$0x770];
	v57 =	vshll.u32 v52, $0x1;
	[tilespmem:$0xB80] =	vst v3;
	v3 =	vor.u32 v0, v4  }
0x1cd: {  	v59 =	vshll.u32 v53, $0x1;
	[tilespmem:$0xB90] =	vst v3;
	v3 =	vor.u32 v0, v57  }
0x1ce: {  	v60 =	vshll.u32 v54, $0x1;
	[tilespmem:$0xBA0] =	vst v3;
	v3 =	vor.u32 v0, v59  }
0x1cf: {  	v61 =	vshll.u32 v55, $0x1;
	[tilespmem:$0xBB0] =	vst v3;
	v3 =	vor.u32 v0, v60  }
0x1d0: {  	v62 =	vshll.u32 v56, $0x1;
	[tilespmem:$0xBC0] =	vst v3;
	v3 =	vor.u32 v0, v61  }
0x1d1: {  	v63 =	vshll.u32 v58, $0x1;
	[tilespmem:$0xBD0] =	vst v3;
	v3 =	vor.u32 v0, v62  }
0x1d2: {  	[tilespmem:$0xBE0] =	vst v3;
	v3 =	vor.u32 v0, v63  }
0x1d3: {  	s14 =	simm.s32 $0xB80;
	s15 =	simm.s32 $0xEC00;
	s16 =	simm.s32 $0x9;
	[tilespmem:$0xBF0] =	vst v3  }
0x1d4: {  	[tilespmem:s15], [sflag:$0x10] =	stream.indirect.gather [hbm4b:s0+s9], $0x40, s14, s9, $0xb8;
	[tilespmem:$0x1FFB0] =	vst v63  }
0x1d5: {  	_ =	swait.ge [sflag:s16], $0x2000  }
0x1d6: {  	[sflag:s16] =	ssyncset.done $0x0  }
0x1d7: {  	s22 =	simm.s32 @p1 $0xA;
	[sflag:s16] =	ssyncadd.s32 $0xFFFFE000  }
0x1d8: {  	[spmem:s2] =	stream.indirect.scatter.add.f32 [tilespmem:s3], [sflag:$0x11], $0x40, s9, s9, $0xb8;
	[tilespmem:$0x1FFB0] =	vst v63  }
0x1d9: {  	_ =	swait.ge @p1 [sflag:s22], $0x2000  }
0x1da: {  	s23 =	simm.s32 @p1 $0x180;
	[sflag:s22] =	ssyncset.done @p1 $0x0  }
0x1db: {  	s11 =	simm.s32 @p1 $0x80;
	s0 =	simm.s32 @p1 $0x2C00;
	[sflag:s22] =	ssyncadd.s32 @p1 $0xFFFFE000  }
0x1dc: {  	[spmem:s2] =	stream.indirect.scatter.add.f32 @p1 [tilespmem:s0], [sflag:$0x12], $0x40, s23, s11, $0xb8;
	[tilespmem:$0x1FFB0] =	vst v63  }
0x1dd: {  	s29 =	simm.s32 @p1 $0xB;
	s19 =	simm.s32 @p1 $0x10C60;
	s1 =	rddreg [dreg:$0x3]  }
0x1de: {  	[spmem:s1] =	stream.indirect.scatter.add.f32 @p1 [tilespmem:s19], [sflag:$0x12], $0x10, s23, s11, $0xb8;
	[tilespmem:$0x1FFB0] =	vst v63  }
0x1df: {  	_ =	swait.ge @p1 [sflag:s29], $0x2000  }
0x1e0: {  	[sflag:s29] =	ssyncset.done @p1 $0x0  }
0x1e1: {  	s3 =	simm.s32 @p1 $0x4C00;
	s0 =	simm.s32 @p1 $0x280;
	[sflag:s29] =	ssyncadd.s32 @p1 $0xFFFFE000  }
0x1e2: {  	[spmem:s2] =	stream.indirect.scatter.add.f32 @p1 [tilespmem:s3], [sflag:$0x13], $0x40, s0, s11, $0xb8;
	[tilespmem:$0x1FFB0] =	vst v63  }
0x1e3: {  	s0 =	simm.s32 @p1 $0xC  }
0x1e4: {  	_ =	swait.ge @p1 [sflag:s0], $0x2000  }
0x1e5: {  	[sflag:s0] =	ssyncset.done @p1 $0x0  }
0x1e6: {  	s20 =	simm.s32 @p1 $0x380;
	s3 =	simm.s32 @p1 $0x6C00;
	[sflag:s0] =	ssyncadd.s32 @p1 $0xFFFFE000  }
0x1e7: {  	[spmem:s2] =	stream.indirect.scatter.add.f32 @p1 [tilespmem:s3], [sflag:$0x14], $0x40, s20, s11, $0xb8;
	[tilespmem:$0x1FFB0] =	vst v63  }
0x1e8: {  	s4 =	simm.s32 @p1 $0xD  }
0x1e9: {  	[spmem:s1] =	stream.indirect.scatter.add.f32 @p1 [tilespmem:s19], [sflag:$0x14], $0x10, s20, s11, $0xb8;
	[tilespmem:$0x1FFB0] =	vst v63  }
0x1ea: {  	_ =	swait.ge @p1 [sflag:s4], $0x2000  }
0x1eb: {  	[sflag:s4] =	ssyncset.done @p1 $0x0  }
0x1ec: {  	s5 =	simm.s32 @p1 $0x8C00;
	[sflag:s4] =	ssyncadd.s32 @p1 $0xFFFFE000;
	s4 =	simm.s32 @p1 $0x480  }
0x1ed: {  	[spmem:s2] =	stream.indirect.scatter.add.f32 @p1 [tilespmem:s5], [sflag:$0x15], $0x40, s4, s11, $0xb8;
	[tilespmem:$0x1FFB0] =	vst v63  }
0x1ee: {  	s4 =	simm.s32 @p1 $0xE  }
0x1ef: {  	_ =	swait.ge @p1 [sflag:s4], $0x2000  }
0x1f0: {  	[sflag:s4] =	ssyncset.done @p1 $0x0  }
0x1f1: {  	s5 =	simm.s32 @p1 $0xAC00;
	[sflag:s4] =	ssyncadd.s32 @p1 $0xFFFFE000;
	s4 =	simm.s32 @p1 $0x580  }
0x1f2: {  	[spmem:s2] =	stream.indirect.scatter.add.f32 @p1 [tilespmem:s5], [sflag:$0x16], $0x40, s4, s11, $0xb8;
	[tilespmem:$0x1FFB0] =	vst v63  }
0x1f3: {  	_ = 	snop  }
0x1f4: {  	[spmem:s1] =	stream.indirect.scatter.add.f32 @p1 [tilespmem:s19], [sflag:$0x16], $0x10, s4, s11, $0xb8;
	[tilespmem:$0x1FFB0] =	vst v63  }
0x1f5: {  	s4 =	simm.s32 @p1 $0xF  }
0x1f6: {  	_ =	swait.ge @p1 [sflag:s4], $0x2000  }
0x1f7: {  	[sflag:s4] =	ssyncset.done @p1 $0x0  }
0x1f8: {  	s5 =	simm.s32 @p1 $0xCC00;
	[sflag:s4] =	ssyncadd.s32 @p1 $0xFFFFE000;
	s4 =	simm.s32 @p1 $0x680  }
0x1f9: {  	[spmem:s2] =	stream.indirect.scatter.add.f32 @p1 [tilespmem:s5], [sflag:$0x17], $0x40, s4, s11, $0xb8;
	[tilespmem:$0x1FFB0] =	vst v63  }
0x1fa: {  	s4 =	simm.s32 @p1 $0x10  }
0x1fb: {  	_ =	swait.ge @p1 [sflag:s4], $0x2000  }
0x1fc: {  	[sflag:s4] =	ssyncset.done @p1 $0x0  }
0x1fd: {  	s5 =	simm.s32 @p1 $0xEC00;
	[sflag:s4] =	ssyncadd.s32 @p1 $0xFFFFE000;
	s4 =	simm.s32 @p1 $0x780  }
0x1fe: {  	[spmem:s2] =	stream.indirect.scatter.add.f32 @p1 [tilespmem:s5], [sflag:$0x18], $0x40, s4, s11, $0xb8;
	[tilespmem:$0x1FFB0] =	vst v63  }
0x1ff: {  	s24 =	simm.s32 @p1 $0x11  }
0x200: {  	[spmem:s1] =	stream.indirect.scatter.add.f32 @p1 [tilespmem:s19], [sflag:$0x18], $0x10, s4, s11, $0xb8;
	[tilespmem:$0x1FFB0] =	vst v63  }
0x201: {  	_ =	swait.ge @p1 [sflag:s24], $0x2000  }
0x202: {  	s15 =	simm.s32 @!p1 $0xA;
	[sflag:s24] =	ssyncset.done @p1 $0x0  }
0x203: {  	s5 =	simm.s32 @!p1 $0x80;
	s4 =	simm.s32 @!p1 $0x10C60;
	[sflag:s24] =	ssyncadd.s32 @p1 $0xFFFFE000  }
0x204: {  	[spmem:s1] =	stream.indirect.scatter.add.f32 @!p1 [tilespmem:s4], [sflag:$0x11], $0x10, s5, s5, $0xb8;
	[tilespmem:$0x1FFB0] =	vst v63  }
0x205: {  	_ =	swait.ge @!p1 [sflag:s15], $0x2000  }
0x206: {  	s8 =	simm.s32 @!p1 $0x2C00;
	[sflag:s15] =	ssyncset.done @!p1 $0x0  }
0x207: {  	s14 =	simm.s32 @!p1 $0xB;
	s3 =	simm.s32 @!p1 $0x180;
	[sflag:s15] =	ssyncadd.s32 @!p1 $0xFFFFE000  }
0x208: {  	[spmem:s2] =	stream.indirect.scatter.add.f32 @!p1 [tilespmem:s8], [sflag:$0x12], $0x40, s3, s5, $0xb8;
	[tilespmem:$0x1FFB0] =	vst v63  }
0x209: {  	_ =	swait.ge @!p1 [sflag:s14], $0x2000  }
0x20a: {  	[sflag:s14] =	ssyncset.done @!p1 $0x0  }
0x20b: {  	s28 =	simm.s32 @!p1 $0x4C00;
	s18 =	simm.s32 @!p1 $0x280;
	[sflag:s14] =	ssyncadd.s32 @!p1 $0xFFFFE000  }
0x20c: {  	[spmem:s2] =	stream.indirect.scatter.add.f32 @!p1 [tilespmem:s28], [sflag:$0x13], $0x40, s18, s5, $0xb8;
	[tilespmem:$0x1FFB0] =	vst v63  }
0x20d: {  	s6 =	simm.s32 @!p1 $0xC  }
0x20e: {  	[spmem:s1] =	stream.indirect.scatter.add.f32 @!p1 [tilespmem:s4], [sflag:$0x13], $0x10, s18, s5, $0xb8;
	[tilespmem:$0x1FFB0] =	vst v63  }
0x20f: {  	_ =	swait.ge @!p1 [sflag:s6], $0x2000  }
0x210: {  	s21 =	simm.s32 @!p1 $0x6C00;
	[sflag:s6] =	ssyncset.done @!p1 $0x0  }
0x211: {  	s7 =	simm.s32 @!p1 $0xD;
	s16 =	simm.s32 @!p1 $0x380;
	[sflag:s6] =	ssyncadd.s32 @!p1 $0xFFFFE000  }
0x212: {  	[spmem:s2] =	stream.indirect.scatter.add.f32 @!p1 [tilespmem:s21], [sflag:$0x14], $0x40, s16, s5, $0xb8;
	[tilespmem:$0x1FFB0] =	vst v63  }
0x213: {  	_ =	swait.ge @!p1 [sflag:s7], $0x2000  }
0x214: {  	[sflag:s7] =	ssyncset.done @!p1 $0x0  }
0x215: {  	s30 =	simm.s32 @!p1 $0x8C00;
	[sflag:s7] =	ssyncadd.s32 @!p1 $0xFFFFE000;
	s7 =	simm.s32 @!p1 $0x480  }
0x216: {  	[spmem:s2] =	stream.indirect.scatter.add.f32 @!p1 [tilespmem:s30], [sflag:$0x15], $0x40, s7, s5, $0xb8;
	[tilespmem:$0x1FFB0] =	vst v63  }
0x217: {  	_ = 	snop  }
0x218: {  	[spmem:s1] =	stream.indirect.scatter.add.f32 @!p1 [tilespmem:s4], [sflag:$0x15], $0x10, s7, s5, $0xb8;
	[tilespmem:$0x1FFB0] =	vst v63  }
0x219: {  	s7 =	simm.s32 @!p1 $0xE  }
0x21a: {  	_ =	swait.ge @!p1 [sflag:s7], $0x2000  }
0x21b: {  	[sflag:s7] =	ssyncset.done @!p1 $0x0  }
0x21c: {  	s30 =	simm.s32 @!p1 $0xAC00;
	[sflag:s7] =	ssyncadd.s32 @!p1 $0xFFFFE000;
	s7 =	simm.s32 @!p1 $0x580  }
0x21d: {  	[spmem:s2] =	stream.indirect.scatter.add.f32 @!p1 [tilespmem:s30], [sflag:$0x16], $0x40, s7, s5, $0xb8;
	[tilespmem:$0x1FFB0] =	vst v63  }
0x21e: {  	s7 =	simm.s32 @!p1 $0xF  }
0x21f: {  	_ =	swait.ge @!p1 [sflag:s7], $0x2000  }
0x220: {  	[sflag:s7] =	ssyncset.done @!p1 $0x0  }
0x221: {  	s30 =	simm.s32 @!p1 $0xCC00;
	[sflag:s7] =	ssyncadd.s32 @!p1 $0xFFFFE000;
	s7 =	simm.s32 @!p1 $0x680  }
0x222: {  	[spmem:s2] =	stream.indirect.scatter.add.f32 @!p1 [tilespmem:s30], [sflag:$0x17], $0x40, s7, s5, $0xb8;
	[tilespmem:$0x1FFB0] =	vst v63  }
0x223: {  	_ = 	snop  }
0x224: {  	[spmem:s1] =	stream.indirect.scatter.add.f32 @!p1 [tilespmem:s4], [sflag:$0x17], $0x10, s7, s5, $0xb8;
	[tilespmem:$0x1FFB0] =	vst v63  }
0x225: {  	s7 =	simm.s32 @!p1 $0x10  }
0x226: {  	_ =	swait.ge @!p1 [sflag:s7], $0x2000  }
0x227: {  	[sflag:s7] =	ssyncset.done @!p1 $0x0  }
0x228: {  	s30 =	simm.s32 @!p1 $0xEC00;
	[sflag:s7] =	ssyncadd.s32 @!p1 $0xFFFFE000;
	s7 =	simm.s32 @!p1 $0x780  }
0x229: {  	[spmem:s2] =	stream.indirect.scatter.add.f32 @!p1 [tilespmem:s30], [sflag:$0x18], $0x40, s7, s5, $0xb8;
	[tilespmem:$0x1FFB0] =	vst v63  }
0x22a: {  	s30 =	simm.s32 @!p1 $0x11  }
0x22b: {  	_ =	swait.ge @!p1 [sflag:s30], $0x2000  }
0x22c: {  	[sflag:s30] =	ssyncset.done @!p1 $0x0  }
0x22d: {  	[sflag:s30] =	ssyncadd.s32 @!p1 $0xFFFFE000  }
0x22e: {  	_ =	swait.ge @!p1 [sflag:s30], $0x800  }
0x22f: {  	s10 =	rddreg [dreg:$0x10]  }
0x230: {  	s25 =	simm.s32 $0x0;
	[sflag:s30] =	ssyncset.done @!p1 $0x0;
	s7 =	sadd.s32 s12, s10  }
0x231: {  	s31 =	simm.s32 $0x12;
	[sflag:s30] =	ssyncadd.s32 @!p1 $0xFFFFF800;
	s17 =	sadd.s32 $0x80, s7  }
0x232: {  	[tilespmem:s25], [sflag:$0x1] =	stream.strided.gather [hbm4b:s17+s9], $0x100, s13, s9, $0x38;
	[tilespmem:$0x1FFB0] =	vst v63  }
0x233: {  	s1 =	sadd.s32 @p2 s12, s10;
	_ =	swait.ge [sflag:s31], $0x2000  }
0x234: {  	s3 =	sadd.s32 @p2 $0x90, s1;
	s17 =	simm.s32 @p2 $0x80;
	[sflag:s31] =	ssyncset.done $0x0  }
0x235: {  	s25 =	simm.s32 @p2 $0x4E200;
	[sflag:s31] =	ssyncadd.s32 $0xFFFFE000;
	s31 =	simm.s32 @p2 $0x100  }
0x236: {  	[tilespmem:s31], [sflag:$0x2] =	stream.strided.gather @p2 [hbm4b:s3+s17], $0x100, s25, s17, $0x38;
	[tilespmem:$0x1FFB0] =	vst v63  }
0x237: {  	s3 =	simm.s32 @p2 $0x13  }
0x238: {  	_ =	swait.ge @p2 [sflag:s3], $0x2000  }
0x239: {  	[sflag:s3] =	ssyncset.done @p2 $0x0  }
0x23a: {  	[sflag:s3] =	ssyncadd.s32 @p2 $0xFFFFE000  }
0x23b: {  	_ =	swait.ge @p2 [sflag:s3], $0x800  }
0x23c: {  	[sflag:s3] =	ssyncset.done @p2 $0x0  }
0x23d: {  	s31 =	simm.s32 @p2 $0x200;
	[sflag:s3] =	ssyncadd.s32 @p2 $0xFFFFF800;
	s3 =	sadd.s32 $0xA0, s7  }
0x23e: {  	[tilespmem:s31], [sflag:$0x3] =	stream.strided.gather @p2 [hbm4b:s3+s17], $0x100, s25, s17, $0x38;
	[tilespmem:$0x1FFB0] =	vst v63  }
0x23f: {  	s31 =	simm.s32 @p2 $0x14  }
0x240: {  	_ =	swait.ge @p2 [sflag:s31], $0x2000  }
0x241: {  	[sflag:s31] =	ssyncset.done @p2 $0x0  }
0x242: {  	s1 =	sadd.s32 @p2 $0xB0, s1;
	[sflag:s31] =	ssyncadd.s32 @p2 $0xFFFFE000;
	s31 =	simm.s32 @p2 $0x300  }
0x243: {  	[tilespmem:s31], [sflag:$0x4] =	stream.strided.gather @p2 [hbm4b:s1+s17], $0x100, s25, s17, $0x38;
	[tilespmem:$0x1FFB0] =	vst v63  }
0x244: {  	s1 =	simm.s32 @p2 $0x15  }
0x245: {  	_ =	swait.ge @p2 [sflag:s1], $0x2000  }
0x246: {  	[sflag:s1] =	ssyncset.done @p2 $0x0  }
0x247: {  	[sflag:s1] =	ssyncadd.s32 @p2 $0xFFFFE000  }
0x248: {  	_ =	swait.ge @p2 [sflag:s1], $0x800  }
0x249: {  	[sflag:s1] =	ssyncset.done @p2 $0x0  }
0x24a: {  	[sflag:s1] =	ssyncadd.s32 @p2 $0xFFFFF800;
	s1 =	simm.s32 @!p2 $0x12  }
0x24b: {  	s13 =	simm.s32 @!p2 $0x100;
	_ =	swait.ge @!p2 [sflag:s1], $0x800  }
0x24c: {  	s17 =	sadd.s32 @!p2 s12, s10;
	s25 =	simm.s32 @!p2 $0x80;
	[sflag:s1] =	ssyncset.done @!p2 $0x0  }
0x24d: {  	s31 =	simm.s32 @!p2 $0x4E200;
	[sflag:s1] =	ssyncadd.s32 @!p2 $0xFFFFF800;
	s1 =	sadd.s32 @!p2 $0x90, s17  }
0x24e: {  	[tilespmem:s13], [sflag:$0x2] =	stream.strided.gather @!p2 [hbm4b:s1+s25], $0x100, s31, s25, $0x38;
	[tilespmem:$0x1FFB0] =	vst v63  }
0x24f: {  	s1 =	simm.s32 @!p2 $0x13  }
0x250: {  	_ =	swait.ge @!p2 [sflag:s1], $0x2000  }
0x251: {  	[sflag:s1] =	ssyncset.done @!p2 $0x0  }
0x252: {  	[sflag:s1] =	ssyncadd.s32 @!p2 $0xFFFFE000;
	s1 =	simm.s32 @!p2 $0x200  }
0x253: {  	[tilespmem:s1], [sflag:$0x3] =	stream.strided.gather @!p2 [hbm4b:s3+s25], $0x100, s31, s25, $0x38;
	[tilespmem:$0x1FFB0] =	vst v63  }
0x254: {  	s1 =	simm.s32 @!p2 $0x14  }
0x255: {  	_ =	swait.ge @!p2 [sflag:s1], $0x2000  }
0x256: {  	[sflag:s1] =	ssyncset.done @!p2 $0x0  }
0x257: {  	[sflag:s1] =	ssyncadd.s32 @!p2 $0xFFFFE000  }
0x258: {  	_ =	swait.ge @!p2 [sflag:s1], $0x800  }
0x259: {  	[sflag:s1] =	ssyncset.done @!p2 $0x0  }
0x25a: {  	s3 =	simm.s32 @!p2 $0x300;
	[sflag:s1] =	ssyncadd.s32 @!p2 $0xFFFFF800;
	s1 =	sadd.s32 @!p2 $0xB0, s17  }
0x25b: {  	[tilespmem:s3], [sflag:$0x4] =	stream.strided.gather @!p2 [hbm4b:s1+s25], $0x100, s31, s25, $0x38;
	[tilespmem:$0x1FFB0] =	vst v63  }
0x25c: {  	p3 =	seq.s32 s12, $0x900;
	s1 =	simm.s32 @!p2 $0x15  }
0x25d: {  	s13 =	simm.s32 @!p3 $0x80;
	s17 =	simm.s32 @!p3 $0x4E200;
	_ =	swait.ge @!p2 [sflag:s1], $0x2000  }
0x25e: {  	s3 =	sadd.s32 @!p3 s12, s10;
	s25 =	simm.s32 @!p3 $0x400;
	[sflag:s1] =	ssyncset.done @!p2 $0x0  }
0x25f: {  	s10 =	simm.s32 $0x16;
	[sflag:s1] =	ssyncadd.s32 @!p2 $0xFFFFE000;
	s1 =	sadd.s32 @!p3 $0xC0, s3  }
0x260: {  	[tilespmem:s25], [sflag:$0x5] =	stream.strided.gather @!p3 [hbm4b:s1+s13], $0x100, s17, s13, $0x38;
	[tilespmem:$0x1FFB0] =	vst v63  }
0x261: {  	_ =	swait.ge [sflag:s10], $0x2000  }
0x262: {  	[sflag:s10] =	ssyncset.done $0x0  }
0x263: {  	s1 =	simm.s32 @!p2 $0x16;
	[sflag:s10] =	ssyncadd.s32 $0xFFFFE000  }
0x264: {  	_ =	swait.ge @!p2 [sflag:s1], $0x800  }
0x265: {  	[sflag:s1] =	ssyncset.done @!p2 $0x0  }
0x266: {  	s25 =	simm.s32 @!p3 $0x500;
	[sflag:s1] =	ssyncadd.s32 @!p2 $0xFFFFF800;
	s1 =	sadd.s32 @!p3 $0xD0, s3  }
0x267: {  	[tilespmem:s25], [sflag:$0x6] =	stream.strided.gather @!p3 [hbm4b:s1+s13], $0x100, s17, s13, $0x38;
	[tilespmem:$0x1FFB0] =	vst v63  }
0x268: {  	s25 =	simm.s32 $0x17  }
0x269: {  	_ =	swait.ge [sflag:s25], $0x2000  }
0x26a: {  	[sflag:s25] =	ssyncset.done $0x0  }
0x26b: {  	s1 =	simm.s32 @!p1 $0x17;
	[sflag:s25] =	ssyncadd.s32 $0xFFFFE000  }
0x26c: {  	_ =	swait.ge @!p1 [sflag:s1], $0x800  }
0x26d: {  	s31 =	simm.s32 $0x18;
	[sflag:s1] =	ssyncset.done @!p1 $0x0  }
0x26e: {  	[sflag:s1] =	ssyncadd.s32 @!p1 $0xFFFFF800;
	s1 =	sadd.s32 @!p3 $0xE0, s3;
	s3 =	simm.s32 @!p3 $0x600  }
0x26f: {  	[tilespmem:s3], [sflag:$0x7] =	stream.strided.gather @!p3 [hbm4b:s1+s13], $0x100, s17, s13, $0x38;
	[tilespmem:$0x1FFB0] =	vst v63  }
0x270: {  	_ =	swait.ge [sflag:s31], $0x2000  }
.Ltmp4:
0x271: {  	[sflag:s31] =	ssyncset.done $0x0;
	(pc) =	sbr.rel @p3 .LBB2_8-.Ltmp4, $4  }
0x272: {  	s1 =	simm.s32 @!p2 $0x18;
	[sflag:s31] =	ssyncadd.s32 $0xFFFFE000  }
0x273: {  	_ =	swait.ge @!p2 [sflag:s1], $0x800  }
0x274: {  	[sflag:s1] =	ssyncset.done @!p2 $0x0  }
0x275: {  	[sflag:s1] =	ssyncadd.s32 @!p2 $0xFFFFF800  }
.Ltmp5:
0x276: {  	(pc) =	sbr.rel .LBB2_6-.Ltmp5, $4  }
0x277: {  	_ = 	snop  }
0x278: {  	s0 =	sadd.s32 $0xF0, s7  }
0x279: {  	s1 =	simm.s32 $0x700;
	s12 =	sadd.s32 $0x80, s12;
	s13 =	simm.s32 $0x4E200  }
0x27a: {  	[tilespmem:s1], [sflag:$0x8] =	stream.strided.gather [hbm4b:s0+s9], $0x100, s26, s9, $0x38;
	[tilespmem:$0x1FFB0] =	vst v63  }
.LBB2_9:
0x27b: {  	_ =	sfence.sel $0x180000  }
0x27c: {  	[bflag:$0x0] =	sbarrier.arrive $0xFFFF  }
0x27d: {  	_ =	strace $0x90000047  }
0x27e: {  	[bflag:$0x2] =	sbarrier.arrive $0xFFFF  }
0x27f: {  	s0 =	rddreg [dreg:$0x4]  }
0x280: {  	s0 =	sadd.s32 @!p0 $0x100000, s0  }
0x281: {  	[sflag:s0] =	ssyncadd.tile.s32 @!p0 $0x1;
	_ =	shalt  }
.Lfunc_end2:
_tile_overlayer_lowered:
.L_overlay_start_2:
0x282: {  	(tag) =	ssettag $0x2  }
0x283: {  	s0 =	rddreg [dreg:$0x0];
	s2 =	stileid.u32  }
0x284: {  	s1 =	rddreg [dreg:$0x1];
	p0 =	sne.s32 s2, $0x0  }
0x285: {  	s3 =	rddreg [dreg:$0x2];
	[bflag:$0x3] =	sbarrier.arrive $0xFFFF;
	s2 =	simm.s32 @!p0 $0x1C1A  }
0x286: {  	[timem:s3], [sflag:s2] =	dma.local @!p0 [hbm:s0], s1  }
0x287: {  	s0 =	simm.s32 @!p0 $0x1A  }
0x288: {  	_ =	swait.ge @!p0 [sflag:s0], s1  }
0x289: {  	s1 =	ssub.s32 @!p0 $0x0, s1;
	[sflag:s0] =	ssyncset.done @!p0 $0x0  }
0x28a: {  	[sflag:s0] =	ssyncadd.s32 @!p0 s1  }
0x28b: {  	[bflag:$0x3] =	sbarrier.arrive $0xFFFF  }
0x28c: {  	_ =	shalt  }

</sc_bundles>
